<compile_context>
chip_gen: v7x
topology: tpu7x:2x2x1
jax: 0.10.2.dev20260603
libtpu: 0.0.44.dev20260713+nightly
codegen_flags: <defaults>
</compile_context>

<pallas_src>
import functools

import jax
import jax.numpy as jnp
from jax import lax
from jax.experimental import pallas as pl
from jax.experimental.pallas import tpu as pltpu
from jax.experimental.pallas import tpu_sc as plsc


_NBUF = 4


@functools.lru_cache(maxsize=None)
def _make_sc_gather(n_rows: int, emb_dim: int, n_tiles: int):
    info = plsc.get_sparse_core_info()
    nc, ns, lanes = info.num_cores, info.num_subcores, info.num_lanes
    nw = nc * ns
    rows_per_w = n_rows // nw
    n_groups = rows_per_w // lanes
    assert rows_per_w % lanes == 0 and n_rows % nw == 0
    assert n_groups % _NBUF == 0

    mesh = plsc.VectorSubcoreMesh(core_axis_name="c", subcore_axis_name="s")

    @functools.partial(
        pl.kernel,
        mesh=mesh,
        out_type=jax.ShapeDtypeStruct((n_rows, emb_dim), jnp.float32),
        scratch_types=[
            pltpu.VMEM((8, 128), jnp.int32),
            pltpu.VMEM((8, 128), jnp.int32),
            [pltpu.VMEM((lanes, 8, emb_dim), jnp.float32)] * _NBUF,
            pltpu.VMEM((8 * lanes, emb_dim), jnp.float32),
            [pltpu.SemaphoreType.DMA] * _NBUF,
        ],
        compiler_params=pltpu.CompilerParams(needs_layout_passes=False),
    )
    def gather_k(tidx_hbm, sub_hbm, table_hbm, out_hbm,
                 tidx_v, sub_v, bufs, out_v, sems):
        wid = lax.axis_index("s") * nc + lax.axis_index("c")
        pltpu.sync_copy(tidx_hbm.at[wid], tidx_v)
        pltpu.sync_copy(sub_hbm.at[wid], sub_v)
        lane_iota = lax.iota(jnp.int32, lanes)
        lane_masks = [(lane_iota == j).astype(jnp.int32) for j in range(lanes)]

        def idx16(ref, g):
            r16 = jnp.full((lanes,), g >> 3, jnp.int32)
            c16 = lane_iota + ((g & 7) * lanes)
            return plsc.load_gather(ref, [r16, c16])

        def issue(g, q):
            t16 = idx16(tidx_v, g)
            for j in range(lanes):
                t_s = jnp.sum(t16 * lane_masks[j])
                pltpu.async_copy(table_hbm.at[pl.ds(t_s, 1)],
                                 bufs[q].at[pl.ds(j, 1)], sems[q])

        def drain(q):
            pltpu.make_async_copy(table_hbm.at[pl.ds(0, lanes)],
                                  bufs[q], sems[q]).wait()

        def extract(g, q):
            m16 = idx16(sub_v, g)
            dst16 = lane_iota + (g & 7) * lanes

            def col_body(ci, _):
                for u in range(4):
                    c16 = jnp.full((lanes,), ci * 4 + u, jnp.int32)
                    vals = plsc.load_gather(bufs[q], [lane_iota, m16, c16])
                    plsc.store_scatter(out_v, [dst16, c16], vals)
                return 0

            lax.fori_loop(0, emb_dim // 4, col_body, 0)

        for q in range(_NBUF - 1):
            issue(q, q)

        flush_toks = 8 * lanes

        def quad_body(p, _):
            g0 = p * _NBUF
            for q in range(_NBUF):
                g = g0 + q

                @pl.when(g + _NBUF - 1 < n_groups)
                def _issue_ahead():
                    issue(g + _NBUF - 1, (q + _NBUF - 1) % _NBUF)

                drain(q)
                extract(g, q)

            @pl.when(p % 2 == 1)
            def _flush():
                pltpu.sync_copy(
                    out_v,
                    out_hbm.at[pl.ds(wid * rows_per_w + (p // 2) * flush_toks,
                                     flush_toks)])
            return 0

        lax.fori_loop(0, n_groups // _NBUF, quad_body, 0)

    return gather_k


def _lstm_body(L, H, emb_ref, mask_ref, wih_ref, whh_ref, b_ref,
               h_out, c_out, h_s, c_s):
    t = pl.program_id(0)

    @pl.when(t == 0)
    def _init():
        h_s[...] = jnp.zeros_like(h_s)
        c_s[...] = jnp.zeros_like(c_s)

    xt = emb_ref[0] * mask_ref[0]
    h = h_s[...]
    c = c_s[...]
    gates = lax.dot_general(xt, wih_ref[...], (((1,), (1,)), ((), ())),
                            preferred_element_type=jnp.float32)
    gates = gates + lax.dot_general(h, whh_ref[...], (((1,), (1,)), ((), ())),
                                    preferred_element_type=jnp.float32)
    gates = gates + b_ref[...]
    i = jax.nn.sigmoid(gates[:, 0:H])
    f = jax.nn.sigmoid(gates[:, H:2 * H])
    g = jnp.tanh(gates[:, 2 * H:3 * H])
    o = jax.nn.sigmoid(gates[:, 3 * H:4 * H])
    c_new = f * c + i * g
    h_new = o * jnp.tanh(c_new)
    h_s[...] = h_new
    c_s[...] = c_new

    @pl.when(t == L - 1)
    def _emit():
        h_out[...] = h_new
        c_out[...] = c_new


def _lstm(embT, mask3, W_ih, W_hh, b2):
    L, B, E = embT.shape
    H = W_hh.shape[1]
    return pl.pallas_call(
        functools.partial(_lstm_body, L, H),
        grid=(L,),
        in_specs=[
            pl.BlockSpec((1, B, E), lambda t: (t, 0, 0)),
            pl.BlockSpec((1, B, 1), lambda t: (t, 0, 0)),
            pl.BlockSpec((4 * H, E), lambda t: (0, 0)),
            pl.BlockSpec((4 * H, H), lambda t: (0, 0)),
            pl.BlockSpec((1, 4 * H), lambda t: (0, 0)),
        ],
        out_specs=[
            pl.BlockSpec((B, H), lambda t: (0, 0)),
            pl.BlockSpec((B, H), lambda t: (0, 0)),
        ],
        out_shape=[jax.ShapeDtypeStruct((B, H), jnp.float32)] * 2,
        scratch_shapes=[
            pltpu.VMEM((B, H), jnp.float32),
            pltpu.VMEM((B, H), jnp.float32),
        ],
    )(embT, mask3, W_ih, W_hh, b2)


def kernel(x, table, W_ih, W_hh, b_ih, b_hh):
    B, L = x.shape
    V, E = table.shape
    H = W_hh.shape[1]
    nw, chunk = 32, 128

    xT = jnp.transpose(x)
    flat_idx = xT.reshape(-1)
    tidx = (flat_idx >> 3).reshape(nw, -1, chunk)
    sub = (flat_idx & 7).reshape(nw, -1, chunk)
    pad_rows = 8 - tidx.shape[1]
    tidx = jnp.pad(tidx, ((0, 0), (0, pad_rows), (0, 0)))
    sub = jnp.pad(sub, ((0, 0), (0, pad_rows), (0, 0)))
    table3 = table.reshape(V // 8, 8, E)

    emb_flat = _make_sc_gather(L * B, E, V // 8)(tidx, sub, table3)
    embT = emb_flat.reshape(L, B, E)
    mask3 = (xT != 0).astype(jnp.float32).reshape(L, B, 1)
    b2 = (b_ih + b_hh).reshape(1, 4 * H)

    hN, cN = _lstm(embT, mask3, W_ih, W_hh, b2)
    return hN[None, :, :], cN[None, :, :]

# --- scband reference (transcript-rebuilt; emitter-appended) ---
"""Pipeline reference for scband-input-encoder-18210661335284 (READ-ONLY COPY).

The authoritative reference and input builder live on the scoring server;
editing this copy changes nothing except your own understanding.
"""

import jax, jax.numpy as jnp
import numpy as np

VOCAB = 1000000
E = 64
H = 128
B = 1024
L = 20


def setup_inputs(seed: int = 0) -> dict:
    key = jax.random.key(seed)
    ks = jax.random.split(key, 6)
    x = jax.random.randint(ks[0], (B, L), 0, VOCAB, dtype=jnp.int32)
    table = jax.random.normal(ks[1], (VOCAB, E), dtype=jnp.float32) * 0.1
    W_ih = jax.random.normal(ks[2], (4 * H, E), dtype=jnp.float32) * 0.05
    W_hh = jax.random.normal(ks[3], (4 * H, H), dtype=jnp.float32) * 0.05
    b_ih = jax.random.normal(ks[4], (4 * H,), dtype=jnp.float32) * 0.05
    b_hh = jax.random.normal(ks[5], (4 * H,), dtype=jnp.float32) * 0.05
    return {"x": x, "table": table, "W_ih": W_ih, "W_hh": W_hh, "b_ih": b_ih, "b_hh": b_hh}


def reference(x, table, W_ih, W_hh, b_ih, b_hh):
    # nn.Embedding with padding_idx=0: row 0 is forced to zero
    table = table.at[0].set(jnp.zeros((table.shape[1],), dtype=table.dtype))
    emb = jnp.take(table, x, axis=0)  # [B, L, E] gather (SparseCore-friendly)
    bsz = emb.shape[0]
    hdim = W_hh.shape[1]

    def step(carry, xt):
        h, c = carry
        gates = xt @ W_ih.T + h @ W_hh.T + b_ih + b_hh
        i, f, g, o = jnp.split(gates, 4, axis=-1)
        i = jax.nn.sigmoid(i)
        f = jax.nn.sigmoid(f)
        g = jnp.tanh(g)
        o = jax.nn.sigmoid(o)
        c_new = f * c + i * g
        h_new = o * jnp.tanh(c_new)
        return (h_new, c_new), None

    h0 = jnp.zeros((bsz, hdim), dtype=emb.dtype)
    c0 = jnp.zeros((bsz, hdim), dtype=emb.dtype)
    (hN, cN), _ = jax.lax.scan(step, (h0, c0), jnp.transpose(emb, (1, 0, 2)))
    # PyTorch LSTM hidden: (h_n, c_n) each [num_layers*num_directions, B, H] = [1, B, H]
    return (hN[None, :, :], cN[None, :, :])

if __name__ == "__main__":
    import jax
    _d = setup_inputs()
    print(jax.jit(kernel)(*tuple(_d.values())))

</pallas_src>

<mosaic_0001>
#map = affine_map<(d0, d1) -> (0, 0, 0)>
#map1 = affine_map<(d0, d1) -> (0, 0)>
module attributes {stable_mosaic.version = 14 : i64} {
  func.func @gather_k(%arg0: i32, %arg1: i32, %arg2: memref<32x8x128xi32, #tpu.memory_space<hbm>>, %arg3: memref<32x8x128xi32, #tpu.memory_space<hbm>>, %arg4: memref<125000x8x64xf32, #tpu.memory_space<hbm>>, %arg5: memref<20480x64xf32, #tpu.memory_space<hbm>>, %arg6: memref<8x128xi32, #tpu.memory_space<vmem>>, %arg7: memref<8x128xi32, #tpu.memory_space<vmem>>, %arg8: memref<16x8x64xf32, #tpu.memory_space<vmem>>, %arg9: memref<16x8x64xf32, #tpu.memory_space<vmem>>, %arg10: memref<16x8x64xf32, #tpu.memory_space<vmem>>, %arg11: memref<16x8x64xf32, #tpu.memory_space<vmem>>, %arg12: memref<128x64xf32, #tpu.memory_space<vmem>>, %arg13: memref<!tpu.dma_semaphore, #tpu.memory_space<semaphore_mem>>, %arg14: memref<!tpu.dma_semaphore, #tpu.memory_space<semaphore_mem>>, %arg15: memref<!tpu.dma_semaphore, #tpu.memory_space<semaphore_mem>>, %arg16: memref<!tpu.dma_semaphore, #tpu.memory_space<semaphore_mem>>) attributes {dimension_semantics = [#tpu.dimension_semantics<core_parallel>, #tpu.dimension_semantics<subcore_parallel>], iteration_bounds = array<i64: 2, 16>, scalar_prefetch = 0 : i64, scratch_operands = 11 : i64, tpu.core_type = #tpu.core_type<sc_vector_subcore>, window_params = [{transform_indices = #map}, {transform_indices = #map}, {transform_indices = #map}, {transform_indices = #map1}]} {
    %mul3A = arith.constant 2 : i32
    %mul3A_0 = arith.muli %arg1, %mul3A : i32
    %add3A = arith.addi %mul3A_0, %arg0 : i32
    "tpu.region"() ({
      %run_scoped3A = tpu.sem_alloc : memref<!tpu.dma_semaphore, #tpu.memory_space<semaphore_mem>>
      %dma_start3A_995 = arith.constant 0 : i32
      %dma_start3A_996 = arith.constant 0 : i32
      %dma_start3A_997 = tpu.memref_slice %arg2[%add3A, %dma_start3A_995, %dma_start3A_996] : memref<32x8x128xi32, #tpu.memory_space<hbm>> -> memref<1x8x128xi32, #tpu.memory_space<hbm>>
      %dma_start3A_998 = tpu.memref_squeeze %dma_start3A_997 : memref<1x8x128xi32, #tpu.memory_space<hbm>> -> memref<8x128xi32, #tpu.memory_space<hbm>>
      %dma_start3A_999 = arith.constant 0 : i32
      %dma_start3A_1000 = arith.constant 0 : i32
      %dma_start3A_1001 = tpu.memref_slice %arg2[%add3A, %dma_start3A_999, %dma_start3A_1000] : memref<32x8x128xi32, #tpu.memory_space<hbm>> -> memref<1x8x128xi32, #tpu.memory_space<hbm>>
      %dma_start3A_1002 = tpu.memref_squeeze %dma_start3A_1001 : memref<1x8x128xi32, #tpu.memory_space<hbm>> -> memref<8x128xi32, #tpu.memory_space<hbm>>
      tpu.enqueue_dma source(%dma_start3A_1002 : memref<8x128xi32, #tpu.memory_space<hbm>>) target(%arg6 : memref<8x128xi32, #tpu.memory_space<vmem>>) target_semaphore(%run_scoped3A : memref<!tpu.dma_semaphore, #tpu.memory_space<semaphore_mem>>)
      %dma_wait3A = arith.constant 0 : i32
      %dma_wait3A_1003 = arith.constant 0 : i32
      %dma_wait3A_1004 = tpu.memref_slice %arg2[%add3A, %dma_wait3A, %dma_wait3A_1003] : memref<32x8x128xi32, #tpu.memory_space<hbm>> -> memref<1x8x128xi32, #tpu.memory_space<hbm>>
      %dma_wait3A_1005 = tpu.memref_squeeze %dma_wait3A_1004 : memref<1x8x128xi32, #tpu.memory_space<hbm>> -> memref<8x128xi32, #tpu.memory_space<hbm>>
      %dma_wait3A_1006 = arith.constant 0 : i32
      %dma_wait3A_1007 = arith.constant 0 : i32
      %dma_wait3A_1008 = tpu.memref_slice %arg2[%add3A, %dma_wait3A_1006, %dma_wait3A_1007] : memref<32x8x128xi32, #tpu.memory_space<hbm>> -> memref<1x8x128xi32, #tpu.memory_space<hbm>>
      %dma_wait3A_1009 = tpu.memref_squeeze %dma_wait3A_1008 : memref<1x8x128xi32, #tpu.memory_space<hbm>> -> memref<8x128xi32, #tpu.memory_space<hbm>>
      tpu.wait_dma2 semaphore(%run_scoped3A : memref<!tpu.dma_semaphore, #tpu.memory_space<semaphore_mem>>) src(%dma_wait3A_1009 : memref<8x128xi32, #tpu.memory_space<hbm>>) dst(%arg6 : memref<8x128xi32, #tpu.memory_space<vmem>>)
      tpu.yield
    }) : () -> ()
    "tpu.region"() ({
      %run_scoped3A = tpu.sem_alloc : memref<!tpu.dma_semaphore, #tpu.memory_space<semaphore_mem>>
      %dma_start3A_995 = arith.constant 0 : i32
      %dma_start3A_996 = arith.constant 0 : i32
      %dma_start3A_997 = tpu.memref_slice %arg3[%add3A, %dma_start3A_995, %dma_start3A_996] : memref<32x8x128xi32, #tpu.memory_space<hbm>> -> memref<1x8x128xi32, #tpu.memory_space<hbm>>
      %dma_start3A_998 = tpu.memref_squeeze %dma_start3A_997 : memref<1x8x128xi32, #tpu.memory_space<hbm>> -> memref<8x128xi32, #tpu.memory_space<hbm>>
      %dma_start3A_999 = arith.constant 0 : i32
      %dma_start3A_1000 = arith.constant 0 : i32
      %dma_start3A_1001 = tpu.memref_slice %arg3[%add3A, %dma_start3A_999, %dma_start3A_1000] : memref<32x8x128xi32, #tpu.memory_space<hbm>> -> memref<1x8x128xi32, #tpu.memory_space<hbm>>
      %dma_start3A_1002 = tpu.memref_squeeze %dma_start3A_1001 : memref<1x8x128xi32, #tpu.memory_space<hbm>> -> memref<8x128xi32, #tpu.memory_space<hbm>>
      tpu.enqueue_dma source(%dma_start3A_1002 : memref<8x128xi32, #tpu.memory_space<hbm>>) target(%arg7 : memref<8x128xi32, #tpu.memory_space<vmem>>) target_semaphore(%run_scoped3A : memref<!tpu.dma_semaphore, #tpu.memory_space<semaphore_mem>>)
      %dma_wait3A = arith.constant 0 : i32
      %dma_wait3A_1003 = arith.constant 0 : i32
      %dma_wait3A_1004 = tpu.memref_slice %arg3[%add3A, %dma_wait3A, %dma_wait3A_1003] : memref<32x8x128xi32, #tpu.memory_space<hbm>> -> memref<1x8x128xi32, #tpu.memory_space<hbm>>
      %dma_wait3A_1005 = tpu.memref_squeeze %dma_wait3A_1004 : memref<1x8x128xi32, #tpu.memory_space<hbm>> -> memref<8x128xi32, #tpu.memory_space<hbm>>
      %dma_wait3A_1006 = arith.constant 0 : i32
      %dma_wait3A_1007 = arith.constant 0 : i32
      %dma_wait3A_1008 = tpu.memref_slice %arg3[%add3A, %dma_wait3A_1006, %dma_wait3A_1007] : memref<32x8x128xi32, #tpu.memory_space<hbm>> -> memref<1x8x128xi32, #tpu.memory_space<hbm>>
      %dma_wait3A_1009 = tpu.memref_squeeze %dma_wait3A_1008 : memref<1x8x128xi32, #tpu.memory_space<hbm>> -> memref<8x128xi32, #tpu.memory_space<hbm>>
      tpu.wait_dma2 semaphore(%run_scoped3A : memref<!tpu.dma_semaphore, #tpu.memory_space<semaphore_mem>>) src(%dma_wait3A_1009 : memref<8x128xi32, #tpu.memory_space<hbm>>) dst(%arg7 : memref<8x128xi32, #tpu.memory_space<vmem>>)
      tpu.yield
    }) : () -> ()
    %iota3A = tpu.iota {dimensions = array<i32: 0>} : vector<16xi32>
    %eq3A = arith.constant 0 : i32
    %eq3A_1 = vector.broadcast %eq3A : i32 to vector<16xi32>
    %eq3A_2 = arith.cmpi eq, %iota3A, %eq3A_1 : vector<16xi32>
    %convert_element_type3A = arith.extui %eq3A_2 : vector<16xi1> to vector<16xi32>
    %eq3A_3 = arith.constant 1 : i32
    %eq3A_4 = vector.broadcast %eq3A_3 : i32 to vector<16xi32>
    %eq3A_5 = arith.cmpi eq, %iota3A, %eq3A_4 : vector<16xi32>
    %convert_element_type3A_6 = arith.extui %eq3A_5 : vector<16xi1> to vector<16xi32>
    %eq3A_7 = arith.constant 2 : i32
    %eq3A_8 = vector.broadcast %eq3A_7 : i32 to vector<16xi32>
    %eq3A_9 = arith.cmpi eq, %iota3A, %eq3A_8 : vector<16xi32>
    %convert_element_type3A_10 = arith.extui %eq3A_9 : vector<16xi1> to vector<16xi32>
    %eq3A_11 = arith.constant 3 : i32
    %eq3A_12 = vector.broadcast %eq3A_11 : i32 to vector<16xi32>
    %eq3A_13 = arith.cmpi eq, %iota3A, %eq3A_12 : vector<16xi32>
    %convert_element_type3A_14 = arith.extui %eq3A_13 : vector<16xi1> to vector<16xi32>
    %eq3A_15 = arith.constant 4 : i32
    %eq3A_16 = vector.broadcast %eq3A_15 : i32 to vector<16xi32>
    %eq3A_17 = arith.cmpi eq, %iota3A, %eq3A_16 : vector<16xi32>
    %convert_element_type3A_18 = arith.extui %eq3A_17 : vector<16xi1> to vector<16xi32>
    %eq3A_19 = arith.constant 5 : i32
    %eq3A_20 = vector.broadcast %eq3A_19 : i32 to vector<16xi32>
    %eq3A_21 = arith.cmpi eq, %iota3A, %eq3A_20 : vector<16xi32>
    %convert_element_type3A_22 = arith.extui %eq3A_21 : vector<16xi1> to vector<16xi32>
    %eq3A_23 = arith.constant 6 : i32
    %eq3A_24 = vector.broadcast %eq3A_23 : i32 to vector<16xi32>
    %eq3A_25 = arith.cmpi eq, %iota3A, %eq3A_24 : vector<16xi32>
    %convert_element_type3A_26 = arith.extui %eq3A_25 : vector<16xi1> to vector<16xi32>
    %eq3A_27 = arith.constant 7 : i32
    %eq3A_28 = vector.broadcast %eq3A_27 : i32 to vector<16xi32>
    %eq3A_29 = arith.cmpi eq, %iota3A, %eq3A_28 : vector<16xi32>
    %convert_element_type3A_30 = arith.extui %eq3A_29 : vector<16xi1> to vector<16xi32>
    %eq3A_31 = arith.constant 8 : i32
    %eq3A_32 = vector.broadcast %eq3A_31 : i32 to vector<16xi32>
    %eq3A_33 = arith.cmpi eq, %iota3A, %eq3A_32 : vector<16xi32>
    %convert_element_type3A_34 = arith.extui %eq3A_33 : vector<16xi1> to vector<16xi32>
    %eq3A_35 = arith.constant 9 : i32
    %eq3A_36 = vector.broadcast %eq3A_35 : i32 to vector<16xi32>
    %eq3A_37 = arith.cmpi eq, %iota3A, %eq3A_36 : vector<16xi32>
    %convert_element_type3A_38 = arith.extui %eq3A_37 : vector<16xi1> to vector<16xi32>
    %eq3A_39 = arith.constant 10 : i32
    %eq3A_40 = vector.broadcast %eq3A_39 : i32 to vector<16xi32>
    %eq3A_41 = arith.cmpi eq, %iota3A, %eq3A_40 : vector<16xi32>
    %convert_element_type3A_42 = arith.extui %eq3A_41 : vector<16xi1> to vector<16xi32>
    %eq3A_43 = arith.constant 11 : i32
    %eq3A_44 = vector.broadcast %eq3A_43 : i32 to vector<16xi32>
    %eq3A_45 = arith.cmpi eq, %iota3A, %eq3A_44 : vector<16xi32>
    %convert_element_type3A_46 = arith.extui %eq3A_45 : vector<16xi1> to vector<16xi32>
    %eq3A_47 = arith.constant 12 : i32
    %eq3A_48 = vector.broadcast %eq3A_47 : i32 to vector<16xi32>
    %eq3A_49 = arith.cmpi eq, %iota3A, %eq3A_48 : vector<16xi32>
    %convert_element_type3A_50 = arith.extui %eq3A_49 : vector<16xi1> to vector<16xi32>
    %eq3A_51 = arith.constant 13 : i32
    %eq3A_52 = vector.broadcast %eq3A_51 : i32 to vector<16xi32>
    %eq3A_53 = arith.cmpi eq, %iota3A, %eq3A_52 : vector<16xi32>
    %convert_element_type3A_54 = arith.extui %eq3A_53 : vector<16xi1> to vector<16xi32>
    %eq3A_55 = arith.constant 14 : i32
    %eq3A_56 = vector.broadcast %eq3A_55 : i32 to vector<16xi32>
    %eq3A_57 = arith.cmpi eq, %iota3A, %eq3A_56 : vector<16xi32>
    %convert_element_type3A_58 = arith.extui %eq3A_57 : vector<16xi1> to vector<16xi32>
    %eq3A_59 = arith.constant 15 : i32
    %eq3A_60 = vector.broadcast %eq3A_59 : i32 to vector<16xi32>
    %eq3A_61 = arith.cmpi eq, %iota3A, %eq3A_60 : vector<16xi32>
    %convert_element_type3A_62 = arith.extui %eq3A_61 : vector<16xi1> to vector<16xi32>
    %broadcast_in_dim3A = arith.constant 0 : i32
    %broadcast_in_dim3A_63 = vector.broadcast %broadcast_in_dim3A : i32 to vector<16xi32>
    %add3A_64 = arith.constant 0 : i32
    %add3A_65 = vector.broadcast %add3A_64 : i32 to vector<16xi32>
    %add3A_66 = arith.addi %iota3A, %add3A_65 : vector<16xi32>
    %gather3A = tpu.vector_load_idx %arg6[%broadcast_in_dim3A_63, %add3A_66] : memref<8x128xi32, #tpu.memory_space<vmem>>[vector<16xi32>, vector<16xi32>], vector<16xi32>,
    %mul3A_67 = arith.muli %gather3A, %convert_element_type3A : vector<16xi32>
    %reduce_sum3A = arith.constant true
    %reduce_sum3A_68 = vector.broadcast %reduce_sum3A : i1 to vector<16xi1>
    %reduce_sum3A_69 = tpu.scan <sum>, %mul3A_67 masked %reduce_sum3A_68 : vector<16xi32>, vector<16xi1> -> vector<16xi32>
    %reduce_sum3A_70 = vector.extract %reduce_sum3A_69[15] : i32 from vector<16xi32>
    %dma_start3A = arith.constant 0 : i32
    %dma_start3A_71 = arith.constant 0 : i32
    %dma_start3A_72 = arith.constant 0 : i32
    %dma_start3A_73 = tpu.memref_slice %arg8[%dma_start3A, %dma_start3A_71, %dma_start3A_72] : memref<16x8x64xf32, #tpu.memory_space<vmem>> -> memref<1x8x64xf32, #tpu.memory_space<vmem>>
    %dma_start3A_74 = arith.constant 0 : i32
    %dma_start3A_75 = arith.constant 0 : i32
    %dma_start3A_76 = tpu.memref_slice %arg4[%reduce_sum3A_70, %dma_start3A_74, %dma_start3A_75] : memref<125000x8x64xf32, #tpu.memory_space<hbm>> -> memref<1x8x64xf32, #tpu.memory_space<hbm>>
    %dma_start3A_77 = arith.constant 0 : i32
    %dma_start3A_78 = arith.constant 0 : i32
    %dma_start3A_79 = arith.constant 0 : i32
    %dma_start3A_80 = tpu.memref_slice %arg8[%dma_start3A_77, %dma_start3A_78, %dma_start3A_79] : memref<16x8x64xf32, #tpu.memory_space<vmem>> -> memref<1x8x64xf32, #tpu.memory_space<vmem>>
    %dma_start3A_81 = arith.constant 0 : i32
    %dma_start3A_82 = arith.constant 0 : i32
    %dma_start3A_83 = tpu.memref_slice %arg4[%reduce_sum3A_70, %dma_start3A_81, %dma_start3A_82] : memref<125000x8x64xf32, #tpu.memory_space<hbm>> -> memref<1x8x64xf32, #tpu.memory_space<hbm>>
    tpu.enqueue_dma source(%dma_start3A_83 : memref<1x8x64xf32, #tpu.memory_space<hbm>>) target(%dma_start3A_80 : memref<1x8x64xf32, #tpu.memory_space<vmem>>) target_semaphore(%arg13 : memref<!tpu.dma_semaphore, #tpu.memory_space<semaphore_mem>>)
    %mul3A_84 = arith.muli %gather3A, %convert_element_type3A_6 : vector<16xi32>
    %reduce_sum3A_85 = arith.constant true
    %reduce_sum3A_86 = vector.broadcast %reduce_sum3A_85 : i1 to vector<16xi1>
    %reduce_sum3A_87 = tpu.scan <sum>, %mul3A_84 masked %reduce_sum3A_86 : vector<16xi32>, vector<16xi1> -> vector<16xi32>
    %reduce_sum3A_88 = vector.extract %reduce_sum3A_87[15] : i32 from vector<16xi32>
    %dma_start3A_89 = arith.constant 1 : i32
    %dma_start3A_90 = arith.constant 0 : i32
    %dma_start3A_91 = arith.constant 0 : i32
    %dma_start3A_92 = tpu.memref_slice %arg8[%dma_start3A_89, %dma_start3A_90, %dma_start3A_91] : memref<16x8x64xf32, #tpu.memory_space<vmem>> -> memref<1x8x64xf32, #tpu.memory_space<vmem>>
    %dma_start3A_93 = arith.constant 0 : i32
    %dma_start3A_94 = arith.constant 0 : i32
    %dma_start3A_95 = tpu.memref_slice %arg4[%reduce_sum3A_88, %dma_start3A_93, %dma_start3A_94] : memref<125000x8x64xf32, #tpu.memory_space<hbm>> -> memref<1x8x64xf32, #tpu.memory_space<hbm>>
    %dma_start3A_96 = arith.constant 1 : i32
    %dma_start3A_97 = arith.constant 0 : i32
    %dma_start3A_98 = arith.constant 0 : i32
    %dma_start3A_99 = tpu.memref_slice %arg8[%dma_start3A_96, %dma_start3A_97, %dma_start3A_98] : memref<16x8x64xf32, #tpu.memory_space<vmem>> -> memref<1x8x64xf32, #tpu.memory_space<vmem>>
    %dma_start3A_100 = arith.constant 0 : i32
    %dma_start3A_101 = arith.constant 0 : i32
    %dma_start3A_102 = tpu.memref_slice %arg4[%reduce_sum3A_88, %dma_start3A_100, %dma_start3A_101] : memref<125000x8x64xf32, #tpu.memory_space<hbm>> -> memref<1x8x64xf32, #tpu.memory_space<hbm>>
    tpu.enqueue_dma source(%dma_start3A_102 : memref<1x8x64xf32, #tpu.memory_space<hbm>>) target(%dma_start3A_99 : memref<1x8x64xf32, #tpu.memory_space<vmem>>) target_semaphore(%arg13 : memref<!tpu.dma_semaphore, #tpu.memory_space<semaphore_mem>>)
    %mul3A_103 = arith.muli %gather3A, %convert_element_type3A_10 : vector<16xi32>
    %reduce_sum3A_104 = arith.constant true
    %reduce_sum3A_105 = vector.broadcast %reduce_sum3A_104 : i1 to vector<16xi1>
    %reduce_sum3A_106 = tpu.scan <sum>, %mul3A_103 masked %reduce_sum3A_105 : vector<16xi32>, vector<16xi1> -> vector<16xi32>
    %reduce_sum3A_107 = vector.extract %reduce_sum3A_106[15] : i32 from vector<16xi32>
    %dma_start3A_108 = arith.constant 2 : i32
    %dma_start3A_109 = arith.constant 0 : i32
    %dma_start3A_110 = arith.constant 0 : i32
    %dma_start3A_111 = tpu.memref_slice %arg8[%dma_start3A_108, %dma_start3A_109, %dma_start3A_110] : memref<16x8x64xf32, #tpu.memory_space<vmem>> -> memref<1x8x64xf32, #tpu.memory_space<vmem>>
    %dma_start3A_112 = arith.constant 0 : i32
    %dma_start3A_113 = arith.constant 0 : i32
    %dma_start3A_114 = tpu.memref_slice %arg4[%reduce_sum3A_107, %dma_start3A_112, %dma_start3A_113] : memref<125000x8x64xf32, #tpu.memory_space<hbm>> -> memref<1x8x64xf32, #tpu.memory_space<hbm>>
    %dma_start3A_115 = arith.constant 2 : i32
    %dma_start3A_116 = arith.constant 0 : i32
    %dma_start3A_117 = arith.constant 0 : i32
    %dma_start3A_118 = tpu.memref_slice %arg8[%dma_start3A_115, %dma_start3A_116, %dma_start3A_117] : memref<16x8x64xf32, #tpu.memory_space<vmem>> -> memref<1x8x64xf32, #tpu.memory_space<vmem>>
    %dma_start3A_119 = arith.constant 0 : i32
    %dma_start3A_120 = arith.constant 0 : i32
    %dma_start3A_121 = tpu.memref_slice %arg4[%reduce_sum3A_107, %dma_start3A_119, %dma_start3A_120] : memref<125000x8x64xf32, #tpu.memory_space<hbm>> -> memref<1x8x64xf32, #tpu.memory_space<hbm>>
    tpu.enqueue_dma source(%dma_start3A_121 : memref<1x8x64xf32, #tpu.memory_space<hbm>>) target(%dma_start3A_118 : memref<1x8x64xf32, #tpu.memory_space<vmem>>) target_semaphore(%arg13 : memref<!tpu.dma_semaphore, #tpu.memory_space<semaphore_mem>>)
    %mul3A_122 = arith.muli %gather3A, %convert_element_type3A_14 : vector<16xi32>
    %reduce_sum3A_123 = arith.constant true
    %reduce_sum3A_124 = vector.broadcast %reduce_sum3A_123 : i1 to vector<16xi1>
    %reduce_sum3A_125 = tpu.scan <sum>, %mul3A_122 masked %reduce_sum3A_124 : vector<16xi32>, vector<16xi1> -> vector<16xi32>
    %reduce_sum3A_126 = vector.extract %reduce_sum3A_125[15] : i32 from vector<16xi32>
    %dma_start3A_127 = arith.constant 3 : i32
    %dma_start3A_128 = arith.constant 0 : i32
    %dma_start3A_129 = arith.constant 0 : i32
    %dma_start3A_130 = tpu.memref_slice %arg8[%dma_start3A_127, %dma_start3A_128, %dma_start3A_129] : memref<16x8x64xf32, #tpu.memory_space<vmem>> -> memref<1x8x64xf32, #tpu.memory_space<vmem>>
    %dma_start3A_131 = arith.constant 0 : i32
    %dma_start3A_132 = arith.constant 0 : i32
    %dma_start3A_133 = tpu.memref_slice %arg4[%reduce_sum3A_126, %dma_start3A_131, %dma_start3A_132] : memref<125000x8x64xf32, #tpu.memory_space<hbm>> -> memref<1x8x64xf32, #tpu.memory_space<hbm>>
    %dma_start3A_134 = arith.constant 3 : i32
    %dma_start3A_135 = arith.constant 0 : i32
    %dma_start3A_136 = arith.constant 0 : i32
    %dma_start3A_137 = tpu.memref_slice %arg8[%dma_start3A_134, %dma_start3A_135, %dma_start3A_136] : memref<16x8x64xf32, #tpu.memory_space<vmem>> -> memref<1x8x64xf32, #tpu.memory_space<vmem>>
    %dma_start3A_138 = arith.constant 0 : i32
    %dma_start3A_139 = arith.constant 0 : i32
    %dma_start3A_140 = tpu.memref_slice %arg4[%reduce_sum3A_126, %dma_start3A_138, %dma_start3A_139] : memref<125000x8x64xf32, #tpu.memory_space<hbm>> -> memref<1x8x64xf32, #tpu.memory_space<hbm>>
    tpu.enqueue_dma source(%dma_start3A_140 : memref<1x8x64xf32, #tpu.memory_space<hbm>>) target(%dma_start3A_137 : memref<1x8x64xf32, #tpu.memory_space<vmem>>) target_semaphore(%arg13 : memref<!tpu.dma_semaphore, #tpu.memory_space<semaphore_mem>>)
    %mul3A_141 = arith.muli %gather3A, %convert_element_type3A_18 : vector<16xi32>
    %reduce_sum3A_142 = arith.constant true
    %reduce_sum3A_143 = vector.broadcast %reduce_sum3A_142 : i1 to vector<16xi1>
    %reduce_sum3A_144 = tpu.scan <sum>, %mul3A_141 masked %reduce_sum3A_143 : vector<16xi32>, vector<16xi1> -> vector<16xi32>
    %reduce_sum3A_145 = vector.extract %reduce_sum3A_144[15] : i32 from vector<16xi32>
    %dma_start3A_146 = arith.constant 4 : i32
    %dma_start3A_147 = arith.constant 0 : i32
    %dma_start3A_148 = arith.constant 0 : i32
    %dma_start3A_149 = tpu.memref_slice %arg8[%dma_start3A_146, %dma_start3A_147, %dma_start3A_148] : memref<16x8x64xf32, #tpu.memory_space<vmem>> -> memref<1x8x64xf32, #tpu.memory_space<vmem>>
    %dma_start3A_150 = arith.constant 0 : i32
    %dma_start3A_151 = arith.constant 0 : i32
    %dma_start3A_152 = tpu.memref_slice %arg4[%reduce_sum3A_145, %dma_start3A_150, %dma_start3A_151] : memref<125000x8x64xf32, #tpu.memory_space<hbm>> -> memref<1x8x64xf32, #tpu.memory_space<hbm>>
    %dma_start3A_153 = arith.constant 4 : i32
    %dma_start3A_154 = arith.constant 0 : i32
    %dma_start3A_155 = arith.constant 0 : i32
    %dma_start3A_156 = tpu.memref_slice %arg8[%dma_start3A_153, %dma_start3A_154, %dma_start3A_155] : memref<16x8x64xf32, #tpu.memory_space<vmem>> -> memref<1x8x64xf32, #tpu.memory_space<vmem>>
    %dma_start3A_157 = arith.constant 0 : i32
    %dma_start3A_158 = arith.constant 0 : i32
    %dma_start3A_159 = tpu.memref_slice %arg4[%reduce_sum3A_145, %dma_start3A_157, %dma_start3A_158] : memref<125000x8x64xf32, #tpu.memory_space<hbm>> -> memref<1x8x64xf32, #tpu.memory_space<hbm>>
    tpu.enqueue_dma source(%dma_start3A_159 : memref<1x8x64xf32, #tpu.memory_space<hbm>>) target(%dma_start3A_156 : memref<1x8x64xf32, #tpu.memory_space<vmem>>) target_semaphore(%arg13 : memref<!tpu.dma_semaphore, #tpu.memory_space<semaphore_mem>>)
    %mul3A_160 = arith.muli %gather3A, %convert_element_type3A_22 : vector<16xi32>
    %reduce_sum3A_161 = arith.constant true
    %reduce_sum3A_162 = vector.broadcast %reduce_sum3A_161 : i1 to vector<16xi1>
    %reduce_sum3A_163 = tpu.scan <sum>, %mul3A_160 masked %reduce_sum3A_162 : vector<16xi32>, vector<16xi1> -> vector<16xi32>
    %reduce_sum3A_164 = vector.extract %reduce_sum3A_163[15] : i32 from vector<16xi32>
    %dma_start3A_165 = arith.constant 5 : i32
    %dma_start3A_166 = arith.constant 0 : i32
    %dma_start3A_167 = arith.constant 0 : i32
    %dma_start3A_168 = tpu.memref_slice %arg8[%dma_start3A_165, %dma_start3A_166, %dma_start3A_167] : memref<16x8x64xf32, #tpu.memory_space<vmem>> -> memref<1x8x64xf32, #tpu.memory_space<vmem>>
    %dma_start3A_169 = arith.constant 0 : i32
    %dma_start3A_170 = arith.constant 0 : i32
    %dma_start3A_171 = tpu.memref_slice %arg4[%reduce_sum3A_164, %dma_start3A_169, %dma_start3A_170] : memref<125000x8x64xf32, #tpu.memory_space<hbm>> -> memref<1x8x64xf32, #tpu.memory_space<hbm>>
    %dma_start3A_172 = arith.constant 5 : i32
    %dma_start3A_173 = arith.constant 0 : i32
    %dma_start3A_174 = arith.constant 0 : i32
    %dma_start3A_175 = tpu.memref_slice %arg8[%dma_start3A_172, %dma_start3A_173, %dma_start3A_174] : memref<16x8x64xf32, #tpu.memory_space<vmem>> -> memref<1x8x64xf32, #tpu.memory_space<vmem>>
    %dma_start3A_176 = arith.constant 0 : i32
    %dma_start3A_177 = arith.constant 0 : i32
    %dma_start3A_178 = tpu.memref_slice %arg4[%reduce_sum3A_164, %dma_start3A_176, %dma_start3A_177] : memref<125000x8x64xf32, #tpu.memory_space<hbm>> -> memref<1x8x64xf32, #tpu.memory_space<hbm>>
    tpu.enqueue_dma source(%dma_start3A_178 : memref<1x8x64xf32, #tpu.memory_space<hbm>>) target(%dma_start3A_175 : memref<1x8x64xf32, #tpu.memory_space<vmem>>) target_semaphore(%arg13 : memref<!tpu.dma_semaphore, #tpu.memory_space<semaphore_mem>>)
    %mul3A_179 = arith.muli %gather3A, %convert_element_type3A_26 : vector<16xi32>
    %reduce_sum3A_180 = arith.constant true
    %reduce_sum3A_181 = vector.broadcast %reduce_sum3A_180 : i1 to vector<16xi1>
    %reduce_sum3A_182 = tpu.scan <sum>, %mul3A_179 masked %reduce_sum3A_181 : vector<16xi32>, vector<16xi1> -> vector<16xi32>
    %reduce_sum3A_183 = vector.extract %reduce_sum3A_182[15] : i32 from vector<16xi32>
    %dma_start3A_184 = arith.constant 6 : i32
    %dma_start3A_185 = arith.constant 0 : i32
    %dma_start3A_186 = arith.constant 0 : i32
    %dma_start3A_187 = tpu.memref_slice %arg8[%dma_start3A_184, %dma_start3A_185, %dma_start3A_186] : memref<16x8x64xf32, #tpu.memory_space<vmem>> -> memref<1x8x64xf32, #tpu.memory_space<vmem>>
    %dma_start3A_188 = arith.constant 0 : i32
    %dma_start3A_189 = arith.constant 0 : i32
    %dma_start3A_190 = tpu.memref_slice %arg4[%reduce_sum3A_183, %dma_start3A_188, %dma_start3A_189] : memref<125000x8x64xf32, #tpu.memory_space<hbm>> -> memref<1x8x64xf32, #tpu.memory_space<hbm>>
    %dma_start3A_191 = arith.constant 6 : i32
    %dma_start3A_192 = arith.constant 0 : i32
    %dma_start3A_193 = arith.constant 0 : i32
    %dma_start3A_194 = tpu.memref_slice %arg8[%dma_start3A_191, %dma_start3A_192, %dma_start3A_193] : memref<16x8x64xf32, #tpu.memory_space<vmem>> -> memref<1x8x64xf32, #tpu.memory_space<vmem>>
    %dma_start3A_195 = arith.constant 0 : i32
    %dma_start3A_196 = arith.constant 0 : i32
    %dma_start3A_197 = tpu.memref_slice %arg4[%reduce_sum3A_183, %dma_start3A_195, %dma_start3A_196] : memref<125000x8x64xf32, #tpu.memory_space<hbm>> -> memref<1x8x64xf32, #tpu.memory_space<hbm>>
    tpu.enqueue_dma source(%dma_start3A_197 : memref<1x8x64xf32, #tpu.memory_space<hbm>>) target(%dma_start3A_194 : memref<1x8x64xf32, #tpu.memory_space<vmem>>) target_semaphore(%arg13 : memref<!tpu.dma_semaphore, #tpu.memory_space<semaphore_mem>>)
    %mul3A_198 = arith.muli %gather3A, %convert_element_type3A_30 : vector<16xi32>
    %reduce_sum3A_199 = arith.constant true
    %reduce_sum3A_200 = vector.broadcast %reduce_sum3A_199 : i1 to vector<16xi1>
    %reduce_sum3A_201 = tpu.scan <sum>, %mul3A_198 masked %reduce_sum3A_200 : vector<16xi32>, vector<16xi1> -> vector<16xi32>
    %reduce_sum3A_202 = vector.extract %reduce_sum3A_201[15] : i32 from vector<16xi32>
    %dma_start3A_203 = arith.constant 7 : i32
    %dma_start3A_204 = arith.constant 0 : i32
    %dma_start3A_205 = arith.constant 0 : i32
    %dma_start3A_206 = tpu.memref_slice %arg8[%dma_start3A_203, %dma_start3A_204, %dma_start3A_205] : memref<16x8x64xf32, #tpu.memory_space<vmem>> -> memref<1x8x64xf32, #tpu.memory_space<vmem>>
    %dma_start3A_207 = arith.constant 0 : i32
    %dma_start3A_208 = arith.constant 0 : i32
    %dma_start3A_209 = tpu.memref_slice %arg4[%reduce_sum3A_202, %dma_start3A_207, %dma_start3A_208] : memref<125000x8x64xf32, #tpu.memory_space<hbm>> -> memref<1x8x64xf32, #tpu.memory_space<hbm>>
    %dma_start3A_210 = arith.constant 7 : i32
    %dma_start3A_211 = arith.constant 0 : i32
    %dma_start3A_212 = arith.constant 0 : i32
    %dma_start3A_213 = tpu.memref_slice %arg8[%dma_start3A_210, %dma_start3A_211, %dma_start3A_212] : memref<16x8x64xf32, #tpu.memory_space<vmem>> -> memref<1x8x64xf32, #tpu.memory_space<vmem>>
    %dma_start3A_214 = arith.constant 0 : i32
    %dma_start3A_215 = arith.constant 0 : i32
    %dma_start3A_216 = tpu.memref_slice %arg4[%reduce_sum3A_202, %dma_start3A_214, %dma_start3A_215] : memref<125000x8x64xf32, #tpu.memory_space<hbm>> -> memref<1x8x64xf32, #tpu.memory_space<hbm>>
    tpu.enqueue_dma source(%dma_start3A_216 : memref<1x8x64xf32, #tpu.memory_space<hbm>>) target(%dma_start3A_213 : memref<1x8x64xf32, #tpu.memory_space<vmem>>) target_semaphore(%arg13 : memref<!tpu.dma_semaphore, #tpu.memory_space<semaphore_mem>>)
    %mul3A_217 = arith.muli %gather3A, %convert_element_type3A_34 : vector<16xi32>
    %reduce_sum3A_218 = arith.constant true
    %reduce_sum3A_219 = vector.broadcast %reduce_sum3A_218 : i1 to vector<16xi1>
    %reduce_sum3A_220 = tpu.scan <sum>, %mul3A_217 masked %reduce_sum3A_219 : vector<16xi32>, vector<16xi1> -> vector<16xi32>
    %reduce_sum3A_221 = vector.extract %reduce_sum3A_220[15] : i32 from vector<16xi32>
    %dma_start3A_222 = arith.constant 8 : i32
    %dma_start3A_223 = arith.constant 0 : i32
    %dma_start3A_224 = arith.constant 0 : i32
    %dma_start3A_225 = tpu.memref_slice %arg8[%dma_start3A_222, %dma_start3A_223, %dma_start3A_224] : memref<16x8x64xf32, #tpu.memory_space<vmem>> -> memref<1x8x64xf32, #tpu.memory_space<vmem>>
    %dma_start3A_226 = arith.constant 0 : i32
    %dma_start3A_227 = arith.constant 0 : i32
    %dma_start3A_228 = tpu.memref_slice %arg4[%reduce_sum3A_221, %dma_start3A_226, %dma_start3A_227] : memref<125000x8x64xf32, #tpu.memory_space<hbm>> -> memref<1x8x64xf32, #tpu.memory_space<hbm>>
    %dma_start3A_229 = arith.constant 8 : i32
    %dma_start3A_230 = arith.constant 0 : i32
    %dma_start3A_231 = arith.constant 0 : i32
    %dma_start3A_232 = tpu.memref_slice %arg8[%dma_start3A_229, %dma_start3A_230, %dma_start3A_231] : memref<16x8x64xf32, #tpu.memory_space<vmem>> -> memref<1x8x64xf32, #tpu.memory_space<vmem>>
    %dma_start3A_233 = arith.constant 0 : i32
    %dma_start3A_234 = arith.constant 0 : i32
    %dma_start3A_235 = tpu.memref_slice %arg4[%reduce_sum3A_221, %dma_start3A_233, %dma_start3A_234] : memref<125000x8x64xf32, #tpu.memory_space<hbm>> -> memref<1x8x64xf32, #tpu.memory_space<hbm>>
    tpu.enqueue_dma source(%dma_start3A_235 : memref<1x8x64xf32, #tpu.memory_space<hbm>>) target(%dma_start3A_232 : memref<1x8x64xf32, #tpu.memory_space<vmem>>) target_semaphore(%arg13 : memref<!tpu.dma_semaphore, #tpu.memory_space<semaphore_mem>>)
    %mul3A_236 = arith.muli %gather3A, %convert_element_type3A_38 : vector<16xi32>
    %reduce_sum3A_237 = arith.constant true
    %reduce_sum3A_238 = vector.broadcast %reduce_sum3A_237 : i1 to vector<16xi1>
    %reduce_sum3A_239 = tpu.scan <sum>, %mul3A_236 masked %reduce_sum3A_238 : vector<16xi32>, vector<16xi1> -> vector<16xi32>
    %reduce_sum3A_240 = vector.extract %reduce_sum3A_239[15] : i32 from vector<16xi32>
    %dma_start3A_241 = arith.constant 9 : i32
    %dma_start3A_242 = arith.constant 0 : i32
    %dma_start3A_243 = arith.constant 0 : i32
    %dma_start3A_244 = tpu.memref_slice %arg8[%dma_start3A_241, %dma_start3A_242, %dma_start3A_243] : memref<16x8x64xf32, #tpu.memory_space<vmem>> -> memref<1x8x64xf32, #tpu.memory_space<vmem>>
    %dma_start3A_245 = arith.constant 0 : i32
    %dma_start3A_246 = arith.constant 0 : i32
    %dma_start3A_247 = tpu.memref_slice %arg4[%reduce_sum3A_240, %dma_start3A_245, %dma_start3A_246] : memref<125000x8x64xf32, #tpu.memory_space<hbm>> -> memref<1x8x64xf32, #tpu.memory_space<hbm>>
    %dma_start3A_248 = arith.constant 9 : i32
    %dma_start3A_249 = arith.constant 0 : i32
    %dma_start3A_250 = arith.constant 0 : i32
    %dma_start3A_251 = tpu.memref_slice %arg8[%dma_start3A_248, %dma_start3A_249, %dma_start3A_250] : memref<16x8x64xf32, #tpu.memory_space<vmem>> -> memref<1x8x64xf32, #tpu.memory_space<vmem>>
    %dma_start3A_252 = arith.constant 0 : i32
    %dma_start3A_253 = arith.constant 0 : i32
    %dma_start3A_254 = tpu.memref_slice %arg4[%reduce_sum3A_240, %dma_start3A_252, %dma_start3A_253] : memref<125000x8x64xf32, #tpu.memory_space<hbm>> -> memref<1x8x64xf32, #tpu.memory_space<hbm>>
    tpu.enqueue_dma source(%dma_start3A_254 : memref<1x8x64xf32, #tpu.memory_space<hbm>>) target(%dma_start3A_251 : memref<1x8x64xf32, #tpu.memory_space<vmem>>) target_semaphore(%arg13 : memref<!tpu.dma_semaphore, #tpu.memory_space<semaphore_mem>>)
    %mul3A_255 = arith.muli %gather3A, %convert_element_type3A_42 : vector<16xi32>
    %reduce_sum3A_256 = arith.constant true
    %reduce_sum3A_257 = vector.broadcast %reduce_sum3A_256 : i1 to vector<16xi1>
    %reduce_sum3A_258 = tpu.scan <sum>, %mul3A_255 masked %reduce_sum3A_257 : vector<16xi32>, vector<16xi1> -> vector<16xi32>
    %reduce_sum3A_259 = vector.extract %reduce_sum3A_258[15] : i32 from vector<16xi32>
    %dma_start3A_260 = arith.constant 10 : i32
    %dma_start3A_261 = arith.constant 0 : i32
    %dma_start3A_262 = arith.constant 0 : i32
    %dma_start3A_263 = tpu.memref_slice %arg8[%dma_start3A_260, %dma_start3A_261, %dma_start3A_262] : memref<16x8x64xf32, #tpu.memory_space<vmem>> -> memref<1x8x64xf32, #tpu.memory_space<vmem>>
    %dma_start3A_264 = arith.constant 0 : i32
    %dma_start3A_265 = arith.constant 0 : i32
    %dma_start3A_266 = tpu.memref_slice %arg4[%reduce_sum3A_259, %dma_start3A_264, %dma_start3A_265] : memref<125000x8x64xf32, #tpu.memory_space<hbm>> -> memref<1x8x64xf32, #tpu.memory_space<hbm>>
    %dma_start3A_267 = arith.constant 10 : i32
    %dma_start3A_268 = arith.constant 0 : i32
    %dma_start3A_269 = arith.constant 0 : i32
    %dma_start3A_270 = tpu.memref_slice %arg8[%dma_start3A_267, %dma_start3A_268, %dma_start3A_269] : memref<16x8x64xf32, #tpu.memory_space<vmem>> -> memref<1x8x64xf32, #tpu.memory_space<vmem>>
    %dma_start3A_271 = arith.constant 0 : i32
    %dma_start3A_272 = arith.constant 0 : i32
    %dma_start3A_273 = tpu.memref_slice %arg4[%reduce_sum3A_259, %dma_start3A_271, %dma_start3A_272] : memref<125000x8x64xf32, #tpu.memory_space<hbm>> -> memref<1x8x64xf32, #tpu.memory_space<hbm>>
    tpu.enqueue_dma source(%dma_start3A_273 : memref<1x8x64xf32, #tpu.memory_space<hbm>>) target(%dma_start3A_270 : memref<1x8x64xf32, #tpu.memory_space<vmem>>) target_semaphore(%arg13 : memref<!tpu.dma_semaphore, #tpu.memory_space<semaphore_mem>>)
    %mul3A_274 = arith.muli %gather3A, %convert_element_type3A_46 : vector<16xi32>
    %reduce_sum3A_275 = arith.constant true
    %reduce_sum3A_276 = vector.broadcast %reduce_sum3A_275 : i1 to vector<16xi1>
    %reduce_sum3A_277 = tpu.scan <sum>, %mul3A_274 masked %reduce_sum3A_276 : vector<16xi32>, vector<16xi1> -> vector<16xi32>
    %reduce_sum3A_278 = vector.extract %reduce_sum3A_277[15] : i32 from vector<16xi32>
    %dma_start3A_279 = arith.constant 11 : i32
    %dma_start3A_280 = arith.constant 0 : i32
    %dma_start3A_281 = arith.constant 0 : i32
    %dma_start3A_282 = tpu.memref_slice %arg8[%dma_start3A_279, %dma_start3A_280, %dma_start3A_281] : memref<16x8x64xf32, #tpu.memory_space<vmem>> -> memref<1x8x64xf32, #tpu.memory_space<vmem>>
    %dma_start3A_283 = arith.constant 0 : i32
    %dma_start3A_284 = arith.constant 0 : i32
    %dma_start3A_285 = tpu.memref_slice %arg4[%reduce_sum3A_278, %dma_start3A_283, %dma_start3A_284] : memref<125000x8x64xf32, #tpu.memory_space<hbm>> -> memref<1x8x64xf32, #tpu.memory_space<hbm>>
    %dma_start3A_286 = arith.constant 11 : i32
    %dma_start3A_287 = arith.constant 0 : i32
    %dma_start3A_288 = arith.constant 0 : i32
    %dma_start3A_289 = tpu.memref_slice %arg8[%dma_start3A_286, %dma_start3A_287, %dma_start3A_288] : memref<16x8x64xf32, #tpu.memory_space<vmem>> -> memref<1x8x64xf32, #tpu.memory_space<vmem>>
    %dma_start3A_290 = arith.constant 0 : i32
    %dma_start3A_291 = arith.constant 0 : i32
    %dma_start3A_292 = tpu.memref_slice %arg4[%reduce_sum3A_278, %dma_start3A_290, %dma_start3A_291] : memref<125000x8x64xf32, #tpu.memory_space<hbm>> -> memref<1x8x64xf32, #tpu.memory_space<hbm>>
    tpu.enqueue_dma source(%dma_start3A_292 : memref<1x8x64xf32, #tpu.memory_space<hbm>>) target(%dma_start3A_289 : memref<1x8x64xf32, #tpu.memory_space<vmem>>) target_semaphore(%arg13 : memref<!tpu.dma_semaphore, #tpu.memory_space<semaphore_mem>>)
    %mul3A_293 = arith.muli %gather3A, %convert_element_type3A_50 : vector<16xi32>
    %reduce_sum3A_294 = arith.constant true
    %reduce_sum3A_295 = vector.broadcast %reduce_sum3A_294 : i1 to vector<16xi1>
    %reduce_sum3A_296 = tpu.scan <sum>, %mul3A_293 masked %reduce_sum3A_295 : vector<16xi32>, vector<16xi1> -> vector<16xi32>
    %reduce_sum3A_297 = vector.extract %reduce_sum3A_296[15] : i32 from vector<16xi32>
    %dma_start3A_298 = arith.constant 12 : i32
    %dma_start3A_299 = arith.constant 0 : i32
    %dma_start3A_300 = arith.constant 0 : i32
    %dma_start3A_301 = tpu.memref_slice %arg8[%dma_start3A_298, %dma_start3A_299, %dma_start3A_300] : memref<16x8x64xf32, #tpu.memory_space<vmem>> -> memref<1x8x64xf32, #tpu.memory_space<vmem>>
    %dma_start3A_302 = arith.constant 0 : i32
    %dma_start3A_303 = arith.constant 0 : i32
    %dma_start3A_304 = tpu.memref_slice %arg4[%reduce_sum3A_297, %dma_start3A_302, %dma_start3A_303] : memref<125000x8x64xf32, #tpu.memory_space<hbm>> -> memref<1x8x64xf32, #tpu.memory_space<hbm>>
    %dma_start3A_305 = arith.constant 12 : i32
    %dma_start3A_306 = arith.constant 0 : i32
    %dma_start3A_307 = arith.constant 0 : i32
    %dma_start3A_308 = tpu.memref_slice %arg8[%dma_start3A_305, %dma_start3A_306, %dma_start3A_307] : memref<16x8x64xf32, #tpu.memory_space<vmem>> -> memref<1x8x64xf32, #tpu.memory_space<vmem>>
    %dma_start3A_309 = arith.constant 0 : i32
    %dma_start3A_310 = arith.constant 0 : i32
    %dma_start3A_311 = tpu.memref_slice %arg4[%reduce_sum3A_297, %dma_start3A_309, %dma_start3A_310] : memref<125000x8x64xf32, #tpu.memory_space<hbm>> -> memref<1x8x64xf32, #tpu.memory_space<hbm>>
    tpu.enqueue_dma source(%dma_start3A_311 : memref<1x8x64xf32, #tpu.memory_space<hbm>>) target(%dma_start3A_308 : memref<1x8x64xf32, #tpu.memory_space<vmem>>) target_semaphore(%arg13 : memref<!tpu.dma_semaphore, #tpu.memory_space<semaphore_mem>>)
    %mul3A_312 = arith.muli %gather3A, %convert_element_type3A_54 : vector<16xi32>
    %reduce_sum3A_313 = arith.constant true
    %reduce_sum3A_314 = vector.broadcast %reduce_sum3A_313 : i1 to vector<16xi1>
    %reduce_sum3A_315 = tpu.scan <sum>, %mul3A_312 masked %reduce_sum3A_314 : vector<16xi32>, vector<16xi1> -> vector<16xi32>
    %reduce_sum3A_316 = vector.extract %reduce_sum3A_315[15] : i32 from vector<16xi32>
    %dma_start3A_317 = arith.constant 13 : i32
    %dma_start3A_318 = arith.constant 0 : i32
    %dma_start3A_319 = arith.constant 0 : i32
    %dma_start3A_320 = tpu.memref_slice %arg8[%dma_start3A_317, %dma_start3A_318, %dma_start3A_319] : memref<16x8x64xf32, #tpu.memory_space<vmem>> -> memref<1x8x64xf32, #tpu.memory_space<vmem>>
    %dma_start3A_321 = arith.constant 0 : i32
    %dma_start3A_322 = arith.constant 0 : i32
    %dma_start3A_323 = tpu.memref_slice %arg4[%reduce_sum3A_316, %dma_start3A_321, %dma_start3A_322] : memref<125000x8x64xf32, #tpu.memory_space<hbm>> -> memref<1x8x64xf32, #tpu.memory_space<hbm>>
    %dma_start3A_324 = arith.constant 13 : i32
    %dma_start3A_325 = arith.constant 0 : i32
    %dma_start3A_326 = arith.constant 0 : i32
    %dma_start3A_327 = tpu.memref_slice %arg8[%dma_start3A_324, %dma_start3A_325, %dma_start3A_326] : memref<16x8x64xf32, #tpu.memory_space<vmem>> -> memref<1x8x64xf32, #tpu.memory_space<vmem>>
    %dma_start3A_328 = arith.constant 0 : i32
    %dma_start3A_329 = arith.constant 0 : i32
    %dma_start3A_330 = tpu.memref_slice %arg4[%reduce_sum3A_316, %dma_start3A_328, %dma_start3A_329] : memref<125000x8x64xf32, #tpu.memory_space<hbm>> -> memref<1x8x64xf32, #tpu.memory_space<hbm>>
    tpu.enqueue_dma source(%dma_start3A_330 : memref<1x8x64xf32, #tpu.memory_space<hbm>>) target(%dma_start3A_327 : memref<1x8x64xf32, #tpu.memory_space<vmem>>) target_semaphore(%arg13 : memref<!tpu.dma_semaphore, #tpu.memory_space<semaphore_mem>>)
    %mul3A_331 = arith.muli %gather3A, %convert_element_type3A_58 : vector<16xi32>
    %reduce_sum3A_332 = arith.constant true
    %reduce_sum3A_333 = vector.broadcast %reduce_sum3A_332 : i1 to vector<16xi1>
    %reduce_sum3A_334 = tpu.scan <sum>, %mul3A_331 masked %reduce_sum3A_333 : vector<16xi32>, vector<16xi1> -> vector<16xi32>
    %reduce_sum3A_335 = vector.extract %reduce_sum3A_334[15] : i32 from vector<16xi32>
    %dma_start3A_336 = arith.constant 14 : i32
    %dma_start3A_337 = arith.constant 0 : i32
    %dma_start3A_338 = arith.constant 0 : i32
    %dma_start3A_339 = tpu.memref_slice %arg8[%dma_start3A_336, %dma_start3A_337, %dma_start3A_338] : memref<16x8x64xf32, #tpu.memory_space<vmem>> -> memref<1x8x64xf32, #tpu.memory_space<vmem>>
    %dma_start3A_340 = arith.constant 0 : i32
    %dma_start3A_341 = arith.constant 0 : i32
    %dma_start3A_342 = tpu.memref_slice %arg4[%reduce_sum3A_335, %dma_start3A_340, %dma_start3A_341] : memref<125000x8x64xf32, #tpu.memory_space<hbm>> -> memref<1x8x64xf32, #tpu.memory_space<hbm>>
    %dma_start3A_343 = arith.constant 14 : i32
    %dma_start3A_344 = arith.constant 0 : i32
    %dma_start3A_345 = arith.constant 0 : i32
    %dma_start3A_346 = tpu.memref_slice %arg8[%dma_start3A_343, %dma_start3A_344, %dma_start3A_345] : memref<16x8x64xf32, #tpu.memory_space<vmem>> -> memref<1x8x64xf32, #tpu.memory_space<vmem>>
    %dma_start3A_347 = arith.constant 0 : i32
    %dma_start3A_348 = arith.constant 0 : i32
    %dma_start3A_349 = tpu.memref_slice %arg4[%reduce_sum3A_335, %dma_start3A_347, %dma_start3A_348] : memref<125000x8x64xf32, #tpu.memory_space<hbm>> -> memref<1x8x64xf32, #tpu.memory_space<hbm>>
    tpu.enqueue_dma source(%dma_start3A_349 : memref<1x8x64xf32, #tpu.memory_space<hbm>>) target(%dma_start3A_346 : memref<1x8x64xf32, #tpu.memory_space<vmem>>) target_semaphore(%arg13 : memref<!tpu.dma_semaphore, #tpu.memory_space<semaphore_mem>>)
    %mul3A_350 = arith.muli %gather3A, %convert_element_type3A_62 : vector<16xi32>
    %reduce_sum3A_351 = arith.constant true
    %reduce_sum3A_352 = vector.broadcast %reduce_sum3A_351 : i1 to vector<16xi1>
    %reduce_sum3A_353 = tpu.scan <sum>, %mul3A_350 masked %reduce_sum3A_352 : vector<16xi32>, vector<16xi1> -> vector<16xi32>
    %reduce_sum3A_354 = vector.extract %reduce_sum3A_353[15] : i32 from vector<16xi32>
    %dma_start3A_355 = arith.constant 15 : i32
    %dma_start3A_356 = arith.constant 0 : i32
    %dma_start3A_357 = arith.constant 0 : i32
    %dma_start3A_358 = tpu.memref_slice %arg8[%dma_start3A_355, %dma_start3A_356, %dma_start3A_357] : memref<16x8x64xf32, #tpu.memory_space<vmem>> -> memref<1x8x64xf32, #tpu.memory_space<vmem>>
    %dma_start3A_359 = arith.constant 0 : i32
    %dma_start3A_360 = arith.constant 0 : i32
    %dma_start3A_361 = tpu.memref_slice %arg4[%reduce_sum3A_354, %dma_start3A_359, %dma_start3A_360] : memref<125000x8x64xf32, #tpu.memory_space<hbm>> -> memref<1x8x64xf32, #tpu.memory_space<hbm>>
    %dma_start3A_362 = arith.constant 15 : i32
    %dma_start3A_363 = arith.constant 0 : i32
    %dma_start3A_364 = arith.constant 0 : i32
    %dma_start3A_365 = tpu.memref_slice %arg8[%dma_start3A_362, %dma_start3A_363, %dma_start3A_364] : memref<16x8x64xf32, #tpu.memory_space<vmem>> -> memref<1x8x64xf32, #tpu.memory_space<vmem>>
    %dma_start3A_366 = arith.constant 0 : i32
    %dma_start3A_367 = arith.constant 0 : i32
    %dma_start3A_368 = tpu.memref_slice %arg4[%reduce_sum3A_354, %dma_start3A_366, %dma_start3A_367] : memref<125000x8x64xf32, #tpu.memory_space<hbm>> -> memref<1x8x64xf32, #tpu.memory_space<hbm>>
    tpu.enqueue_dma source(%dma_start3A_368 : memref<1x8x64xf32, #tpu.memory_space<hbm>>) target(%dma_start3A_365 : memref<1x8x64xf32, #tpu.memory_space<vmem>>) target_semaphore(%arg13 : memref<!tpu.dma_semaphore, #tpu.memory_space<semaphore_mem>>)
    %broadcast_in_dim3A_369 = arith.constant 0 : i32
    %broadcast_in_dim3A_370 = vector.broadcast %broadcast_in_dim3A_369 : i32 to vector<16xi32>
    %add3A_371 = arith.constant 16 : i32
    %add3A_372 = vector.broadcast %add3A_371 : i32 to vector<16xi32>
    %add3A_373 = arith.addi %iota3A, %add3A_372 : vector<16xi32>
    %gather3A_374 = tpu.vector_load_idx %arg6[%broadcast_in_dim3A_370, %add3A_373] : memref<8x128xi32, #tpu.memory_space<vmem>>[vector<16xi32>, vector<16xi32>], vector<16xi32>,
    %mul3A_375 = arith.muli %gather3A_374, %convert_element_type3A : vector<16xi32>
    %reduce_sum3A_376 = arith.constant true
    %reduce_sum3A_377 = vector.broadcast %reduce_sum3A_376 : i1 to vector<16xi1>
    %reduce_sum3A_378 = tpu.scan <sum>, %mul3A_375 masked %reduce_sum3A_377 : vector<16xi32>, vector<16xi1> -> vector<16xi32>
    %reduce_sum3A_379 = vector.extract %reduce_sum3A_378[15] : i32 from vector<16xi32>
    %dma_start3A_380 = arith.constant 0 : i32
    %dma_start3A_381 = arith.constant 0 : i32
    %dma_start3A_382 = arith.constant 0 : i32
    %dma_start3A_383 = tpu.memref_slice %arg9[%dma_start3A_380, %dma_start3A_381, %dma_start3A_382] : memref<16x8x64xf32, #tpu.memory_space<vmem>> -> memref<1x8x64xf32, #tpu.memory_space<vmem>>
    %dma_start3A_384 = arith.constant 0 : i32
    %dma_start3A_385 = arith.constant 0 : i32
    %dma_start3A_386 = tpu.memref_slice %arg4[%reduce_sum3A_379, %dma_start3A_384, %dma_start3A_385] : memref<125000x8x64xf32, #tpu.memory_space<hbm>> -> memref<1x8x64xf32, #tpu.memory_space<hbm>>
    %dma_start3A_387 = arith.constant 0 : i32
    %dma_start3A_388 = arith.constant 0 : i32
    %dma_start3A_389 = arith.constant 0 : i32
    %dma_start3A_390 = tpu.memref_slice %arg9[%dma_start3A_387, %dma_start3A_388, %dma_start3A_389] : memref<16x8x64xf32, #tpu.memory_space<vmem>> -> memref<1x8x64xf32, #tpu.memory_space<vmem>>
    %dma_start3A_391 = arith.constant 0 : i32
    %dma_start3A_392 = arith.constant 0 : i32
    %dma_start3A_393 = tpu.memref_slice %arg4[%reduce_sum3A_379, %dma_start3A_391, %dma_start3A_392] : memref<125000x8x64xf32, #tpu.memory_space<hbm>> -> memref<1x8x64xf32, #tpu.memory_space<hbm>>
    tpu.enqueue_dma source(%dma_start3A_393 : memref<1x8x64xf32, #tpu.memory_space<hbm>>) target(%dma_start3A_390 : memref<1x8x64xf32, #tpu.memory_space<vmem>>) target_semaphore(%arg14 : memref<!tpu.dma_semaphore, #tpu.memory_space<semaphore_mem>>)
    %mul3A_394 = arith.muli %gather3A_374, %convert_element_type3A_6 : vector<16xi32>
    %reduce_sum3A_395 = arith.constant true
    %reduce_sum3A_396 = vector.broadcast %reduce_sum3A_395 : i1 to vector<16xi1>
    %reduce_sum3A_397 = tpu.scan <sum>, %mul3A_394 masked %reduce_sum3A_396 : vector<16xi32>, vector<16xi1> -> vector<16xi32>
    %reduce_sum3A_398 = vector.extract %reduce_sum3A_397[15] : i32 from vector<16xi32>
    %dma_start3A_399 = arith.constant 1 : i32
    %dma_start3A_400 = arith.constant 0 : i32
    %dma_start3A_401 = arith.constant 0 : i32
    %dma_start3A_402 = tpu.memref_slice %arg9[%dma_start3A_399, %dma_start3A_400, %dma_start3A_401] : memref<16x8x64xf32, #tpu.memory_space<vmem>> -> memref<1x8x64xf32, #tpu.memory_space<vmem>>
    %dma_start3A_403 = arith.constant 0 : i32
    %dma_start3A_404 = arith.constant 0 : i32
    %dma_start3A_405 = tpu.memref_slice %arg4[%reduce_sum3A_398, %dma_start3A_403, %dma_start3A_404] : memref<125000x8x64xf32, #tpu.memory_space<hbm>> -> memref<1x8x64xf32, #tpu.memory_space<hbm>>
    %dma_start3A_406 = arith.constant 1 : i32
    %dma_start3A_407 = arith.constant 0 : i32
    %dma_start3A_408 = arith.constant 0 : i32
    %dma_start3A_409 = tpu.memref_slice %arg9[%dma_start3A_406, %dma_start3A_407, %dma_start3A_408] : memref<16x8x64xf32, #tpu.memory_space<vmem>> -> memref<1x8x64xf32, #tpu.memory_space<vmem>>
    %dma_start3A_410 = arith.constant 0 : i32
    %dma_start3A_411 = arith.constant 0 : i32
    %dma_start3A_412 = tpu.memref_slice %arg4[%reduce_sum3A_398, %dma_start3A_410, %dma_start3A_411] : memref<125000x8x64xf32, #tpu.memory_space<hbm>> -> memref<1x8x64xf32, #tpu.memory_space<hbm>>
    tpu.enqueue_dma source(%dma_start3A_412 : memref<1x8x64xf32, #tpu.memory_space<hbm>>) target(%dma_start3A_409 : memref<1x8x64xf32, #tpu.memory_space<vmem>>) target_semaphore(%arg14 : memref<!tpu.dma_semaphore, #tpu.memory_space<semaphore_mem>>)
    %mul3A_413 = arith.muli %gather3A_374, %convert_element_type3A_10 : vector<16xi32>
    %reduce_sum3A_414 = arith.constant true
    %reduce_sum3A_415 = vector.broadcast %reduce_sum3A_414 : i1 to vector<16xi1>
    %reduce_sum3A_416 = tpu.scan <sum>, %mul3A_413 masked %reduce_sum3A_415 : vector<16xi32>, vector<16xi1> -> vector<16xi32>
    %reduce_sum3A_417 = vector.extract %reduce_sum3A_416[15] : i32 from vector<16xi32>
    %dma_start3A_418 = arith.constant 2 : i32
    %dma_start3A_419 = arith.constant 0 : i32
    %dma_start3A_420 = arith.constant 0 : i32
    %dma_start3A_421 = tpu.memref_slice %arg9[%dma_start3A_418, %dma_start3A_419, %dma_start3A_420] : memref<16x8x64xf32, #tpu.memory_space<vmem>> -> memref<1x8x64xf32, #tpu.memory_space<vmem>>
    %dma_start3A_422 = arith.constant 0 : i32
    %dma_start3A_423 = arith.constant 0 : i32
    %dma_start3A_424 = tpu.memref_slice %arg4[%reduce_sum3A_417, %dma_start3A_422, %dma_start3A_423] : memref<125000x8x64xf32, #tpu.memory_space<hbm>> -> memref<1x8x64xf32, #tpu.memory_space<hbm>>
    %dma_start3A_425 = arith.constant 2 : i32
    %dma_start3A_426 = arith.constant 0 : i32
    %dma_start3A_427 = arith.constant 0 : i32
    %dma_start3A_428 = tpu.memref_slice %arg9[%dma_start3A_425, %dma_start3A_426, %dma_start3A_427] : memref<16x8x64xf32, #tpu.memory_space<vmem>> -> memref<1x8x64xf32, #tpu.memory_space<vmem>>
    %dma_start3A_429 = arith.constant 0 : i32
    %dma_start3A_430 = arith.constant 0 : i32
    %dma_start3A_431 = tpu.memref_slice %arg4[%reduce_sum3A_417, %dma_start3A_429, %dma_start3A_430] : memref<125000x8x64xf32, #tpu.memory_space<hbm>> -> memref<1x8x64xf32, #tpu.memory_space<hbm>>
    tpu.enqueue_dma source(%dma_start3A_431 : memref<1x8x64xf32, #tpu.memory_space<hbm>>) target(%dma_start3A_428 : memref<1x8x64xf32, #tpu.memory_space<vmem>>) target_semaphore(%arg14 : memref<!tpu.dma_semaphore, #tpu.memory_space<semaphore_mem>>)
    %mul3A_432 = arith.muli %gather3A_374, %convert_element_type3A_14 : vector<16xi32>
    %reduce_sum3A_433 = arith.constant true
    %reduce_sum3A_434 = vector.broadcast %reduce_sum3A_433 : i1 to vector<16xi1>
    %reduce_sum3A_435 = tpu.scan <sum>, %mul3A_432 masked %reduce_sum3A_434 : vector<16xi32>, vector<16xi1> -> vector<16xi32>
    %reduce_sum3A_436 = vector.extract %reduce_sum3A_435[15] : i32 from vector<16xi32>
    %dma_start3A_437 = arith.constant 3 : i32
    %dma_start3A_438 = arith.constant 0 : i32
    %dma_start3A_439 = arith.constant 0 : i32
    %dma_start3A_440 = tpu.memref_slice %arg9[%dma_start3A_437, %dma_start3A_438, %dma_start3A_439] : memref<16x8x64xf32, #tpu.memory_space<vmem>> -> memref<1x8x64xf32, #tpu.memory_space<vmem>>
    %dma_start3A_441 = arith.constant 0 : i32
    %dma_start3A_442 = arith.constant 0 : i32
    %dma_start3A_443 = tpu.memref_slice %arg4[%reduce_sum3A_436, %dma_start3A_441, %dma_start3A_442] : memref<125000x8x64xf32, #tpu.memory_space<hbm>> -> memref<1x8x64xf32, #tpu.memory_space<hbm>>
    %dma_start3A_444 = arith.constant 3 : i32
    %dma_start3A_445 = arith.constant 0 : i32
    %dma_start3A_446 = arith.constant 0 : i32
    %dma_start3A_447 = tpu.memref_slice %arg9[%dma_start3A_444, %dma_start3A_445, %dma_start3A_446] : memref<16x8x64xf32, #tpu.memory_space<vmem>> -> memref<1x8x64xf32, #tpu.memory_space<vmem>>
    %dma_start3A_448 = arith.constant 0 : i32
    %dma_start3A_449 = arith.constant 0 : i32
    %dma_start3A_450 = tpu.memref_slice %arg4[%reduce_sum3A_436, %dma_start3A_448, %dma_start3A_449] : memref<125000x8x64xf32, #tpu.memory_space<hbm>> -> memref<1x8x64xf32, #tpu.memory_space<hbm>>
    tpu.enqueue_dma source(%dma_start3A_450 : memref<1x8x64xf32, #tpu.memory_space<hbm>>) target(%dma_start3A_447 : memref<1x8x64xf32, #tpu.memory_space<vmem>>) target_semaphore(%arg14 : memref<!tpu.dma_semaphore, #tpu.memory_space<semaphore_mem>>)
    %mul3A_451 = arith.muli %gather3A_374, %convert_element_type3A_18 : vector<16xi32>
    %reduce_sum3A_452 = arith.constant true
    %reduce_sum3A_453 = vector.broadcast %reduce_sum3A_452 : i1 to vector<16xi1>
    %reduce_sum3A_454 = tpu.scan <sum>, %mul3A_451 masked %reduce_sum3A_453 : vector<16xi32>, vector<16xi1> -> vector<16xi32>
    %reduce_sum3A_455 = vector.extract %reduce_sum3A_454[15] : i32 from vector<16xi32>
    %dma_start3A_456 = arith.constant 4 : i32
    %dma_start3A_457 = arith.constant 0 : i32
    %dma_start3A_458 = arith.constant 0 : i32
    %dma_start3A_459 = tpu.memref_slice %arg9[%dma_start3A_456, %dma_start3A_457, %dma_start3A_458] : memref<16x8x64xf32, #tpu.memory_space<vmem>> -> memref<1x8x64xf32, #tpu.memory_space<vmem>>
    %dma_start3A_460 = arith.constant 0 : i32
    %dma_start3A_461 = arith.constant 0 : i32
    %dma_start3A_462 = tpu.memref_slice %arg4[%reduce_sum3A_455, %dma_start3A_460, %dma_start3A_461] : memref<125000x8x64xf32, #tpu.memory_space<hbm>> -> memref<1x8x64xf32, #tpu.memory_space<hbm>>
    %dma_start3A_463 = arith.constant 4 : i32
    %dma_start3A_464 = arith.constant 0 : i32
    %dma_start3A_465 = arith.constant 0 : i32
    %dma_start3A_466 = tpu.memref_slice %arg9[%dma_start3A_463, %dma_start3A_464, %dma_start3A_465] : memref<16x8x64xf32, #tpu.memory_space<vmem>> -> memref<1x8x64xf32, #tpu.memory_space<vmem>>
    %dma_start3A_467 = arith.constant 0 : i32
    %dma_start3A_468 = arith.constant 0 : i32
    %dma_start3A_469 = tpu.memref_slice %arg4[%reduce_sum3A_455, %dma_start3A_467, %dma_start3A_468] : memref<125000x8x64xf32, #tpu.memory_space<hbm>> -> memref<1x8x64xf32, #tpu.memory_space<hbm>>
    tpu.enqueue_dma source(%dma_start3A_469 : memref<1x8x64xf32, #tpu.memory_space<hbm>>) target(%dma_start3A_466 : memref<1x8x64xf32, #tpu.memory_space<vmem>>) target_semaphore(%arg14 : memref<!tpu.dma_semaphore, #tpu.memory_space<semaphore_mem>>)
    %mul3A_470 = arith.muli %gather3A_374, %convert_element_type3A_22 : vector<16xi32>
    %reduce_sum3A_471 = arith.constant true
    %reduce_sum3A_472 = vector.broadcast %reduce_sum3A_471 : i1 to vector<16xi1>
    %reduce_sum3A_473 = tpu.scan <sum>, %mul3A_470 masked %reduce_sum3A_472 : vector<16xi32>, vector<16xi1> -> vector<16xi32>
    %reduce_sum3A_474 = vector.extract %reduce_sum3A_473[15] : i32 from vector<16xi32>
    %dma_start3A_475 = arith.constant 5 : i32
    %dma_start3A_476 = arith.constant 0 : i32
    %dma_start3A_477 = arith.constant 0 : i32
    %dma_start3A_478 = tpu.memref_slice %arg9[%dma_start3A_475, %dma_start3A_476, %dma_start3A_477] : memref<16x8x64xf32, #tpu.memory_space<vmem>> -> memref<1x8x64xf32, #tpu.memory_space<vmem>>
    %dma_start3A_479 = arith.constant 0 : i32
    %dma_start3A_480 = arith.constant 0 : i32
    %dma_start3A_481 = tpu.memref_slice %arg4[%reduce_sum3A_474, %dma_start3A_479, %dma_start3A_480] : memref<125000x8x64xf32, #tpu.memory_space<hbm>> -> memref<1x8x64xf32, #tpu.memory_space<hbm>>
    %dma_start3A_482 = arith.constant 5 : i32
    %dma_start3A_483 = arith.constant 0 : i32
    %dma_start3A_484 = arith.constant 0 : i32
    %dma_start3A_485 = tpu.memref_slice %arg9[%dma_start3A_482, %dma_start3A_483, %dma_start3A_484] : memref<16x8x64xf32, #tpu.memory_space<vmem>> -> memref<1x8x64xf32, #tpu.memory_space<vmem>>
    %dma_start3A_486 = arith.constant 0 : i32
    %dma_start3A_487 = arith.constant 0 : i32
    %dma_start3A_488 = tpu.memref_slice %arg4[%reduce_sum3A_474, %dma_start3A_486, %dma_start3A_487] : memref<125000x8x64xf32, #tpu.memory_space<hbm>> -> memref<1x8x64xf32, #tpu.memory_space<hbm>>
    tpu.enqueue_dma source(%dma_start3A_488 : memref<1x8x64xf32, #tpu.memory_space<hbm>>) target(%dma_start3A_485 : memref<1x8x64xf32, #tpu.memory_space<vmem>>) target_semaphore(%arg14 : memref<!tpu.dma_semaphore, #tpu.memory_space<semaphore_mem>>)
    %mul3A_489 = arith.muli %gather3A_374, %convert_element_type3A_26 : vector<16xi32>
    %reduce_sum3A_490 = arith.constant true
    %reduce_sum3A_491 = vector.broadcast %reduce_sum3A_490 : i1 to vector<16xi1>
    %reduce_sum3A_492 = tpu.scan <sum>, %mul3A_489 masked %reduce_sum3A_491 : vector<16xi32>, vector<16xi1> -> vector<16xi32>
    %reduce_sum3A_493 = vector.extract %reduce_sum3A_492[15] : i32 from vector<16xi32>
    %dma_start3A_494 = arith.constant 6 : i32
    %dma_start3A_495 = arith.constant 0 : i32
    %dma_start3A_496 = arith.constant 0 : i32
    %dma_start3A_497 = tpu.memref_slice %arg9[%dma_start3A_494, %dma_start3A_495, %dma_start3A_496] : memref<16x8x64xf32, #tpu.memory_space<vmem>> -> memref<1x8x64xf32, #tpu.memory_space<vmem>>
    %dma_start3A_498 = arith.constant 0 : i32
    %dma_start3A_499 = arith.constant 0 : i32
    %dma_start3A_500 = tpu.memref_slice %arg4[%reduce_sum3A_493, %dma_start3A_498, %dma_start3A_499] : memref<125000x8x64xf32, #tpu.memory_space<hbm>> -> memref<1x8x64xf32, #tpu.memory_space<hbm>>
    %dma_start3A_501 = arith.constant 6 : i32
    %dma_start3A_502 = arith.constant 0 : i32
    %dma_start3A_503 = arith.constant 0 : i32
    %dma_start3A_504 = tpu.memref_slice %arg9[%dma_start3A_501, %dma_start3A_502, %dma_start3A_503] : memref<16x8x64xf32, #tpu.memory_space<vmem>> -> memref<1x8x64xf32, #tpu.memory_space<vmem>>
    %dma_start3A_505 = arith.constant 0 : i32
    %dma_start3A_506 = arith.constant 0 : i32
    %dma_start3A_507 = tpu.memref_slice %arg4[%reduce_sum3A_493, %dma_start3A_505, %dma_start3A_506] : memref<125000x8x64xf32, #tpu.memory_space<hbm>> -> memref<1x8x64xf32, #tpu.memory_space<hbm>>
    tpu.enqueue_dma source(%dma_start3A_507 : memref<1x8x64xf32, #tpu.memory_space<hbm>>) target(%dma_start3A_504 : memref<1x8x64xf32, #tpu.memory_space<vmem>>) target_semaphore(%arg14 : memref<!tpu.dma_semaphore, #tpu.memory_space<semaphore_mem>>)
    %mul3A_508 = arith.muli %gather3A_374, %convert_element_type3A_30 : vector<16xi32>
    %reduce_sum3A_509 = arith.constant true
    %reduce_sum3A_510 = vector.broadcast %reduce_sum3A_509 : i1 to vector<16xi1>
    %reduce_sum3A_511 = tpu.scan <sum>, %mul3A_508 masked %reduce_sum3A_510 : vector<16xi32>, vector<16xi1> -> vector<16xi32>
    %reduce_sum3A_512 = vector.extract %reduce_sum3A_511[15] : i32 from vector<16xi32>
    %dma_start3A_513 = arith.constant 7 : i32
    %dma_start3A_514 = arith.constant 0 : i32
    %dma_start3A_515 = arith.constant 0 : i32
    %dma_start3A_516 = tpu.memref_slice %arg9[%dma_start3A_513, %dma_start3A_514, %dma_start3A_515] : memref<16x8x64xf32, #tpu.memory_space<vmem>> -> memref<1x8x64xf32, #tpu.memory_space<vmem>>
    %dma_start3A_517 = arith.constant 0 : i32
    %dma_start3A_518 = arith.constant 0 : i32
    %dma_start3A_519 = tpu.memref_slice %arg4[%reduce_sum3A_512, %dma_start3A_517, %dma_start3A_518] : memref<125000x8x64xf32, #tpu.memory_space<hbm>> -> memref<1x8x64xf32, #tpu.memory_space<hbm>>
    %dma_start3A_520 = arith.constant 7 : i32
    %dma_start3A_521 = arith.constant 0 : i32
    %dma_start3A_522 = arith.constant 0 : i32
    %dma_start3A_523 = tpu.memref_slice %arg9[%dma_start3A_520, %dma_start3A_521, %dma_start3A_522] : memref<16x8x64xf32, #tpu.memory_space<vmem>> -> memref<1x8x64xf32, #tpu.memory_space<vmem>>
    %dma_start3A_524 = arith.constant 0 : i32
    %dma_start3A_525 = arith.constant 0 : i32
    %dma_start3A_526 = tpu.memref_slice %arg4[%reduce_sum3A_512, %dma_start3A_524, %dma_start3A_525] : memref<125000x8x64xf32, #tpu.memory_space<hbm>> -> memref<1x8x64xf32, #tpu.memory_space<hbm>>
    tpu.enqueue_dma source(%dma_start3A_526 : memref<1x8x64xf32, #tpu.memory_space<hbm>>) target(%dma_start3A_523 : memref<1x8x64xf32, #tpu.memory_space<vmem>>) target_semaphore(%arg14 : memref<!tpu.dma_semaphore, #tpu.memory_space<semaphore_mem>>)
    %mul3A_527 = arith.muli %gather3A_374, %convert_element_type3A_34 : vector<16xi32>
    %reduce_sum3A_528 = arith.constant true
    %reduce_sum3A_529 = vector.broadcast %reduce_sum3A_528 : i1 to vector<16xi1>
    %reduce_sum3A_530 = tpu.scan <sum>, %mul3A_527 masked %reduce_sum3A_529 : vector<16xi32>, vector<16xi1> -> vector<16xi32>
    %reduce_sum3A_531 = vector.extract %reduce_sum3A_530[15] : i32 from vector<16xi32>
    %dma_start3A_532 = arith.constant 8 : i32
    %dma_start3A_533 = arith.constant 0 : i32
    %dma_start3A_534 = arith.constant 0 : i32
    %dma_start3A_535 = tpu.memref_slice %arg9[%dma_start3A_532, %dma_start3A_533, %dma_start3A_534] : memref<16x8x64xf32, #tpu.memory_space<vmem>> -> memref<1x8x64xf32, #tpu.memory_space<vmem>>
    %dma_start3A_536 = arith.constant 0 : i32
    %dma_start3A_537 = arith.constant 0 : i32
    %dma_start3A_538 = tpu.memref_slice %arg4[%reduce_sum3A_531, %dma_start3A_536, %dma_start3A_537] : memref<125000x8x64xf32, #tpu.memory_space<hbm>> -> memref<1x8x64xf32, #tpu.memory_space<hbm>>
    %dma_start3A_539 = arith.constant 8 : i32
    %dma_start3A_540 = arith.constant 0 : i32
    %dma_start3A_541 = arith.constant 0 : i32
    %dma_start3A_542 = tpu.memref_slice %arg9[%dma_start3A_539, %dma_start3A_540, %dma_start3A_541] : memref<16x8x64xf32, #tpu.memory_space<vmem>> -> memref<1x8x64xf32, #tpu.memory_space<vmem>>
    %dma_start3A_543 = arith.constant 0 : i32
    %dma_start3A_544 = arith.constant 0 : i32
    %dma_start3A_545 = tpu.memref_slice %arg4[%reduce_sum3A_531, %dma_start3A_543, %dma_start3A_544] : memref<125000x8x64xf32, #tpu.memory_space<hbm>> -> memref<1x8x64xf32, #tpu.memory_space<hbm>>
    tpu.enqueue_dma source(%dma_start3A_545 : memref<1x8x64xf32, #tpu.memory_space<hbm>>) target(%dma_start3A_542 : memref<1x8x64xf32, #tpu.memory_space<vmem>>) target_semaphore(%arg14 : memref<!tpu.dma_semaphore, #tpu.memory_space<semaphore_mem>>)
    %mul3A_546 = arith.muli %gather3A_374, %convert_element_type3A_38 : vector<16xi32>
    %reduce_sum3A_547 = arith.constant true
    %reduce_sum3A_548 = vector.broadcast %reduce_sum3A_547 : i1 to vector<16xi1>
    %reduce_sum3A_549 = tpu.scan <sum>, %mul3A_546 masked %reduce_sum3A_548 : vector<16xi32>, vector<16xi1> -> vector<16xi32>
    %reduce_sum3A_550 = vector.extract %reduce_sum3A_549[15] : i32 from vector<16xi32>
    %dma_start3A_551 = arith.constant 9 : i32
    %dma_start3A_552 = arith.constant 0 : i32
    %dma_start3A_553 = arith.constant 0 : i32
    %dma_start3A_554 = tpu.memref_slice %arg9[%dma_start3A_551, %dma_start3A_552, %dma_start3A_553] : memref<16x8x64xf32, #tpu.memory_space<vmem>> -> memref<1x8x64xf32, #tpu.memory_space<vmem>>
    %dma_start3A_555 = arith.constant 0 : i32
    %dma_start3A_556 = arith.constant 0 : i32
    %dma_start3A_557 = tpu.memref_slice %arg4[%reduce_sum3A_550, %dma_start3A_555, %dma_start3A_556] : memref<125000x8x64xf32, #tpu.memory_space<hbm>> -> memref<1x8x64xf32, #tpu.memory_space<hbm>>
    %dma_start3A_558 = arith.constant 9 : i32
    %dma_start3A_559 = arith.constant 0 : i32
    %dma_start3A_560 = arith.constant 0 : i32
    %dma_start3A_561 = tpu.memref_slice %arg9[%dma_start3A_558, %dma_start3A_559, %dma_start3A_560] : memref<16x8x64xf32, #tpu.memory_space<vmem>> -> memref<1x8x64xf32, #tpu.memory_space<vmem>>
    %dma_start3A_562 = arith.constant 0 : i32
    %dma_start3A_563 = arith.constant 0 : i32
    %dma_start3A_564 = tpu.memref_slice %arg4[%reduce_sum3A_550, %dma_start3A_562, %dma_start3A_563] : memref<125000x8x64xf32, #tpu.memory_space<hbm>> -> memref<1x8x64xf32, #tpu.memory_space<hbm>>
    tpu.enqueue_dma source(%dma_start3A_564 : memref<1x8x64xf32, #tpu.memory_space<hbm>>) target(%dma_start3A_561 : memref<1x8x64xf32, #tpu.memory_space<vmem>>) target_semaphore(%arg14 : memref<!tpu.dma_semaphore, #tpu.memory_space<semaphore_mem>>)
    %mul3A_565 = arith.muli %gather3A_374, %convert_element_type3A_42 : vector<16xi32>
    %reduce_sum3A_566 = arith.constant true
    %reduce_sum3A_567 = vector.broadcast %reduce_sum3A_566 : i1 to vector<16xi1>
    %reduce_sum3A_568 = tpu.scan <sum>, %mul3A_565 masked %reduce_sum3A_567 : vector<16xi32>, vector<16xi1> -> vector<16xi32>
    %reduce_sum3A_569 = vector.extract %reduce_sum3A_568[15] : i32 from vector<16xi32>
    %dma_start3A_570 = arith.constant 10 : i32
    %dma_start3A_571 = arith.constant 0 : i32
    %dma_start3A_572 = arith.constant 0 : i32
    %dma_start3A_573 = tpu.memref_slice %arg9[%dma_start3A_570, %dma_start3A_571, %dma_start3A_572] : memref<16x8x64xf32, #tpu.memory_space<vmem>> -> memref<1x8x64xf32, #tpu.memory_space<vmem>>
    %dma_start3A_574 = arith.constant 0 : i32
    %dma_start3A_575 = arith.constant 0 : i32
    %dma_start3A_576 = tpu.memref_slice %arg4[%reduce_sum3A_569, %dma_start3A_574, %dma_start3A_575] : memref<125000x8x64xf32, #tpu.memory_space<hbm>> -> memref<1x8x64xf32, #tpu.memory_space<hbm>>
    %dma_start3A_577 = arith.constant 10 : i32
    %dma_start3A_578 = arith.constant 0 : i32
    %dma_start3A_579 = arith.constant 0 : i32
    %dma_start3A_580 = tpu.memref_slice %arg9[%dma_start3A_577, %dma_start3A_578, %dma_start3A_579] : memref<16x8x64xf32, #tpu.memory_space<vmem>> -> memref<1x8x64xf32, #tpu.memory_space<vmem>>
    %dma_start3A_581 = arith.constant 0 : i32
    %dma_start3A_582 = arith.constant 0 : i32
    %dma_start3A_583 = tpu.memref_slice %arg4[%reduce_sum3A_569, %dma_start3A_581, %dma_start3A_582] : memref<125000x8x64xf32, #tpu.memory_space<hbm>> -> memref<1x8x64xf32, #tpu.memory_space<hbm>>
    tpu.enqueue_dma source(%dma_start3A_583 : memref<1x8x64xf32, #tpu.memory_space<hbm>>) target(%dma_start3A_580 : memref<1x8x64xf32, #tpu.memory_space<vmem>>) target_semaphore(%arg14 : memref<!tpu.dma_semaphore, #tpu.memory_space<semaphore_mem>>)
    %mul3A_584 = arith.muli %gather3A_374, %convert_element_type3A_46 : vector<16xi32>
    %reduce_sum3A_585 = arith.constant true
    %reduce_sum3A_586 = vector.broadcast %reduce_sum3A_585 : i1 to vector<16xi1>
    %reduce_sum3A_587 = tpu.scan <sum>, %mul3A_584 masked %reduce_sum3A_586 : vector<16xi32>, vector<16xi1> -> vector<16xi32>
    %reduce_sum3A_588 = vector.extract %reduce_sum3A_587[15] : i32 from vector<16xi32>
    %dma_start3A_589 = arith.constant 11 : i32
    %dma_start3A_590 = arith.constant 0 : i32
    %dma_start3A_591 = arith.constant 0 : i32
    %dma_start3A_592 = tpu.memref_slice %arg9[%dma_start3A_589, %dma_start3A_590, %dma_start3A_591] : memref<16x8x64xf32, #tpu.memory_space<vmem>> -> memref<1x8x64xf32, #tpu.memory_space<vmem>>
    %dma_start3A_593 = arith.constant 0 : i32
    %dma_start3A_594 = arith.constant 0 : i32
    %dma_start3A_595 = tpu.memref_slice %arg4[%reduce_sum3A_588, %dma_start3A_593, %dma_start3A_594] : memref<125000x8x64xf32, #tpu.memory_space<hbm>> -> memref<1x8x64xf32, #tpu.memory_space<hbm>>
    %dma_start3A_596 = arith.constant 11 : i32
    %dma_start3A_597 = arith.constant 0 : i32
    %dma_start3A_598 = arith.constant 0 : i32
    %dma_start3A_599 = tpu.memref_slice %arg9[%dma_start3A_596, %dma_start3A_597, %dma_start3A_598] : memref<16x8x64xf32, #tpu.memory_space<vmem>> -> memref<1x8x64xf32, #tpu.memory_space<vmem>>
    %dma_start3A_600 = arith.constant 0 : i32
    %dma_start3A_601 = arith.constant 0 : i32
    %dma_start3A_602 = tpu.memref_slice %arg4[%reduce_sum3A_588, %dma_start3A_600, %dma_start3A_601] : memref<125000x8x64xf32, #tpu.memory_space<hbm>> -> memref<1x8x64xf32, #tpu.memory_space<hbm>>
    tpu.enqueue_dma source(%dma_start3A_602 : memref<1x8x64xf32, #tpu.memory_space<hbm>>) target(%dma_start3A_599 : memref<1x8x64xf32, #tpu.memory_space<vmem>>) target_semaphore(%arg14 : memref<!tpu.dma_semaphore, #tpu.memory_space<semaphore_mem>>)
    %mul3A_603 = arith.muli %gather3A_374, %convert_element_type3A_50 : vector<16xi32>
    %reduce_sum3A_604 = arith.constant true
    %reduce_sum3A_605 = vector.broadcast %reduce_sum3A_604 : i1 to vector<16xi1>
    %reduce_sum3A_606 = tpu.scan <sum>, %mul3A_603 masked %reduce_sum3A_605 : vector<16xi32>, vector<16xi1> -> vector<16xi32>
    %reduce_sum3A_607 = vector.extract %reduce_sum3A_606[15] : i32 from vector<16xi32>
    %dma_start3A_608 = arith.constant 12 : i32
    %dma_start3A_609 = arith.constant 0 : i32
    %dma_start3A_610 = arith.constant 0 : i32
    %dma_start3A_611 = tpu.memref_slice %arg9[%dma_start3A_608, %dma_start3A_609, %dma_start3A_610] : memref<16x8x64xf32, #tpu.memory_space<vmem>> -> memref<1x8x64xf32, #tpu.memory_space<vmem>>
    %dma_start3A_612 = arith.constant 0 : i32
    %dma_start3A_613 = arith.constant 0 : i32
    %dma_start3A_614 = tpu.memref_slice %arg4[%reduce_sum3A_607, %dma_start3A_612, %dma_start3A_613] : memref<125000x8x64xf32, #tpu.memory_space<hbm>> -> memref<1x8x64xf32, #tpu.memory_space<hbm>>
    %dma_start3A_615 = arith.constant 12 : i32
    %dma_start3A_616 = arith.constant 0 : i32
    %dma_start3A_617 = arith.constant 0 : i32
    %dma_start3A_618 = tpu.memref_slice %arg9[%dma_start3A_615, %dma_start3A_616, %dma_start3A_617] : memref<16x8x64xf32, #tpu.memory_space<vmem>> -> memref<1x8x64xf32, #tpu.memory_space<vmem>>
    %dma_start3A_619 = arith.constant 0 : i32
    %dma_start3A_620 = arith.constant 0 : i32
    %dma_start3A_621 = tpu.memref_slice %arg4[%reduce_sum3A_607, %dma_start3A_619, %dma_start3A_620] : memref<125000x8x64xf32, #tpu.memory_space<hbm>> -> memref<1x8x64xf32, #tpu.memory_space<hbm>>
    tpu.enqueue_dma source(%dma_start3A_621 : memref<1x8x64xf32, #tpu.memory_space<hbm>>) target(%dma_start3A_618 : memref<1x8x64xf32, #tpu.memory_space<vmem>>) target_semaphore(%arg14 : memref<!tpu.dma_semaphore, #tpu.memory_space<semaphore_mem>>)
    %mul3A_622 = arith.muli %gather3A_374, %convert_element_type3A_54 : vector<16xi32>
    %reduce_sum3A_623 = arith.constant true
    %reduce_sum3A_624 = vector.broadcast %reduce_sum3A_623 : i1 to vector<16xi1>
    %reduce_sum3A_625 = tpu.scan <sum>, %mul3A_622 masked %reduce_sum3A_624 : vector<16xi32>, vector<16xi1> -> vector<16xi32>
    %reduce_sum3A_626 = vector.extract %reduce_sum3A_625[15] : i32 from vector<16xi32>
    %dma_start3A_627 = arith.constant 13 : i32
    %dma_start3A_628 = arith.constant 0 : i32
    %dma_start3A_629 = arith.constant 0 : i32
    %dma_start3A_630 = tpu.memref_slice %arg9[%dma_start3A_627, %dma_start3A_628, %dma_start3A_629] : memref<16x8x64xf32, #tpu.memory_space<vmem>> -> memref<1x8x64xf32, #tpu.memory_space<vmem>>
    %dma_start3A_631 = arith.constant 0 : i32
    %dma_start3A_632 = arith.constant 0 : i32
    %dma_start3A_633 = tpu.memref_slice %arg4[%reduce_sum3A_626, %dma_start3A_631, %dma_start3A_632] : memref<125000x8x64xf32, #tpu.memory_space<hbm>> -> memref<1x8x64xf32, #tpu.memory_space<hbm>>
    %dma_start3A_634 = arith.constant 13 : i32
    %dma_start3A_635 = arith.constant 0 : i32
    %dma_start3A_636 = arith.constant 0 : i32
    %dma_start3A_637 = tpu.memref_slice %arg9[%dma_start3A_634, %dma_start3A_635, %dma_start3A_636] : memref<16x8x64xf32, #tpu.memory_space<vmem>> -> memref<1x8x64xf32, #tpu.memory_space<vmem>>
    %dma_start3A_638 = arith.constant 0 : i32
    %dma_start3A_639 = arith.constant 0 : i32
    %dma_start3A_640 = tpu.memref_slice %arg4[%reduce_sum3A_626, %dma_start3A_638, %dma_start3A_639] : memref<125000x8x64xf32, #tpu.memory_space<hbm>> -> memref<1x8x64xf32, #tpu.memory_space<hbm>>
    tpu.enqueue_dma source(%dma_start3A_640 : memref<1x8x64xf32, #tpu.memory_space<hbm>>) target(%dma_start3A_637 : memref<1x8x64xf32, #tpu.memory_space<vmem>>) target_semaphore(%arg14 : memref<!tpu.dma_semaphore, #tpu.memory_space<semaphore_mem>>)
    %mul3A_641 = arith.muli %gather3A_374, %convert_element_type3A_58 : vector<16xi32>
    %reduce_sum3A_642 = arith.constant true
    %reduce_sum3A_643 = vector.broadcast %reduce_sum3A_642 : i1 to vector<16xi1>
    %reduce_sum3A_644 = tpu.scan <sum>, %mul3A_641 masked %reduce_sum3A_643 : vector<16xi32>, vector<16xi1> -> vector<16xi32>
    %reduce_sum3A_645 = vector.extract %reduce_sum3A_644[15] : i32 from vector<16xi32>
    %dma_start3A_646 = arith.constant 14 : i32
    %dma_start3A_647 = arith.constant 0 : i32
    %dma_start3A_648 = arith.constant 0 : i32
    %dma_start3A_649 = tpu.memref_slice %arg9[%dma_start3A_646, %dma_start3A_647, %dma_start3A_648] : memref<16x8x64xf32, #tpu.memory_space<vmem>> -> memref<1x8x64xf32, #tpu.memory_space<vmem>>
    %dma_start3A_650 = arith.constant 0 : i32
    %dma_start3A_651 = arith.constant 0 : i32
    %dma_start3A_652 = tpu.memref_slice %arg4[%reduce_sum3A_645, %dma_start3A_650, %dma_start3A_651] : memref<125000x8x64xf32, #tpu.memory_space<hbm>> -> memref<1x8x64xf32, #tpu.memory_space<hbm>>
    %dma_start3A_653 = arith.constant 14 : i32
    %dma_start3A_654 = arith.constant 0 : i32
    %dma_start3A_655 = arith.constant 0 : i32
    %dma_start3A_656 = tpu.memref_slice %arg9[%dma_start3A_653, %dma_start3A_654, %dma_start3A_655] : memref<16x8x64xf32, #tpu.memory_space<vmem>> -> memref<1x8x64xf32, #tpu.memory_space<vmem>>
    %dma_start3A_657 = arith.constant 0 : i32
    %dma_start3A_658 = arith.constant 0 : i32
    %dma_start3A_659 = tpu.memref_slice %arg4[%reduce_sum3A_645, %dma_start3A_657, %dma_start3A_658] : memref<125000x8x64xf32, #tpu.memory_space<hbm>> -> memref<1x8x64xf32, #tpu.memory_space<hbm>>
    tpu.enqueue_dma source(%dma_start3A_659 : memref<1x8x64xf32, #tpu.memory_space<hbm>>) target(%dma_start3A_656 : memref<1x8x64xf32, #tpu.memory_space<vmem>>) target_semaphore(%arg14 : memref<!tpu.dma_semaphore, #tpu.memory_space<semaphore_mem>>)
    %mul3A_660 = arith.muli %gather3A_374, %convert_element_type3A_62 : vector<16xi32>
    %reduce_sum3A_661 = arith.constant true
    %reduce_sum3A_662 = vector.broadcast %reduce_sum3A_661 : i1 to vector<16xi1>
    %reduce_sum3A_663 = tpu.scan <sum>, %mul3A_660 masked %reduce_sum3A_662 : vector<16xi32>, vector<16xi1> -> vector<16xi32>
    %reduce_sum3A_664 = vector.extract %reduce_sum3A_663[15] : i32 from vector<16xi32>
    %dma_start3A_665 = arith.constant 15 : i32
    %dma_start3A_666 = arith.constant 0 : i32
    %dma_start3A_667 = arith.constant 0 : i32
    %dma_start3A_668 = tpu.memref_slice %arg9[%dma_start3A_665, %dma_start3A_666, %dma_start3A_667] : memref<16x8x64xf32, #tpu.memory_space<vmem>> -> memref<1x8x64xf32, #tpu.memory_space<vmem>>
    %dma_start3A_669 = arith.constant 0 : i32
    %dma_start3A_670 = arith.constant 0 : i32
    %dma_start3A_671 = tpu.memref_slice %arg4[%reduce_sum3A_664, %dma_start3A_669, %dma_start3A_670] : memref<125000x8x64xf32, #tpu.memory_space<hbm>> -> memref<1x8x64xf32, #tpu.memory_space<hbm>>
    %dma_start3A_672 = arith.constant 15 : i32
    %dma_start3A_673 = arith.constant 0 : i32
    %dma_start3A_674 = arith.constant 0 : i32
    %dma_start3A_675 = tpu.memref_slice %arg9[%dma_start3A_672, %dma_start3A_673, %dma_start3A_674] : memref<16x8x64xf32, #tpu.memory_space<vmem>> -> memref<1x8x64xf32, #tpu.memory_space<vmem>>
    %dma_start3A_676 = arith.constant 0 : i32
    %dma_start3A_677 = arith.constant 0 : i32
    %dma_start3A_678 = tpu.memref_slice %arg4[%reduce_sum3A_664, %dma_start3A_676, %dma_start3A_677] : memref<125000x8x64xf32, #tpu.memory_space<hbm>> -> memref<1x8x64xf32, #tpu.memory_space<hbm>>
    tpu.enqueue_dma source(%dma_start3A_678 : memref<1x8x64xf32, #tpu.memory_space<hbm>>) target(%dma_start3A_675 : memref<1x8x64xf32, #tpu.memory_space<vmem>>) target_semaphore(%arg14 : memref<!tpu.dma_semaphore, #tpu.memory_space<semaphore_mem>>)
    %broadcast_in_dim3A_679 = arith.constant 0 : i32
    %broadcast_in_dim3A_680 = vector.broadcast %broadcast_in_dim3A_679 : i32 to vector<16xi32>
    %add3A_681 = arith.constant 32 : i32
    %add3A_682 = vector.broadcast %add3A_681 : i32 to vector<16xi32>
    %add3A_683 = arith.addi %iota3A, %add3A_682 : vector<16xi32>
    %gather3A_684 = tpu.vector_load_idx %arg6[%broadcast_in_dim3A_680, %add3A_683] : memref<8x128xi32, #tpu.memory_space<vmem>>[vector<16xi32>, vector<16xi32>], vector<16xi32>,
    %mul3A_685 = arith.muli %gather3A_684, %convert_element_type3A : vector<16xi32>
    %reduce_sum3A_686 = arith.constant true
    %reduce_sum3A_687 = vector.broadcast %reduce_sum3A_686 : i1 to vector<16xi1>
    %reduce_sum3A_688 = tpu.scan <sum>, %mul3A_685 masked %reduce_sum3A_687 : vector<16xi32>, vector<16xi1> -> vector<16xi32>
    %reduce_sum3A_689 = vector.extract %reduce_sum3A_688[15] : i32 from vector<16xi32>
    %dma_start3A_690 = arith.constant 0 : i32
    %dma_start3A_691 = arith.constant 0 : i32
    %dma_start3A_692 = arith.constant 0 : i32
    %dma_start3A_693 = tpu.memref_slice %arg10[%dma_start3A_690, %dma_start3A_691, %dma_start3A_692] : memref<16x8x64xf32, #tpu.memory_space<vmem>> -> memref<1x8x64xf32, #tpu.memory_space<vmem>>
    %dma_start3A_694 = arith.constant 0 : i32
    %dma_start3A_695 = arith.constant 0 : i32
    %dma_start3A_696 = tpu.memref_slice %arg4[%reduce_sum3A_689, %dma_start3A_694, %dma_start3A_695] : memref<125000x8x64xf32, #tpu.memory_space<hbm>> -> memref<1x8x64xf32, #tpu.memory_space<hbm>>
    %dma_start3A_697 = arith.constant 0 : i32
    %dma_start3A_698 = arith.constant 0 : i32
    %dma_start3A_699 = arith.constant 0 : i32
    %dma_start3A_700 = tpu.memref_slice %arg10[%dma_start3A_697, %dma_start3A_698, %dma_start3A_699] : memref<16x8x64xf32, #tpu.memory_space<vmem>> -> memref<1x8x64xf32, #tpu.memory_space<vmem>>
    %dma_start3A_701 = arith.constant 0 : i32
    %dma_start3A_702 = arith.constant 0 : i32
    %dma_start3A_703 = tpu.memref_slice %arg4[%reduce_sum3A_689, %dma_start3A_701, %dma_start3A_702] : memref<125000x8x64xf32, #tpu.memory_space<hbm>> -> memref<1x8x64xf32, #tpu.memory_space<hbm>>
    tpu.enqueue_dma source(%dma_start3A_703 : memref<1x8x64xf32, #tpu.memory_space<hbm>>) target(%dma_start3A_700 : memref<1x8x64xf32, #tpu.memory_space<vmem>>) target_semaphore(%arg15 : memref<!tpu.dma_semaphore, #tpu.memory_space<semaphore_mem>>)
    %mul3A_704 = arith.muli %gather3A_684, %convert_element_type3A_6 : vector<16xi32>
    %reduce_sum3A_705 = arith.constant true
    %reduce_sum3A_706 = vector.broadcast %reduce_sum3A_705 : i1 to vector<16xi1>
    %reduce_sum3A_707 = tpu.scan <sum>, %mul3A_704 masked %reduce_sum3A_706 : vector<16xi32>, vector<16xi1> -> vector<16xi32>
    %reduce_sum3A_708 = vector.extract %reduce_sum3A_707[15] : i32 from vector<16xi32>
    %dma_start3A_709 = arith.constant 1 : i32
    %dma_start3A_710 = arith.constant 0 : i32
    %dma_start3A_711 = arith.constant 0 : i32
    %dma_start3A_712 = tpu.memref_slice %arg10[%dma_start3A_709, %dma_start3A_710, %dma_start3A_711] : memref<16x8x64xf32, #tpu.memory_space<vmem>> -> memref<1x8x64xf32, #tpu.memory_space<vmem>>
    %dma_start3A_713 = arith.constant 0 : i32
    %dma_start3A_714 = arith.constant 0 : i32
    %dma_start3A_715 = tpu.memref_slice %arg4[%reduce_sum3A_708, %dma_start3A_713, %dma_start3A_714] : memref<125000x8x64xf32, #tpu.memory_space<hbm>> -> memref<1x8x64xf32, #tpu.memory_space<hbm>>
    %dma_start3A_716 = arith.constant 1 : i32
    %dma_start3A_717 = arith.constant 0 : i32
    %dma_start3A_718 = arith.constant 0 : i32
    %dma_start3A_719 = tpu.memref_slice %arg10[%dma_start3A_716, %dma_start3A_717, %dma_start3A_718] : memref<16x8x64xf32, #tpu.memory_space<vmem>> -> memref<1x8x64xf32, #tpu.memory_space<vmem>>
    %dma_start3A_720 = arith.constant 0 : i32
    %dma_start3A_721 = arith.constant 0 : i32
    %dma_start3A_722 = tpu.memref_slice %arg4[%reduce_sum3A_708, %dma_start3A_720, %dma_start3A_721] : memref<125000x8x64xf32, #tpu.memory_space<hbm>> -> memref<1x8x64xf32, #tpu.memory_space<hbm>>
    tpu.enqueue_dma source(%dma_start3A_722 : memref<1x8x64xf32, #tpu.memory_space<hbm>>) target(%dma_start3A_719 : memref<1x8x64xf32, #tpu.memory_space<vmem>>) target_semaphore(%arg15 : memref<!tpu.dma_semaphore, #tpu.memory_space<semaphore_mem>>)
    %mul3A_723 = arith.muli %gather3A_684, %convert_element_type3A_10 : vector<16xi32>
    %reduce_sum3A_724 = arith.constant true
    %reduce_sum3A_725 = vector.broadcast %reduce_sum3A_724 : i1 to vector<16xi1>
    %reduce_sum3A_726 = tpu.scan <sum>, %mul3A_723 masked %reduce_sum3A_725 : vector<16xi32>, vector<16xi1> -> vector<16xi32>
    %reduce_sum3A_727 = vector.extract %reduce_sum3A_726[15] : i32 from vector<16xi32>
    %dma_start3A_728 = arith.constant 2 : i32
    %dma_start3A_729 = arith.constant 0 : i32
    %dma_start3A_730 = arith.constant 0 : i32
    %dma_start3A_731 = tpu.memref_slice %arg10[%dma_start3A_728, %dma_start3A_729, %dma_start3A_730] : memref<16x8x64xf32, #tpu.memory_space<vmem>> -> memref<1x8x64xf32, #tpu.memory_space<vmem>>
    %dma_start3A_732 = arith.constant 0 : i32
    %dma_start3A_733 = arith.constant 0 : i32
    %dma_start3A_734 = tpu.memref_slice %arg4[%reduce_sum3A_727, %dma_start3A_732, %dma_start3A_733] : memref<125000x8x64xf32, #tpu.memory_space<hbm>> -> memref<1x8x64xf32, #tpu.memory_space<hbm>>
    %dma_start3A_735 = arith.constant 2 : i32
    %dma_start3A_736 = arith.constant 0 : i32
    %dma_start3A_737 = arith.constant 0 : i32
    %dma_start3A_738 = tpu.memref_slice %arg10[%dma_start3A_735, %dma_start3A_736, %dma_start3A_737] : memref<16x8x64xf32, #tpu.memory_space<vmem>> -> memref<1x8x64xf32, #tpu.memory_space<vmem>>
    %dma_start3A_739 = arith.constant 0 : i32
    %dma_start3A_740 = arith.constant 0 : i32
    %dma_start3A_741 = tpu.memref_slice %arg4[%reduce_sum3A_727, %dma_start3A_739, %dma_start3A_740] : memref<125000x8x64xf32, #tpu.memory_space<hbm>> -> memref<1x8x64xf32, #tpu.memory_space<hbm>>
    tpu.enqueue_dma source(%dma_start3A_741 : memref<1x8x64xf32, #tpu.memory_space<hbm>>) target(%dma_start3A_738 : memref<1x8x64xf32, #tpu.memory_space<vmem>>) target_semaphore(%arg15 : memref<!tpu.dma_semaphore, #tpu.memory_space<semaphore_mem>>)
    %mul3A_742 = arith.muli %gather3A_684, %convert_element_type3A_14 : vector<16xi32>
    %reduce_sum3A_743 = arith.constant true
    %reduce_sum3A_744 = vector.broadcast %reduce_sum3A_743 : i1 to vector<16xi1>
    %reduce_sum3A_745 = tpu.scan <sum>, %mul3A_742 masked %reduce_sum3A_744 : vector<16xi32>, vector<16xi1> -> vector<16xi32>
    %reduce_sum3A_746 = vector.extract %reduce_sum3A_745[15] : i32 from vector<16xi32>
    %dma_start3A_747 = arith.constant 3 : i32
    %dma_start3A_748 = arith.constant 0 : i32
    %dma_start3A_749 = arith.constant 0 : i32
    %dma_start3A_750 = tpu.memref_slice %arg10[%dma_start3A_747, %dma_start3A_748, %dma_start3A_749] : memref<16x8x64xf32, #tpu.memory_space<vmem>> -> memref<1x8x64xf32, #tpu.memory_space<vmem>>
    %dma_start3A_751 = arith.constant 0 : i32
    %dma_start3A_752 = arith.constant 0 : i32
    %dma_start3A_753 = tpu.memref_slice %arg4[%reduce_sum3A_746, %dma_start3A_751, %dma_start3A_752] : memref<125000x8x64xf32, #tpu.memory_space<hbm>> -> memref<1x8x64xf32, #tpu.memory_space<hbm>>
    %dma_start3A_754 = arith.constant 3 : i32
    %dma_start3A_755 = arith.constant 0 : i32
    %dma_start3A_756 = arith.constant 0 : i32
    %dma_start3A_757 = tpu.memref_slice %arg10[%dma_start3A_754, %dma_start3A_755, %dma_start3A_756] : memref<16x8x64xf32, #tpu.memory_space<vmem>> -> memref<1x8x64xf32, #tpu.memory_space<vmem>>
    %dma_start3A_758 = arith.constant 0 : i32
    %dma_start3A_759 = arith.constant 0 : i32
    %dma_start3A_760 = tpu.memref_slice %arg4[%reduce_sum3A_746, %dma_start3A_758, %dma_start3A_759] : memref<125000x8x64xf32, #tpu.memory_space<hbm>> -> memref<1x8x64xf32, #tpu.memory_space<hbm>>
    tpu.enqueue_dma source(%dma_start3A_760 : memref<1x8x64xf32, #tpu.memory_space<hbm>>) target(%dma_start3A_757 : memref<1x8x64xf32, #tpu.memory_space<vmem>>) target_semaphore(%arg15 : memref<!tpu.dma_semaphore, #tpu.memory_space<semaphore_mem>>)
    %mul3A_761 = arith.muli %gather3A_684, %convert_element_type3A_18 : vector<16xi32>
    %reduce_sum3A_762 = arith.constant true
    %reduce_sum3A_763 = vector.broadcast %reduce_sum3A_762 : i1 to vector<16xi1>
    %reduce_sum3A_764 = tpu.scan <sum>, %mul3A_761 masked %reduce_sum3A_763 : vector<16xi32>, vector<16xi1> -> vector<16xi32>
    %reduce_sum3A_765 = vector.extract %reduce_sum3A_764[15] : i32 from vector<16xi32>
    %dma_start3A_766 = arith.constant 4 : i32
    %dma_start3A_767 = arith.constant 0 : i32
    %dma_start3A_768 = arith.constant 0 : i32
    %dma_start3A_769 = tpu.memref_slice %arg10[%dma_start3A_766, %dma_start3A_767, %dma_start3A_768] : memref<16x8x64xf32, #tpu.memory_space<vmem>> -> memref<1x8x64xf32, #tpu.memory_space<vmem>>
    %dma_start3A_770 = arith.constant 0 : i32
    %dma_start3A_771 = arith.constant 0 : i32
    %dma_start3A_772 = tpu.memref_slice %arg4[%reduce_sum3A_765, %dma_start3A_770, %dma_start3A_771] : memref<125000x8x64xf32, #tpu.memory_space<hbm>> -> memref<1x8x64xf32, #tpu.memory_space<hbm>>
    %dma_start3A_773 = arith.constant 4 : i32
    %dma_start3A_774 = arith.constant 0 : i32
    %dma_start3A_775 = arith.constant 0 : i32
    %dma_start3A_776 = tpu.memref_slice %arg10[%dma_start3A_773, %dma_start3A_774, %dma_start3A_775] : memref<16x8x64xf32, #tpu.memory_space<vmem>> -> memref<1x8x64xf32, #tpu.memory_space<vmem>>
    %dma_start3A_777 = arith.constant 0 : i32
    %dma_start3A_778 = arith.constant 0 : i32
    %dma_start3A_779 = tpu.memref_slice %arg4[%reduce_sum3A_765, %dma_start3A_777, %dma_start3A_778] : memref<125000x8x64xf32, #tpu.memory_space<hbm>> -> memref<1x8x64xf32, #tpu.memory_space<hbm>>
    tpu.enqueue_dma source(%dma_start3A_779 : memref<1x8x64xf32, #tpu.memory_space<hbm>>) target(%dma_start3A_776 : memref<1x8x64xf32, #tpu.memory_space<vmem>>) target_semaphore(%arg15 : memref<!tpu.dma_semaphore, #tpu.memory_space<semaphore_mem>>)
    %mul3A_780 = arith.muli %gather3A_684, %convert_element_type3A_22 : vector<16xi32>
    %reduce_sum3A_781 = arith.constant true
    %reduce_sum3A_782 = vector.broadcast %reduce_sum3A_781 : i1 to vector<16xi1>
    %reduce_sum3A_783 = tpu.scan <sum>, %mul3A_780 masked %reduce_sum3A_782 : vector<16xi32>, vector<16xi1> -> vector<16xi32>
    %reduce_sum3A_784 = vector.extract %reduce_sum3A_783[15] : i32 from vector<16xi32>
    %dma_start3A_785 = arith.constant 5 : i32
    %dma_start3A_786 = arith.constant 0 : i32
    %dma_start3A_787 = arith.constant 0 : i32
    %dma_start3A_788 = tpu.memref_slice %arg10[%dma_start3A_785, %dma_start3A_786, %dma_start3A_787] : memref<16x8x64xf32, #tpu.memory_space<vmem>> -> memref<1x8x64xf32, #tpu.memory_space<vmem>>
    %dma_start3A_789 = arith.constant 0 : i32
    %dma_start3A_790 = arith.constant 0 : i32
    %dma_start3A_791 = tpu.memref_slice %arg4[%reduce_sum3A_784, %dma_start3A_789, %dma_start3A_790] : memref<125000x8x64xf32, #tpu.memory_space<hbm>> -> memref<1x8x64xf32, #tpu.memory_space<hbm>>
    %dma_start3A_792 = arith.constant 5 : i32
    %dma_start3A_793 = arith.constant 0 : i32
    %dma_start3A_794 = arith.constant 0 : i32
    %dma_start3A_795 = tpu.memref_slice %arg10[%dma_start3A_792, %dma_start3A_793, %dma_start3A_794] : memref<16x8x64xf32, #tpu.memory_space<vmem>> -> memref<1x8x64xf32, #tpu.memory_space<vmem>>
    %dma_start3A_796 = arith.constant 0 : i32
    %dma_start3A_797 = arith.constant 0 : i32
    %dma_start3A_798 = tpu.memref_slice %arg4[%reduce_sum3A_784, %dma_start3A_796, %dma_start3A_797] : memref<125000x8x64xf32, #tpu.memory_space<hbm>> -> memref<1x8x64xf32, #tpu.memory_space<hbm>>
    tpu.enqueue_dma source(%dma_start3A_798 : memref<1x8x64xf32, #tpu.memory_space<hbm>>) target(%dma_start3A_795 : memref<1x8x64xf32, #tpu.memory_space<vmem>>) target_semaphore(%arg15 : memref<!tpu.dma_semaphore, #tpu.memory_space<semaphore_mem>>)
    %mul3A_799 = arith.muli %gather3A_684, %convert_element_type3A_26 : vector<16xi32>
    %reduce_sum3A_800 = arith.constant true
    %reduce_sum3A_801 = vector.broadcast %reduce_sum3A_800 : i1 to vector<16xi1>
    %reduce_sum3A_802 = tpu.scan <sum>, %mul3A_799 masked %reduce_sum3A_801 : vector<16xi32>, vector<16xi1> -> vector<16xi32>
    %reduce_sum3A_803 = vector.extract %reduce_sum3A_802[15] : i32 from vector<16xi32>
    %dma_start3A_804 = arith.constant 6 : i32
    %dma_start3A_805 = arith.constant 0 : i32
    %dma_start3A_806 = arith.constant 0 : i32
    %dma_start3A_807 = tpu.memref_slice %arg10[%dma_start3A_804, %dma_start3A_805, %dma_start3A_806] : memref<16x8x64xf32, #tpu.memory_space<vmem>> -> memref<1x8x64xf32, #tpu.memory_space<vmem>>
    %dma_start3A_808 = arith.constant 0 : i32
    %dma_start3A_809 = arith.constant 0 : i32
    %dma_start3A_810 = tpu.memref_slice %arg4[%reduce_sum3A_803, %dma_start3A_808, %dma_start3A_809] : memref<125000x8x64xf32, #tpu.memory_space<hbm>> -> memref<1x8x64xf32, #tpu.memory_space<hbm>>
    %dma_start3A_811 = arith.constant 6 : i32
    %dma_start3A_812 = arith.constant 0 : i32
    %dma_start3A_813 = arith.constant 0 : i32
    %dma_start3A_814 = tpu.memref_slice %arg10[%dma_start3A_811, %dma_start3A_812, %dma_start3A_813] : memref<16x8x64xf32, #tpu.memory_space<vmem>> -> memref<1x8x64xf32, #tpu.memory_space<vmem>>
    %dma_start3A_815 = arith.constant 0 : i32
    %dma_start3A_816 = arith.constant 0 : i32
    %dma_start3A_817 = tpu.memref_slice %arg4[%reduce_sum3A_803, %dma_start3A_815, %dma_start3A_816] : memref<125000x8x64xf32, #tpu.memory_space<hbm>> -> memref<1x8x64xf32, #tpu.memory_space<hbm>>
    tpu.enqueue_dma source(%dma_start3A_817 : memref<1x8x64xf32, #tpu.memory_space<hbm>>) target(%dma_start3A_814 : memref<1x8x64xf32, #tpu.memory_space<vmem>>) target_semaphore(%arg15 : memref<!tpu.dma_semaphore, #tpu.memory_space<semaphore_mem>>)
    %mul3A_818 = arith.muli %gather3A_684, %convert_element_type3A_30 : vector<16xi32>
    %reduce_sum3A_819 = arith.constant true
    %reduce_sum3A_820 = vector.broadcast %reduce_sum3A_819 : i1 to vector<16xi1>
    %reduce_sum3A_821 = tpu.scan <sum>, %mul3A_818 masked %reduce_sum3A_820 : vector<16xi32>, vector<16xi1> -> vector<16xi32>
    %reduce_sum3A_822 = vector.extract %reduce_sum3A_821[15] : i32 from vector<16xi32>
    %dma_start3A_823 = arith.constant 7 : i32
    %dma_start3A_824 = arith.constant 0 : i32
    %dma_start3A_825 = arith.constant 0 : i32
    %dma_start3A_826 = tpu.memref_slice %arg10[%dma_start3A_823, %dma_start3A_824, %dma_start3A_825] : memref<16x8x64xf32, #tpu.memory_space<vmem>> -> memref<1x8x64xf32, #tpu.memory_space<vmem>>
    %dma_start3A_827 = arith.constant 0 : i32
    %dma_start3A_828 = arith.constant 0 : i32
    %dma_start3A_829 = tpu.memref_slice %arg4[%reduce_sum3A_822, %dma_start3A_827, %dma_start3A_828] : memref<125000x8x64xf32, #tpu.memory_space<hbm>> -> memref<1x8x64xf32, #tpu.memory_space<hbm>>
    %dma_start3A_830 = arith.constant 7 : i32
    %dma_start3A_831 = arith.constant 0 : i32
    %dma_start3A_832 = arith.constant 0 : i32
    %dma_start3A_833 = tpu.memref_slice %arg10[%dma_start3A_830, %dma_start3A_831, %dma_start3A_832] : memref<16x8x64xf32, #tpu.memory_space<vmem>> -> memref<1x8x64xf32, #tpu.memory_space<vmem>>
    %dma_start3A_834 = arith.constant 0 : i32
    %dma_start3A_835 = arith.constant 0 : i32
    %dma_start3A_836 = tpu.memref_slice %arg4[%reduce_sum3A_822, %dma_start3A_834, %dma_start3A_835] : memref<125000x8x64xf32, #tpu.memory_space<hbm>> -> memref<1x8x64xf32, #tpu.memory_space<hbm>>
    tpu.enqueue_dma source(%dma_start3A_836 : memref<1x8x64xf32, #tpu.memory_space<hbm>>) target(%dma_start3A_833 : memref<1x8x64xf32, #tpu.memory_space<vmem>>) target_semaphore(%arg15 : memref<!tpu.dma_semaphore, #tpu.memory_space<semaphore_mem>>)
    %mul3A_837 = arith.muli %gather3A_684, %convert_element_type3A_34 : vector<16xi32>
    %reduce_sum3A_838 = arith.constant true
    %reduce_sum3A_839 = vector.broadcast %reduce_sum3A_838 : i1 to vector<16xi1>
    %reduce_sum3A_840 = tpu.scan <sum>, %mul3A_837 masked %reduce_sum3A_839 : vector<16xi32>, vector<16xi1> -> vector<16xi32>
    %reduce_sum3A_841 = vector.extract %reduce_sum3A_840[15] : i32 from vector<16xi32>
    %dma_start3A_842 = arith.constant 8 : i32
    %dma_start3A_843 = arith.constant 0 : i32
    %dma_start3A_844 = arith.constant 0 : i32
    %dma_start3A_845 = tpu.memref_slice %arg10[%dma_start3A_842, %dma_start3A_843, %dma_start3A_844] : memref<16x8x64xf32, #tpu.memory_space<vmem>> -> memref<1x8x64xf32, #tpu.memory_space<vmem>>
    %dma_start3A_846 = arith.constant 0 : i32
    %dma_start3A_847 = arith.constant 0 : i32
    %dma_start3A_848 = tpu.memref_slice %arg4[%reduce_sum3A_841, %dma_start3A_846, %dma_start3A_847] : memref<125000x8x64xf32, #tpu.memory_space<hbm>> -> memref<1x8x64xf32, #tpu.memory_space<hbm>>
    %dma_start3A_849 = arith.constant 8 : i32
    %dma_start3A_850 = arith.constant 0 : i32
    %dma_start3A_851 = arith.constant 0 : i32
    %dma_start3A_852 = tpu.memref_slice %arg10[%dma_start3A_849, %dma_start3A_850, %dma_start3A_851] : memref<16x8x64xf32, #tpu.memory_space<vmem>> -> memref<1x8x64xf32, #tpu.memory_space<vmem>>
    %dma_start3A_853 = arith.constant 0 : i32
    %dma_start3A_854 = arith.constant 0 : i32
    %dma_start3A_855 = tpu.memref_slice %arg4[%reduce_sum3A_841, %dma_start3A_853, %dma_start3A_854] : memref<125000x8x64xf32, #tpu.memory_space<hbm>> -> memref<1x8x64xf32, #tpu.memory_space<hbm>>
    tpu.enqueue_dma source(%dma_start3A_855 : memref<1x8x64xf32, #tpu.memory_space<hbm>>) target(%dma_start3A_852 : memref<1x8x64xf32, #tpu.memory_space<vmem>>) target_semaphore(%arg15 : memref<!tpu.dma_semaphore, #tpu.memory_space<semaphore_mem>>)
    %mul3A_856 = arith.muli %gather3A_684, %convert_element_type3A_38 : vector<16xi32>
    %reduce_sum3A_857 = arith.constant true
    %reduce_sum3A_858 = vector.broadcast %reduce_sum3A_857 : i1 to vector<16xi1>
    %reduce_sum3A_859 = tpu.scan <sum>, %mul3A_856 masked %reduce_sum3A_858 : vector<16xi32>, vector<16xi1> -> vector<16xi32>
    %reduce_sum3A_860 = vector.extract %reduce_sum3A_859[15] : i32 from vector<16xi32>
    %dma_start3A_861 = arith.constant 9 : i32
    %dma_start3A_862 = arith.constant 0 : i32
    %dma_start3A_863 = arith.constant 0 : i32
    %dma_start3A_864 = tpu.memref_slice %arg10[%dma_start3A_861, %dma_start3A_862, %dma_start3A_863] : memref<16x8x64xf32, #tpu.memory_space<vmem>> -> memref<1x8x64xf32, #tpu.memory_space<vmem>>
    %dma_start3A_865 = arith.constant 0 : i32
    %dma_start3A_866 = arith.constant 0 : i32
    %dma_start3A_867 = tpu.memref_slice %arg4[%reduce_sum3A_860, %dma_start3A_865, %dma_start3A_866] : memref<125000x8x64xf32, #tpu.memory_space<hbm>> -> memref<1x8x64xf32, #tpu.memory_space<hbm>>
    %dma_start3A_868 = arith.constant 9 : i32
    %dma_start3A_869 = arith.constant 0 : i32
    %dma_start3A_870 = arith.constant 0 : i32
    %dma_start3A_871 = tpu.memref_slice %arg10[%dma_start3A_868, %dma_start3A_869, %dma_start3A_870] : memref<16x8x64xf32, #tpu.memory_space<vmem>> -> memref<1x8x64xf32, #tpu.memory_space<vmem>>
    %dma_start3A_872 = arith.constant 0 : i32
    %dma_start3A_873 = arith.constant 0 : i32
    %dma_start3A_874 = tpu.memref_slice %arg4[%reduce_sum3A_860, %dma_start3A_872, %dma_start3A_873] : memref<125000x8x64xf32, #tpu.memory_space<hbm>> -> memref<1x8x64xf32, #tpu.memory_space<hbm>>
    tpu.enqueue_dma source(%dma_start3A_874 : memref<1x8x64xf32, #tpu.memory_space<hbm>>) target(%dma_start3A_871 : memref<1x8x64xf32, #tpu.memory_space<vmem>>) target_semaphore(%arg15 : memref<!tpu.dma_semaphore, #tpu.memory_space<semaphore_mem>>)
    %mul3A_875 = arith.muli %gather3A_684, %convert_element_type3A_42 : vector<16xi32>
    %reduce_sum3A_876 = arith.constant true
    %reduce_sum3A_877 = vector.broadcast %reduce_sum3A_876 : i1 to vector<16xi1>
    %reduce_sum3A_878 = tpu.scan <sum>, %mul3A_875 masked %reduce_sum3A_877 : vector<16xi32>, vector<16xi1> -> vector<16xi32>
    %reduce_sum3A_879 = vector.extract %reduce_sum3A_878[15] : i32 from vector<16xi32>
    %dma_start3A_880 = arith.constant 10 : i32
    %dma_start3A_881 = arith.constant 0 : i32
    %dma_start3A_882 = arith.constant 0 : i32
    %dma_start3A_883 = tpu.memref_slice %arg10[%dma_start3A_880, %dma_start3A_881, %dma_start3A_882] : memref<16x8x64xf32, #tpu.memory_space<vmem>> -> memref<1x8x64xf32, #tpu.memory_space<vmem>>
    %dma_start3A_884 = arith.constant 0 : i32
    %dma_start3A_885 = arith.constant 0 : i32
    %dma_start3A_886 = tpu.memref_slice %arg4[%reduce_sum3A_879, %dma_start3A_884, %dma_start3A_885] : memref<125000x8x64xf32, #tpu.memory_space<hbm>> -> memref<1x8x64xf32, #tpu.memory_space<hbm>>
    %dma_start3A_887 = arith.constant 10 : i32
    %dma_start3A_888 = arith.constant 0 : i32
    %dma_start3A_889 = arith.constant 0 : i32
    %dma_start3A_890 = tpu.memref_slice %arg10[%dma_start3A_887, %dma_start3A_888, %dma_start3A_889] : memref<16x8x64xf32, #tpu.memory_space<vmem>> -> memref<1x8x64xf32, #tpu.memory_space<vmem>>
    %dma_start3A_891 = arith.constant 0 : i32
    %dma_start3A_892 = arith.constant 0 : i32
    %dma_start3A_893 = tpu.memref_slice %arg4[%reduce_sum3A_879, %dma_start3A_891, %dma_start3A_892] : memref<125000x8x64xf32, #tpu.memory_space<hbm>> -> memref<1x8x64xf32, #tpu.memory_space<hbm>>
    tpu.enqueue_dma source(%dma_start3A_893 : memref<1x8x64xf32, #tpu.memory_space<hbm>>) target(%dma_start3A_890 : memref<1x8x64xf32, #tpu.memory_space<vmem>>) target_semaphore(%arg15 : memref<!tpu.dma_semaphore, #tpu.memory_space<semaphore_mem>>)
    %mul3A_894 = arith.muli %gather3A_684, %convert_element_type3A_46 : vector<16xi32>
    %reduce_sum3A_895 = arith.constant true
    %reduce_sum3A_896 = vector.broadcast %reduce_sum3A_895 : i1 to vector<16xi1>
    %reduce_sum3A_897 = tpu.scan <sum>, %mul3A_894 masked %reduce_sum3A_896 : vector<16xi32>, vector<16xi1> -> vector<16xi32>
    %reduce_sum3A_898 = vector.extract %reduce_sum3A_897[15] : i32 from vector<16xi32>
    %dma_start3A_899 = arith.constant 11 : i32
    %dma_start3A_900 = arith.constant 0 : i32
    %dma_start3A_901 = arith.constant 0 : i32
    %dma_start3A_902 = tpu.memref_slice %arg10[%dma_start3A_899, %dma_start3A_900, %dma_start3A_901] : memref<16x8x64xf32, #tpu.memory_space<vmem>> -> memref<1x8x64xf32, #tpu.memory_space<vmem>>
    %dma_start3A_903 = arith.constant 0 : i32
    %dma_start3A_904 = arith.constant 0 : i32
    %dma_start3A_905 = tpu.memref_slice %arg4[%reduce_sum3A_898, %dma_start3A_903, %dma_start3A_904] : memref<125000x8x64xf32, #tpu.memory_space<hbm>> -> memref<1x8x64xf32, #tpu.memory_space<hbm>>
    %dma_start3A_906 = arith.constant 11 : i32
    %dma_start3A_907 = arith.constant 0 : i32
    %dma_start3A_908 = arith.constant 0 : i32
    %dma_start3A_909 = tpu.memref_slice %arg10[%dma_start3A_906, %dma_start3A_907, %dma_start3A_908] : memref<16x8x64xf32, #tpu.memory_space<vmem>> -> memref<1x8x64xf32, #tpu.memory_space<vmem>>
    %dma_start3A_910 = arith.constant 0 : i32
    %dma_start3A_911 = arith.constant 0 : i32
    %dma_start3A_912 = tpu.memref_slice %arg4[%reduce_sum3A_898, %dma_start3A_910, %dma_start3A_911] : memref<125000x8x64xf32, #tpu.memory_space<hbm>> -> memref<1x8x64xf32, #tpu.memory_space<hbm>>
    tpu.enqueue_dma source(%dma_start3A_912 : memref<1x8x64xf32, #tpu.memory_space<hbm>>) target(%dma_start3A_909 : memref<1x8x64xf32, #tpu.memory_space<vmem>>) target_semaphore(%arg15 : memref<!tpu.dma_semaphore, #tpu.memory_space<semaphore_mem>>)
    %mul3A_913 = arith.muli %gather3A_684, %convert_element_type3A_50 : vector<16xi32>
    %reduce_sum3A_914 = arith.constant true
    %reduce_sum3A_915 = vector.broadcast %reduce_sum3A_914 : i1 to vector<16xi1>
    %reduce_sum3A_916 = tpu.scan <sum>, %mul3A_913 masked %reduce_sum3A_915 : vector<16xi32>, vector<16xi1> -> vector<16xi32>
    %reduce_sum3A_917 = vector.extract %reduce_sum3A_916[15] : i32 from vector<16xi32>
    %dma_start3A_918 = arith.constant 12 : i32
    %dma_start3A_919 = arith.constant 0 : i32
    %dma_start3A_920 = arith.constant 0 : i32
    %dma_start3A_921 = tpu.memref_slice %arg10[%dma_start3A_918, %dma_start3A_919, %dma_start3A_920] : memref<16x8x64xf32, #tpu.memory_space<vmem>> -> memref<1x8x64xf32, #tpu.memory_space<vmem>>
    %dma_start3A_922 = arith.constant 0 : i32
    %dma_start3A_923 = arith.constant 0 : i32
    %dma_start3A_924 = tpu.memref_slice %arg4[%reduce_sum3A_917, %dma_start3A_922, %dma_start3A_923] : memref<125000x8x64xf32, #tpu.memory_space<hbm>> -> memref<1x8x64xf32, #tpu.memory_space<hbm>>
    %dma_start3A_925 = arith.constant 12 : i32
    %dma_start3A_926 = arith.constant 0 : i32
    %dma_start3A_927 = arith.constant 0 : i32
    %dma_start3A_928 = tpu.memref_slice %arg10[%dma_start3A_925, %dma_start3A_926, %dma_start3A_927] : memref<16x8x64xf32, #tpu.memory_space<vmem>> -> memref<1x8x64xf32, #tpu.memory_space<vmem>>
    %dma_start3A_929 = arith.constant 0 : i32
    %dma_start3A_930 = arith.constant 0 : i32
    %dma_start3A_931 = tpu.memref_slice %arg4[%reduce_sum3A_917, %dma_start3A_929, %dma_start3A_930] : memref<125000x8x64xf32, #tpu.memory_space<hbm>> -> memref<1x8x64xf32, #tpu.memory_space<hbm>>
    tpu.enqueue_dma source(%dma_start3A_931 : memref<1x8x64xf32, #tpu.memory_space<hbm>>) target(%dma_start3A_928 : memref<1x8x64xf32, #tpu.memory_space<vmem>>) target_semaphore(%arg15 : memref<!tpu.dma_semaphore, #tpu.memory_space<semaphore_mem>>)
    %mul3A_932 = arith.muli %gather3A_684, %convert_element_type3A_54 : vector<16xi32>
    %reduce_sum3A_933 = arith.constant true
    %reduce_sum3A_934 = vector.broadcast %reduce_sum3A_933 : i1 to vector<16xi1>
    %reduce_sum3A_935 = tpu.scan <sum>, %mul3A_932 masked %reduce_sum3A_934 : vector<16xi32>, vector<16xi1> -> vector<16xi32>
    %reduce_sum3A_936 = vector.extract %reduce_sum3A_935[15] : i32 from vector<16xi32>
    %dma_start3A_937 = arith.constant 13 : i32
    %dma_start3A_938 = arith.constant 0 : i32
    %dma_start3A_939 = arith.constant 0 : i32
    %dma_start3A_940 = tpu.memref_slice %arg10[%dma_start3A_937, %dma_start3A_938, %dma_start3A_939] : memref<16x8x64xf32, #tpu.memory_space<vmem>> -> memref<1x8x64xf32, #tpu.memory_space<vmem>>
    %dma_start3A_941 = arith.constant 0 : i32
    %dma_start3A_942 = arith.constant 0 : i32
    %dma_start3A_943 = tpu.memref_slice %arg4[%reduce_sum3A_936, %dma_start3A_941, %dma_start3A_942] : memref<125000x8x64xf32, #tpu.memory_space<hbm>> -> memref<1x8x64xf32, #tpu.memory_space<hbm>>
    %dma_start3A_944 = arith.constant 13 : i32
    %dma_start3A_945 = arith.constant 0 : i32
    %dma_start3A_946 = arith.constant 0 : i32
    %dma_start3A_947 = tpu.memref_slice %arg10[%dma_start3A_944, %dma_start3A_945, %dma_start3A_946] : memref<16x8x64xf32, #tpu.memory_space<vmem>> -> memref<1x8x64xf32, #tpu.memory_space<vmem>>
    %dma_start3A_948 = arith.constant 0 : i32
    %dma_start3A_949 = arith.constant 0 : i32
    %dma_start3A_950 = tpu.memref_slice %arg4[%reduce_sum3A_936, %dma_start3A_948, %dma_start3A_949] : memref<125000x8x64xf32, #tpu.memory_space<hbm>> -> memref<1x8x64xf32, #tpu.memory_space<hbm>>
    tpu.enqueue_dma source(%dma_start3A_950 : memref<1x8x64xf32, #tpu.memory_space<hbm>>) target(%dma_start3A_947 : memref<1x8x64xf32, #tpu.memory_space<vmem>>) target_semaphore(%arg15 : memref<!tpu.dma_semaphore, #tpu.memory_space<semaphore_mem>>)
    %mul3A_951 = arith.muli %gather3A_684, %convert_element_type3A_58 : vector<16xi32>
    %reduce_sum3A_952 = arith.constant true
    %reduce_sum3A_953 = vector.broadcast %reduce_sum3A_952 : i1 to vector<16xi1>
    %reduce_sum3A_954 = tpu.scan <sum>, %mul3A_951 masked %reduce_sum3A_953 : vector<16xi32>, vector<16xi1> -> vector<16xi32>
    %reduce_sum3A_955 = vector.extract %reduce_sum3A_954[15] : i32 from vector<16xi32>
    %dma_start3A_956 = arith.constant 14 : i32
    %dma_start3A_957 = arith.constant 0 : i32
    %dma_start3A_958 = arith.constant 0 : i32
    %dma_start3A_959 = tpu.memref_slice %arg10[%dma_start3A_956, %dma_start3A_957, %dma_start3A_958] : memref<16x8x64xf32, #tpu.memory_space<vmem>> -> memref<1x8x64xf32, #tpu.memory_space<vmem>>
    %dma_start3A_960 = arith.constant 0 : i32
    %dma_start3A_961 = arith.constant 0 : i32
    %dma_start3A_962 = tpu.memref_slice %arg4[%reduce_sum3A_955, %dma_start3A_960, %dma_start3A_961] : memref<125000x8x64xf32, #tpu.memory_space<hbm>> -> memref<1x8x64xf32, #tpu.memory_space<hbm>>
    %dma_start3A_963 = arith.constant 14 : i32
    %dma_start3A_964 = arith.constant 0 : i32
    %dma_start3A_965 = arith.constant 0 : i32
    %dma_start3A_966 = tpu.memref_slice %arg10[%dma_start3A_963, %dma_start3A_964, %dma_start3A_965] : memref<16x8x64xf32, #tpu.memory_space<vmem>> -> memref<1x8x64xf32, #tpu.memory_space<vmem>>
    %dma_start3A_967 = arith.constant 0 : i32
    %dma_start3A_968 = arith.constant 0 : i32
    %dma_start3A_969 = tpu.memref_slice %arg4[%reduce_sum3A_955, %dma_start3A_967, %dma_start3A_968] : memref<125000x8x64xf32, #tpu.memory_space<hbm>> -> memref<1x8x64xf32, #tpu.memory_space<hbm>>
    tpu.enqueue_dma source(%dma_start3A_969 : memref<1x8x64xf32, #tpu.memory_space<hbm>>) target(%dma_start3A_966 : memref<1x8x64xf32, #tpu.memory_space<vmem>>) target_semaphore(%arg15 : memref<!tpu.dma_semaphore, #tpu.memory_space<semaphore_mem>>)
    %mul3A_970 = arith.muli %gather3A_684, %convert_element_type3A_62 : vector<16xi32>
    %reduce_sum3A_971 = arith.constant true
    %reduce_sum3A_972 = vector.broadcast %reduce_sum3A_971 : i1 to vector<16xi1>
    %reduce_sum3A_973 = tpu.scan <sum>, %mul3A_970 masked %reduce_sum3A_972 : vector<16xi32>, vector<16xi1> -> vector<16xi32>
    %reduce_sum3A_974 = vector.extract %reduce_sum3A_973[15] : i32 from vector<16xi32>
    %dma_start3A_975 = arith.constant 15 : i32
    %dma_start3A_976 = arith.constant 0 : i32
    %dma_start3A_977 = arith.constant 0 : i32
    %dma_start3A_978 = tpu.memref_slice %arg10[%dma_start3A_975, %dma_start3A_976, %dma_start3A_977] : memref<16x8x64xf32, #tpu.memory_space<vmem>> -> memref<1x8x64xf32, #tpu.memory_space<vmem>>
    %dma_start3A_979 = arith.constant 0 : i32
    %dma_start3A_980 = arith.constant 0 : i32
    %dma_start3A_981 = tpu.memref_slice %arg4[%reduce_sum3A_974, %dma_start3A_979, %dma_start3A_980] : memref<125000x8x64xf32, #tpu.memory_space<hbm>> -> memref<1x8x64xf32, #tpu.memory_space<hbm>>
    %dma_start3A_982 = arith.constant 15 : i32
    %dma_start3A_983 = arith.constant 0 : i32
    %dma_start3A_984 = arith.constant 0 : i32
    %dma_start3A_985 = tpu.memref_slice %arg10[%dma_start3A_982, %dma_start3A_983, %dma_start3A_984] : memref<16x8x64xf32, #tpu.memory_space<vmem>> -> memref<1x8x64xf32, #tpu.memory_space<vmem>>
    %dma_start3A_986 = arith.constant 0 : i32
    %dma_start3A_987 = arith.constant 0 : i32
    %dma_start3A_988 = tpu.memref_slice %arg4[%reduce_sum3A_974, %dma_start3A_986, %dma_start3A_987] : memref<125000x8x64xf32, #tpu.memory_space<hbm>> -> memref<1x8x64xf32, #tpu.memory_space<hbm>>
    tpu.enqueue_dma source(%dma_start3A_988 : memref<1x8x64xf32, #tpu.memory_space<hbm>>) target(%dma_start3A_985 : memref<1x8x64xf32, #tpu.memory_space<vmem>>) target_semaphore(%arg15 : memref<!tpu.dma_semaphore, #tpu.memory_space<semaphore_mem>>)
    %scan3A = arith.constant 0 : i32
    %scan3A_989 = arith.constant 0 : i32
    %scan3A_990 = arith.constant 10 : i32
    %scan3A_991 = arith.addi %scan3A_989, %scan3A_990 : i32
    %scan3A_992 = arith.constant 1 : i32
    %scan3A_993 = scf.for %scan3A_995 = %scan3A_989 to %scan3A_991 step %scan3A_992 iter_args(%scan3A_996 = %scan3A) -> (i32)  : i32 {
      %mul3A_997 = arith.constant 4 : i32
      %mul3A_998 = arith.muli %scan3A_995, %mul3A_997 : i32
      %add3A_999 = arith.constant 0 : i32
      %add3A_1000 = arith.addi %mul3A_998, %add3A_999 : i32
      %add3A_1001 = arith.constant 4 : i32
      %add3A_1002 = arith.addi %add3A_1000, %add3A_1001 : i32
      %sub3A = arith.constant 1 : i32
      %sub3A_1003 = arith.subi %add3A_1002, %sub3A : i32
      %lt3A = arith.constant 40 : i32
      %lt3A_1004 = arith.cmpi slt, %sub3A_1003, %lt3A : i32
      %convert_element_type3A_1005 = arith.extui %lt3A_1004 : i1 to i32
      %cond3A = arith.constant 0 : i32
      %cond3A_1006 = arith.cmpi ne, %convert_element_type3A_1005, %cond3A : i32
      scf.if %cond3A_1006 {
        %add3A_1179 = arith.constant 4 : i32
        %add3A_1180 = arith.addi %add3A_1000, %add3A_1179 : i32
        %sub3A_1181 = arith.constant 1 : i32
        %sub3A_1182 = arith.subi %add3A_1180, %sub3A_1181 : i32
        %shift_right_arithmetic3A_1183 = arith.constant 3 : i32
        %shift_right_arithmetic3A_1184 = arith.shrsi %sub3A_1182, %shift_right_arithmetic3A_1183 : i32
        %broadcast_in_dim3A_1185 = vector.broadcast %shift_right_arithmetic3A_1184 : i32 to vector<16xi32>
        %and3A_1186 = arith.constant 7 : i32
        %and3A_1187 = arith.andi %sub3A_1182, %and3A_1186 : i32
        %mul3A_1188 = arith.constant 16 : i32
        %mul3A_1189 = arith.muli %and3A_1187, %mul3A_1188 : i32
        %add3A_1190 = vector.broadcast %mul3A_1189 : i32 to vector<16xi32>
        %add3A_1191 = arith.addi %iota3A, %add3A_1190 : vector<16xi32>
        %gather3A_1192 = tpu.vector_load_idx %arg6[%broadcast_in_dim3A_1185, %add3A_1191] : memref<8x128xi32, #tpu.memory_space<vmem>>[vector<16xi32>, vector<16xi32>], vector<16xi32>,
        %mul3A_1193 = arith.muli %gather3A_1192, %convert_element_type3A : vector<16xi32>
        %reduce_sum3A_1194 = arith.constant true
        %reduce_sum3A_1195 = vector.broadcast %reduce_sum3A_1194 : i1 to vector<16xi1>
        %reduce_sum3A_1196 = tpu.scan <sum>, %mul3A_1193 masked %reduce_sum3A_1195 : vector<16xi32>, vector<16xi1> -> vector<16xi32>
        %reduce_sum3A_1197 = vector.extract %reduce_sum3A_1196[15] : i32 from vector<16xi32>
        %dma_start3A_1198 = arith.constant 0 : i32
        %dma_start3A_1199 = arith.constant 0 : i32
        %dma_start3A_1200 = arith.constant 0 : i32
        %dma_start3A_1201 = tpu.memref_slice %arg11[%dma_start3A_1198, %dma_start3A_1199, %dma_start3A_1200] : memref<16x8x64xf32, #tpu.memory_space<vmem>> -> memref<1x8x64xf32, #tpu.memory_space<vmem>>
        %dma_start3A_1202 = arith.constant 0 : i32
        %dma_start3A_1203 = arith.constant 0 : i32
        %dma_start3A_1204 = tpu.memref_slice %arg4[%reduce_sum3A_1197, %dma_start3A_1202, %dma_start3A_1203] : memref<125000x8x64xf32, #tpu.memory_space<hbm>> -> memref<1x8x64xf32, #tpu.memory_space<hbm>>
        %dma_start3A_1205 = arith.constant 0 : i32
        %dma_start3A_1206 = arith.constant 0 : i32
        %dma_start3A_1207 = arith.constant 0 : i32
        %dma_start3A_1208 = tpu.memref_slice %arg11[%dma_start3A_1205, %dma_start3A_1206, %dma_start3A_1207] : memref<16x8x64xf32, #tpu.memory_space<vmem>> -> memref<1x8x64xf32, #tpu.memory_space<vmem>>
        %dma_start3A_1209 = arith.constant 0 : i32
        %dma_start3A_1210 = arith.constant 0 : i32
        %dma_start3A_1211 = tpu.memref_slice %arg4[%reduce_sum3A_1197, %dma_start3A_1209, %dma_start3A_1210] : memref<125000x8x64xf32, #tpu.memory_space<hbm>> -> memref<1x8x64xf32, #tpu.memory_space<hbm>>
        tpu.enqueue_dma source(%dma_start3A_1211 : memref<1x8x64xf32, #tpu.memory_space<hbm>>) target(%dma_start3A_1208 : memref<1x8x64xf32, #tpu.memory_space<vmem>>) target_semaphore(%arg16 : memref<!tpu.dma_semaphore, #tpu.memory_space<semaphore_mem>>)
        %mul3A_1212 = arith.muli %gather3A_1192, %convert_element_type3A_6 : vector<16xi32>
        %reduce_sum3A_1213 = arith.constant true
        %reduce_sum3A_1214 = vector.broadcast %reduce_sum3A_1213 : i1 to vector<16xi1>
        %reduce_sum3A_1215 = tpu.scan <sum>, %mul3A_1212 masked %reduce_sum3A_1214 : vector<16xi32>, vector<16xi1> -> vector<16xi32>
        %reduce_sum3A_1216 = vector.extract %reduce_sum3A_1215[15] : i32 from vector<16xi32>
        %dma_start3A_1217 = arith.constant 1 : i32
        %dma_start3A_1218 = arith.constant 0 : i32
        %dma_start3A_1219 = arith.constant 0 : i32
        %dma_start3A_1220 = tpu.memref_slice %arg11[%dma_start3A_1217, %dma_start3A_1218, %dma_start3A_1219] : memref<16x8x64xf32, #tpu.memory_space<vmem>> -> memref<1x8x64xf32, #tpu.memory_space<vmem>>
        %dma_start3A_1221 = arith.constant 0 : i32
        %dma_start3A_1222 = arith.constant 0 : i32
        %dma_start3A_1223 = tpu.memref_slice %arg4[%reduce_sum3A_1216, %dma_start3A_1221, %dma_start3A_1222] : memref<125000x8x64xf32, #tpu.memory_space<hbm>> -> memref<1x8x64xf32, #tpu.memory_space<hbm>>
        %dma_start3A_1224 = arith.constant 1 : i32
        %dma_start3A_1225 = arith.constant 0 : i32
        %dma_start3A_1226 = arith.constant 0 : i32
        %dma_start3A_1227 = tpu.memref_slice %arg11[%dma_start3A_1224, %dma_start3A_1225, %dma_start3A_1226] : memref<16x8x64xf32, #tpu.memory_space<vmem>> -> memref<1x8x64xf32, #tpu.memory_space<vmem>>
        %dma_start3A_1228 = arith.constant 0 : i32
        %dma_start3A_1229 = arith.constant 0 : i32
        %dma_start3A_1230 = tpu.memref_slice %arg4[%reduce_sum3A_1216, %dma_start3A_1228, %dma_start3A_1229] : memref<125000x8x64xf32, #tpu.memory_space<hbm>> -> memref<1x8x64xf32, #tpu.memory_space<hbm>>
        tpu.enqueue_dma source(%dma_start3A_1230 : memref<1x8x64xf32, #tpu.memory_space<hbm>>) target(%dma_start3A_1227 : memref<1x8x64xf32, #tpu.memory_space<vmem>>) target_semaphore(%arg16 : memref<!tpu.dma_semaphore, #tpu.memory_space<semaphore_mem>>)
        %mul3A_1231 = arith.muli %gather3A_1192, %convert_element_type3A_10 : vector<16xi32>
        %reduce_sum3A_1232 = arith.constant true
        %reduce_sum3A_1233 = vector.broadcast %reduce_sum3A_1232 : i1 to vector<16xi1>
        %reduce_sum3A_1234 = tpu.scan <sum>, %mul3A_1231 masked %reduce_sum3A_1233 : vector<16xi32>, vector<16xi1> -> vector<16xi32>
        %reduce_sum3A_1235 = vector.extract %reduce_sum3A_1234[15] : i32 from vector<16xi32>
        %dma_start3A_1236 = arith.constant 2 : i32
        %dma_start3A_1237 = arith.constant 0 : i32
        %dma_start3A_1238 = arith.constant 0 : i32
        %dma_start3A_1239 = tpu.memref_slice %arg11[%dma_start3A_1236, %dma_start3A_1237, %dma_start3A_1238] : memref<16x8x64xf32, #tpu.memory_space<vmem>> -> memref<1x8x64xf32, #tpu.memory_space<vmem>>
        %dma_start3A_1240 = arith.constant 0 : i32
        %dma_start3A_1241 = arith.constant 0 : i32
        %dma_start3A_1242 = tpu.memref_slice %arg4[%reduce_sum3A_1235, %dma_start3A_1240, %dma_start3A_1241] : memref<125000x8x64xf32, #tpu.memory_space<hbm>> -> memref<1x8x64xf32, #tpu.memory_space<hbm>>
        %dma_start3A_1243 = arith.constant 2 : i32
        %dma_start3A_1244 = arith.constant 0 : i32
        %dma_start3A_1245 = arith.constant 0 : i32
        %dma_start3A_1246 = tpu.memref_slice %arg11[%dma_start3A_1243, %dma_start3A_1244, %dma_start3A_1245] : memref<16x8x64xf32, #tpu.memory_space<vmem>> -> memref<1x8x64xf32, #tpu.memory_space<vmem>>
        %dma_start3A_1247 = arith.constant 0 : i32
        %dma_start3A_1248 = arith.constant 0 : i32
        %dma_start3A_1249 = tpu.memref_slice %arg4[%reduce_sum3A_1235, %dma_start3A_1247, %dma_start3A_1248] : memref<125000x8x64xf32, #tpu.memory_space<hbm>> -> memref<1x8x64xf32, #tpu.memory_space<hbm>>
        tpu.enqueue_dma source(%dma_start3A_1249 : memref<1x8x64xf32, #tpu.memory_space<hbm>>) target(%dma_start3A_1246 : memref<1x8x64xf32, #tpu.memory_space<vmem>>) target_semaphore(%arg16 : memref<!tpu.dma_semaphore, #tpu.memory_space<semaphore_mem>>)
        %mul3A_1250 = arith.muli %gather3A_1192, %convert_element_type3A_14 : vector<16xi32>
        %reduce_sum3A_1251 = arith.constant true
        %reduce_sum3A_1252 = vector.broadcast %reduce_sum3A_1251 : i1 to vector<16xi1>
        %reduce_sum3A_1253 = tpu.scan <sum>, %mul3A_1250 masked %reduce_sum3A_1252 : vector<16xi32>, vector<16xi1> -> vector<16xi32>
        %reduce_sum3A_1254 = vector.extract %reduce_sum3A_1253[15] : i32 from vector<16xi32>
        %dma_start3A_1255 = arith.constant 3 : i32
        %dma_start3A_1256 = arith.constant 0 : i32
        %dma_start3A_1257 = arith.constant 0 : i32
        %dma_start3A_1258 = tpu.memref_slice %arg11[%dma_start3A_1255, %dma_start3A_1256, %dma_start3A_1257] : memref<16x8x64xf32, #tpu.memory_space<vmem>> -> memref<1x8x64xf32, #tpu.memory_space<vmem>>
        %dma_start3A_1259 = arith.constant 0 : i32
        %dma_start3A_1260 = arith.constant 0 : i32
        %dma_start3A_1261 = tpu.memref_slice %arg4[%reduce_sum3A_1254, %dma_start3A_1259, %dma_start3A_1260] : memref<125000x8x64xf32, #tpu.memory_space<hbm>> -> memref<1x8x64xf32, #tpu.memory_space<hbm>>
        %dma_start3A_1262 = arith.constant 3 : i32
        %dma_start3A_1263 = arith.constant 0 : i32
        %dma_start3A_1264 = arith.constant 0 : i32
        %dma_start3A_1265 = tpu.memref_slice %arg11[%dma_start3A_1262, %dma_start3A_1263, %dma_start3A_1264] : memref<16x8x64xf32, #tpu.memory_space<vmem>> -> memref<1x8x64xf32, #tpu.memory_space<vmem>>
        %dma_start3A_1266 = arith.constant 0 : i32
        %dma_start3A_1267 = arith.constant 0 : i32
        %dma_start3A_1268 = tpu.memref_slice %arg4[%reduce_sum3A_1254, %dma_start3A_1266, %dma_start3A_1267] : memref<125000x8x64xf32, #tpu.memory_space<hbm>> -> memref<1x8x64xf32, #tpu.memory_space<hbm>>
        tpu.enqueue_dma source(%dma_start3A_1268 : memref<1x8x64xf32, #tpu.memory_space<hbm>>) target(%dma_start3A_1265 : memref<1x8x64xf32, #tpu.memory_space<vmem>>) target_semaphore(%arg16 : memref<!tpu.dma_semaphore, #tpu.memory_space<semaphore_mem>>)
        %mul3A_1269 = arith.muli %gather3A_1192, %convert_element_type3A_18 : vector<16xi32>
        %reduce_sum3A_1270 = arith.constant true
        %reduce_sum3A_1271 = vector.broadcast %reduce_sum3A_1270 : i1 to vector<16xi1>
        %reduce_sum3A_1272 = tpu.scan <sum>, %mul3A_1269 masked %reduce_sum3A_1271 : vector<16xi32>, vector<16xi1> -> vector<16xi32>
        %reduce_sum3A_1273 = vector.extract %reduce_sum3A_1272[15] : i32 from vector<16xi32>
        %dma_start3A_1274 = arith.constant 4 : i32
        %dma_start3A_1275 = arith.constant 0 : i32
        %dma_start3A_1276 = arith.constant 0 : i32
        %dma_start3A_1277 = tpu.memref_slice %arg11[%dma_start3A_1274, %dma_start3A_1275, %dma_start3A_1276] : memref<16x8x64xf32, #tpu.memory_space<vmem>> -> memref<1x8x64xf32, #tpu.memory_space<vmem>>
        %dma_start3A_1278 = arith.constant 0 : i32
        %dma_start3A_1279 = arith.constant 0 : i32
        %dma_start3A_1280 = tpu.memref_slice %arg4[%reduce_sum3A_1273, %dma_start3A_1278, %dma_start3A_1279] : memref<125000x8x64xf32, #tpu.memory_space<hbm>> -> memref<1x8x64xf32, #tpu.memory_space<hbm>>
        %dma_start3A_1281 = arith.constant 4 : i32
        %dma_start3A_1282 = arith.constant 0 : i32
        %dma_start3A_1283 = arith.constant 0 : i32
        %dma_start3A_1284 = tpu.memref_slice %arg11[%dma_start3A_1281, %dma_start3A_1282, %dma_start3A_1283] : memref<16x8x64xf32, #tpu.memory_space<vmem>> -> memref<1x8x64xf32, #tpu.memory_space<vmem>>
        %dma_start3A_1285 = arith.constant 0 : i32
        %dma_start3A_1286 = arith.constant 0 : i32
        %dma_start3A_1287 = tpu.memref_slice %arg4[%reduce_sum3A_1273, %dma_start3A_1285, %dma_start3A_1286] : memref<125000x8x64xf32, #tpu.memory_space<hbm>> -> memref<1x8x64xf32, #tpu.memory_space<hbm>>
        tpu.enqueue_dma source(%dma_start3A_1287 : memref<1x8x64xf32, #tpu.memory_space<hbm>>) target(%dma_start3A_1284 : memref<1x8x64xf32, #tpu.memory_space<vmem>>) target_semaphore(%arg16 : memref<!tpu.dma_semaphore, #tpu.memory_space<semaphore_mem>>)
        %mul3A_1288 = arith.muli %gather3A_1192, %convert_element_type3A_22 : vector<16xi32>
        %reduce_sum3A_1289 = arith.constant true
        %reduce_sum3A_1290 = vector.broadcast %reduce_sum3A_1289 : i1 to vector<16xi1>
        %reduce_sum3A_1291 = tpu.scan <sum>, %mul3A_1288 masked %reduce_sum3A_1290 : vector<16xi32>, vector<16xi1> -> vector<16xi32>
        %reduce_sum3A_1292 = vector.extract %reduce_sum3A_1291[15] : i32 from vector<16xi32>
        %dma_start3A_1293 = arith.constant 5 : i32
        %dma_start3A_1294 = arith.constant 0 : i32
        %dma_start3A_1295 = arith.constant 0 : i32
        %dma_start3A_1296 = tpu.memref_slice %arg11[%dma_start3A_1293, %dma_start3A_1294, %dma_start3A_1295] : memref<16x8x64xf32, #tpu.memory_space<vmem>> -> memref<1x8x64xf32, #tpu.memory_space<vmem>>
        %dma_start3A_1297 = arith.constant 0 : i32
        %dma_start3A_1298 = arith.constant 0 : i32
        %dma_start3A_1299 = tpu.memref_slice %arg4[%reduce_sum3A_1292, %dma_start3A_1297, %dma_start3A_1298] : memref<125000x8x64xf32, #tpu.memory_space<hbm>> -> memref<1x8x64xf32, #tpu.memory_space<hbm>>
        %dma_start3A_1300 = arith.constant 5 : i32
        %dma_start3A_1301 = arith.constant 0 : i32
        %dma_start3A_1302 = arith.constant 0 : i32
        %dma_start3A_1303 = tpu.memref_slice %arg11[%dma_start3A_1300, %dma_start3A_1301, %dma_start3A_1302] : memref<16x8x64xf32, #tpu.memory_space<vmem>> -> memref<1x8x64xf32, #tpu.memory_space<vmem>>
        %dma_start3A_1304 = arith.constant 0 : i32
        %dma_start3A_1305 = arith.constant 0 : i32
        %dma_start3A_1306 = tpu.memref_slice %arg4[%reduce_sum3A_1292, %dma_start3A_1304, %dma_start3A_1305] : memref<125000x8x64xf32, #tpu.memory_space<hbm>> -> memref<1x8x64xf32, #tpu.memory_space<hbm>>
        tpu.enqueue_dma source(%dma_start3A_1306 : memref<1x8x64xf32, #tpu.memory_space<hbm>>) target(%dma_start3A_1303 : memref<1x8x64xf32, #tpu.memory_space<vmem>>) target_semaphore(%arg16 : memref<!tpu.dma_semaphore, #tpu.memory_space<semaphore_mem>>)
        %mul3A_1307 = arith.muli %gather3A_1192, %convert_element_type3A_26 : vector<16xi32>
        %reduce_sum3A_1308 = arith.constant true
        %reduce_sum3A_1309 = vector.broadcast %reduce_sum3A_1308 : i1 to vector<16xi1>
        %reduce_sum3A_1310 = tpu.scan <sum>, %mul3A_1307 masked %reduce_sum3A_1309 : vector<16xi32>, vector<16xi1> -> vector<16xi32>
        %reduce_sum3A_1311 = vector.extract %reduce_sum3A_1310[15] : i32 from vector<16xi32>
        %dma_start3A_1312 = arith.constant 6 : i32
        %dma_start3A_1313 = arith.constant 0 : i32
        %dma_start3A_1314 = arith.constant 0 : i32
        %dma_start3A_1315 = tpu.memref_slice %arg11[%dma_start3A_1312, %dma_start3A_1313, %dma_start3A_1314] : memref<16x8x64xf32, #tpu.memory_space<vmem>> -> memref<1x8x64xf32, #tpu.memory_space<vmem>>
        %dma_start3A_1316 = arith.constant 0 : i32
        %dma_start3A_1317 = arith.constant 0 : i32
        %dma_start3A_1318 = tpu.memref_slice %arg4[%reduce_sum3A_1311, %dma_start3A_1316, %dma_start3A_1317] : memref<125000x8x64xf32, #tpu.memory_space<hbm>> -> memref<1x8x64xf32, #tpu.memory_space<hbm>>
        %dma_start3A_1319 = arith.constant 6 : i32
        %dma_start3A_1320 = arith.constant 0 : i32
        %dma_start3A_1321 = arith.constant 0 : i32
        %dma_start3A_1322 = tpu.memref_slice %arg11[%dma_start3A_1319, %dma_start3A_1320, %dma_start3A_1321] : memref<16x8x64xf32, #tpu.memory_space<vmem>> -> memref<1x8x64xf32, #tpu.memory_space<vmem>>
        %dma_start3A_1323 = arith.constant 0 : i32
        %dma_start3A_1324 = arith.constant 0 : i32
        %dma_start3A_1325 = tpu.memref_slice %arg4[%reduce_sum3A_1311, %dma_start3A_1323, %dma_start3A_1324] : memref<125000x8x64xf32, #tpu.memory_space<hbm>> -> memref<1x8x64xf32, #tpu.memory_space<hbm>>
        tpu.enqueue_dma source(%dma_start3A_1325 : memref<1x8x64xf32, #tpu.memory_space<hbm>>) target(%dma_start3A_1322 : memref<1x8x64xf32, #tpu.memory_space<vmem>>) target_semaphore(%arg16 : memref<!tpu.dma_semaphore, #tpu.memory_space<semaphore_mem>>)
        %mul3A_1326 = arith.muli %gather3A_1192, %convert_element_type3A_30 : vector<16xi32>
        %reduce_sum3A_1327 = arith.constant true
        %reduce_sum3A_1328 = vector.broadcast %reduce_sum3A_1327 : i1 to vector<16xi1>
        %reduce_sum3A_1329 = tpu.scan <sum>, %mul3A_1326 masked %reduce_sum3A_1328 : vector<16xi32>, vector<16xi1> -> vector<16xi32>
        %reduce_sum3A_1330 = vector.extract %reduce_sum3A_1329[15] : i32 from vector<16xi32>
        %dma_start3A_1331 = arith.constant 7 : i32
        %dma_start3A_1332 = arith.constant 0 : i32
        %dma_start3A_1333 = arith.constant 0 : i32
        %dma_start3A_1334 = tpu.memref_slice %arg11[%dma_start3A_1331, %dma_start3A_1332, %dma_start3A_1333] : memref<16x8x64xf32, #tpu.memory_space<vmem>> -> memref<1x8x64xf32, #tpu.memory_space<vmem>>
        %dma_start3A_1335 = arith.constant 0 : i32
        %dma_start3A_1336 = arith.constant 0 : i32
        %dma_start3A_1337 = tpu.memref_slice %arg4[%reduce_sum3A_1330, %dma_start3A_1335, %dma_start3A_1336] : memref<125000x8x64xf32, #tpu.memory_space<hbm>> -> memref<1x8x64xf32, #tpu.memory_space<hbm>>
        %dma_start3A_1338 = arith.constant 7 : i32
        %dma_start3A_1339 = arith.constant 0 : i32
        %dma_start3A_1340 = arith.constant 0 : i32
        %dma_start3A_1341 = tpu.memref_slice %arg11[%dma_start3A_1338, %dma_start3A_1339, %dma_start3A_1340] : memref<16x8x64xf32, #tpu.memory_space<vmem>> -> memref<1x8x64xf32, #tpu.memory_space<vmem>>
        %dma_start3A_1342 = arith.constant 0 : i32
        %dma_start3A_1343 = arith.constant 0 : i32
        %dma_start3A_1344 = tpu.memref_slice %arg4[%reduce_sum3A_1330, %dma_start3A_1342, %dma_start3A_1343] : memref<125000x8x64xf32, #tpu.memory_space<hbm>> -> memref<1x8x64xf32, #tpu.memory_space<hbm>>
        tpu.enqueue_dma source(%dma_start3A_1344 : memref<1x8x64xf32, #tpu.memory_space<hbm>>) target(%dma_start3A_1341 : memref<1x8x64xf32, #tpu.memory_space<vmem>>) target_semaphore(%arg16 : memref<!tpu.dma_semaphore, #tpu.memory_space<semaphore_mem>>)
        %mul3A_1345 = arith.muli %gather3A_1192, %convert_element_type3A_34 : vector<16xi32>
        %reduce_sum3A_1346 = arith.constant true
        %reduce_sum3A_1347 = vector.broadcast %reduce_sum3A_1346 : i1 to vector<16xi1>
        %reduce_sum3A_1348 = tpu.scan <sum>, %mul3A_1345 masked %reduce_sum3A_1347 : vector<16xi32>, vector<16xi1> -> vector<16xi32>
        %reduce_sum3A_1349 = vector.extract %reduce_sum3A_1348[15] : i32 from vector<16xi32>
        %dma_start3A_1350 = arith.constant 8 : i32
        %dma_start3A_1351 = arith.constant 0 : i32
        %dma_start3A_1352 = arith.constant 0 : i32
        %dma_start3A_1353 = tpu.memref_slice %arg11[%dma_start3A_1350, %dma_start3A_1351, %dma_start3A_1352] : memref<16x8x64xf32, #tpu.memory_space<vmem>> -> memref<1x8x64xf32, #tpu.memory_space<vmem>>
        %dma_start3A_1354 = arith.constant 0 : i32
        %dma_start3A_1355 = arith.constant 0 : i32
        %dma_start3A_1356 = tpu.memref_slice %arg4[%reduce_sum3A_1349, %dma_start3A_1354, %dma_start3A_1355] : memref<125000x8x64xf32, #tpu.memory_space<hbm>> -> memref<1x8x64xf32, #tpu.memory_space<hbm>>
        %dma_start3A_1357 = arith.constant 8 : i32
        %dma_start3A_1358 = arith.constant 0 : i32
        %dma_start3A_1359 = arith.constant 0 : i32
        %dma_start3A_1360 = tpu.memref_slice %arg11[%dma_start3A_1357, %dma_start3A_1358, %dma_start3A_1359] : memref<16x8x64xf32, #tpu.memory_space<vmem>> -> memref<1x8x64xf32, #tpu.memory_space<vmem>>
        %dma_start3A_1361 = arith.constant 0 : i32
        %dma_start3A_1362 = arith.constant 0 : i32
        %dma_start3A_1363 = tpu.memref_slice %arg4[%reduce_sum3A_1349, %dma_start3A_1361, %dma_start3A_1362] : memref<125000x8x64xf32, #tpu.memory_space<hbm>> -> memref<1x8x64xf32, #tpu.memory_space<hbm>>
        tpu.enqueue_dma source(%dma_start3A_1363 : memref<1x8x64xf32, #tpu.memory_space<hbm>>) target(%dma_start3A_1360 : memref<1x8x64xf32, #tpu.memory_space<vmem>>) target_semaphore(%arg16 : memref<!tpu.dma_semaphore, #tpu.memory_space<semaphore_mem>>)
        %mul3A_1364 = arith.muli %gather3A_1192, %convert_element_type3A_38 : vector<16xi32>
        %reduce_sum3A_1365 = arith.constant true
        %reduce_sum3A_1366 = vector.broadcast %reduce_sum3A_1365 : i1 to vector<16xi1>
        %reduce_sum3A_1367 = tpu.scan <sum>, %mul3A_1364 masked %reduce_sum3A_1366 : vector<16xi32>, vector<16xi1> -> vector<16xi32>
        %reduce_sum3A_1368 = vector.extract %reduce_sum3A_1367[15] : i32 from vector<16xi32>
        %dma_start3A_1369 = arith.constant 9 : i32
        %dma_start3A_1370 = arith.constant 0 : i32
        %dma_start3A_1371 = arith.constant 0 : i32
        %dma_start3A_1372 = tpu.memref_slice %arg11[%dma_start3A_1369, %dma_start3A_1370, %dma_start3A_1371] : memref<16x8x64xf32, #tpu.memory_space<vmem>> -> memref<1x8x64xf32, #tpu.memory_space<vmem>>
        %dma_start3A_1373 = arith.constant 0 : i32
        %dma_start3A_1374 = arith.constant 0 : i32
        %dma_start3A_1375 = tpu.memref_slice %arg4[%reduce_sum3A_1368, %dma_start3A_1373, %dma_start3A_1374] : memref<125000x8x64xf32, #tpu.memory_space<hbm>> -> memref<1x8x64xf32, #tpu.memory_space<hbm>>
        %dma_start3A_1376 = arith.constant 9 : i32
        %dma_start3A_1377 = arith.constant 0 : i32
        %dma_start3A_1378 = arith.constant 0 : i32
        %dma_start3A_1379 = tpu.memref_slice %arg11[%dma_start3A_1376, %dma_start3A_1377, %dma_start3A_1378] : memref<16x8x64xf32, #tpu.memory_space<vmem>> -> memref<1x8x64xf32, #tpu.memory_space<vmem>>
        %dma_start3A_1380 = arith.constant 0 : i32
        %dma_start3A_1381 = arith.constant 0 : i32
        %dma_start3A_1382 = tpu.memref_slice %arg4[%reduce_sum3A_1368, %dma_start3A_1380, %dma_start3A_1381] : memref<125000x8x64xf32, #tpu.memory_space<hbm>> -> memref<1x8x64xf32, #tpu.memory_space<hbm>>
        tpu.enqueue_dma source(%dma_start3A_1382 : memref<1x8x64xf32, #tpu.memory_space<hbm>>) target(%dma_start3A_1379 : memref<1x8x64xf32, #tpu.memory_space<vmem>>) target_semaphore(%arg16 : memref<!tpu.dma_semaphore, #tpu.memory_space<semaphore_mem>>)
        %mul3A_1383 = arith.muli %gather3A_1192, %convert_element_type3A_42 : vector<16xi32>
        %reduce_sum3A_1384 = arith.constant true
        %reduce_sum3A_1385 = vector.broadcast %reduce_sum3A_1384 : i1 to vector<16xi1>
        %reduce_sum3A_1386 = tpu.scan <sum>, %mul3A_1383 masked %reduce_sum3A_1385 : vector<16xi32>, vector<16xi1> -> vector<16xi32>
        %reduce_sum3A_1387 = vector.extract %reduce_sum3A_1386[15] : i32 from vector<16xi32>
        %dma_start3A_1388 = arith.constant 10 : i32
        %dma_start3A_1389 = arith.constant 0 : i32
        %dma_start3A_1390 = arith.constant 0 : i32
        %dma_start3A_1391 = tpu.memref_slice %arg11[%dma_start3A_1388, %dma_start3A_1389, %dma_start3A_1390] : memref<16x8x64xf32, #tpu.memory_space<vmem>> -> memref<1x8x64xf32, #tpu.memory_space<vmem>>
        %dma_start3A_1392 = arith.constant 0 : i32
        %dma_start3A_1393 = arith.constant 0 : i32
        %dma_start3A_1394 = tpu.memref_slice %arg4[%reduce_sum3A_1387, %dma_start3A_1392, %dma_start3A_1393] : memref<125000x8x64xf32, #tpu.memory_space<hbm>> -> memref<1x8x64xf32, #tpu.memory_space<hbm>>
        %dma_start3A_1395 = arith.constant 10 : i32
        %dma_start3A_1396 = arith.constant 0 : i32
        %dma_start3A_1397 = arith.constant 0 : i32
        %dma_start3A_1398 = tpu.memref_slice %arg11[%dma_start3A_1395, %dma_start3A_1396, %dma_start3A_1397] : memref<16x8x64xf32, #tpu.memory_space<vmem>> -> memref<1x8x64xf32, #tpu.memory_space<vmem>>
        %dma_start3A_1399 = arith.constant 0 : i32
        %dma_start3A_1400 = arith.constant 0 : i32
        %dma_start3A_1401 = tpu.memref_slice %arg4[%reduce_sum3A_1387, %dma_start3A_1399, %dma_start3A_1400] : memref<125000x8x64xf32, #tpu.memory_space<hbm>> -> memref<1x8x64xf32, #tpu.memory_space<hbm>>
        tpu.enqueue_dma source(%dma_start3A_1401 : memref<1x8x64xf32, #tpu.memory_space<hbm>>) target(%dma_start3A_1398 : memref<1x8x64xf32, #tpu.memory_space<vmem>>) target_semaphore(%arg16 : memref<!tpu.dma_semaphore, #tpu.memory_space<semaphore_mem>>)
        %mul3A_1402 = arith.muli %gather3A_1192, %convert_element_type3A_46 : vector<16xi32>
        %reduce_sum3A_1403 = arith.constant true
        %reduce_sum3A_1404 = vector.broadcast %reduce_sum3A_1403 : i1 to vector<16xi1>
        %reduce_sum3A_1405 = tpu.scan <sum>, %mul3A_1402 masked %reduce_sum3A_1404 : vector<16xi32>, vector<16xi1> -> vector<16xi32>
        %reduce_sum3A_1406 = vector.extract %reduce_sum3A_1405[15] : i32 from vector<16xi32>
        %dma_start3A_1407 = arith.constant 11 : i32
        %dma_start3A_1408 = arith.constant 0 : i32
        %dma_start3A_1409 = arith.constant 0 : i32
        %dma_start3A_1410 = tpu.memref_slice %arg11[%dma_start3A_1407, %dma_start3A_1408, %dma_start3A_1409] : memref<16x8x64xf32, #tpu.memory_space<vmem>> -> memref<1x8x64xf32, #tpu.memory_space<vmem>>
        %dma_start3A_1411 = arith.constant 0 : i32
        %dma_start3A_1412 = arith.constant 0 : i32
        %dma_start3A_1413 = tpu.memref_slice %arg4[%reduce_sum3A_1406, %dma_start3A_1411, %dma_start3A_1412] : memref<125000x8x64xf32, #tpu.memory_space<hbm>> -> memref<1x8x64xf32, #tpu.memory_space<hbm>>
        %dma_start3A_1414 = arith.constant 11 : i32
        %dma_start3A_1415 = arith.constant 0 : i32
        %dma_start3A_1416 = arith.constant 0 : i32
        %dma_start3A_1417 = tpu.memref_slice %arg11[%dma_start3A_1414, %dma_start3A_1415, %dma_start3A_1416] : memref<16x8x64xf32, #tpu.memory_space<vmem>> -> memref<1x8x64xf32, #tpu.memory_space<vmem>>
        %dma_start3A_1418 = arith.constant 0 : i32
        %dma_start3A_1419 = arith.constant 0 : i32
        %dma_start3A_1420 = tpu.memref_slice %arg4[%reduce_sum3A_1406, %dma_start3A_1418, %dma_start3A_1419] : memref<125000x8x64xf32, #tpu.memory_space<hbm>> -> memref<1x8x64xf32, #tpu.memory_space<hbm>>
        tpu.enqueue_dma source(%dma_start3A_1420 : memref<1x8x64xf32, #tpu.memory_space<hbm>>) target(%dma_start3A_1417 : memref<1x8x64xf32, #tpu.memory_space<vmem>>) target_semaphore(%arg16 : memref<!tpu.dma_semaphore, #tpu.memory_space<semaphore_mem>>)
        %mul3A_1421 = arith.muli %gather3A_1192, %convert_element_type3A_50 : vector<16xi32>
        %reduce_sum3A_1422 = arith.constant true
        %reduce_sum3A_1423 = vector.broadcast %reduce_sum3A_1422 : i1 to vector<16xi1>
        %reduce_sum3A_1424 = tpu.scan <sum>, %mul3A_1421 masked %reduce_sum3A_1423 : vector<16xi32>, vector<16xi1> -> vector<16xi32>
        %reduce_sum3A_1425 = vector.extract %reduce_sum3A_1424[15] : i32 from vector<16xi32>
        %dma_start3A_1426 = arith.constant 12 : i32
        %dma_start3A_1427 = arith.constant 0 : i32
        %dma_start3A_1428 = arith.constant 0 : i32
        %dma_start3A_1429 = tpu.memref_slice %arg11[%dma_start3A_1426, %dma_start3A_1427, %dma_start3A_1428] : memref<16x8x64xf32, #tpu.memory_space<vmem>> -> memref<1x8x64xf32, #tpu.memory_space<vmem>>
        %dma_start3A_1430 = arith.constant 0 : i32
        %dma_start3A_1431 = arith.constant 0 : i32
        %dma_start3A_1432 = tpu.memref_slice %arg4[%reduce_sum3A_1425, %dma_start3A_1430, %dma_start3A_1431] : memref<125000x8x64xf32, #tpu.memory_space<hbm>> -> memref<1x8x64xf32, #tpu.memory_space<hbm>>
        %dma_start3A_1433 = arith.constant 12 : i32
        %dma_start3A_1434 = arith.constant 0 : i32
        %dma_start3A_1435 = arith.constant 0 : i32
        %dma_start3A_1436 = tpu.memref_slice %arg11[%dma_start3A_1433, %dma_start3A_1434, %dma_start3A_1435] : memref<16x8x64xf32, #tpu.memory_space<vmem>> -> memref<1x8x64xf32, #tpu.memory_space<vmem>>
        %dma_start3A_1437 = arith.constant 0 : i32
        %dma_start3A_1438 = arith.constant 0 : i32
        %dma_start3A_1439 = tpu.memref_slice %arg4[%reduce_sum3A_1425, %dma_start3A_1437, %dma_start3A_1438] : memref<125000x8x64xf32, #tpu.memory_space<hbm>> -> memref<1x8x64xf32, #tpu.memory_space<hbm>>
        tpu.enqueue_dma source(%dma_start3A_1439 : memref<1x8x64xf32, #tpu.memory_space<hbm>>) target(%dma_start3A_1436 : memref<1x8x64xf32, #tpu.memory_space<vmem>>) target_semaphore(%arg16 : memref<!tpu.dma_semaphore, #tpu.memory_space<semaphore_mem>>)
        %mul3A_1440 = arith.muli %gather3A_1192, %convert_element_type3A_54 : vector<16xi32>
        %reduce_sum3A_1441 = arith.constant true
        %reduce_sum3A_1442 = vector.broadcast %reduce_sum3A_1441 : i1 to vector<16xi1>
        %reduce_sum3A_1443 = tpu.scan <sum>, %mul3A_1440 masked %reduce_sum3A_1442 : vector<16xi32>, vector<16xi1> -> vector<16xi32>
        %reduce_sum3A_1444 = vector.extract %reduce_sum3A_1443[15] : i32 from vector<16xi32>
        %dma_start3A_1445 = arith.constant 13 : i32
        %dma_start3A_1446 = arith.constant 0 : i32
        %dma_start3A_1447 = arith.constant 0 : i32
        %dma_start3A_1448 = tpu.memref_slice %arg11[%dma_start3A_1445, %dma_start3A_1446, %dma_start3A_1447] : memref<16x8x64xf32, #tpu.memory_space<vmem>> -> memref<1x8x64xf32, #tpu.memory_space<vmem>>
        %dma_start3A_1449 = arith.constant 0 : i32
        %dma_start3A_1450 = arith.constant 0 : i32
        %dma_start3A_1451 = tpu.memref_slice %arg4[%reduce_sum3A_1444, %dma_start3A_1449, %dma_start3A_1450] : memref<125000x8x64xf32, #tpu.memory_space<hbm>> -> memref<1x8x64xf32, #tpu.memory_space<hbm>>
        %dma_start3A_1452 = arith.constant 13 : i32
        %dma_start3A_1453 = arith.constant 0 : i32
        %dma_start3A_1454 = arith.constant 0 : i32
        %dma_start3A_1455 = tpu.memref_slice %arg11[%dma_start3A_1452, %dma_start3A_1453, %dma_start3A_1454] : memref<16x8x64xf32, #tpu.memory_space<vmem>> -> memref<1x8x64xf32, #tpu.memory_space<vmem>>
        %dma_start3A_1456 = arith.constant 0 : i32
        %dma_start3A_1457 = arith.constant 0 : i32
        %dma_start3A_1458 = tpu.memref_slice %arg4[%reduce_sum3A_1444, %dma_start3A_1456, %dma_start3A_1457] : memref<125000x8x64xf32, #tpu.memory_space<hbm>> -> memref<1x8x64xf32, #tpu.memory_space<hbm>>
        tpu.enqueue_dma source(%dma_start3A_1458 : memref<1x8x64xf32, #tpu.memory_space<hbm>>) target(%dma_start3A_1455 : memref<1x8x64xf32, #tpu.memory_space<vmem>>) target_semaphore(%arg16 : memref<!tpu.dma_semaphore, #tpu.memory_space<semaphore_mem>>)
        %mul3A_1459 = arith.muli %gather3A_1192, %convert_element_type3A_58 : vector<16xi32>
        %reduce_sum3A_1460 = arith.constant true
        %reduce_sum3A_1461 = vector.broadcast %reduce_sum3A_1460 : i1 to vector<16xi1>
        %reduce_sum3A_1462 = tpu.scan <sum>, %mul3A_1459 masked %reduce_sum3A_1461 : vector<16xi32>, vector<16xi1> -> vector<16xi32>
        %reduce_sum3A_1463 = vector.extract %reduce_sum3A_1462[15] : i32 from vector<16xi32>
        %dma_start3A_1464 = arith.constant 14 : i32
        %dma_start3A_1465 = arith.constant 0 : i32
        %dma_start3A_1466 = arith.constant 0 : i32
        %dma_start3A_1467 = tpu.memref_slice %arg11[%dma_start3A_1464, %dma_start3A_1465, %dma_start3A_1466] : memref<16x8x64xf32, #tpu.memory_space<vmem>> -> memref<1x8x64xf32, #tpu.memory_space<vmem>>
        %dma_start3A_1468 = arith.constant 0 : i32
        %dma_start3A_1469 = arith.constant 0 : i32
        %dma_start3A_1470 = tpu.memref_slice %arg4[%reduce_sum3A_1463, %dma_start3A_1468, %dma_start3A_1469] : memref<125000x8x64xf32, #tpu.memory_space<hbm>> -> memref<1x8x64xf32, #tpu.memory_space<hbm>>
        %dma_start3A_1471 = arith.constant 14 : i32
        %dma_start3A_1472 = arith.constant 0 : i32
        %dma_start3A_1473 = arith.constant 0 : i32
        %dma_start3A_1474 = tpu.memref_slice %arg11[%dma_start3A_1471, %dma_start3A_1472, %dma_start3A_1473] : memref<16x8x64xf32, #tpu.memory_space<vmem>> -> memref<1x8x64xf32, #tpu.memory_space<vmem>>
        %dma_start3A_1475 = arith.constant 0 : i32
        %dma_start3A_1476 = arith.constant 0 : i32
        %dma_start3A_1477 = tpu.memref_slice %arg4[%reduce_sum3A_1463, %dma_start3A_1475, %dma_start3A_1476] : memref<125000x8x64xf32, #tpu.memory_space<hbm>> -> memref<1x8x64xf32, #tpu.memory_space<hbm>>
        tpu.enqueue_dma source(%dma_start3A_1477 : memref<1x8x64xf32, #tpu.memory_space<hbm>>) target(%dma_start3A_1474 : memref<1x8x64xf32, #tpu.memory_space<vmem>>) target_semaphore(%arg16 : memref<!tpu.dma_semaphore, #tpu.memory_space<semaphore_mem>>)
        %mul3A_1478 = arith.muli %gather3A_1192, %convert_element_type3A_62 : vector<16xi32>
        %reduce_sum3A_1479 = arith.constant true
        %reduce_sum3A_1480 = vector.broadcast %reduce_sum3A_1479 : i1 to vector<16xi1>
        %reduce_sum3A_1481 = tpu.scan <sum>, %mul3A_1478 masked %reduce_sum3A_1480 : vector<16xi32>, vector<16xi1> -> vector<16xi32>
        %reduce_sum3A_1482 = vector.extract %reduce_sum3A_1481[15] : i32 from vector<16xi32>
        %dma_start3A_1483 = arith.constant 15 : i32
        %dma_start3A_1484 = arith.constant 0 : i32
        %dma_start3A_1485 = arith.constant 0 : i32
        %dma_start3A_1486 = tpu.memref_slice %arg11[%dma_start3A_1483, %dma_start3A_1484, %dma_start3A_1485] : memref<16x8x64xf32, #tpu.memory_space<vmem>> -> memref<1x8x64xf32, #tpu.memory_space<vmem>>
        %dma_start3A_1487 = arith.constant 0 : i32
        %dma_start3A_1488 = arith.constant 0 : i32
        %dma_start3A_1489 = tpu.memref_slice %arg4[%reduce_sum3A_1482, %dma_start3A_1487, %dma_start3A_1488] : memref<125000x8x64xf32, #tpu.memory_space<hbm>> -> memref<1x8x64xf32, #tpu.memory_space<hbm>>
        %dma_start3A_1490 = arith.constant 15 : i32
        %dma_start3A_1491 = arith.constant 0 : i32
        %dma_start3A_1492 = arith.constant 0 : i32
        %dma_start3A_1493 = tpu.memref_slice %arg11[%dma_start3A_1490, %dma_start3A_1491, %dma_start3A_1492] : memref<16x8x64xf32, #tpu.memory_space<vmem>> -> memref<1x8x64xf32, #tpu.memory_space<vmem>>
        %dma_start3A_1494 = arith.constant 0 : i32
        %dma_start3A_1495 = arith.constant 0 : i32
        %dma_start3A_1496 = tpu.memref_slice %arg4[%reduce_sum3A_1482, %dma_start3A_1494, %dma_start3A_1495] : memref<125000x8x64xf32, #tpu.memory_space<hbm>> -> memref<1x8x64xf32, #tpu.memory_space<hbm>>
        tpu.enqueue_dma source(%dma_start3A_1496 : memref<1x8x64xf32, #tpu.memory_space<hbm>>) target(%dma_start3A_1493 : memref<1x8x64xf32, #tpu.memory_space<vmem>>) target_semaphore(%arg16 : memref<!tpu.dma_semaphore, #tpu.memory_space<semaphore_mem>>)
      } else {
      }
      %dma_wait3A = arith.constant 0 : i32
      %dma_wait3A_1007 = arith.constant 0 : i32
      %dma_wait3A_1008 = arith.constant 0 : i32
      %dma_wait3A_1009 = tpu.memref_slice %arg4[%dma_wait3A, %dma_wait3A_1007, %dma_wait3A_1008] : memref<125000x8x64xf32, #tpu.memory_space<hbm>> -> memref<16x8x64xf32, #tpu.memory_space<hbm>>
      %dma_wait3A_1010 = arith.constant 0 : i32
      %dma_wait3A_1011 = arith.constant 0 : i32
      %dma_wait3A_1012 = arith.constant 0 : i32
      %dma_wait3A_1013 = tpu.memref_slice %arg4[%dma_wait3A_1010, %dma_wait3A_1011, %dma_wait3A_1012] : memref<125000x8x64xf32, #tpu.memory_space<hbm>> -> memref<16x8x64xf32, #tpu.memory_space<hbm>>
      tpu.wait_dma2 semaphore(%arg13 : memref<!tpu.dma_semaphore, #tpu.memory_space<semaphore_mem>>) src(%dma_wait3A_1013 : memref<16x8x64xf32, #tpu.memory_space<hbm>>) dst(%arg8 : memref<16x8x64xf32, #tpu.memory_space<vmem>>)
      %shift_right_arithmetic3A = arith.constant 3 : i32
      %shift_right_arithmetic3A_1014 = arith.shrsi %add3A_1000, %shift_right_arithmetic3A : i32
      %broadcast_in_dim3A_1015 = vector.broadcast %shift_right_arithmetic3A_1014 : i32 to vector<16xi32>
      %and3A = arith.constant 7 : i32
      %and3A_1016 = arith.andi %add3A_1000, %and3A : i32
      %mul3A_1017 = arith.constant 16 : i32
      %mul3A_1018 = arith.muli %and3A_1016, %mul3A_1017 : i32
      %add3A_1019 = vector.broadcast %mul3A_1018 : i32 to vector<16xi32>
      %add3A_1020 = arith.addi %iota3A, %add3A_1019 : vector<16xi32>
      %gather3A_1021 = tpu.vector_load_idx %arg7[%broadcast_in_dim3A_1015, %add3A_1020] : memref<8x128xi32, #tpu.memory_space<vmem>>[vector<16xi32>, vector<16xi32>], vector<16xi32>,
      %and3A_1022 = arith.constant 7 : i32
      %and3A_1023 = arith.andi %add3A_1000, %and3A_1022 : i32
      %mul3A_1024 = arith.constant 16 : i32
      %mul3A_1025 = arith.muli %and3A_1023, %mul3A_1024 : i32
      %add3A_1026 = vector.broadcast %mul3A_1025 : i32 to vector<16xi32>
      %add3A_1027 = arith.addi %iota3A, %add3A_1026 : vector<16xi32>
      %scan3A_1028 = arith.constant 0 : i32
      %scan3A_1029 = arith.constant 0 : i32
      %scan3A_1030 = arith.constant 16 : i32
      %scan3A_1031 = arith.addi %scan3A_1029, %scan3A_1030 : i32
      %scan3A_1032 = arith.constant 1 : i32
      %scan3A_1033 = scf.for %scan3A_1179 = %scan3A_1029 to %scan3A_1031 step %scan3A_1032 iter_args(%scan3A_1180 = %scan3A_1028) -> (i32)  : i32 {
        %mul3A_1181 = arith.constant 4 : i32
        %mul3A_1182 = arith.muli %scan3A_1179, %mul3A_1181 : i32
        %add3A_1183 = arith.constant 0 : i32
        %add3A_1184 = arith.addi %mul3A_1182, %add3A_1183 : i32
        %broadcast_in_dim3A_1185 = vector.broadcast %add3A_1184 : i32 to vector<16xi32>
        %gather3A_1186 = tpu.vector_load_idx %arg8[%iota3A, %gather3A_1021, %broadcast_in_dim3A_1185] : memref<16x8x64xf32, #tpu.memory_space<vmem>>[vector<16xi32>, vector<16xi32>, vector<16xi32>], vector<16xf32>,
        tpu.vector_store_idx %arg12[%add3A_1027, %broadcast_in_dim3A_1185], %gather3A_1186 : memref<128x64xf32, #tpu.memory_space<vmem>>[vector<16xi32>, vector<16xi32>], vector<16xf32>,
        %mul3A_1187 = arith.constant 4 : i32
        %mul3A_1188 = arith.muli %scan3A_1179, %mul3A_1187 : i32
        %add3A_1189 = arith.constant 1 : i32
        %add3A_1190 = arith.addi %mul3A_1188, %add3A_1189 : i32
        %broadcast_in_dim3A_1191 = vector.broadcast %add3A_1190 : i32 to vector<16xi32>
        %gather3A_1192 = tpu.vector_load_idx %arg8[%iota3A, %gather3A_1021, %broadcast_in_dim3A_1191] : memref<16x8x64xf32, #tpu.memory_space<vmem>>[vector<16xi32>, vector<16xi32>, vector<16xi32>], vector<16xf32>,
        tpu.vector_store_idx %arg12[%add3A_1027, %broadcast_in_dim3A_1191], %gather3A_1192 : memref<128x64xf32, #tpu.memory_space<vmem>>[vector<16xi32>, vector<16xi32>], vector<16xf32>,
        %mul3A_1193 = arith.constant 4 : i32
        %mul3A_1194 = arith.muli %scan3A_1179, %mul3A_1193 : i32
        %add3A_1195 = arith.constant 2 : i32
        %add3A_1196 = arith.addi %mul3A_1194, %add3A_1195 : i32
        %broadcast_in_dim3A_1197 = vector.broadcast %add3A_1196 : i32 to vector<16xi32>
        %gather3A_1198 = tpu.vector_load_idx %arg8[%iota3A, %gather3A_1021, %broadcast_in_dim3A_1197] : memref<16x8x64xf32, #tpu.memory_space<vmem>>[vector<16xi32>, vector<16xi32>, vector<16xi32>], vector<16xf32>,
        tpu.vector_store_idx %arg12[%add3A_1027, %broadcast_in_dim3A_1197], %gather3A_1198 : memref<128x64xf32, #tpu.memory_space<vmem>>[vector<16xi32>, vector<16xi32>], vector<16xf32>,
        %mul3A_1199 = arith.constant 4 : i32
        %mul3A_1200 = arith.muli %scan3A_1179, %mul3A_1199 : i32
        %add3A_1201 = arith.constant 3 : i32
        %add3A_1202 = arith.addi %mul3A_1200, %add3A_1201 : i32
        %broadcast_in_dim3A_1203 = vector.broadcast %add3A_1202 : i32 to vector<16xi32>
        %gather3A_1204 = tpu.vector_load_idx %arg8[%iota3A, %gather3A_1021, %broadcast_in_dim3A_1203] : memref<16x8x64xf32, #tpu.memory_space<vmem>>[vector<16xi32>, vector<16xi32>, vector<16xi32>], vector<16xf32>,
        tpu.vector_store_idx %arg12[%add3A_1027, %broadcast_in_dim3A_1203], %gather3A_1204 : memref<128x64xf32, #tpu.memory_space<vmem>>[vector<16xi32>, vector<16xi32>], vector<16xf32>,
        %scan3A_1205 = arith.constant 0 : i32
        scf.yield %scan3A_1205 : i32
      }
      %scan3A_1034 = arith.constant 16 : i32
      %add3A_1035 = arith.constant 1 : i32
      %add3A_1036 = arith.addi %mul3A_998, %add3A_1035 : i32
      %add3A_1037 = arith.constant 4 : i32
      %add3A_1038 = arith.addi %add3A_1036, %add3A_1037 : i32
      %sub3A_1039 = arith.constant 1 : i32
      %sub3A_1040 = arith.subi %add3A_1038, %sub3A_1039 : i32
      %lt3A_1041 = arith.constant 40 : i32
      %lt3A_1042 = arith.cmpi slt, %sub3A_1040, %lt3A_1041 : i32
      %convert_element_type3A_1043 = arith.extui %lt3A_1042 : i1 to i32
      %cond3A_1044 = arith.constant 0 : i32
      %cond3A_1045 = arith.cmpi ne, %convert_element_type3A_1043, %cond3A_1044 : i32
      scf.if %cond3A_1045 {
        %add3A_1179 = arith.constant 4 : i32
        %add3A_1180 = arith.addi %add3A_1036, %add3A_1179 : i32
        %sub3A_1181 = arith.constant 1 : i32
        %sub3A_1182 = arith.subi %add3A_1180, %sub3A_1181 : i32
        %shift_right_arithmetic3A_1183 = arith.constant 3 : i32
        %shift_right_arithmetic3A_1184 = arith.shrsi %sub3A_1182, %shift_right_arithmetic3A_1183 : i32
        %broadcast_in_dim3A_1185 = vector.broadcast %shift_right_arithmetic3A_1184 : i32 to vector<16xi32>
        %and3A_1186 = arith.constant 7 : i32
        %and3A_1187 = arith.andi %sub3A_1182, %and3A_1186 : i32
        %mul3A_1188 = arith.constant 16 : i32
        %mul3A_1189 = arith.muli %and3A_1187, %mul3A_1188 : i32
        %add3A_1190 = vector.broadcast %mul3A_1189 : i32 to vector<16xi32>
        %add3A_1191 = arith.addi %iota3A, %add3A_1190 : vector<16xi32>
        %gather3A_1192 = tpu.vector_load_idx %arg6[%broadcast_in_dim3A_1185, %add3A_1191] : memref<8x128xi32, #tpu.memory_space<vmem>>[vector<16xi32>, vector<16xi32>], vector<16xi32>,
        %mul3A_1193 = arith.muli %gather3A_1192, %convert_element_type3A : vector<16xi32>
        %reduce_sum3A_1194 = arith.constant true
        %reduce_sum3A_1195 = vector.broadcast %reduce_sum3A_1194 : i1 to vector<16xi1>
        %reduce_sum3A_1196 = tpu.scan <sum>, %mul3A_1193 masked %reduce_sum3A_1195 : vector<16xi32>, vector<16xi1> -> vector<16xi32>
        %reduce_sum3A_1197 = vector.extract %reduce_sum3A_1196[15] : i32 from vector<16xi32>
        %dma_start3A_1198 = arith.constant 0 : i32
        %dma_start3A_1199 = arith.constant 0 : i32
        %dma_start3A_1200 = arith.constant 0 : i32
        %dma_start3A_1201 = tpu.memref_slice %arg8[%dma_start3A_1198, %dma_start3A_1199, %dma_start3A_1200] : memref<16x8x64xf32, #tpu.memory_space<vmem>> -> memref<1x8x64xf32, #tpu.memory_space<vmem>>
        %dma_start3A_1202 = arith.constant 0 : i32
        %dma_start3A_1203 = arith.constant 0 : i32
        %dma_start3A_1204 = tpu.memref_slice %arg4[%reduce_sum3A_1197, %dma_start3A_1202, %dma_start3A_1203] : memref<125000x8x64xf32, #tpu.memory_space<hbm>> -> memref<1x8x64xf32, #tpu.memory_space<hbm>>
        %dma_start3A_1205 = arith.constant 0 : i32
        %dma_start3A_1206 = arith.constant 0 : i32
        %dma_start3A_1207 = arith.constant 0 : i32
        %dma_start3A_1208 = tpu.memref_slice %arg8[%dma_start3A_1205, %dma_start3A_1206, %dma_start3A_1207] : memref<16x8x64xf32, #tpu.memory_space<vmem>> -> memref<1x8x64xf32, #tpu.memory_space<vmem>>
        %dma_start3A_1209 = arith.constant 0 : i32
        %dma_start3A_1210 = arith.constant 0 : i32
        %dma_start3A_1211 = tpu.memref_slice %arg4[%reduce_sum3A_1197, %dma_start3A_1209, %dma_start3A_1210] : memref<125000x8x64xf32, #tpu.memory_space<hbm>> -> memref<1x8x64xf32, #tpu.memory_space<hbm>>
        tpu.enqueue_dma source(%dma_start3A_1211 : memref<1x8x64xf32, #tpu.memory_space<hbm>>) target(%dma_start3A_1208 : memref<1x8x64xf32, #tpu.memory_space<vmem>>) target_semaphore(%arg13 : memref<!tpu.dma_semaphore, #tpu.memory_space<semaphore_mem>>)
        %mul3A_1212 = arith.muli %gather3A_1192, %convert_element_type3A_6 : vector<16xi32>
        %reduce_sum3A_1213 = arith.constant true
        %reduce_sum3A_1214 = vector.broadcast %reduce_sum3A_1213 : i1 to vector<16xi1>
        %reduce_sum3A_1215 = tpu.scan <sum>, %mul3A_1212 masked %reduce_sum3A_1214 : vector<16xi32>, vector<16xi1> -> vector<16xi32>
        %reduce_sum3A_1216 = vector.extract %reduce_sum3A_1215[15] : i32 from vector<16xi32>
        %dma_start3A_1217 = arith.constant 1 : i32
        %dma_start3A_1218 = arith.constant 0 : i32
        %dma_start3A_1219 = arith.constant 0 : i32
        %dma_start3A_1220 = tpu.memref_slice %arg8[%dma_start3A_1217, %dma_start3A_1218, %dma_start3A_1219] : memref<16x8x64xf32, #tpu.memory_space<vmem>> -> memref<1x8x64xf32, #tpu.memory_space<vmem>>
        %dma_start3A_1221 = arith.constant 0 : i32
        %dma_start3A_1222 = arith.constant 0 : i32
        %dma_start3A_1223 = tpu.memref_slice %arg4[%reduce_sum3A_1216, %dma_start3A_1221, %dma_start3A_1222] : memref<125000x8x64xf32, #tpu.memory_space<hbm>> -> memref<1x8x64xf32, #tpu.memory_space<hbm>>
        %dma_start3A_1224 = arith.constant 1 : i32
        %dma_start3A_1225 = arith.constant 0 : i32
        %dma_start3A_1226 = arith.constant 0 : i32
        %dma_start3A_1227 = tpu.memref_slice %arg8[%dma_start3A_1224, %dma_start3A_1225, %dma_start3A_1226] : memref<16x8x64xf32, #tpu.memory_space<vmem>> -> memref<1x8x64xf32, #tpu.memory_space<vmem>>
        %dma_start3A_1228 = arith.constant 0 : i32
        %dma_start3A_1229 = arith.constant 0 : i32
        %dma_start3A_1230 = tpu.memref_slice %arg4[%reduce_sum3A_1216, %dma_start3A_1228, %dma_start3A_1229] : memref<125000x8x64xf32, #tpu.memory_space<hbm>> -> memref<1x8x64xf32, #tpu.memory_space<hbm>>
        tpu.enqueue_dma source(%dma_start3A_1230 : memref<1x8x64xf32, #tpu.memory_space<hbm>>) target(%dma_start3A_1227 : memref<1x8x64xf32, #tpu.memory_space<vmem>>) target_semaphore(%arg13 : memref<!tpu.dma_semaphore, #tpu.memory_space<semaphore_mem>>)
        %mul3A_1231 = arith.muli %gather3A_1192, %convert_element_type3A_10 : vector<16xi32>
        %reduce_sum3A_1232 = arith.constant true
        %reduce_sum3A_1233 = vector.broadcast %reduce_sum3A_1232 : i1 to vector<16xi1>
        %reduce_sum3A_1234 = tpu.scan <sum>, %mul3A_1231 masked %reduce_sum3A_1233 : vector<16xi32>, vector<16xi1> -> vector<16xi32>
        %reduce_sum3A_1235 = vector.extract %reduce_sum3A_1234[15] : i32 from vector<16xi32>
        %dma_start3A_1236 = arith.constant 2 : i32
        %dma_start3A_1237 = arith.constant 0 : i32
        %dma_start3A_1238 = arith.constant 0 : i32
        %dma_start3A_1239 = tpu.memref_slice %arg8[%dma_start3A_1236, %dma_start3A_1237, %dma_start3A_1238] : memref<16x8x64xf32, #tpu.memory_space<vmem>> -> memref<1x8x64xf32, #tpu.memory_space<vmem>>
        %dma_start3A_1240 = arith.constant 0 : i32
        %dma_start3A_1241 = arith.constant 0 : i32
        %dma_start3A_1242 = tpu.memref_slice %arg4[%reduce_sum3A_1235, %dma_start3A_1240, %dma_start3A_1241] : memref<125000x8x64xf32, #tpu.memory_space<hbm>> -> memref<1x8x64xf32, #tpu.memory_space<hbm>>
        %dma_start3A_1243 = arith.constant 2 : i32
        %dma_start3A_1244 = arith.constant 0 : i32
        %dma_start3A_1245 = arith.constant 0 : i32
        %dma_start3A_1246 = tpu.memref_slice %arg8[%dma_start3A_1243, %dma_start3A_1244, %dma_start3A_1245] : memref<16x8x64xf32, #tpu.memory_space<vmem>> -> memref<1x8x64xf32, #tpu.memory_space<vmem>>
        %dma_start3A_1247 = arith.constant 0 : i32
        %dma_start3A_1248 = arith.constant 0 : i32
        %dma_start3A_1249 = tpu.memref_slice %arg4[%reduce_sum3A_1235, %dma_start3A_1247, %dma_start3A_1248] : memref<125000x8x64xf32, #tpu.memory_space<hbm>> -> memref<1x8x64xf32, #tpu.memory_space<hbm>>
        tpu.enqueue_dma source(%dma_start3A_1249 : memref<1x8x64xf32, #tpu.memory_space<hbm>>) target(%dma_start3A_1246 : memref<1x8x64xf32, #tpu.memory_space<vmem>>) target_semaphore(%arg13 : memref<!tpu.dma_semaphore, #tpu.memory_space<semaphore_mem>>)
        %mul3A_1250 = arith.muli %gather3A_1192, %convert_element_type3A_14 : vector<16xi32>
        %reduce_sum3A_1251 = arith.constant true
        %reduce_sum3A_1252 = vector.broadcast %reduce_sum3A_1251 : i1 to vector<16xi1>
        %reduce_sum3A_1253 = tpu.scan <sum>, %mul3A_1250 masked %reduce_sum3A_1252 : vector<16xi32>, vector<16xi1> -> vector<16xi32>
        %reduce_sum3A_1254 = vector.extract %reduce_sum3A_1253[15] : i32 from vector<16xi32>
        %dma_start3A_1255 = arith.constant 3 : i32
        %dma_start3A_1256 = arith.constant 0 : i32
        %dma_start3A_1257 = arith.constant 0 : i32
        %dma_start3A_1258 = tpu.memref_slice %arg8[%dma_start3A_1255, %dma_start3A_1256, %dma_start3A_1257] : memref<16x8x64xf32, #tpu.memory_space<vmem>> -> memref<1x8x64xf32, #tpu.memory_space<vmem>>
        %dma_start3A_1259 = arith.constant 0 : i32
        %dma_start3A_1260 = arith.constant 0 : i32
        %dma_start3A_1261 = tpu.memref_slice %arg4[%reduce_sum3A_1254, %dma_start3A_1259, %dma_start3A_1260] : memref<125000x8x64xf32, #tpu.memory_space<hbm>> -> memref<1x8x64xf32, #tpu.memory_space<hbm>>
        %dma_start3A_1262 = arith.constant 3 : i32
        %dma_start3A_1263 = arith.constant 0 : i32
        %dma_start3A_1264 = arith.constant 0 : i32
        %dma_start3A_1265 = tpu.memref_slice %arg8[%dma_start3A_1262, %dma_start3A_1263, %dma_start3A_1264] : memref<16x8x64xf32, #tpu.memory_space<vmem>> -> memref<1x8x64xf32, #tpu.memory_space<vmem>>
        %dma_start3A_1266 = arith.constant 0 : i32
        %dma_start3A_1267 = arith.constant 0 : i32
        %dma_start3A_1268 = tpu.memref_slice %arg4[%reduce_sum3A_1254, %dma_start3A_1266, %dma_start3A_1267] : memref<125000x8x64xf32, #tpu.memory_space<hbm>> -> memref<1x8x64xf32, #tpu.memory_space<hbm>>
        tpu.enqueue_dma source(%dma_start3A_1268 : memref<1x8x64xf32, #tpu.memory_space<hbm>>) target(%dma_start3A_1265 : memref<1x8x64xf32, #tpu.memory_space<vmem>>) target_semaphore(%arg13 : memref<!tpu.dma_semaphore, #tpu.memory_space<semaphore_mem>>)
        %mul3A_1269 = arith.muli %gather3A_1192, %convert_element_type3A_18 : vector<16xi32>
        %reduce_sum3A_1270 = arith.constant true
        %reduce_sum3A_1271 = vector.broadcast %reduce_sum3A_1270 : i1 to vector<16xi1>
        %reduce_sum3A_1272 = tpu.scan <sum>, %mul3A_1269 masked %reduce_sum3A_1271 : vector<16xi32>, vector<16xi1> -> vector<16xi32>
        %reduce_sum3A_1273 = vector.extract %reduce_sum3A_1272[15] : i32 from vector<16xi32>
        %dma_start3A_1274 = arith.constant 4 : i32
        %dma_start3A_1275 = arith.constant 0 : i32
        %dma_start3A_1276 = arith.constant 0 : i32
        %dma_start3A_1277 = tpu.memref_slice %arg8[%dma_start3A_1274, %dma_start3A_1275, %dma_start3A_1276] : memref<16x8x64xf32, #tpu.memory_space<vmem>> -> memref<1x8x64xf32, #tpu.memory_space<vmem>>
        %dma_start3A_1278 = arith.constant 0 : i32
        %dma_start3A_1279 = arith.constant 0 : i32
        %dma_start3A_1280 = tpu.memref_slice %arg4[%reduce_sum3A_1273, %dma_start3A_1278, %dma_start3A_1279] : memref<125000x8x64xf32, #tpu.memory_space<hbm>> -> memref<1x8x64xf32, #tpu.memory_space<hbm>>
        %dma_start3A_1281 = arith.constant 4 : i32
        %dma_start3A_1282 = arith.constant 0 : i32
        %dma_start3A_1283 = arith.constant 0 : i32
        %dma_start3A_1284 = tpu.memref_slice %arg8[%dma_start3A_1281, %dma_start3A_1282, %dma_start3A_1283] : memref<16x8x64xf32, #tpu.memory_space<vmem>> -> memref<1x8x64xf32, #tpu.memory_space<vmem>>
        %dma_start3A_1285 = arith.constant 0 : i32
        %dma_start3A_1286 = arith.constant 0 : i32
        %dma_start3A_1287 = tpu.memref_slice %arg4[%reduce_sum3A_1273, %dma_start3A_1285, %dma_start3A_1286] : memref<125000x8x64xf32, #tpu.memory_space<hbm>> -> memref<1x8x64xf32, #tpu.memory_space<hbm>>
        tpu.enqueue_dma source(%dma_start3A_1287 : memref<1x8x64xf32, #tpu.memory_space<hbm>>) target(%dma_start3A_1284 : memref<1x8x64xf32, #tpu.memory_space<vmem>>) target_semaphore(%arg13 : memref<!tpu.dma_semaphore, #tpu.memory_space<semaphore_mem>>)
        %mul3A_1288 = arith.muli %gather3A_1192, %convert_element_type3A_22 : vector<16xi32>
        %reduce_sum3A_1289 = arith.constant true
        %reduce_sum3A_1290 = vector.broadcast %reduce_sum3A_1289 : i1 to vector<16xi1>
        %reduce_sum3A_1291 = tpu.scan <sum>, %mul3A_1288 masked %reduce_sum3A_1290 : vector<16xi32>, vector<16xi1> -> vector<16xi32>
        %reduce_sum3A_1292 = vector.extract %reduce_sum3A_1291[15] : i32 from vector<16xi32>
        %dma_start3A_1293 = arith.constant 5 : i32
        %dma_start3A_1294 = arith.constant 0 : i32
        %dma_start3A_1295 = arith.constant 0 : i32
        %dma_start3A_1296 = tpu.memref_slice %arg8[%dma_start3A_1293, %dma_start3A_1294, %dma_start3A_1295] : memref<16x8x64xf32, #tpu.memory_space<vmem>> -> memref<1x8x64xf32, #tpu.memory_space<vmem>>
        %dma_start3A_1297 = arith.constant 0 : i32
        %dma_start3A_1298 = arith.constant 0 : i32
        %dma_start3A_1299 = tpu.memref_slice %arg4[%reduce_sum3A_1292, %dma_start3A_1297, %dma_start3A_1298] : memref<125000x8x64xf32, #tpu.memory_space<hbm>> -> memref<1x8x64xf32, #tpu.memory_space<hbm>>
        %dma_start3A_1300 = arith.constant 5 : i32
        %dma_start3A_1301 = arith.constant 0 : i32
        %dma_start3A_1302 = arith.constant 0 : i32
        %dma_start3A_1303 = tpu.memref_slice %arg8[%dma_start3A_1300, %dma_start3A_1301, %dma_start3A_1302] : memref<16x8x64xf32, #tpu.memory_space<vmem>> -> memref<1x8x64xf32, #tpu.memory_space<vmem>>
        %dma_start3A_1304 = arith.constant 0 : i32
        %dma_start3A_1305 = arith.constant 0 : i32
        %dma_start3A_1306 = tpu.memref_slice %arg4[%reduce_sum3A_1292, %dma_start3A_1304, %dma_start3A_1305] : memref<125000x8x64xf32, #tpu.memory_space<hbm>> -> memref<1x8x64xf32, #tpu.memory_space<hbm>>
        tpu.enqueue_dma source(%dma_start3A_1306 : memref<1x8x64xf32, #tpu.memory_space<hbm>>) target(%dma_start3A_1303 : memref<1x8x64xf32, #tpu.memory_space<vmem>>) target_semaphore(%arg13 : memref<!tpu.dma_semaphore, #tpu.memory_space<semaphore_mem>>)
        %mul3A_1307 = arith.muli %gather3A_1192, %convert_element_type3A_26 : vector<16xi32>
        %reduce_sum3A_1308 = arith.constant true
        %reduce_sum3A_1309 = vector.broadcast %reduce_sum3A_1308 : i1 to vector<16xi1>
        %reduce_sum3A_1310 = tpu.scan <sum>, %mul3A_1307 masked %reduce_sum3A_1309 : vector<16xi32>, vector<16xi1> -> vector<16xi32>
        %reduce_sum3A_1311 = vector.extract %reduce_sum3A_1310[15] : i32 from vector<16xi32>
        %dma_start3A_1312 = arith.constant 6 : i32
        %dma_start3A_1313 = arith.constant 0 : i32
        %dma_start3A_1314 = arith.constant 0 : i32
        %dma_start3A_1315 = tpu.memref_slice %arg8[%dma_start3A_1312, %dma_start3A_1313, %dma_start3A_1314] : memref<16x8x64xf32, #tpu.memory_space<vmem>> -> memref<1x8x64xf32, #tpu.memory_space<vmem>>
        %dma_start3A_1316 = arith.constant 0 : i32
        %dma_start3A_1317 = arith.constant 0 : i32
        %dma_start3A_1318 = tpu.memref_slice %arg4[%reduce_sum3A_1311, %dma_start3A_1316, %dma_start3A_1317] : memref<125000x8x64xf32, #tpu.memory_space<hbm>> -> memref<1x8x64xf32, #tpu.memory_space<hbm>>
        %dma_start3A_1319 = arith.constant 6 : i32
        %dma_start3A_1320 = arith.constant 0 : i32
        %dma_start3A_1321 = arith.constant 0 : i32
        %dma_start3A_1322 = tpu.memref_slice %arg8[%dma_start3A_1319, %dma_start3A_1320, %dma_start3A_1321] : memref<16x8x64xf32, #tpu.memory_space<vmem>> -> memref<1x8x64xf32, #tpu.memory_space<vmem>>
        %dma_start3A_1323 = arith.constant 0 : i32
        %dma_start3A_1324 = arith.constant 0 : i32
        %dma_start3A_1325 = tpu.memref_slice %arg4[%reduce_sum3A_1311, %dma_start3A_1323, %dma_start3A_1324] : memref<125000x8x64xf32, #tpu.memory_space<hbm>> -> memref<1x8x64xf32, #tpu.memory_space<hbm>>
        tpu.enqueue_dma source(%dma_start3A_1325 : memref<1x8x64xf32, #tpu.memory_space<hbm>>) target(%dma_start3A_1322 : memref<1x8x64xf32, #tpu.memory_space<vmem>>) target_semaphore(%arg13 : memref<!tpu.dma_semaphore, #tpu.memory_space<semaphore_mem>>)
        %mul3A_1326 = arith.muli %gather3A_1192, %convert_element_type3A_30 : vector<16xi32>
        %reduce_sum3A_1327 = arith.constant true
        %reduce_sum3A_1328 = vector.broadcast %reduce_sum3A_1327 : i1 to vector<16xi1>
        %reduce_sum3A_1329 = tpu.scan <sum>, %mul3A_1326 masked %reduce_sum3A_1328 : vector<16xi32>, vector<16xi1> -> vector<16xi32>
        %reduce_sum3A_1330 = vector.extract %reduce_sum3A_1329[15] : i32 from vector<16xi32>
        %dma_start3A_1331 = arith.constant 7 : i32
        %dma_start3A_1332 = arith.constant 0 : i32
        %dma_start3A_1333 = arith.constant 0 : i32
        %dma_start3A_1334 = tpu.memref_slice %arg8[%dma_start3A_1331, %dma_start3A_1332, %dma_start3A_1333] : memref<16x8x64xf32, #tpu.memory_space<vmem>> -> memref<1x8x64xf32, #tpu.memory_space<vmem>>
        %dma_start3A_1335 = arith.constant 0 : i32
        %dma_start3A_1336 = arith.constant 0 : i32
        %dma_start3A_1337 = tpu.memref_slice %arg4[%reduce_sum3A_1330, %dma_start3A_1335, %dma_start3A_1336] : memref<125000x8x64xf32, #tpu.memory_space<hbm>> -> memref<1x8x64xf32, #tpu.memory_space<hbm>>
        %dma_start3A_1338 = arith.constant 7 : i32
        %dma_start3A_1339 = arith.constant 0 : i32
        %dma_start3A_1340 = arith.constant 0 : i32
        %dma_start3A_1341 = tpu.memref_slice %arg8[%dma_start3A_1338, %dma_start3A_1339, %dma_start3A_1340] : memref<16x8x64xf32, #tpu.memory_space<vmem>> -> memref<1x8x64xf32, #tpu.memory_space<vmem>>
        %dma_start3A_1342 = arith.constant 0 : i32
        %dma_start3A_1343 = arith.constant 0 : i32
        %dma_start3A_1344 = tpu.memref_slice %arg4[%reduce_sum3A_1330, %dma_start3A_1342, %dma_start3A_1343] : memref<125000x8x64xf32, #tpu.memory_space<hbm>> -> memref<1x8x64xf32, #tpu.memory_space<hbm>>
        tpu.enqueue_dma source(%dma_start3A_1344 : memref<1x8x64xf32, #tpu.memory_space<hbm>>) target(%dma_start3A_1341 : memref<1x8x64xf32, #tpu.memory_space<vmem>>) target_semaphore(%arg13 : memref<!tpu.dma_semaphore, #tpu.memory_space<semaphore_mem>>)
        %mul3A_1345 = arith.muli %gather3A_1192, %convert_element_type3A_34 : vector<16xi32>
        %reduce_sum3A_1346 = arith.constant true
        %reduce_sum3A_1347 = vector.broadcast %reduce_sum3A_1346 : i1 to vector<16xi1>
        %reduce_sum3A_1348 = tpu.scan <sum>, %mul3A_1345 masked %reduce_sum3A_1347 : vector<16xi32>, vector<16xi1> -> vector<16xi32>
        %reduce_sum3A_1349 = vector.extract %reduce_sum3A_1348[15] : i32 from vector<16xi32>
        %dma_start3A_1350 = arith.constant 8 : i32
        %dma_start3A_1351 = arith.constant 0 : i32
        %dma_start3A_1352 = arith.constant 0 : i32
        %dma_start3A_1353 = tpu.memref_slice %arg8[%dma_start3A_1350, %dma_start3A_1351, %dma_start3A_1352] : memref<16x8x64xf32, #tpu.memory_space<vmem>> -> memref<1x8x64xf32, #tpu.memory_space<vmem>>
        %dma_start3A_1354 = arith.constant 0 : i32
        %dma_start3A_1355 = arith.constant 0 : i32
        %dma_start3A_1356 = tpu.memref_slice %arg4[%reduce_sum3A_1349, %dma_start3A_1354, %dma_start3A_1355] : memref<125000x8x64xf32, #tpu.memory_space<hbm>> -> memref<1x8x64xf32, #tpu.memory_space<hbm>>
        %dma_start3A_1357 = arith.constant 8 : i32
        %dma_start3A_1358 = arith.constant 0 : i32
        %dma_start3A_1359 = arith.constant 0 : i32
        %dma_start3A_1360 = tpu.memref_slice %arg8[%dma_start3A_1357, %dma_start3A_1358, %dma_start3A_1359] : memref<16x8x64xf32, #tpu.memory_space<vmem>> -> memref<1x8x64xf32, #tpu.memory_space<vmem>>
        %dma_start3A_1361 = arith.constant 0 : i32
        %dma_start3A_1362 = arith.constant 0 : i32
        %dma_start3A_1363 = tpu.memref_slice %arg4[%reduce_sum3A_1349, %dma_start3A_1361, %dma_start3A_1362] : memref<125000x8x64xf32, #tpu.memory_space<hbm>> -> memref<1x8x64xf32, #tpu.memory_space<hbm>>
        tpu.enqueue_dma source(%dma_start3A_1363 : memref<1x8x64xf32, #tpu.memory_space<hbm>>) target(%dma_start3A_1360 : memref<1x8x64xf32, #tpu.memory_space<vmem>>) target_semaphore(%arg13 : memref<!tpu.dma_semaphore, #tpu.memory_space<semaphore_mem>>)
        %mul3A_1364 = arith.muli %gather3A_1192, %convert_element_type3A_38 : vector<16xi32>
        %reduce_sum3A_1365 = arith.constant true
        %reduce_sum3A_1366 = vector.broadcast %reduce_sum3A_1365 : i1 to vector<16xi1>
        %reduce_sum3A_1367 = tpu.scan <sum>, %mul3A_1364 masked %reduce_sum3A_1366 : vector<16xi32>, vector<16xi1> -> vector<16xi32>
        %reduce_sum3A_1368 = vector.extract %reduce_sum3A_1367[15] : i32 from vector<16xi32>
        %dma_start3A_1369 = arith.constant 9 : i32
        %dma_start3A_1370 = arith.constant 0 : i32
        %dma_start3A_1371 = arith.constant 0 : i32
        %dma_start3A_1372 = tpu.memref_slice %arg8[%dma_start3A_1369, %dma_start3A_1370, %dma_start3A_1371] : memref<16x8x64xf32, #tpu.memory_space<vmem>> -> memref<1x8x64xf32, #tpu.memory_space<vmem>>
        %dma_start3A_1373 = arith.constant 0 : i32
        %dma_start3A_1374 = arith.constant 0 : i32
        %dma_start3A_1375 = tpu.memref_slice %arg4[%reduce_sum3A_1368, %dma_start3A_1373, %dma_start3A_1374] : memref<125000x8x64xf32, #tpu.memory_space<hbm>> -> memref<1x8x64xf32, #tpu.memory_space<hbm>>
        %dma_start3A_1376 = arith.constant 9 : i32
        %dma_start3A_1377 = arith.constant 0 : i32
        %dma_start3A_1378 = arith.constant 0 : i32
        %dma_start3A_1379 = tpu.memref_slice %arg8[%dma_start3A_1376, %dma_start3A_1377, %dma_start3A_1378] : memref<16x8x64xf32, #tpu.memory_space<vmem>> -> memref<1x8x64xf32, #tpu.memory_space<vmem>>
        %dma_start3A_1380 = arith.constant 0 : i32
        %dma_start3A_1381 = arith.constant 0 : i32
        %dma_start3A_1382 = tpu.memref_slice %arg4[%reduce_sum3A_1368, %dma_start3A_1380, %dma_start3A_1381] : memref<125000x8x64xf32, #tpu.memory_space<hbm>> -> memref<1x8x64xf32, #tpu.memory_space<hbm>>
        tpu.enqueue_dma source(%dma_start3A_1382 : memref<1x8x64xf32, #tpu.memory_space<hbm>>) target(%dma_start3A_1379 : memref<1x8x64xf32, #tpu.memory_space<vmem>>) target_semaphore(%arg13 : memref<!tpu.dma_semaphore, #tpu.memory_space<semaphore_mem>>)
        %mul3A_1383 = arith.muli %gather3A_1192, %convert_element_type3A_42 : vector<16xi32>
        %reduce_sum3A_1384 = arith.constant true
        %reduce_sum3A_1385 = vector.broadcast %reduce_sum3A_1384 : i1 to vector<16xi1>
        %reduce_sum3A_1386 = tpu.scan <sum>, %mul3A_1383 masked %reduce_sum3A_1385 : vector<16xi32>, vector<16xi1> -> vector<16xi32>
        %reduce_sum3A_1387 = vector.extract %reduce_sum3A_1386[15] : i32 from vector<16xi32>
        %dma_start3A_1388 = arith.constant 10 : i32
        %dma_start3A_1389 = arith.constant 0 : i32
        %dma_start3A_1390 = arith.constant 0 : i32
        %dma_start3A_1391 = tpu.memref_slice %arg8[%dma_start3A_1388, %dma_start3A_1389, %dma_start3A_1390] : memref<16x8x64xf32, #tpu.memory_space<vmem>> -> memref<1x8x64xf32, #tpu.memory_space<vmem>>
        %dma_start3A_1392 = arith.constant 0 : i32
        %dma_start3A_1393 = arith.constant 0 : i32
        %dma_start3A_1394 = tpu.memref_slice %arg4[%reduce_sum3A_1387, %dma_start3A_1392, %dma_start3A_1393] : memref<125000x8x64xf32, #tpu.memory_space<hbm>> -> memref<1x8x64xf32, #tpu.memory_space<hbm>>
        %dma_start3A_1395 = arith.constant 10 : i32
        %dma_start3A_1396 = arith.constant 0 : i32
        %dma_start3A_1397 = arith.constant 0 : i32
        %dma_start3A_1398 = tpu.memref_slice %arg8[%dma_start3A_1395, %dma_start3A_1396, %dma_start3A_1397] : memref<16x8x64xf32, #tpu.memory_space<vmem>> -> memref<1x8x64xf32, #tpu.memory_space<vmem>>
        %dma_start3A_1399 = arith.constant 0 : i32
        %dma_start3A_1400 = arith.constant 0 : i32
        %dma_start3A_1401 = tpu.memref_slice %arg4[%reduce_sum3A_1387, %dma_start3A_1399, %dma_start3A_1400] : memref<125000x8x64xf32, #tpu.memory_space<hbm>> -> memref<1x8x64xf32, #tpu.memory_space<hbm>>
        tpu.enqueue_dma source(%dma_start3A_1401 : memref<1x8x64xf32, #tpu.memory_space<hbm>>) target(%dma_start3A_1398 : memref<1x8x64xf32, #tpu.memory_space<vmem>>) target_semaphore(%arg13 : memref<!tpu.dma_semaphore, #tpu.memory_space<semaphore_mem>>)
        %mul3A_1402 = arith.muli %gather3A_1192, %convert_element_type3A_46 : vector<16xi32>
        %reduce_sum3A_1403 = arith.constant true
        %reduce_sum3A_1404 = vector.broadcast %reduce_sum3A_1403 : i1 to vector<16xi1>
        %reduce_sum3A_1405 = tpu.scan <sum>, %mul3A_1402 masked %reduce_sum3A_1404 : vector<16xi32>, vector<16xi1> -> vector<16xi32>
        %reduce_sum3A_1406 = vector.extract %reduce_sum3A_1405[15] : i32 from vector<16xi32>
        %dma_start3A_1407 = arith.constant 11 : i32
        %dma_start3A_1408 = arith.constant 0 : i32
        %dma_start3A_1409 = arith.constant 0 : i32
        %dma_start3A_1410 = tpu.memref_slice %arg8[%dma_start3A_1407, %dma_start3A_1408, %dma_start3A_1409] : memref<16x8x64xf32, #tpu.memory_space<vmem>> -> memref<1x8x64xf32, #tpu.memory_space<vmem>>
        %dma_start3A_1411 = arith.constant 0 : i32
        %dma_start3A_1412 = arith.constant 0 : i32
        %dma_start3A_1413 = tpu.memref_slice %arg4[%reduce_sum3A_1406, %dma_start3A_1411, %dma_start3A_1412] : memref<125000x8x64xf32, #tpu.memory_space<hbm>> -> memref<1x8x64xf32, #tpu.memory_space<hbm>>
        %dma_start3A_1414 = arith.constant 11 : i32
        %dma_start3A_1415 = arith.constant 0 : i32
        %dma_start3A_1416 = arith.constant 0 : i32
        %dma_start3A_1417 = tpu.memref_slice %arg8[%dma_start3A_1414, %dma_start3A_1415, %dma_start3A_1416] : memref<16x8x64xf32, #tpu.memory_space<vmem>> -> memref<1x8x64xf32, #tpu.memory_space<vmem>>
        %dma_start3A_1418 = arith.constant 0 : i32
        %dma_start3A_1419 = arith.constant 0 : i32
        %dma_start3A_1420 = tpu.memref_slice %arg4[%reduce_sum3A_1406, %dma_start3A_1418, %dma_start3A_1419] : memref<125000x8x64xf32, #tpu.memory_space<hbm>> -> memref<1x8x64xf32, #tpu.memory_space<hbm>>
        tpu.enqueue_dma source(%dma_start3A_1420 : memref<1x8x64xf32, #tpu.memory_space<hbm>>) target(%dma_start3A_1417 : memref<1x8x64xf32, #tpu.memory_space<vmem>>) target_semaphore(%arg13 : memref<!tpu.dma_semaphore, #tpu.memory_space<semaphore_mem>>)
        %mul3A_1421 = arith.muli %gather3A_1192, %convert_element_type3A_50 : vector<16xi32>
        %reduce_sum3A_1422 = arith.constant true
        %reduce_sum3A_1423 = vector.broadcast %reduce_sum3A_1422 : i1 to vector<16xi1>
        %reduce_sum3A_1424 = tpu.scan <sum>, %mul3A_1421 masked %reduce_sum3A_1423 : vector<16xi32>, vector<16xi1> -> vector<16xi32>
        %reduce_sum3A_1425 = vector.extract %reduce_sum3A_1424[15] : i32 from vector<16xi32>
        %dma_start3A_1426 = arith.constant 12 : i32
        %dma_start3A_1427 = arith.constant 0 : i32
        %dma_start3A_1428 = arith.constant 0 : i32
        %dma_start3A_1429 = tpu.memref_slice %arg8[%dma_start3A_1426, %dma_start3A_1427, %dma_start3A_1428] : memref<16x8x64xf32, #tpu.memory_space<vmem>> -> memref<1x8x64xf32, #tpu.memory_space<vmem>>
        %dma_start3A_1430 = arith.constant 0 : i32
        %dma_start3A_1431 = arith.constant 0 : i32
        %dma_start3A_1432 = tpu.memref_slice %arg4[%reduce_sum3A_1425, %dma_start3A_1430, %dma_start3A_1431] : memref<125000x8x64xf32, #tpu.memory_space<hbm>> -> memref<1x8x64xf32, #tpu.memory_space<hbm>>
        %dma_start3A_1433 = arith.constant 12 : i32
        %dma_start3A_1434 = arith.constant 0 : i32
        %dma_start3A_1435 = arith.constant 0 : i32
        %dma_start3A_1436 = tpu.memref_slice %arg8[%dma_start3A_1433, %dma_start3A_1434, %dma_start3A_1435] : memref<16x8x64xf32, #tpu.memory_space<vmem>> -> memref<1x8x64xf32, #tpu.memory_space<vmem>>
        %dma_start3A_1437 = arith.constant 0 : i32
        %dma_start3A_1438 = arith.constant 0 : i32
        %dma_start3A_1439 = tpu.memref_slice %arg4[%reduce_sum3A_1425, %dma_start3A_1437, %dma_start3A_1438] : memref<125000x8x64xf32, #tpu.memory_space<hbm>> -> memref<1x8x64xf32, #tpu.memory_space<hbm>>
        tpu.enqueue_dma source(%dma_start3A_1439 : memref<1x8x64xf32, #tpu.memory_space<hbm>>) target(%dma_start3A_1436 : memref<1x8x64xf32, #tpu.memory_space<vmem>>) target_semaphore(%arg13 : memref<!tpu.dma_semaphore, #tpu.memory_space<semaphore_mem>>)
        %mul3A_1440 = arith.muli %gather3A_1192, %convert_element_type3A_54 : vector<16xi32>
        %reduce_sum3A_1441 = arith.constant true
        %reduce_sum3A_1442 = vector.broadcast %reduce_sum3A_1441 : i1 to vector<16xi1>
        %reduce_sum3A_1443 = tpu.scan <sum>, %mul3A_1440 masked %reduce_sum3A_1442 : vector<16xi32>, vector<16xi1> -> vector<16xi32>
        %reduce_sum3A_1444 = vector.extract %reduce_sum3A_1443[15] : i32 from vector<16xi32>
        %dma_start3A_1445 = arith.constant 13 : i32
        %dma_start3A_1446 = arith.constant 0 : i32
        %dma_start3A_1447 = arith.constant 0 : i32
        %dma_start3A_1448 = tpu.memref_slice %arg8[%dma_start3A_1445, %dma_start3A_1446, %dma_start3A_1447] : memref<16x8x64xf32, #tpu.memory_space<vmem>> -> memref<1x8x64xf32, #tpu.memory_space<vmem>>
        %dma_start3A_1449 = arith.constant 0 : i32
        %dma_start3A_1450 = arith.constant 0 : i32
        %dma_start3A_1451 = tpu.memref_slice %arg4[%reduce_sum3A_1444, %dma_start3A_1449, %dma_start3A_1450] : memref<125000x8x64xf32, #tpu.memory_space<hbm>> -> memref<1x8x64xf32, #tpu.memory_space<hbm>>
        %dma_start3A_1452 = arith.constant 13 : i32
        %dma_start3A_1453 = arith.constant 0 : i32
        %dma_start3A_1454 = arith.constant 0 : i32
        %dma_start3A_1455 = tpu.memref_slice %arg8[%dma_start3A_1452, %dma_start3A_1453, %dma_start3A_1454] : memref<16x8x64xf32, #tpu.memory_space<vmem>> -> memref<1x8x64xf32, #tpu.memory_space<vmem>>
        %dma_start3A_1456 = arith.constant 0 : i32
        %dma_start3A_1457 = arith.constant 0 : i32
        %dma_start3A_1458 = tpu.memref_slice %arg4[%reduce_sum3A_1444, %dma_start3A_1456, %dma_start3A_1457] : memref<125000x8x64xf32, #tpu.memory_space<hbm>> -> memref<1x8x64xf32, #tpu.memory_space<hbm>>
        tpu.enqueue_dma source(%dma_start3A_1458 : memref<1x8x64xf32, #tpu.memory_space<hbm>>) target(%dma_start3A_1455 : memref<1x8x64xf32, #tpu.memory_space<vmem>>) target_semaphore(%arg13 : memref<!tpu.dma_semaphore, #tpu.memory_space<semaphore_mem>>)
        %mul3A_1459 = arith.muli %gather3A_1192, %convert_element_type3A_58 : vector<16xi32>
        %reduce_sum3A_1460 = arith.constant true
        %reduce_sum3A_1461 = vector.broadcast %reduce_sum3A_1460 : i1 to vector<16xi1>
        %reduce_sum3A_1462 = tpu.scan <sum>, %mul3A_1459 masked %reduce_sum3A_1461 : vector<16xi32>, vector<16xi1> -> vector<16xi32>
        %reduce_sum3A_1463 = vector.extract %reduce_sum3A_1462[15] : i32 from vector<16xi32>
        %dma_start3A_1464 = arith.constant 14 : i32
        %dma_start3A_1465 = arith.constant 0 : i32
        %dma_start3A_1466 = arith.constant 0 : i32
        %dma_start3A_1467 = tpu.memref_slice %arg8[%dma_start3A_1464, %dma_start3A_1465, %dma_start3A_1466] : memref<16x8x64xf32, #tpu.memory_space<vmem>> -> memref<1x8x64xf32, #tpu.memory_space<vmem>>
        %dma_start3A_1468 = arith.constant 0 : i32
        %dma_start3A_1469 = arith.constant 0 : i32
        %dma_start3A_1470 = tpu.memref_slice %arg4[%reduce_sum3A_1463, %dma_start3A_1468, %dma_start3A_1469] : memref<125000x8x64xf32, #tpu.memory_space<hbm>> -> memref<1x8x64xf32, #tpu.memory_space<hbm>>
        %dma_start3A_1471 = arith.constant 14 : i32
        %dma_start3A_1472 = arith.constant 0 : i32
        %dma_start3A_1473 = arith.constant 0 : i32
        %dma_start3A_1474 = tpu.memref_slice %arg8[%dma_start3A_1471, %dma_start3A_1472, %dma_start3A_1473] : memref<16x8x64xf32, #tpu.memory_space<vmem>> -> memref<1x8x64xf32, #tpu.memory_space<vmem>>
        %dma_start3A_1475 = arith.constant 0 : i32
        %dma_start3A_1476 = arith.constant 0 : i32
        %dma_start3A_1477 = tpu.memref_slice %arg4[%reduce_sum3A_1463, %dma_start3A_1475, %dma_start3A_1476] : memref<125000x8x64xf32, #tpu.memory_space<hbm>> -> memref<1x8x64xf32, #tpu.memory_space<hbm>>
        tpu.enqueue_dma source(%dma_start3A_1477 : memref<1x8x64xf32, #tpu.memory_space<hbm>>) target(%dma_start3A_1474 : memref<1x8x64xf32, #tpu.memory_space<vmem>>) target_semaphore(%arg13 : memref<!tpu.dma_semaphore, #tpu.memory_space<semaphore_mem>>)
        %mul3A_1478 = arith.muli %gather3A_1192, %convert_element_type3A_62 : vector<16xi32>
        %reduce_sum3A_1479 = arith.constant true
        %reduce_sum3A_1480 = vector.broadcast %reduce_sum3A_1479 : i1 to vector<16xi1>
        %reduce_sum3A_1481 = tpu.scan <sum>, %mul3A_1478 masked %reduce_sum3A_1480 : vector<16xi32>, vector<16xi1> -> vector<16xi32>
        %reduce_sum3A_1482 = vector.extract %reduce_sum3A_1481[15] : i32 from vector<16xi32>
        %dma_start3A_1483 = arith.constant 15 : i32
        %dma_start3A_1484 = arith.constant 0 : i32
        %dma_start3A_1485 = arith.constant 0 : i32
        %dma_start3A_1486 = tpu.memref_slice %arg8[%dma_start3A_1483, %dma_start3A_1484, %dma_start3A_1485] : memref<16x8x64xf32, #tpu.memory_space<vmem>> -> memref<1x8x64xf32, #tpu.memory_space<vmem>>
        %dma_start3A_1487 = arith.constant 0 : i32
        %dma_start3A_1488 = arith.constant 0 : i32
        %dma_start3A_1489 = tpu.memref_slice %arg4[%reduce_sum3A_1482, %dma_start3A_1487, %dma_start3A_1488] : memref<125000x8x64xf32, #tpu.memory_space<hbm>> -> memref<1x8x64xf32, #tpu.memory_space<hbm>>
        %dma_start3A_1490 = arith.constant 15 : i32
        %dma_start3A_1491 = arith.constant 0 : i32
        %dma_start3A_1492 = arith.constant 0 : i32
        %dma_start3A_1493 = tpu.memref_slice %arg8[%dma_start3A_1490, %dma_start3A_1491, %dma_start3A_1492] : memref<16x8x64xf32, #tpu.memory_space<vmem>> -> memref<1x8x64xf32, #tpu.memory_space<vmem>>
        %dma_start3A_1494 = arith.constant 0 : i32
        %dma_start3A_1495 = arith.constant 0 : i32
        %dma_start3A_1496 = tpu.memref_slice %arg4[%reduce_sum3A_1482, %dma_start3A_1494, %dma_start3A_1495] : memref<125000x8x64xf32, #tpu.memory_space<hbm>> -> memref<1x8x64xf32, #tpu.memory_space<hbm>>
        tpu.enqueue_dma source(%dma_start3A_1496 : memref<1x8x64xf32, #tpu.memory_space<hbm>>) target(%dma_start3A_1493 : memref<1x8x64xf32, #tpu.memory_space<vmem>>) target_semaphore(%arg13 : memref<!tpu.dma_semaphore, #tpu.memory_space<semaphore_mem>>)
      } else {
      }
      %dma_wait3A_1046 = arith.constant 0 : i32
      %dma_wait3A_1047 = arith.constant 0 : i32
      %dma_wait3A_1048 = arith.constant 0 : i32
      %dma_wait3A_1049 = tpu.memref_slice %arg4[%dma_wait3A_1046, %dma_wait3A_1047, %dma_wait3A_1048] : memref<125000x8x64xf32, #tpu.memory_space<hbm>> -> memref<16x8x64xf32, #tpu.memory_space<hbm>>
      %dma_wait3A_1050 = arith.constant 0 : i32
      %dma_wait3A_1051 = arith.constant 0 : i32
      %dma_wait3A_1052 = arith.constant 0 : i32
      %dma_wait3A_1053 = tpu.memref_slice %arg4[%dma_wait3A_1050, %dma_wait3A_1051, %dma_wait3A_1052] : memref<125000x8x64xf32, #tpu.memory_space<hbm>> -> memref<16x8x64xf32, #tpu.memory_space<hbm>>
      tpu.wait_dma2 semaphore(%arg14 : memref<!tpu.dma_semaphore, #tpu.memory_space<semaphore_mem>>) src(%dma_wait3A_1053 : memref<16x8x64xf32, #tpu.memory_space<hbm>>) dst(%arg9 : memref<16x8x64xf32, #tpu.memory_space<vmem>>)
      %shift_right_arithmetic3A_1054 = arith.constant 3 : i32
      %shift_right_arithmetic3A_1055 = arith.shrsi %add3A_1036, %shift_right_arithmetic3A_1054 : i32
      %broadcast_in_dim3A_1056 = vector.broadcast %shift_right_arithmetic3A_1055 : i32 to vector<16xi32>
      %and3A_1057 = arith.constant 7 : i32
      %and3A_1058 = arith.andi %add3A_1036, %and3A_1057 : i32
      %mul3A_1059 = arith.constant 16 : i32
      %mul3A_1060 = arith.muli %and3A_1058, %mul3A_1059 : i32
      %add3A_1061 = vector.broadcast %mul3A_1060 : i32 to vector<16xi32>
      %add3A_1062 = arith.addi %iota3A, %add3A_1061 : vector<16xi32>
      %gather3A_1063 = tpu.vector_load_idx %arg7[%broadcast_in_dim3A_1056, %add3A_1062] : memref<8x128xi32, #tpu.memory_space<vmem>>[vector<16xi32>, vector<16xi32>], vector<16xi32>,
      %and3A_1064 = arith.constant 7 : i32
      %and3A_1065 = arith.andi %add3A_1036, %and3A_1064 : i32
      %mul3A_1066 = arith.constant 16 : i32
      %mul3A_1067 = arith.muli %and3A_1065, %mul3A_1066 : i32
      %add3A_1068 = vector.broadcast %mul3A_1067 : i32 to vector<16xi32>
      %add3A_1069 = arith.addi %iota3A, %add3A_1068 : vector<16xi32>
      %scan3A_1070 = arith.constant 0 : i32
      %scan3A_1071 = arith.constant 0 : i32
      %scan3A_1072 = arith.constant 16 : i32
      %scan3A_1073 = arith.addi %scan3A_1071, %scan3A_1072 : i32
      %scan3A_1074 = arith.constant 1 : i32
      %scan3A_1075 = scf.for %scan3A_1179 = %scan3A_1071 to %scan3A_1073 step %scan3A_1074 iter_args(%scan3A_1180 = %scan3A_1070) -> (i32)  : i32 {
        %mul3A_1181 = arith.constant 4 : i32
        %mul3A_1182 = arith.muli %scan3A_1179, %mul3A_1181 : i32
        %add3A_1183 = arith.constant 0 : i32
        %add3A_1184 = arith.addi %mul3A_1182, %add3A_1183 : i32
        %broadcast_in_dim3A_1185 = vector.broadcast %add3A_1184 : i32 to vector<16xi32>
        %gather3A_1186 = tpu.vector_load_idx %arg9[%iota3A, %gather3A_1063, %broadcast_in_dim3A_1185] : memref<16x8x64xf32, #tpu.memory_space<vmem>>[vector<16xi32>, vector<16xi32>, vector<16xi32>], vector<16xf32>,
        tpu.vector_store_idx %arg12[%add3A_1069, %broadcast_in_dim3A_1185], %gather3A_1186 : memref<128x64xf32, #tpu.memory_space<vmem>>[vector<16xi32>, vector<16xi32>], vector<16xf32>,
        %mul3A_1187 = arith.constant 4 : i32
        %mul3A_1188 = arith.muli %scan3A_1179, %mul3A_1187 : i32
        %add3A_1189 = arith.constant 1 : i32
        %add3A_1190 = arith.addi %mul3A_1188, %add3A_1189 : i32
        %broadcast_in_dim3A_1191 = vector.broadcast %add3A_1190 : i32 to vector<16xi32>
        %gather3A_1192 = tpu.vector_load_idx %arg9[%iota3A, %gather3A_1063, %broadcast_in_dim3A_1191] : memref<16x8x64xf32, #tpu.memory_space<vmem>>[vector<16xi32>, vector<16xi32>, vector<16xi32>], vector<16xf32>,
        tpu.vector_store_idx %arg12[%add3A_1069, %broadcast_in_dim3A_1191], %gather3A_1192 : memref<128x64xf32, #tpu.memory_space<vmem>>[vector<16xi32>, vector<16xi32>], vector<16xf32>,
        %mul3A_1193 = arith.constant 4 : i32
        %mul3A_1194 = arith.muli %scan3A_1179, %mul3A_1193 : i32
        %add3A_1195 = arith.constant 2 : i32
        %add3A_1196 = arith.addi %mul3A_1194, %add3A_1195 : i32
        %broadcast_in_dim3A_1197 = vector.broadcast %add3A_1196 : i32 to vector<16xi32>
        %gather3A_1198 = tpu.vector_load_idx %arg9[%iota3A, %gather3A_1063, %broadcast_in_dim3A_1197] : memref<16x8x64xf32, #tpu.memory_space<vmem>>[vector<16xi32>, vector<16xi32>, vector<16xi32>], vector<16xf32>,
        tpu.vector_store_idx %arg12[%add3A_1069, %broadcast_in_dim3A_1197], %gather3A_1198 : memref<128x64xf32, #tpu.memory_space<vmem>>[vector<16xi32>, vector<16xi32>], vector<16xf32>,
        %mul3A_1199 = arith.constant 4 : i32
        %mul3A_1200 = arith.muli %scan3A_1179, %mul3A_1199 : i32
        %add3A_1201 = arith.constant 3 : i32
        %add3A_1202 = arith.addi %mul3A_1200, %add3A_1201 : i32
        %broadcast_in_dim3A_1203 = vector.broadcast %add3A_1202 : i32 to vector<16xi32>
        %gather3A_1204 = tpu.vector_load_idx %arg9[%iota3A, %gather3A_1063, %broadcast_in_dim3A_1203] : memref<16x8x64xf32, #tpu.memory_space<vmem>>[vector<16xi32>, vector<16xi32>, vector<16xi32>], vector<16xf32>,
        tpu.vector_store_idx %arg12[%add3A_1069, %broadcast_in_dim3A_1203], %gather3A_1204 : memref<128x64xf32, #tpu.memory_space<vmem>>[vector<16xi32>, vector<16xi32>], vector<16xf32>,
        %scan3A_1205 = arith.constant 0 : i32
        scf.yield %scan3A_1205 : i32
      }
      %scan3A_1076 = arith.constant 16 : i32
      %add3A_1077 = arith.constant 2 : i32
      %add3A_1078 = arith.addi %mul3A_998, %add3A_1077 : i32
      %add3A_1079 = arith.constant 4 : i32
      %add3A_1080 = arith.addi %add3A_1078, %add3A_1079 : i32
      %sub3A_1081 = arith.constant 1 : i32
      %sub3A_1082 = arith.subi %add3A_1080, %sub3A_1081 : i32
      %lt3A_1083 = arith.constant 40 : i32
      %lt3A_1084 = arith.cmpi slt, %sub3A_1082, %lt3A_1083 : i32
      %convert_element_type3A_1085 = arith.extui %lt3A_1084 : i1 to i32
      %cond3A_1086 = arith.constant 0 : i32
      %cond3A_1087 = arith.cmpi ne, %convert_element_type3A_1085, %cond3A_1086 : i32
      scf.if %cond3A_1087 {
        %add3A_1179 = arith.constant 4 : i32
        %add3A_1180 = arith.addi %add3A_1078, %add3A_1179 : i32
        %sub3A_1181 = arith.constant 1 : i32
        %sub3A_1182 = arith.subi %add3A_1180, %sub3A_1181 : i32
        %shift_right_arithmetic3A_1183 = arith.constant 3 : i32
        %shift_right_arithmetic3A_1184 = arith.shrsi %sub3A_1182, %shift_right_arithmetic3A_1183 : i32
        %broadcast_in_dim3A_1185 = vector.broadcast %shift_right_arithmetic3A_1184 : i32 to vector<16xi32>
        %and3A_1186 = arith.constant 7 : i32
        %and3A_1187 = arith.andi %sub3A_1182, %and3A_1186 : i32
        %mul3A_1188 = arith.constant 16 : i32
        %mul3A_1189 = arith.muli %and3A_1187, %mul3A_1188 : i32
        %add3A_1190 = vector.broadcast %mul3A_1189 : i32 to vector<16xi32>
        %add3A_1191 = arith.addi %iota3A, %add3A_1190 : vector<16xi32>
        %gather3A_1192 = tpu.vector_load_idx %arg6[%broadcast_in_dim3A_1185, %add3A_1191] : memref<8x128xi32, #tpu.memory_space<vmem>>[vector<16xi32>, vector<16xi32>], vector<16xi32>,
        %mul3A_1193 = arith.muli %gather3A_1192, %convert_element_type3A : vector<16xi32>
        %reduce_sum3A_1194 = arith.constant true
        %reduce_sum3A_1195 = vector.broadcast %reduce_sum3A_1194 : i1 to vector<16xi1>
        %reduce_sum3A_1196 = tpu.scan <sum>, %mul3A_1193 masked %reduce_sum3A_1195 : vector<16xi32>, vector<16xi1> -> vector<16xi32>
        %reduce_sum3A_1197 = vector.extract %reduce_sum3A_1196[15] : i32 from vector<16xi32>
        %dma_start3A_1198 = arith.constant 0 : i32
        %dma_start3A_1199 = arith.constant 0 : i32
        %dma_start3A_1200 = arith.constant 0 : i32
        %dma_start3A_1201 = tpu.memref_slice %arg9[%dma_start3A_1198, %dma_start3A_1199, %dma_start3A_1200] : memref<16x8x64xf32, #tpu.memory_space<vmem>> -> memref<1x8x64xf32, #tpu.memory_space<vmem>>
        %dma_start3A_1202 = arith.constant 0 : i32
        %dma_start3A_1203 = arith.constant 0 : i32
        %dma_start3A_1204 = tpu.memref_slice %arg4[%reduce_sum3A_1197, %dma_start3A_1202, %dma_start3A_1203] : memref<125000x8x64xf32, #tpu.memory_space<hbm>> -> memref<1x8x64xf32, #tpu.memory_space<hbm>>
        %dma_start3A_1205 = arith.constant 0 : i32
        %dma_start3A_1206 = arith.constant 0 : i32
        %dma_start3A_1207 = arith.constant 0 : i32
        %dma_start3A_1208 = tpu.memref_slice %arg9[%dma_start3A_1205, %dma_start3A_1206, %dma_start3A_1207] : memref<16x8x64xf32, #tpu.memory_space<vmem>> -> memref<1x8x64xf32, #tpu.memory_space<vmem>>
        %dma_start3A_1209 = arith.constant 0 : i32
        %dma_start3A_1210 = arith.constant 0 : i32
        %dma_start3A_1211 = tpu.memref_slice %arg4[%reduce_sum3A_1197, %dma_start3A_1209, %dma_start3A_1210] : memref<125000x8x64xf32, #tpu.memory_space<hbm>> -> memref<1x8x64xf32, #tpu.memory_space<hbm>>
        tpu.enqueue_dma source(%dma_start3A_1211 : memref<1x8x64xf32, #tpu.memory_space<hbm>>) target(%dma_start3A_1208 : memref<1x8x64xf32, #tpu.memory_space<vmem>>) target_semaphore(%arg14 : memref<!tpu.dma_semaphore, #tpu.memory_space<semaphore_mem>>)
        %mul3A_1212 = arith.muli %gather3A_1192, %convert_element_type3A_6 : vector<16xi32>
        %reduce_sum3A_1213 = arith.constant true
        %reduce_sum3A_1214 = vector.broadcast %reduce_sum3A_1213 : i1 to vector<16xi1>
        %reduce_sum3A_1215 = tpu.scan <sum>, %mul3A_1212 masked %reduce_sum3A_1214 : vector<16xi32>, vector<16xi1> -> vector<16xi32>
        %reduce_sum3A_1216 = vector.extract %reduce_sum3A_1215[15] : i32 from vector<16xi32>
        %dma_start3A_1217 = arith.constant 1 : i32
        %dma_start3A_1218 = arith.constant 0 : i32
        %dma_start3A_1219 = arith.constant 0 : i32
        %dma_start3A_1220 = tpu.memref_slice %arg9[%dma_start3A_1217, %dma_start3A_1218, %dma_start3A_1219] : memref<16x8x64xf32, #tpu.memory_space<vmem>> -> memref<1x8x64xf32, #tpu.memory_space<vmem>>
        %dma_start3A_1221 = arith.constant 0 : i32
        %dma_start3A_1222 = arith.constant 0 : i32
        %dma_start3A_1223 = tpu.memref_slice %arg4[%reduce_sum3A_1216, %dma_start3A_1221, %dma_start3A_1222] : memref<125000x8x64xf32, #tpu.memory_space<hbm>> -> memref<1x8x64xf32, #tpu.memory_space<hbm>>
        %dma_start3A_1224 = arith.constant 1 : i32
        %dma_start3A_1225 = arith.constant 0 : i32
        %dma_start3A_1226 = arith.constant 0 : i32
        %dma_start3A_1227 = tpu.memref_slice %arg9[%dma_start3A_1224, %dma_start3A_1225, %dma_start3A_1226] : memref<16x8x64xf32, #tpu.memory_space<vmem>> -> memref<1x8x64xf32, #tpu.memory_space<vmem>>
        %dma_start3A_1228 = arith.constant 0 : i32
        %dma_start3A_1229 = arith.constant 0 : i32
        %dma_start3A_1230 = tpu.memref_slice %arg4[%reduce_sum3A_1216, %dma_start3A_1228, %dma_start3A_1229] : memref<125000x8x64xf32, #tpu.memory_space<hbm>> -> memref<1x8x64xf32, #tpu.memory_space<hbm>>
        tpu.enqueue_dma source(%dma_start3A_1230 : memref<1x8x64xf32, #tpu.memory_space<hbm>>) target(%dma_start3A_1227 : memref<1x8x64xf32, #tpu.memory_space<vmem>>) target_semaphore(%arg14 : memref<!tpu.dma_semaphore, #tpu.memory_space<semaphore_mem>>)
        %mul3A_1231 = arith.muli %gather3A_1192, %convert_element_type3A_10 : vector<16xi32>
        %reduce_sum3A_1232 = arith.constant true
        %reduce_sum3A_1233 = vector.broadcast %reduce_sum3A_1232 : i1 to vector<16xi1>
        %reduce_sum3A_1234 = tpu.scan <sum>, %mul3A_1231 masked %reduce_sum3A_1233 : vector<16xi32>, vector<16xi1> -> vector<16xi32>
        %reduce_sum3A_1235 = vector.extract %reduce_sum3A_1234[15] : i32 from vector<16xi32>
        %dma_start3A_1236 = arith.constant 2 : i32
        %dma_start3A_1237 = arith.constant 0 : i32
        %dma_start3A_1238 = arith.constant 0 : i32
        %dma_start3A_1239 = tpu.memref_slice %arg9[%dma_start3A_1236, %dma_start3A_1237, %dma_start3A_1238] : memref<16x8x64xf32, #tpu.memory_space<vmem>> -> memref<1x8x64xf32, #tpu.memory_space<vmem>>
        %dma_start3A_1240 = arith.constant 0 : i32
        %dma_start3A_1241 = arith.constant 0 : i32
        %dma_start3A_1242 = tpu.memref_slice %arg4[%reduce_sum3A_1235, %dma_start3A_1240, %dma_start3A_1241] : memref<125000x8x64xf32, #tpu.memory_space<hbm>> -> memref<1x8x64xf32, #tpu.memory_space<hbm>>
        %dma_start3A_1243 = arith.constant 2 : i32
        %dma_start3A_1244 = arith.constant 0 : i32
        %dma_start3A_1245 = arith.constant 0 : i32
        %dma_start3A_1246 = tpu.memref_slice %arg9[%dma_start3A_1243, %dma_start3A_1244, %dma_start3A_1245] : memref<16x8x64xf32, #tpu.memory_space<vmem>> -> memref<1x8x64xf32, #tpu.memory_space<vmem>>
        %dma_start3A_1247 = arith.constant 0 : i32
        %dma_start3A_1248 = arith.constant 0 : i32
        %dma_start3A_1249 = tpu.memref_slice %arg4[%reduce_sum3A_1235, %dma_start3A_1247, %dma_start3A_1248] : memref<125000x8x64xf32, #tpu.memory_space<hbm>> -> memref<1x8x64xf32, #tpu.memory_space<hbm>>
        tpu.enqueue_dma source(%dma_start3A_1249 : memref<1x8x64xf32, #tpu.memory_space<hbm>>) target(%dma_start3A_1246 : memref<1x8x64xf32, #tpu.memory_space<vmem>>) target_semaphore(%arg14 : memref<!tpu.dma_semaphore, #tpu.memory_space<semaphore_mem>>)
        %mul3A_1250 = arith.muli %gather3A_1192, %convert_element_type3A_14 : vector<16xi32>
        %reduce_sum3A_1251 = arith.constant true
        %reduce_sum3A_1252 = vector.broadcast %reduce_sum3A_1251 : i1 to vector<16xi1>
        %reduce_sum3A_1253 = tpu.scan <sum>, %mul3A_1250 masked %reduce_sum3A_1252 : vector<16xi32>, vector<16xi1> -> vector<16xi32>
        %reduce_sum3A_1254 = vector.extract %reduce_sum3A_1253[15] : i32 from vector<16xi32>
        %dma_start3A_1255 = arith.constant 3 : i32
        %dma_start3A_1256 = arith.constant 0 : i32
        %dma_start3A_1257 = arith.constant 0 : i32
        %dma_start3A_1258 = tpu.memref_slice %arg9[%dma_start3A_1255, %dma_start3A_1256, %dma_start3A_1257] : memref<16x8x64xf32, #tpu.memory_space<vmem>> -> memref<1x8x64xf32, #tpu.memory_space<vmem>>
        %dma_start3A_1259 = arith.constant 0 : i32
        %dma_start3A_1260 = arith.constant 0 : i32
        %dma_start3A_1261 = tpu.memref_slice %arg4[%reduce_sum3A_1254, %dma_start3A_1259, %dma_start3A_1260] : memref<125000x8x64xf32, #tpu.memory_space<hbm>> -> memref<1x8x64xf32, #tpu.memory_space<hbm>>
        %dma_start3A_1262 = arith.constant 3 : i32
        %dma_start3A_1263 = arith.constant 0 : i32
        %dma_start3A_1264 = arith.constant 0 : i32
        %dma_start3A_1265 = tpu.memref_slice %arg9[%dma_start3A_1262, %dma_start3A_1263, %dma_start3A_1264] : memref<16x8x64xf32, #tpu.memory_space<vmem>> -> memref<1x8x64xf32, #tpu.memory_space<vmem>>
        %dma_start3A_1266 = arith.constant 0 : i32
        %dma_start3A_1267 = arith.constant 0 : i32
        %dma_start3A_1268 = tpu.memref_slice %arg4[%reduce_sum3A_1254, %dma_start3A_1266, %dma_start3A_1267] : memref<125000x8x64xf32, #tpu.memory_space<hbm>> -> memref<1x8x64xf32, #tpu.memory_space<hbm>>
        tpu.enqueue_dma source(%dma_start3A_1268 : memref<1x8x64xf32, #tpu.memory_space<hbm>>) target(%dma_start3A_1265 : memref<1x8x64xf32, #tpu.memory_space<vmem>>) target_semaphore(%arg14 : memref<!tpu.dma_semaphore, #tpu.memory_space<semaphore_mem>>)
        %mul3A_1269 = arith.muli %gather3A_1192, %convert_element_type3A_18 : vector<16xi32>
        %reduce_sum3A_1270 = arith.constant true
        %reduce_sum3A_1271 = vector.broadcast %reduce_sum3A_1270 : i1 to vector<16xi1>
        %reduce_sum3A_1272 = tpu.scan <sum>, %mul3A_1269 masked %reduce_sum3A_1271 : vector<16xi32>, vector<16xi1> -> vector<16xi32>
        %reduce_sum3A_1273 = vector.extract %reduce_sum3A_1272[15] : i32 from vector<16xi32>
        %dma_start3A_1274 = arith.constant 4 : i32
        %dma_start3A_1275 = arith.constant 0 : i32
        %dma_start3A_1276 = arith.constant 0 : i32
        %dma_start3A_1277 = tpu.memref_slice %arg9[%dma_start3A_1274, %dma_start3A_1275, %dma_start3A_1276] : memref<16x8x64xf32, #tpu.memory_space<vmem>> -> memref<1x8x64xf32, #tpu.memory_space<vmem>>
        %dma_start3A_1278 = arith.constant 0 : i32
        %dma_start3A_1279 = arith.constant 0 : i32
        %dma_start3A_1280 = tpu.memref_slice %arg4[%reduce_sum3A_1273, %dma_start3A_1278, %dma_start3A_1279] : memref<125000x8x64xf32, #tpu.memory_space<hbm>> -> memref<1x8x64xf32, #tpu.memory_space<hbm>>
        %dma_start3A_1281 = arith.constant 4 : i32
        %dma_start3A_1282 = arith.constant 0 : i32
        %dma_start3A_1283 = arith.constant 0 : i32
        %dma_start3A_1284 = tpu.memref_slice %arg9[%dma_start3A_1281, %dma_start3A_1282, %dma_start3A_1283] : memref<16x8x64xf32, #tpu.memory_space<vmem>> -> memref<1x8x64xf32, #tpu.memory_space<vmem>>
        %dma_start3A_1285 = arith.constant 0 : i32
        %dma_start3A_1286 = arith.constant 0 : i32
        %dma_start3A_1287 = tpu.memref_slice %arg4[%reduce_sum3A_1273, %dma_start3A_1285, %dma_start3A_1286] : memref<125000x8x64xf32, #tpu.memory_space<hbm>> -> memref<1x8x64xf32, #tpu.memory_space<hbm>>
        tpu.enqueue_dma source(%dma_start3A_1287 : memref<1x8x64xf32, #tpu.memory_space<hbm>>) target(%dma_start3A_1284 : memref<1x8x64xf32, #tpu.memory_space<vmem>>) target_semaphore(%arg14 : memref<!tpu.dma_semaphore, #tpu.memory_space<semaphore_mem>>)
        %mul3A_1288 = arith.muli %gather3A_1192, %convert_element_type3A_22 : vector<16xi32>
        %reduce_sum3A_1289 = arith.constant true
        %reduce_sum3A_1290 = vector.broadcast %reduce_sum3A_1289 : i1 to vector<16xi1>
        %reduce_sum3A_1291 = tpu.scan <sum>, %mul3A_1288 masked %reduce_sum3A_1290 : vector<16xi32>, vector<16xi1> -> vector<16xi32>
        %reduce_sum3A_1292 = vector.extract %reduce_sum3A_1291[15] : i32 from vector<16xi32>
        %dma_start3A_1293 = arith.constant 5 : i32
        %dma_start3A_1294 = arith.constant 0 : i32
        %dma_start3A_1295 = arith.constant 0 : i32
        %dma_start3A_1296 = tpu.memref_slice %arg9[%dma_start3A_1293, %dma_start3A_1294, %dma_start3A_1295] : memref<16x8x64xf32, #tpu.memory_space<vmem>> -> memref<1x8x64xf32, #tpu.memory_space<vmem>>
        %dma_start3A_1297 = arith.constant 0 : i32
        %dma_start3A_1298 = arith.constant 0 : i32
        %dma_start3A_1299 = tpu.memref_slice %arg4[%reduce_sum3A_1292, %dma_start3A_1297, %dma_start3A_1298] : memref<125000x8x64xf32, #tpu.memory_space<hbm>> -> memref<1x8x64xf32, #tpu.memory_space<hbm>>
        %dma_start3A_1300 = arith.constant 5 : i32
        %dma_start3A_1301 = arith.constant 0 : i32
        %dma_start3A_1302 = arith.constant 0 : i32
        %dma_start3A_1303 = tpu.memref_slice %arg9[%dma_start3A_1300, %dma_start3A_1301, %dma_start3A_1302] : memref<16x8x64xf32, #tpu.memory_space<vmem>> -> memref<1x8x64xf32, #tpu.memory_space<vmem>>
        %dma_start3A_1304 = arith.constant 0 : i32
        %dma_start3A_1305 = arith.constant 0 : i32
        %dma_start3A_1306 = tpu.memref_slice %arg4[%reduce_sum3A_1292, %dma_start3A_1304, %dma_start3A_1305] : memref<125000x8x64xf32, #tpu.memory_space<hbm>> -> memref<1x8x64xf32, #tpu.memory_space<hbm>>
        tpu.enqueue_dma source(%dma_start3A_1306 : memref<1x8x64xf32, #tpu.memory_space<hbm>>) target(%dma_start3A_1303 : memref<1x8x64xf32, #tpu.memory_space<vmem>>) target_semaphore(%arg14 : memref<!tpu.dma_semaphore, #tpu.memory_space<semaphore_mem>>)
        %mul3A_1307 = arith.muli %gather3A_1192, %convert_element_type3A_26 : vector<16xi32>
        %reduce_sum3A_1308 = arith.constant true
        %reduce_sum3A_1309 = vector.broadcast %reduce_sum3A_1308 : i1 to vector<16xi1>
        %reduce_sum3A_1310 = tpu.scan <sum>, %mul3A_1307 masked %reduce_sum3A_1309 : vector<16xi32>, vector<16xi1> -> vector<16xi32>
        %reduce_sum3A_1311 = vector.extract %reduce_sum3A_1310[15] : i32 from vector<16xi32>
        %dma_start3A_1312 = arith.constant 6 : i32
        %dma_start3A_1313 = arith.constant 0 : i32
        %dma_start3A_1314 = arith.constant 0 : i32
        %dma_start3A_1315 = tpu.memref_slice %arg9[%dma_start3A_1312, %dma_start3A_1313, %dma_start3A_1314] : memref<16x8x64xf32, #tpu.memory_space<vmem>> -> memref<1x8x64xf32, #tpu.memory_space<vmem>>
        %dma_start3A_1316 = arith.constant 0 : i32
        %dma_start3A_1317 = arith.constant 0 : i32
        %dma_start3A_1318 = tpu.memref_slice %arg4[%reduce_sum3A_1311, %dma_start3A_1316, %dma_start3A_1317] : memref<125000x8x64xf32, #tpu.memory_space<hbm>> -> memref<1x8x64xf32, #tpu.memory_space<hbm>>
        %dma_start3A_1319 = arith.constant 6 : i32
        %dma_start3A_1320 = arith.constant 0 : i32
        %dma_start3A_1321 = arith.constant 0 : i32
        %dma_start3A_1322 = tpu.memref_slice %arg9[%dma_start3A_1319, %dma_start3A_1320, %dma_start3A_1321] : memref<16x8x64xf32, #tpu.memory_space<vmem>> -> memref<1x8x64xf32, #tpu.memory_space<vmem>>
        %dma_start3A_1323 = arith.constant 0 : i32
        %dma_start3A_1324 = arith.constant 0 : i32
        %dma_start3A_1325 = tpu.memref_slice %arg4[%reduce_sum3A_1311, %dma_start3A_1323, %dma_start3A_1324] : memref<125000x8x64xf32, #tpu.memory_space<hbm>> -> memref<1x8x64xf32, #tpu.memory_space<hbm>>
        tpu.enqueue_dma source(%dma_start3A_1325 : memref<1x8x64xf32, #tpu.memory_space<hbm>>) target(%dma_start3A_1322 : memref<1x8x64xf32, #tpu.memory_space<vmem>>) target_semaphore(%arg14 : memref<!tpu.dma_semaphore, #tpu.memory_space<semaphore_mem>>)
        %mul3A_1326 = arith.muli %gather3A_1192, %convert_element_type3A_30 : vector<16xi32>
        %reduce_sum3A_1327 = arith.constant true
        %reduce_sum3A_1328 = vector.broadcast %reduce_sum3A_1327 : i1 to vector<16xi1>
        %reduce_sum3A_1329 = tpu.scan <sum>, %mul3A_1326 masked %reduce_sum3A_1328 : vector<16xi32>, vector<16xi1> -> vector<16xi32>
        %reduce_sum3A_1330 = vector.extract %reduce_sum3A_1329[15] : i32 from vector<16xi32>
        %dma_start3A_1331 = arith.constant 7 : i32
        %dma_start3A_1332 = arith.constant 0 : i32
        %dma_start3A_1333 = arith.constant 0 : i32
        %dma_start3A_1334 = tpu.memref_slice %arg9[%dma_start3A_1331, %dma_start3A_1332, %dma_start3A_1333] : memref<16x8x64xf32, #tpu.memory_space<vmem>> -> memref<1x8x64xf32, #tpu.memory_space<vmem>>
        %dma_start3A_1335 = arith.constant 0 : i32
        %dma_start3A_1336 = arith.constant 0 : i32
        %dma_start3A_1337 = tpu.memref_slice %arg4[%reduce_sum3A_1330, %dma_start3A_1335, %dma_start3A_1336] : memref<125000x8x64xf32, #tpu.memory_space<hbm>> -> memref<1x8x64xf32, #tpu.memory_space<hbm>>
        %dma_start3A_1338 = arith.constant 7 : i32
        %dma_start3A_1339 = arith.constant 0 : i32
        %dma_start3A_1340 = arith.constant 0 : i32
        %dma_start3A_1341 = tpu.memref_slice %arg9[%dma_start3A_1338, %dma_start3A_1339, %dma_start3A_1340] : memref<16x8x64xf32, #tpu.memory_space<vmem>> -> memref<1x8x64xf32, #tpu.memory_space<vmem>>
        %dma_start3A_1342 = arith.constant 0 : i32
        %dma_start3A_1343 = arith.constant 0 : i32
        %dma_start3A_1344 = tpu.memref_slice %arg4[%reduce_sum3A_1330, %dma_start3A_1342, %dma_start3A_1343] : memref<125000x8x64xf32, #tpu.memory_space<hbm>> -> memref<1x8x64xf32, #tpu.memory_space<hbm>>
        tpu.enqueue_dma source(%dma_start3A_1344 : memref<1x8x64xf32, #tpu.memory_space<hbm>>) target(%dma_start3A_1341 : memref<1x8x64xf32, #tpu.memory_space<vmem>>) target_semaphore(%arg14 : memref<!tpu.dma_semaphore, #tpu.memory_space<semaphore_mem>>)
        %mul3A_1345 = arith.muli %gather3A_1192, %convert_element_type3A_34 : vector<16xi32>
        %reduce_sum3A_1346 = arith.constant true
        %reduce_sum3A_1347 = vector.broadcast %reduce_sum3A_1346 : i1 to vector<16xi1>
        %reduce_sum3A_1348 = tpu.scan <sum>, %mul3A_1345 masked %reduce_sum3A_1347 : vector<16xi32>, vector<16xi1> -> vector<16xi32>
        %reduce_sum3A_1349 = vector.extract %reduce_sum3A_1348[15] : i32 from vector<16xi32>
        %dma_start3A_1350 = arith.constant 8 : i32
        %dma_start3A_1351 = arith.constant 0 : i32
        %dma_start3A_1352 = arith.constant 0 : i32
        %dma_start3A_1353 = tpu.memref_slice %arg9[%dma_start3A_1350, %dma_start3A_1351, %dma_start3A_1352] : memref<16x8x64xf32, #tpu.memory_space<vmem>> -> memref<1x8x64xf32, #tpu.memory_space<vmem>>
        %dma_start3A_1354 = arith.constant 0 : i32
        %dma_start3A_1355 = arith.constant 0 : i32
        %dma_start3A_1356 = tpu.memref_slice %arg4[%reduce_sum3A_1349, %dma_start3A_1354, %dma_start3A_1355] : memref<125000x8x64xf32, #tpu.memory_space<hbm>> -> memref<1x8x64xf32, #tpu.memory_space<hbm>>
        %dma_start3A_1357 = arith.constant 8 : i32
        %dma_start3A_1358 = arith.constant 0 : i32
        %dma_start3A_1359 = arith.constant 0 : i32
        %dma_start3A_1360 = tpu.memref_slice %arg9[%dma_start3A_1357, %dma_start3A_1358, %dma_start3A_1359] : memref<16x8x64xf32, #tpu.memory_space<vmem>> -> memref<1x8x64xf32, #tpu.memory_space<vmem>>
        %dma_start3A_1361 = arith.constant 0 : i32
        %dma_start3A_1362 = arith.constant 0 : i32
        %dma_start3A_1363 = tpu.memref_slice %arg4[%reduce_sum3A_1349, %dma_start3A_1361, %dma_start3A_1362] : memref<125000x8x64xf32, #tpu.memory_space<hbm>> -> memref<1x8x64xf32, #tpu.memory_space<hbm>>
        tpu.enqueue_dma source(%dma_start3A_1363 : memref<1x8x64xf32, #tpu.memory_space<hbm>>) target(%dma_start3A_1360 : memref<1x8x64xf32, #tpu.memory_space<vmem>>) target_semaphore(%arg14 : memref<!tpu.dma_semaphore, #tpu.memory_space<semaphore_mem>>)
        %mul3A_1364 = arith.muli %gather3A_1192, %convert_element_type3A_38 : vector<16xi32>
        %reduce_sum3A_1365 = arith.constant true
        %reduce_sum3A_1366 = vector.broadcast %reduce_sum3A_1365 : i1 to vector<16xi1>
        %reduce_sum3A_1367 = tpu.scan <sum>, %mul3A_1364 masked %reduce_sum3A_1366 : vector<16xi32>, vector<16xi1> -> vector<16xi32>
        %reduce_sum3A_1368 = vector.extract %reduce_sum3A_1367[15] : i32 from vector<16xi32>
        %dma_start3A_1369 = arith.constant 9 : i32
        %dma_start3A_1370 = arith.constant 0 : i32
        %dma_start3A_1371 = arith.constant 0 : i32
        %dma_start3A_1372 = tpu.memref_slice %arg9[%dma_start3A_1369, %dma_start3A_1370, %dma_start3A_1371] : memref<16x8x64xf32, #tpu.memory_space<vmem>> -> memref<1x8x64xf32, #tpu.memory_space<vmem>>
        %dma_start3A_1373 = arith.constant 0 : i32
        %dma_start3A_1374 = arith.constant 0 : i32
        %dma_start3A_1375 = tpu.memref_slice %arg4[%reduce_sum3A_1368, %dma_start3A_1373, %dma_start3A_1374] : memref<125000x8x64xf32, #tpu.memory_space<hbm>> -> memref<1x8x64xf32, #tpu.memory_space<hbm>>
        %dma_start3A_1376 = arith.constant 9 : i32
        %dma_start3A_1377 = arith.constant 0 : i32
        %dma_start3A_1378 = arith.constant 0 : i32
        %dma_start3A_1379 = tpu.memref_slice %arg9[%dma_start3A_1376, %dma_start3A_1377, %dma_start3A_1378] : memref<16x8x64xf32, #tpu.memory_space<vmem>> -> memref<1x8x64xf32, #tpu.memory_space<vmem>>
        %dma_start3A_1380 = arith.constant 0 : i32
        %dma_start3A_1381 = arith.constant 0 : i32
        %dma_start3A_1382 = tpu.memref_slice %arg4[%reduce_sum3A_1368, %dma_start3A_1380, %dma_start3A_1381] : memref<125000x8x64xf32, #tpu.memory_space<hbm>> -> memref<1x8x64xf32, #tpu.memory_space<hbm>>
        tpu.enqueue_dma source(%dma_start3A_1382 : memref<1x8x64xf32, #tpu.memory_space<hbm>>) target(%dma_start3A_1379 : memref<1x8x64xf32, #tpu.memory_space<vmem>>) target_semaphore(%arg14 : memref<!tpu.dma_semaphore, #tpu.memory_space<semaphore_mem>>)
        %mul3A_1383 = arith.muli %gather3A_1192, %convert_element_type3A_42 : vector<16xi32>
        %reduce_sum3A_1384 = arith.constant true
        %reduce_sum3A_1385 = vector.broadcast %reduce_sum3A_1384 : i1 to vector<16xi1>
        %reduce_sum3A_1386 = tpu.scan <sum>, %mul3A_1383 masked %reduce_sum3A_1385 : vector<16xi32>, vector<16xi1> -> vector<16xi32>
        %reduce_sum3A_1387 = vector.extract %reduce_sum3A_1386[15] : i32 from vector<16xi32>
        %dma_start3A_1388 = arith.constant 10 : i32
        %dma_start3A_1389 = arith.constant 0 : i32
        %dma_start3A_1390 = arith.constant 0 : i32
        %dma_start3A_1391 = tpu.memref_slice %arg9[%dma_start3A_1388, %dma_start3A_1389, %dma_start3A_1390] : memref<16x8x64xf32, #tpu.memory_space<vmem>> -> memref<1x8x64xf32, #tpu.memory_space<vmem>>
        %dma_start3A_1392 = arith.constant 0 : i32
        %dma_start3A_1393 = arith.constant 0 : i32
        %dma_start3A_1394 = tpu.memref_slice %arg4[%reduce_sum3A_1387, %dma_start3A_1392, %dma_start3A_1393] : memref<125000x8x64xf32, #tpu.memory_space<hbm>> -> memref<1x8x64xf32, #tpu.memory_space<hbm>>
        %dma_start3A_1395 = arith.constant 10 : i32
        %dma_start3A_1396 = arith.constant 0 : i32
        %dma_start3A_1397 = arith.constant 0 : i32
        %dma_start3A_1398 = tpu.memref_slice %arg9[%dma_start3A_1395, %dma_start3A_1396, %dma_start3A_1397] : memref<16x8x64xf32, #tpu.memory_space<vmem>> -> memref<1x8x64xf32, #tpu.memory_space<vmem>>
        %dma_start3A_1399 = arith.constant 0 : i32
        %dma_start3A_1400 = arith.constant 0 : i32
        %dma_start3A_1401 = tpu.memref_slice %arg4[%reduce_sum3A_1387, %dma_start3A_1399, %dma_start3A_1400] : memref<125000x8x64xf32, #tpu.memory_space<hbm>> -> memref<1x8x64xf32, #tpu.memory_space<hbm>>
        tpu.enqueue_dma source(%dma_start3A_1401 : memref<1x8x64xf32, #tpu.memory_space<hbm>>) target(%dma_start3A_1398 : memref<1x8x64xf32, #tpu.memory_space<vmem>>) target_semaphore(%arg14 : memref<!tpu.dma_semaphore, #tpu.memory_space<semaphore_mem>>)
        %mul3A_1402 = arith.muli %gather3A_1192, %convert_element_type3A_46 : vector<16xi32>
        %reduce_sum3A_1403 = arith.constant true
        %reduce_sum3A_1404 = vector.broadcast %reduce_sum3A_1403 : i1 to vector<16xi1>
        %reduce_sum3A_1405 = tpu.scan <sum>, %mul3A_1402 masked %reduce_sum3A_1404 : vector<16xi32>, vector<16xi1> -> vector<16xi32>
        %reduce_sum3A_1406 = vector.extract %reduce_sum3A_1405[15] : i32 from vector<16xi32>
        %dma_start3A_1407 = arith.constant 11 : i32
        %dma_start3A_1408 = arith.constant 0 : i32
        %dma_start3A_1409 = arith.constant 0 : i32
        %dma_start3A_1410 = tpu.memref_slice %arg9[%dma_start3A_1407, %dma_start3A_1408, %dma_start3A_1409] : memref<16x8x64xf32, #tpu.memory_space<vmem>> -> memref<1x8x64xf32, #tpu.memory_space<vmem>>
        %dma_start3A_1411 = arith.constant 0 : i32
        %dma_start3A_1412 = arith.constant 0 : i32
        %dma_start3A_1413 = tpu.memref_slice %arg4[%reduce_sum3A_1406, %dma_start3A_1411, %dma_start3A_1412] : memref<125000x8x64xf32, #tpu.memory_space<hbm>> -> memref<1x8x64xf32, #tpu.memory_space<hbm>>
        %dma_start3A_1414 = arith.constant 11 : i32
        %dma_start3A_1415 = arith.constant 0 : i32
        %dma_start3A_1416 = arith.constant 0 : i32
        %dma_start3A_1417 = tpu.memref_slice %arg9[%dma_start3A_1414, %dma_start3A_1415, %dma_start3A_1416] : memref<16x8x64xf32, #tpu.memory_space<vmem>> -> memref<1x8x64xf32, #tpu.memory_space<vmem>>
        %dma_start3A_1418 = arith.constant 0 : i32
        %dma_start3A_1419 = arith.constant 0 : i32
        %dma_start3A_1420 = tpu.memref_slice %arg4[%reduce_sum3A_1406, %dma_start3A_1418, %dma_start3A_1419] : memref<125000x8x64xf32, #tpu.memory_space<hbm>> -> memref<1x8x64xf32, #tpu.memory_space<hbm>>
        tpu.enqueue_dma source(%dma_start3A_1420 : memref<1x8x64xf32, #tpu.memory_space<hbm>>) target(%dma_start3A_1417 : memref<1x8x64xf32, #tpu.memory_space<vmem>>) target_semaphore(%arg14 : memref<!tpu.dma_semaphore, #tpu.memory_space<semaphore_mem>>)
        %mul3A_1421 = arith.muli %gather3A_1192, %convert_element_type3A_50 : vector<16xi32>
        %reduce_sum3A_1422 = arith.constant true
        %reduce_sum3A_1423 = vector.broadcast %reduce_sum3A_1422 : i1 to vector<16xi1>
        %reduce_sum3A_1424 = tpu.scan <sum>, %mul3A_1421 masked %reduce_sum3A_1423 : vector<16xi32>, vector<16xi1> -> vector<16xi32>
        %reduce_sum3A_1425 = vector.extract %reduce_sum3A_1424[15] : i32 from vector<16xi32>
        %dma_start3A_1426 = arith.constant 12 : i32
        %dma_start3A_1427 = arith.constant 0 : i32
        %dma_start3A_1428 = arith.constant 0 : i32
        %dma_start3A_1429 = tpu.memref_slice %arg9[%dma_start3A_1426, %dma_start3A_1427, %dma_start3A_1428] : memref<16x8x64xf32, #tpu.memory_space<vmem>> -> memref<1x8x64xf32, #tpu.memory_space<vmem>>
        %dma_start3A_1430 = arith.constant 0 : i32
        %dma_start3A_1431 = arith.constant 0 : i32
        %dma_start3A_1432 = tpu.memref_slice %arg4[%reduce_sum3A_1425, %dma_start3A_1430, %dma_start3A_1431] : memref<125000x8x64xf32, #tpu.memory_space<hbm>> -> memref<1x8x64xf32, #tpu.memory_space<hbm>>
        %dma_start3A_1433 = arith.constant 12 : i32
        %dma_start3A_1434 = arith.constant 0 : i32
        %dma_start3A_1435 = arith.constant 0 : i32
        %dma_start3A_1436 = tpu.memref_slice %arg9[%dma_start3A_1433, %dma_start3A_1434, %dma_start3A_1435] : memref<16x8x64xf32, #tpu.memory_space<vmem>> -> memref<1x8x64xf32, #tpu.memory_space<vmem>>
        %dma_start3A_1437 = arith.constant 0 : i32
        %dma_start3A_1438 = arith.constant 0 : i32
        %dma_start3A_1439 = tpu.memref_slice %arg4[%reduce_sum3A_1425, %dma_start3A_1437, %dma_start3A_1438] : memref<125000x8x64xf32, #tpu.memory_space<hbm>> -> memref<1x8x64xf32, #tpu.memory_space<hbm>>
        tpu.enqueue_dma source(%dma_start3A_1439 : memref<1x8x64xf32, #tpu.memory_space<hbm>>) target(%dma_start3A_1436 : memref<1x8x64xf32, #tpu.memory_space<vmem>>) target_semaphore(%arg14 : memref<!tpu.dma_semaphore, #tpu.memory_space<semaphore_mem>>)
        %mul3A_1440 = arith.muli %gather3A_1192, %convert_element_type3A_54 : vector<16xi32>
        %reduce_sum3A_1441 = arith.constant true
        %reduce_sum3A_1442 = vector.broadcast %reduce_sum3A_1441 : i1 to vector<16xi1>
        %reduce_sum3A_1443 = tpu.scan <sum>, %mul3A_1440 masked %reduce_sum3A_1442 : vector<16xi32>, vector<16xi1> -> vector<16xi32>
        %reduce_sum3A_1444 = vector.extract %reduce_sum3A_1443[15] : i32 from vector<16xi32>
        %dma_start3A_1445 = arith.constant 13 : i32
        %dma_start3A_1446 = arith.constant 0 : i32
        %dma_start3A_1447 = arith.constant 0 : i32
        %dma_start3A_1448 = tpu.memref_slice %arg9[%dma_start3A_1445, %dma_start3A_1446, %dma_start3A_1447] : memref<16x8x64xf32, #tpu.memory_space<vmem>> -> memref<1x8x64xf32, #tpu.memory_space<vmem>>
        %dma_start3A_1449 = arith.constant 0 : i32
        %dma_start3A_1450 = arith.constant 0 : i32
        %dma_start3A_1451 = tpu.memref_slice %arg4[%reduce_sum3A_1444, %dma_start3A_1449, %dma_start3A_1450] : memref<125000x8x64xf32, #tpu.memory_space<hbm>> -> memref<1x8x64xf32, #tpu.memory_space<hbm>>
        %dma_start3A_1452 = arith.constant 13 : i32
        %dma_start3A_1453 = arith.constant 0 : i32
        %dma_start3A_1454 = arith.constant 0 : i32
        %dma_start3A_1455 = tpu.memref_slice %arg9[%dma_start3A_1452, %dma_start3A_1453, %dma_start3A_1454] : memref<16x8x64xf32, #tpu.memory_space<vmem>> -> memref<1x8x64xf32, #tpu.memory_space<vmem>>
        %dma_start3A_1456 = arith.constant 0 : i32
        %dma_start3A_1457 = arith.constant 0 : i32
        %dma_start3A_1458 = tpu.memref_slice %arg4[%reduce_sum3A_1444, %dma_start3A_1456, %dma_start3A_1457] : memref<125000x8x64xf32, #tpu.memory_space<hbm>> -> memref<1x8x64xf32, #tpu.memory_space<hbm>>
        tpu.enqueue_dma source(%dma_start3A_1458 : memref<1x8x64xf32, #tpu.memory_space<hbm>>) target(%dma_start3A_1455 : memref<1x8x64xf32, #tpu.memory_space<vmem>>) target_semaphore(%arg14 : memref<!tpu.dma_semaphore, #tpu.memory_space<semaphore_mem>>)
        %mul3A_1459 = arith.muli %gather3A_1192, %convert_element_type3A_58 : vector<16xi32>
        %reduce_sum3A_1460 = arith.constant true
        %reduce_sum3A_1461 = vector.broadcast %reduce_sum3A_1460 : i1 to vector<16xi1>
        %reduce_sum3A_1462 = tpu.scan <sum>, %mul3A_1459 masked %reduce_sum3A_1461 : vector<16xi32>, vector<16xi1> -> vector<16xi32>
        %reduce_sum3A_1463 = vector.extract %reduce_sum3A_1462[15] : i32 from vector<16xi32>
        %dma_start3A_1464 = arith.constant 14 : i32
        %dma_start3A_1465 = arith.constant 0 : i32
        %dma_start3A_1466 = arith.constant 0 : i32
        %dma_start3A_1467 = tpu.memref_slice %arg9[%dma_start3A_1464, %dma_start3A_1465, %dma_start3A_1466] : memref<16x8x64xf32, #tpu.memory_space<vmem>> -> memref<1x8x64xf32, #tpu.memory_space<vmem>>
        %dma_start3A_1468 = arith.constant 0 : i32
        %dma_start3A_1469 = arith.constant 0 : i32
        %dma_start3A_1470 = tpu.memref_slice %arg4[%reduce_sum3A_1463, %dma_start3A_1468, %dma_start3A_1469] : memref<125000x8x64xf32, #tpu.memory_space<hbm>> -> memref<1x8x64xf32, #tpu.memory_space<hbm>>
        %dma_start3A_1471 = arith.constant 14 : i32
        %dma_start3A_1472 = arith.constant 0 : i32
        %dma_start3A_1473 = arith.constant 0 : i32
        %dma_start3A_1474 = tpu.memref_slice %arg9[%dma_start3A_1471, %dma_start3A_1472, %dma_start3A_1473] : memref<16x8x64xf32, #tpu.memory_space<vmem>> -> memref<1x8x64xf32, #tpu.memory_space<vmem>>
        %dma_start3A_1475 = arith.constant 0 : i32
        %dma_start3A_1476 = arith.constant 0 : i32
        %dma_start3A_1477 = tpu.memref_slice %arg4[%reduce_sum3A_1463, %dma_start3A_1475, %dma_start3A_1476] : memref<125000x8x64xf32, #tpu.memory_space<hbm>> -> memref<1x8x64xf32, #tpu.memory_space<hbm>>
        tpu.enqueue_dma source(%dma_start3A_1477 : memref<1x8x64xf32, #tpu.memory_space<hbm>>) target(%dma_start3A_1474 : memref<1x8x64xf32, #tpu.memory_space<vmem>>) target_semaphore(%arg14 : memref<!tpu.dma_semaphore, #tpu.memory_space<semaphore_mem>>)
        %mul3A_1478 = arith.muli %gather3A_1192, %convert_element_type3A_62 : vector<16xi32>
        %reduce_sum3A_1479 = arith.constant true
        %reduce_sum3A_1480 = vector.broadcast %reduce_sum3A_1479 : i1 to vector<16xi1>
        %reduce_sum3A_1481 = tpu.scan <sum>, %mul3A_1478 masked %reduce_sum3A_1480 : vector<16xi32>, vector<16xi1> -> vector<16xi32>
        %reduce_sum3A_1482 = vector.extract %reduce_sum3A_1481[15] : i32 from vector<16xi32>
        %dma_start3A_1483 = arith.constant 15 : i32
        %dma_start3A_1484 = arith.constant 0 : i32
        %dma_start3A_1485 = arith.constant 0 : i32
        %dma_start3A_1486 = tpu.memref_slice %arg9[%dma_start3A_1483, %dma_start3A_1484, %dma_start3A_1485] : memref<16x8x64xf32, #tpu.memory_space<vmem>> -> memref<1x8x64xf32, #tpu.memory_space<vmem>>
        %dma_start3A_1487 = arith.constant 0 : i32
        %dma_start3A_1488 = arith.constant 0 : i32
        %dma_start3A_1489 = tpu.memref_slice %arg4[%reduce_sum3A_1482, %dma_start3A_1487, %dma_start3A_1488] : memref<125000x8x64xf32, #tpu.memory_space<hbm>> -> memref<1x8x64xf32, #tpu.memory_space<hbm>>
        %dma_start3A_1490 = arith.constant 15 : i32
        %dma_start3A_1491 = arith.constant 0 : i32
        %dma_start3A_1492 = arith.constant 0 : i32
        %dma_start3A_1493 = tpu.memref_slice %arg9[%dma_start3A_1490, %dma_start3A_1491, %dma_start3A_1492] : memref<16x8x64xf32, #tpu.memory_space<vmem>> -> memref<1x8x64xf32, #tpu.memory_space<vmem>>
        %dma_start3A_1494 = arith.constant 0 : i32
        %dma_start3A_1495 = arith.constant 0 : i32
        %dma_start3A_1496 = tpu.memref_slice %arg4[%reduce_sum3A_1482, %dma_start3A_1494, %dma_start3A_1495] : memref<125000x8x64xf32, #tpu.memory_space<hbm>> -> memref<1x8x64xf32, #tpu.memory_space<hbm>>
        tpu.enqueue_dma source(%dma_start3A_1496 : memref<1x8x64xf32, #tpu.memory_space<hbm>>) target(%dma_start3A_1493 : memref<1x8x64xf32, #tpu.memory_space<vmem>>) target_semaphore(%arg14 : memref<!tpu.dma_semaphore, #tpu.memory_space<semaphore_mem>>)
      } else {
      }
      %dma_wait3A_1088 = arith.constant 0 : i32
      %dma_wait3A_1089 = arith.constant 0 : i32
      %dma_wait3A_1090 = arith.constant 0 : i32
      %dma_wait3A_1091 = tpu.memref_slice %arg4[%dma_wait3A_1088, %dma_wait3A_1089, %dma_wait3A_1090] : memref<125000x8x64xf32, #tpu.memory_space<hbm>> -> memref<16x8x64xf32, #tpu.memory_space<hbm>>
      %dma_wait3A_1092 = arith.constant 0 : i32
      %dma_wait3A_1093 = arith.constant 0 : i32
      %dma_wait3A_1094 = arith.constant 0 : i32
      %dma_wait3A_1095 = tpu.memref_slice %arg4[%dma_wait3A_1092, %dma_wait3A_1093, %dma_wait3A_1094] : memref<125000x8x64xf32, #tpu.memory_space<hbm>> -> memref<16x8x64xf32, #tpu.memory_space<hbm>>
      tpu.wait_dma2 semaphore(%arg15 : memref<!tpu.dma_semaphore, #tpu.memory_space<semaphore_mem>>) src(%dma_wait3A_1095 : memref<16x8x64xf32, #tpu.memory_space<hbm>>) dst(%arg10 : memref<16x8x64xf32, #tpu.memory_space<vmem>>)
      %shift_right_arithmetic3A_1096 = arith.constant 3 : i32
      %shift_right_arithmetic3A_1097 = arith.shrsi %add3A_1078, %shift_right_arithmetic3A_1096 : i32
      %broadcast_in_dim3A_1098 = vector.broadcast %shift_right_arithmetic3A_1097 : i32 to vector<16xi32>
      %and3A_1099 = arith.constant 7 : i32
      %and3A_1100 = arith.andi %add3A_1078, %and3A_1099 : i32
      %mul3A_1101 = arith.constant 16 : i32
      %mul3A_1102 = arith.muli %and3A_1100, %mul3A_1101 : i32
      %add3A_1103 = vector.broadcast %mul3A_1102 : i32 to vector<16xi32>
      %add3A_1104 = arith.addi %iota3A, %add3A_1103 : vector<16xi32>
      %gather3A_1105 = tpu.vector_load_idx %arg7[%broadcast_in_dim3A_1098, %add3A_1104] : memref<8x128xi32, #tpu.memory_space<vmem>>[vector<16xi32>, vector<16xi32>], vector<16xi32>,
      %and3A_1106 = arith.constant 7 : i32
      %and3A_1107 = arith.andi %add3A_1078, %and3A_1106 : i32
      %mul3A_1108 = arith.constant 16 : i32
      %mul3A_1109 = arith.muli %and3A_1107, %mul3A_1108 : i32
      %add3A_1110 = vector.broadcast %mul3A_1109 : i32 to vector<16xi32>
      %add3A_1111 = arith.addi %iota3A, %add3A_1110 : vector<16xi32>
      %scan3A_1112 = arith.constant 0 : i32
      %scan3A_1113 = arith.constant 0 : i32
      %scan3A_1114 = arith.constant 16 : i32
      %scan3A_1115 = arith.addi %scan3A_1113, %scan3A_1114 : i32
      %scan3A_1116 = arith.constant 1 : i32
      %scan3A_1117 = scf.for %scan3A_1179 = %scan3A_1113 to %scan3A_1115 step %scan3A_1116 iter_args(%scan3A_1180 = %scan3A_1112) -> (i32)  : i32 {
        %mul3A_1181 = arith.constant 4 : i32
        %mul3A_1182 = arith.muli %scan3A_1179, %mul3A_1181 : i32
        %add3A_1183 = arith.constant 0 : i32
        %add3A_1184 = arith.addi %mul3A_1182, %add3A_1183 : i32
        %broadcast_in_dim3A_1185 = vector.broadcast %add3A_1184 : i32 to vector<16xi32>
        %gather3A_1186 = tpu.vector_load_idx %arg10[%iota3A, %gather3A_1105, %broadcast_in_dim3A_1185] : memref<16x8x64xf32, #tpu.memory_space<vmem>>[vector<16xi32>, vector<16xi32>, vector<16xi32>], vector<16xf32>,
        tpu.vector_store_idx %arg12[%add3A_1111, %broadcast_in_dim3A_1185], %gather3A_1186 : memref<128x64xf32, #tpu.memory_space<vmem>>[vector<16xi32>, vector<16xi32>], vector<16xf32>,
        %mul3A_1187 = arith.constant 4 : i32
        %mul3A_1188 = arith.muli %scan3A_1179, %mul3A_1187 : i32
        %add3A_1189 = arith.constant 1 : i32
        %add3A_1190 = arith.addi %mul3A_1188, %add3A_1189 : i32
        %broadcast_in_dim3A_1191 = vector.broadcast %add3A_1190 : i32 to vector<16xi32>
        %gather3A_1192 = tpu.vector_load_idx %arg10[%iota3A, %gather3A_1105, %broadcast_in_dim3A_1191] : memref<16x8x64xf32, #tpu.memory_space<vmem>>[vector<16xi32>, vector<16xi32>, vector<16xi32>], vector<16xf32>,
        tpu.vector_store_idx %arg12[%add3A_1111, %broadcast_in_dim3A_1191], %gather3A_1192 : memref<128x64xf32, #tpu.memory_space<vmem>>[vector<16xi32>, vector<16xi32>], vector<16xf32>,
        %mul3A_1193 = arith.constant 4 : i32
        %mul3A_1194 = arith.muli %scan3A_1179, %mul3A_1193 : i32
        %add3A_1195 = arith.constant 2 : i32
        %add3A_1196 = arith.addi %mul3A_1194, %add3A_1195 : i32
        %broadcast_in_dim3A_1197 = vector.broadcast %add3A_1196 : i32 to vector<16xi32>
        %gather3A_1198 = tpu.vector_load_idx %arg10[%iota3A, %gather3A_1105, %broadcast_in_dim3A_1197] : memref<16x8x64xf32, #tpu.memory_space<vmem>>[vector<16xi32>, vector<16xi32>, vector<16xi32>], vector<16xf32>,
        tpu.vector_store_idx %arg12[%add3A_1111, %broadcast_in_dim3A_1197], %gather3A_1198 : memref<128x64xf32, #tpu.memory_space<vmem>>[vector<16xi32>, vector<16xi32>], vector<16xf32>,
        %mul3A_1199 = arith.constant 4 : i32
        %mul3A_1200 = arith.muli %scan3A_1179, %mul3A_1199 : i32
        %add3A_1201 = arith.constant 3 : i32
        %add3A_1202 = arith.addi %mul3A_1200, %add3A_1201 : i32
        %broadcast_in_dim3A_1203 = vector.broadcast %add3A_1202 : i32 to vector<16xi32>
        %gather3A_1204 = tpu.vector_load_idx %arg10[%iota3A, %gather3A_1105, %broadcast_in_dim3A_1203] : memref<16x8x64xf32, #tpu.memory_space<vmem>>[vector<16xi32>, vector<16xi32>, vector<16xi32>], vector<16xf32>,
        tpu.vector_store_idx %arg12[%add3A_1111, %broadcast_in_dim3A_1203], %gather3A_1204 : memref<128x64xf32, #tpu.memory_space<vmem>>[vector<16xi32>, vector<16xi32>], vector<16xf32>,
        %scan3A_1205 = arith.constant 0 : i32
        scf.yield %scan3A_1205 : i32
      }
      %scan3A_1118 = arith.constant 16 : i32
      %add3A_1119 = arith.constant 3 : i32
      %add3A_1120 = arith.addi %mul3A_998, %add3A_1119 : i32
      %add3A_1121 = arith.constant 4 : i32
      %add3A_1122 = arith.addi %add3A_1120, %add3A_1121 : i32
      %sub3A_1123 = arith.constant 1 : i32
      %sub3A_1124 = arith.subi %add3A_1122, %sub3A_1123 : i32
      %lt3A_1125 = arith.constant 40 : i32
      %lt3A_1126 = arith.cmpi slt, %sub3A_1124, %lt3A_1125 : i32
      %convert_element_type3A_1127 = arith.extui %lt3A_1126 : i1 to i32
      %cond3A_1128 = arith.constant 0 : i32
      %cond3A_1129 = arith.cmpi ne, %convert_element_type3A_1127, %cond3A_1128 : i32
      scf.if %cond3A_1129 {
        %add3A_1179 = arith.constant 4 : i32
        %add3A_1180 = arith.addi %add3A_1120, %add3A_1179 : i32
        %sub3A_1181 = arith.constant 1 : i32
        %sub3A_1182 = arith.subi %add3A_1180, %sub3A_1181 : i32
        %shift_right_arithmetic3A_1183 = arith.constant 3 : i32
        %shift_right_arithmetic3A_1184 = arith.shrsi %sub3A_1182, %shift_right_arithmetic3A_1183 : i32
        %broadcast_in_dim3A_1185 = vector.broadcast %shift_right_arithmetic3A_1184 : i32 to vector<16xi32>
        %and3A_1186 = arith.constant 7 : i32
        %and3A_1187 = arith.andi %sub3A_1182, %and3A_1186 : i32
        %mul3A_1188 = arith.constant 16 : i32
        %mul3A_1189 = arith.muli %and3A_1187, %mul3A_1188 : i32
        %add3A_1190 = vector.broadcast %mul3A_1189 : i32 to vector<16xi32>
        %add3A_1191 = arith.addi %iota3A, %add3A_1190 : vector<16xi32>
        %gather3A_1192 = tpu.vector_load_idx %arg6[%broadcast_in_dim3A_1185, %add3A_1191] : memref<8x128xi32, #tpu.memory_space<vmem>>[vector<16xi32>, vector<16xi32>], vector<16xi32>,
        %mul3A_1193 = arith.muli %gather3A_1192, %convert_element_type3A : vector<16xi32>
        %reduce_sum3A_1194 = arith.constant true
        %reduce_sum3A_1195 = vector.broadcast %reduce_sum3A_1194 : i1 to vector<16xi1>
        %reduce_sum3A_1196 = tpu.scan <sum>, %mul3A_1193 masked %reduce_sum3A_1195 : vector<16xi32>, vector<16xi1> -> vector<16xi32>
        %reduce_sum3A_1197 = vector.extract %reduce_sum3A_1196[15] : i32 from vector<16xi32>
        %dma_start3A_1198 = arith.constant 0 : i32
        %dma_start3A_1199 = arith.constant 0 : i32
        %dma_start3A_1200 = arith.constant 0 : i32
        %dma_start3A_1201 = tpu.memref_slice %arg10[%dma_start3A_1198, %dma_start3A_1199, %dma_start3A_1200] : memref<16x8x64xf32, #tpu.memory_space<vmem>> -> memref<1x8x64xf32, #tpu.memory_space<vmem>>
        %dma_start3A_1202 = arith.constant 0 : i32
        %dma_start3A_1203 = arith.constant 0 : i32
        %dma_start3A_1204 = tpu.memref_slice %arg4[%reduce_sum3A_1197, %dma_start3A_1202, %dma_start3A_1203] : memref<125000x8x64xf32, #tpu.memory_space<hbm>> -> memref<1x8x64xf32, #tpu.memory_space<hbm>>
        %dma_start3A_1205 = arith.constant 0 : i32
        %dma_start3A_1206 = arith.constant 0 : i32
        %dma_start3A_1207 = arith.constant 0 : i32
        %dma_start3A_1208 = tpu.memref_slice %arg10[%dma_start3A_1205, %dma_start3A_1206, %dma_start3A_1207] : memref<16x8x64xf32, #tpu.memory_space<vmem>> -> memref<1x8x64xf32, #tpu.memory_space<vmem>>
        %dma_start3A_1209 = arith.constant 0 : i32
        %dma_start3A_1210 = arith.constant 0 : i32
        %dma_start3A_1211 = tpu.memref_slice %arg4[%reduce_sum3A_1197, %dma_start3A_1209, %dma_start3A_1210] : memref<125000x8x64xf32, #tpu.memory_space<hbm>> -> memref<1x8x64xf32, #tpu.memory_space<hbm>>
        tpu.enqueue_dma source(%dma_start3A_1211 : memref<1x8x64xf32, #tpu.memory_space<hbm>>) target(%dma_start3A_1208 : memref<1x8x64xf32, #tpu.memory_space<vmem>>) target_semaphore(%arg15 : memref<!tpu.dma_semaphore, #tpu.memory_space<semaphore_mem>>)
        %mul3A_1212 = arith.muli %gather3A_1192, %convert_element_type3A_6 : vector<16xi32>
        %reduce_sum3A_1213 = arith.constant true
        %reduce_sum3A_1214 = vector.broadcast %reduce_sum3A_1213 : i1 to vector<16xi1>
        %reduce_sum3A_1215 = tpu.scan <sum>, %mul3A_1212 masked %reduce_sum3A_1214 : vector<16xi32>, vector<16xi1> -> vector<16xi32>
        %reduce_sum3A_1216 = vector.extract %reduce_sum3A_1215[15] : i32 from vector<16xi32>
        %dma_start3A_1217 = arith.constant 1 : i32
        %dma_start3A_1218 = arith.constant 0 : i32
        %dma_start3A_1219 = arith.constant 0 : i32
        %dma_start3A_1220 = tpu.memref_slice %arg10[%dma_start3A_1217, %dma_start3A_1218, %dma_start3A_1219] : memref<16x8x64xf32, #tpu.memory_space<vmem>> -> memref<1x8x64xf32, #tpu.memory_space<vmem>>
        %dma_start3A_1221 = arith.constant 0 : i32
        %dma_start3A_1222 = arith.constant 0 : i32
        %dma_start3A_1223 = tpu.memref_slice %arg4[%reduce_sum3A_1216, %dma_start3A_1221, %dma_start3A_1222] : memref<125000x8x64xf32, #tpu.memory_space<hbm>> -> memref<1x8x64xf32, #tpu.memory_space<hbm>>
        %dma_start3A_1224 = arith.constant 1 : i32
        %dma_start3A_1225 = arith.constant 0 : i32
        %dma_start3A_1226 = arith.constant 0 : i32
        %dma_start3A_1227 = tpu.memref_slice %arg10[%dma_start3A_1224, %dma_start3A_1225, %dma_start3A_1226] : memref<16x8x64xf32, #tpu.memory_space<vmem>> -> memref<1x8x64xf32, #tpu.memory_space<vmem>>
        %dma_start3A_1228 = arith.constant 0 : i32
        %dma_start3A_1229 = arith.constant 0 : i32
        %dma_start3A_1230 = tpu.memref_slice %arg4[%reduce_sum3A_1216, %dma_start3A_1228, %dma_start3A_1229] : memref<125000x8x64xf32, #tpu.memory_space<hbm>> -> memref<1x8x64xf32, #tpu.memory_space<hbm>>
        tpu.enqueue_dma source(%dma_start3A_1230 : memref<1x8x64xf32, #tpu.memory_space<hbm>>) target(%dma_start3A_1227 : memref<1x8x64xf32, #tpu.memory_space<vmem>>) target_semaphore(%arg15 : memref<!tpu.dma_semaphore, #tpu.memory_space<semaphore_mem>>)
        %mul3A_1231 = arith.muli %gather3A_1192, %convert_element_type3A_10 : vector<16xi32>
        %reduce_sum3A_1232 = arith.constant true
        %reduce_sum3A_1233 = vector.broadcast %reduce_sum3A_1232 : i1 to vector<16xi1>
        %reduce_sum3A_1234 = tpu.scan <sum>, %mul3A_1231 masked %reduce_sum3A_1233 : vector<16xi32>, vector<16xi1> -> vector<16xi32>
        %reduce_sum3A_1235 = vector.extract %reduce_sum3A_1234[15] : i32 from vector<16xi32>
        %dma_start3A_1236 = arith.constant 2 : i32
        %dma_start3A_1237 = arith.constant 0 : i32
        %dma_start3A_1238 = arith.constant 0 : i32
        %dma_start3A_1239 = tpu.memref_slice %arg10[%dma_start3A_1236, %dma_start3A_1237, %dma_start3A_1238] : memref<16x8x64xf32, #tpu.memory_space<vmem>> -> memref<1x8x64xf32, #tpu.memory_space<vmem>>
        %dma_start3A_1240 = arith.constant 0 : i32
        %dma_start3A_1241 = arith.constant 0 : i32
        %dma_start3A_1242 = tpu.memref_slice %arg4[%reduce_sum3A_1235, %dma_start3A_1240, %dma_start3A_1241] : memref<125000x8x64xf32, #tpu.memory_space<hbm>> -> memref<1x8x64xf32, #tpu.memory_space<hbm>>
        %dma_start3A_1243 = arith.constant 2 : i32
        %dma_start3A_1244 = arith.constant 0 : i32
        %dma_start3A_1245 = arith.constant 0 : i32
        %dma_start3A_1246 = tpu.memref_slice %arg10[%dma_start3A_1243, %dma_start3A_1244, %dma_start3A_1245] : memref<16x8x64xf32, #tpu.memory_space<vmem>> -> memref<1x8x64xf32, #tpu.memory_space<vmem>>
        %dma_start3A_1247 = arith.constant 0 : i32
        %dma_start3A_1248 = arith.constant 0 : i32
        %dma_start3A_1249 = tpu.memref_slice %arg4[%reduce_sum3A_1235, %dma_start3A_1247, %dma_start3A_1248] : memref<125000x8x64xf32, #tpu.memory_space<hbm>> -> memref<1x8x64xf32, #tpu.memory_space<hbm>>
        tpu.enqueue_dma source(%dma_start3A_1249 : memref<1x8x64xf32, #tpu.memory_space<hbm>>) target(%dma_start3A_1246 : memref<1x8x64xf32, #tpu.memory_space<vmem>>) target_semaphore(%arg15 : memref<!tpu.dma_semaphore, #tpu.memory_space<semaphore_mem>>)
        %mul3A_1250 = arith.muli %gather3A_1192, %convert_element_type3A_14 : vector<16xi32>
        %reduce_sum3A_1251 = arith.constant true
        %reduce_sum3A_1252 = vector.broadcast %reduce_sum3A_1251 : i1 to vector<16xi1>
        %reduce_sum3A_1253 = tpu.scan <sum>, %mul3A_1250 masked %reduce_sum3A_1252 : vector<16xi32>, vector<16xi1> -> vector<16xi32>
        %reduce_sum3A_1254 = vector.extract %reduce_sum3A_1253[15] : i32 from vector<16xi32>
        %dma_start3A_1255 = arith.constant 3 : i32
        %dma_start3A_1256 = arith.constant 0 : i32
        %dma_start3A_1257 = arith.constant 0 : i32
        %dma_start3A_1258 = tpu.memref_slice %arg10[%dma_start3A_1255, %dma_start3A_1256, %dma_start3A_1257] : memref<16x8x64xf32, #tpu.memory_space<vmem>> -> memref<1x8x64xf32, #tpu.memory_space<vmem>>
        %dma_start3A_1259 = arith.constant 0 : i32
        %dma_start3A_1260 = arith.constant 0 : i32
        %dma_start3A_1261 = tpu.memref_slice %arg4[%reduce_sum3A_1254, %dma_start3A_1259, %dma_start3A_1260] : memref<125000x8x64xf32, #tpu.memory_space<hbm>> -> memref<1x8x64xf32, #tpu.memory_space<hbm>>
        %dma_start3A_1262 = arith.constant 3 : i32
        %dma_start3A_1263 = arith.constant 0 : i32
        %dma_start3A_1264 = arith.constant 0 : i32
        %dma_start3A_1265 = tpu.memref_slice %arg10[%dma_start3A_1262, %dma_start3A_1263, %dma_start3A_1264] : memref<16x8x64xf32, #tpu.memory_space<vmem>> -> memref<1x8x64xf32, #tpu.memory_space<vmem>>
        %dma_start3A_1266 = arith.constant 0 : i32
        %dma_start3A_1267 = arith.constant 0 : i32
        %dma_start3A_1268 = tpu.memref_slice %arg4[%reduce_sum3A_1254, %dma_start3A_1266, %dma_start3A_1267] : memref<125000x8x64xf32, #tpu.memory_space<hbm>> -> memref<1x8x64xf32, #tpu.memory_space<hbm>>
        tpu.enqueue_dma source(%dma_start3A_1268 : memref<1x8x64xf32, #tpu.memory_space<hbm>>) target(%dma_start3A_1265 : memref<1x8x64xf32, #tpu.memory_space<vmem>>) target_semaphore(%arg15 : memref<!tpu.dma_semaphore, #tpu.memory_space<semaphore_mem>>)
        %mul3A_1269 = arith.muli %gather3A_1192, %convert_element_type3A_18 : vector<16xi32>
        %reduce_sum3A_1270 = arith.constant true
        %reduce_sum3A_1271 = vector.broadcast %reduce_sum3A_1270 : i1 to vector<16xi1>
        %reduce_sum3A_1272 = tpu.scan <sum>, %mul3A_1269 masked %reduce_sum3A_1271 : vector<16xi32>, vector<16xi1> -> vector<16xi32>
        %reduce_sum3A_1273 = vector.extract %reduce_sum3A_1272[15] : i32 from vector<16xi32>
        %dma_start3A_1274 = arith.constant 4 : i32
        %dma_start3A_1275 = arith.constant 0 : i32
        %dma_start3A_1276 = arith.constant 0 : i32
        %dma_start3A_1277 = tpu.memref_slice %arg10[%dma_start3A_1274, %dma_start3A_1275, %dma_start3A_1276] : memref<16x8x64xf32, #tpu.memory_space<vmem>> -> memref<1x8x64xf32, #tpu.memory_space<vmem>>
        %dma_start3A_1278 = arith.constant 0 : i32
        %dma_start3A_1279 = arith.constant 0 : i32
        %dma_start3A_1280 = tpu.memref_slice %arg4[%reduce_sum3A_1273, %dma_start3A_1278, %dma_start3A_1279] : memref<125000x8x64xf32, #tpu.memory_space<hbm>> -> memref<1x8x64xf32, #tpu.memory_space<hbm>>
        %dma_start3A_1281 = arith.constant 4 : i32
        %dma_start3A_1282 = arith.constant 0 : i32
        %dma_start3A_1283 = arith.constant 0 : i32
        %dma_start3A_1284 = tpu.memref_slice %arg10[%dma_start3A_1281, %dma_start3A_1282, %dma_start3A_1283] : memref<16x8x64xf32, #tpu.memory_space<vmem>> -> memref<1x8x64xf32, #tpu.memory_space<vmem>>
        %dma_start3A_1285 = arith.constant 0 : i32
        %dma_start3A_1286 = arith.constant 0 : i32
        %dma_start3A_1287 = tpu.memref_slice %arg4[%reduce_sum3A_1273, %dma_start3A_1285, %dma_start3A_1286] : memref<125000x8x64xf32, #tpu.memory_space<hbm>> -> memref<1x8x64xf32, #tpu.memory_space<hbm>>
        tpu.enqueue_dma source(%dma_start3A_1287 : memref<1x8x64xf32, #tpu.memory_space<hbm>>) target(%dma_start3A_1284 : memref<1x8x64xf32, #tpu.memory_space<vmem>>) target_semaphore(%arg15 : memref<!tpu.dma_semaphore, #tpu.memory_space<semaphore_mem>>)
        %mul3A_1288 = arith.muli %gather3A_1192, %convert_element_type3A_22 : vector<16xi32>
        %reduce_sum3A_1289 = arith.constant true
        %reduce_sum3A_1290 = vector.broadcast %reduce_sum3A_1289 : i1 to vector<16xi1>
        %reduce_sum3A_1291 = tpu.scan <sum>, %mul3A_1288 masked %reduce_sum3A_1290 : vector<16xi32>, vector<16xi1> -> vector<16xi32>
        %reduce_sum3A_1292 = vector.extract %reduce_sum3A_1291[15] : i32 from vector<16xi32>
        %dma_start3A_1293 = arith.constant 5 : i32
        %dma_start3A_1294 = arith.constant 0 : i32
        %dma_start3A_1295 = arith.constant 0 : i32
        %dma_start3A_1296 = tpu.memref_slice %arg10[%dma_start3A_1293, %dma_start3A_1294, %dma_start3A_1295] : memref<16x8x64xf32, #tpu.memory_space<vmem>> -> memref<1x8x64xf32, #tpu.memory_space<vmem>>
        %dma_start3A_1297 = arith.constant 0 : i32
        %dma_start3A_1298 = arith.constant 0 : i32
        %dma_start3A_1299 = tpu.memref_slice %arg4[%reduce_sum3A_1292, %dma_start3A_1297, %dma_start3A_1298] : memref<125000x8x64xf32, #tpu.memory_space<hbm>> -> memref<1x8x64xf32, #tpu.memory_space<hbm>>
        %dma_start3A_1300 = arith.constant 5 : i32
        %dma_start3A_1301 = arith.constant 0 : i32
        %dma_start3A_1302 = arith.constant 0 : i32
        %dma_start3A_1303 = tpu.memref_slice %arg10[%dma_start3A_1300, %dma_start3A_1301, %dma_start3A_1302] : memref<16x8x64xf32, #tpu.memory_space<vmem>> -> memref<1x8x64xf32, #tpu.memory_space<vmem>>
        %dma_start3A_1304 = arith.constant 0 : i32
        %dma_start3A_1305 = arith.constant 0 : i32
        %dma_start3A_1306 = tpu.memref_slice %arg4[%reduce_sum3A_1292, %dma_start3A_1304, %dma_start3A_1305] : memref<125000x8x64xf32, #tpu.memory_space<hbm>> -> memref<1x8x64xf32, #tpu.memory_space<hbm>>
        tpu.enqueue_dma source(%dma_start3A_1306 : memref<1x8x64xf32, #tpu.memory_space<hbm>>) target(%dma_start3A_1303 : memref<1x8x64xf32, #tpu.memory_space<vmem>>) target_semaphore(%arg15 : memref<!tpu.dma_semaphore, #tpu.memory_space<semaphore_mem>>)
        %mul3A_1307 = arith.muli %gather3A_1192, %convert_element_type3A_26 : vector<16xi32>
        %reduce_sum3A_1308 = arith.constant true
        %reduce_sum3A_1309 = vector.broadcast %reduce_sum3A_1308 : i1 to vector<16xi1>
        %reduce_sum3A_1310 = tpu.scan <sum>, %mul3A_1307 masked %reduce_sum3A_1309 : vector<16xi32>, vector<16xi1> -> vector<16xi32>
        %reduce_sum3A_1311 = vector.extract %reduce_sum3A_1310[15] : i32 from vector<16xi32>
        %dma_start3A_1312 = arith.constant 6 : i32
        %dma_start3A_1313 = arith.constant 0 : i32
        %dma_start3A_1314 = arith.constant 0 : i32
        %dma_start3A_1315 = tpu.memref_slice %arg10[%dma_start3A_1312, %dma_start3A_1313, %dma_start3A_1314] : memref<16x8x64xf32, #tpu.memory_space<vmem>> -> memref<1x8x64xf32, #tpu.memory_space<vmem>>
        %dma_start3A_1316 = arith.constant 0 : i32
        %dma_start3A_1317 = arith.constant 0 : i32
        %dma_start3A_1318 = tpu.memref_slice %arg4[%reduce_sum3A_1311, %dma_start3A_1316, %dma_start3A_1317] : memref<125000x8x64xf32, #tpu.memory_space<hbm>> -> memref<1x8x64xf32, #tpu.memory_space<hbm>>
        %dma_start3A_1319 = arith.constant 6 : i32
        %dma_start3A_1320 = arith.constant 0 : i32
        %dma_start3A_1321 = arith.constant 0 : i32
        %dma_start3A_1322 = tpu.memref_slice %arg10[%dma_start3A_1319, %dma_start3A_1320, %dma_start3A_1321] : memref<16x8x64xf32, #tpu.memory_space<vmem>> -> memref<1x8x64xf32, #tpu.memory_space<vmem>>
        %dma_start3A_1323 = arith.constant 0 : i32
        %dma_start3A_1324 = arith.constant 0 : i32
        %dma_start3A_1325 = tpu.memref_slice %arg4[%reduce_sum3A_1311, %dma_start3A_1323, %dma_start3A_1324] : memref<125000x8x64xf32, #tpu.memory_space<hbm>> -> memref<1x8x64xf32, #tpu.memory_space<hbm>>
        tpu.enqueue_dma source(%dma_start3A_1325 : memref<1x8x64xf32, #tpu.memory_space<hbm>>) target(%dma_start3A_1322 : memref<1x8x64xf32, #tpu.memory_space<vmem>>) target_semaphore(%arg15 : memref<!tpu.dma_semaphore, #tpu.memory_space<semaphore_mem>>)
        %mul3A_1326 = arith.muli %gather3A_1192, %convert_element_type3A_30 : vector<16xi32>
        %reduce_sum3A_1327 = arith.constant true
        %reduce_sum3A_1328 = vector.broadcast %reduce_sum3A_1327 : i1 to vector<16xi1>
        %reduce_sum3A_1329 = tpu.scan <sum>, %mul3A_1326 masked %reduce_sum3A_1328 : vector<16xi32>, vector<16xi1> -> vector<16xi32>
        %reduce_sum3A_1330 = vector.extract %reduce_sum3A_1329[15] : i32 from vector<16xi32>
        %dma_start3A_1331 = arith.constant 7 : i32
        %dma_start3A_1332 = arith.constant 0 : i32
        %dma_start3A_1333 = arith.constant 0 : i32
        %dma_start3A_1334 = tpu.memref_slice %arg10[%dma_start3A_1331, %dma_start3A_1332, %dma_start3A_1333] : memref<16x8x64xf32, #tpu.memory_space<vmem>> -> memref<1x8x64xf32, #tpu.memory_space<vmem>>
        %dma_start3A_1335 = arith.constant 0 : i32
        %dma_start3A_1336 = arith.constant 0 : i32
        %dma_start3A_1337 = tpu.memref_slice %arg4[%reduce_sum3A_1330, %dma_start3A_1335, %dma_start3A_1336] : memref<125000x8x64xf32, #tpu.memory_space<hbm>> -> memref<1x8x64xf32, #tpu.memory_space<hbm>>
        %dma_start3A_1338 = arith.constant 7 : i32
        %dma_start3A_1339 = arith.constant 0 : i32
        %dma_start3A_1340 = arith.constant 0 : i32
        %dma_start3A_1341 = tpu.memref_slice %arg10[%dma_start3A_1338, %dma_start3A_1339, %dma_start3A_1340] : memref<16x8x64xf32, #tpu.memory_space<vmem>> -> memref<1x8x64xf32, #tpu.memory_space<vmem>>
        %dma_start3A_1342 = arith.constant 0 : i32
        %dma_start3A_1343 = arith.constant 0 : i32
        %dma_start3A_1344 = tpu.memref_slice %arg4[%reduce_sum3A_1330, %dma_start3A_1342, %dma_start3A_1343] : memref<125000x8x64xf32, #tpu.memory_space<hbm>> -> memref<1x8x64xf32, #tpu.memory_space<hbm>>
        tpu.enqueue_dma source(%dma_start3A_1344 : memref<1x8x64xf32, #tpu.memory_space<hbm>>) target(%dma_start3A_1341 : memref<1x8x64xf32, #tpu.memory_space<vmem>>) target_semaphore(%arg15 : memref<!tpu.dma_semaphore, #tpu.memory_space<semaphore_mem>>)
        %mul3A_1345 = arith.muli %gather3A_1192, %convert_element_type3A_34 : vector<16xi32>
        %reduce_sum3A_1346 = arith.constant true
        %reduce_sum3A_1347 = vector.broadcast %reduce_sum3A_1346 : i1 to vector<16xi1>
        %reduce_sum3A_1348 = tpu.scan <sum>, %mul3A_1345 masked %reduce_sum3A_1347 : vector<16xi32>, vector<16xi1> -> vector<16xi32>
        %reduce_sum3A_1349 = vector.extract %reduce_sum3A_1348[15] : i32 from vector<16xi32>
        %dma_start3A_1350 = arith.constant 8 : i32
        %dma_start3A_1351 = arith.constant 0 : i32
        %dma_start3A_1352 = arith.constant 0 : i32
        %dma_start3A_1353 = tpu.memref_slice %arg10[%dma_start3A_1350, %dma_start3A_1351, %dma_start3A_1352] : memref<16x8x64xf32, #tpu.memory_space<vmem>> -> memref<1x8x64xf32, #tpu.memory_space<vmem>>
        %dma_start3A_1354 = arith.constant 0 : i32
        %dma_start3A_1355 = arith.constant 0 : i32
        %dma_start3A_1356 = tpu.memref_slice %arg4[%reduce_sum3A_1349, %dma_start3A_1354, %dma_start3A_1355] : memref<125000x8x64xf32, #tpu.memory_space<hbm>> -> memref<1x8x64xf32, #tpu.memory_space<hbm>>
        %dma_start3A_1357 = arith.constant 8 : i32
        %dma_start3A_1358 = arith.constant 0 : i32
        %dma_start3A_1359 = arith.constant 0 : i32
        %dma_start3A_1360 = tpu.memref_slice %arg10[%dma_start3A_1357, %dma_start3A_1358, %dma_start3A_1359] : memref<16x8x64xf32, #tpu.memory_space<vmem>> -> memref<1x8x64xf32, #tpu.memory_space<vmem>>
        %dma_start3A_1361 = arith.constant 0 : i32
        %dma_start3A_1362 = arith.constant 0 : i32
        %dma_start3A_1363 = tpu.memref_slice %arg4[%reduce_sum3A_1349, %dma_start3A_1361, %dma_start3A_1362] : memref<125000x8x64xf32, #tpu.memory_space<hbm>> -> memref<1x8x64xf32, #tpu.memory_space<hbm>>
        tpu.enqueue_dma source(%dma_start3A_1363 : memref<1x8x64xf32, #tpu.memory_space<hbm>>) target(%dma_start3A_1360 : memref<1x8x64xf32, #tpu.memory_space<vmem>>) target_semaphore(%arg15 : memref<!tpu.dma_semaphore, #tpu.memory_space<semaphore_mem>>)
        %mul3A_1364 = arith.muli %gather3A_1192, %convert_element_type3A_38 : vector<16xi32>
        %reduce_sum3A_1365 = arith.constant true
        %reduce_sum3A_1366 = vector.broadcast %reduce_sum3A_1365 : i1 to vector<16xi1>
        %reduce_sum3A_1367 = tpu.scan <sum>, %mul3A_1364 masked %reduce_sum3A_1366 : vector<16xi32>, vector<16xi1> -> vector<16xi32>
        %reduce_sum3A_1368 = vector.extract %reduce_sum3A_1367[15] : i32 from vector<16xi32>
        %dma_start3A_1369 = arith.constant 9 : i32
        %dma_start3A_1370 = arith.constant 0 : i32
        %dma_start3A_1371 = arith.constant 0 : i32
        %dma_start3A_1372 = tpu.memref_slice %arg10[%dma_start3A_1369, %dma_start3A_1370, %dma_start3A_1371] : memref<16x8x64xf32, #tpu.memory_space<vmem>> -> memref<1x8x64xf32, #tpu.memory_space<vmem>>
        %dma_start3A_1373 = arith.constant 0 : i32
        %dma_start3A_1374 = arith.constant 0 : i32
        %dma_start3A_1375 = tpu.memref_slice %arg4[%reduce_sum3A_1368, %dma_start3A_1373, %dma_start3A_1374] : memref<125000x8x64xf32, #tpu.memory_space<hbm>> -> memref<1x8x64xf32, #tpu.memory_space<hbm>>
        %dma_start3A_1376 = arith.constant 9 : i32
        %dma_start3A_1377 = arith.constant 0 : i32
        %dma_start3A_1378 = arith.constant 0 : i32
        %dma_start3A_1379 = tpu.memref_slice %arg10[%dma_start3A_1376, %dma_start3A_1377, %dma_start3A_1378] : memref<16x8x64xf32, #tpu.memory_space<vmem>> -> memref<1x8x64xf32, #tpu.memory_space<vmem>>
        %dma_start3A_1380 = arith.constant 0 : i32
        %dma_start3A_1381 = arith.constant 0 : i32
        %dma_start3A_1382 = tpu.memref_slice %arg4[%reduce_sum3A_1368, %dma_start3A_1380, %dma_start3A_1381] : memref<125000x8x64xf32, #tpu.memory_space<hbm>> -> memref<1x8x64xf32, #tpu.memory_space<hbm>>
        tpu.enqueue_dma source(%dma_start3A_1382 : memref<1x8x64xf32, #tpu.memory_space<hbm>>) target(%dma_start3A_1379 : memref<1x8x64xf32, #tpu.memory_space<vmem>>) target_semaphore(%arg15 : memref<!tpu.dma_semaphore, #tpu.memory_space<semaphore_mem>>)
        %mul3A_1383 = arith.muli %gather3A_1192, %convert_element_type3A_42 : vector<16xi32>
        %reduce_sum3A_1384 = arith.constant true
        %reduce_sum3A_1385 = vector.broadcast %reduce_sum3A_1384 : i1 to vector<16xi1>
        %reduce_sum3A_1386 = tpu.scan <sum>, %mul3A_1383 masked %reduce_sum3A_1385 : vector<16xi32>, vector<16xi1> -> vector<16xi32>
        %reduce_sum3A_1387 = vector.extract %reduce_sum3A_1386[15] : i32 from vector<16xi32>
        %dma_start3A_1388 = arith.constant 10 : i32
        %dma_start3A_1389 = arith.constant 0 : i32
        %dma_start3A_1390 = arith.constant 0 : i32
        %dma_start3A_1391 = tpu.memref_slice %arg10[%dma_start3A_1388, %dma_start3A_1389, %dma_start3A_1390] : memref<16x8x64xf32, #tpu.memory_space<vmem>> -> memref<1x8x64xf32, #tpu.memory_space<vmem>>
        %dma_start3A_1392 = arith.constant 0 : i32
        %dma_start3A_1393 = arith.constant 0 : i32
        %dma_start3A_1394 = tpu.memref_slice %arg4[%reduce_sum3A_1387, %dma_start3A_1392, %dma_start3A_1393] : memref<125000x8x64xf32, #tpu.memory_space<hbm>> -> memref<1x8x64xf32, #tpu.memory_space<hbm>>
        %dma_start3A_1395 = arith.constant 10 : i32
        %dma_start3A_1396 = arith.constant 0 : i32
        %dma_start3A_1397 = arith.constant 0 : i32
        %dma_start3A_1398 = tpu.memref_slice %arg10[%dma_start3A_1395, %dma_start3A_1396, %dma_start3A_1397] : memref<16x8x64xf32, #tpu.memory_space<vmem>> -> memref<1x8x64xf32, #tpu.memory_space<vmem>>
        %dma_start3A_1399 = arith.constant 0 : i32
        %dma_start3A_1400 = arith.constant 0 : i32
        %dma_start3A_1401 = tpu.memref_slice %arg4[%reduce_sum3A_1387, %dma_start3A_1399, %dma_start3A_1400] : memref<125000x8x64xf32, #tpu.memory_space<hbm>> -> memref<1x8x64xf32, #tpu.memory_space<hbm>>
        tpu.enqueue_dma source(%dma_start3A_1401 : memref<1x8x64xf32, #tpu.memory_space<hbm>>) target(%dma_start3A_1398 : memref<1x8x64xf32, #tpu.memory_space<vmem>>) target_semaphore(%arg15 : memref<!tpu.dma_semaphore, #tpu.memory_space<semaphore_mem>>)
        %mul3A_1402 = arith.muli %gather3A_1192, %convert_element_type3A_46 : vector<16xi32>
        %reduce_sum3A_1403 = arith.constant true
        %reduce_sum3A_1404 = vector.broadcast %reduce_sum3A_1403 : i1 to vector<16xi1>
        %reduce_sum3A_1405 = tpu.scan <sum>, %mul3A_1402 masked %reduce_sum3A_1404 : vector<16xi32>, vector<16xi1> -> vector<16xi32>
        %reduce_sum3A_1406 = vector.extract %reduce_sum3A_1405[15] : i32 from vector<16xi32>
        %dma_start3A_1407 = arith.constant 11 : i32
        %dma_start3A_1408 = arith.constant 0 : i32
        %dma_start3A_1409 = arith.constant 0 : i32
        %dma_start3A_1410 = tpu.memref_slice %arg10[%dma_start3A_1407, %dma_start3A_1408, %dma_start3A_1409] : memref<16x8x64xf32, #tpu.memory_space<vmem>> -> memref<1x8x64xf32, #tpu.memory_space<vmem>>
        %dma_start3A_1411 = arith.constant 0 : i32
        %dma_start3A_1412 = arith.constant 0 : i32
        %dma_start3A_1413 = tpu.memref_slice %arg4[%reduce_sum3A_1406, %dma_start3A_1411, %dma_start3A_1412] : memref<125000x8x64xf32, #tpu.memory_space<hbm>> -> memref<1x8x64xf32, #tpu.memory_space<hbm>>
        %dma_start3A_1414 = arith.constant 11 : i32
        %dma_start3A_1415 = arith.constant 0 : i32
        %dma_start3A_1416 = arith.constant 0 : i32
        %dma_start3A_1417 = tpu.memref_slice %arg10[%dma_start3A_1414, %dma_start3A_1415, %dma_start3A_1416] : memref<16x8x64xf32, #tpu.memory_space<vmem>> -> memref<1x8x64xf32, #tpu.memory_space<vmem>>
        %dma_start3A_1418 = arith.constant 0 : i32
        %dma_start3A_1419 = arith.constant 0 : i32
        %dma_start3A_1420 = tpu.memref_slice %arg4[%reduce_sum3A_1406, %dma_start3A_1418, %dma_start3A_1419] : memref<125000x8x64xf32, #tpu.memory_space<hbm>> -> memref<1x8x64xf32, #tpu.memory_space<hbm>>
        tpu.enqueue_dma source(%dma_start3A_1420 : memref<1x8x64xf32, #tpu.memory_space<hbm>>) target(%dma_start3A_1417 : memref<1x8x64xf32, #tpu.memory_space<vmem>>) target_semaphore(%arg15 : memref<!tpu.dma_semaphore, #tpu.memory_space<semaphore_mem>>)
        %mul3A_1421 = arith.muli %gather3A_1192, %convert_element_type3A_50 : vector<16xi32>
        %reduce_sum3A_1422 = arith.constant true
        %reduce_sum3A_1423 = vector.broadcast %reduce_sum3A_1422 : i1 to vector<16xi1>
        %reduce_sum3A_1424 = tpu.scan <sum>, %mul3A_1421 masked %reduce_sum3A_1423 : vector<16xi32>, vector<16xi1> -> vector<16xi32>
        %reduce_sum3A_1425 = vector.extract %reduce_sum3A_1424[15] : i32 from vector<16xi32>
        %dma_start3A_1426 = arith.constant 12 : i32
        %dma_start3A_1427 = arith.constant 0 : i32
        %dma_start3A_1428 = arith.constant 0 : i32
        %dma_start3A_1429 = tpu.memref_slice %arg10[%dma_start3A_1426, %dma_start3A_1427, %dma_start3A_1428] : memref<16x8x64xf32, #tpu.memory_space<vmem>> -> memref<1x8x64xf32, #tpu.memory_space<vmem>>
        %dma_start3A_1430 = arith.constant 0 : i32
        %dma_start3A_1431 = arith.constant 0 : i32
        %dma_start3A_1432 = tpu.memref_slice %arg4[%reduce_sum3A_1425, %dma_start3A_1430, %dma_start3A_1431] : memref<125000x8x64xf32, #tpu.memory_space<hbm>> -> memref<1x8x64xf32, #tpu.memory_space<hbm>>
        %dma_start3A_1433 = arith.constant 12 : i32
        %dma_start3A_1434 = arith.constant 0 : i32
        %dma_start3A_1435 = arith.constant 0 : i32
        %dma_start3A_1436 = tpu.memref_slice %arg10[%dma_start3A_1433, %dma_start3A_1434, %dma_start3A_1435] : memref<16x8x64xf32, #tpu.memory_space<vmem>> -> memref<1x8x64xf32, #tpu.memory_space<vmem>>
        %dma_start3A_1437 = arith.constant 0 : i32
        %dma_start3A_1438 = arith.constant 0 : i32
        %dma_start3A_1439 = tpu.memref_slice %arg4[%reduce_sum3A_1425, %dma_start3A_1437, %dma_start3A_1438] : memref<125000x8x64xf32, #tpu.memory_space<hbm>> -> memref<1x8x64xf32, #tpu.memory_space<hbm>>
        tpu.enqueue_dma source(%dma_start3A_1439 : memref<1x8x64xf32, #tpu.memory_space<hbm>>) target(%dma_start3A_1436 : memref<1x8x64xf32, #tpu.memory_space<vmem>>) target_semaphore(%arg15 : memref<!tpu.dma_semaphore, #tpu.memory_space<semaphore_mem>>)
        %mul3A_1440 = arith.muli %gather3A_1192, %convert_element_type3A_54 : vector<16xi32>
        %reduce_sum3A_1441 = arith.constant true
        %reduce_sum3A_1442 = vector.broadcast %reduce_sum3A_1441 : i1 to vector<16xi1>
        %reduce_sum3A_1443 = tpu.scan <sum>, %mul3A_1440 masked %reduce_sum3A_1442 : vector<16xi32>, vector<16xi1> -> vector<16xi32>
        %reduce_sum3A_1444 = vector.extract %reduce_sum3A_1443[15] : i32 from vector<16xi32>
        %dma_start3A_1445 = arith.constant 13 : i32
        %dma_start3A_1446 = arith.constant 0 : i32
        %dma_start3A_1447 = arith.constant 0 : i32
        %dma_start3A_1448 = tpu.memref_slice %arg10[%dma_start3A_1445, %dma_start3A_1446, %dma_start3A_1447] : memref<16x8x64xf32, #tpu.memory_space<vmem>> -> memref<1x8x64xf32, #tpu.memory_space<vmem>>
        %dma_start3A_1449 = arith.constant 0 : i32
        %dma_start3A_1450 = arith.constant 0 : i32
        %dma_start3A_1451 = tpu.memref_slice %arg4[%reduce_sum3A_1444, %dma_start3A_1449, %dma_start3A_1450] : memref<125000x8x64xf32, #tpu.memory_space<hbm>> -> memref<1x8x64xf32, #tpu.memory_space<hbm>>
        %dma_start3A_1452 = arith.constant 13 : i32
        %dma_start3A_1453 = arith.constant 0 : i32
        %dma_start3A_1454 = arith.constant 0 : i32
        %dma_start3A_1455 = tpu.memref_slice %arg10[%dma_start3A_1452, %dma_start3A_1453, %dma_start3A_1454] : memref<16x8x64xf32, #tpu.memory_space<vmem>> -> memref<1x8x64xf32, #tpu.memory_space<vmem>>
        %dma_start3A_1456 = arith.constant 0 : i32
        %dma_start3A_1457 = arith.constant 0 : i32
        %dma_start3A_1458 = tpu.memref_slice %arg4[%reduce_sum3A_1444, %dma_start3A_1456, %dma_start3A_1457] : memref<125000x8x64xf32, #tpu.memory_space<hbm>> -> memref<1x8x64xf32, #tpu.memory_space<hbm>>
        tpu.enqueue_dma source(%dma_start3A_1458 : memref<1x8x64xf32, #tpu.memory_space<hbm>>) target(%dma_start3A_1455 : memref<1x8x64xf32, #tpu.memory_space<vmem>>) target_semaphore(%arg15 : memref<!tpu.dma_semaphore, #tpu.memory_space<semaphore_mem>>)
        %mul3A_1459 = arith.muli %gather3A_1192, %convert_element_type3A_58 : vector<16xi32>
        %reduce_sum3A_1460 = arith.constant true
        %reduce_sum3A_1461 = vector.broadcast %reduce_sum3A_1460 : i1 to vector<16xi1>
        %reduce_sum3A_1462 = tpu.scan <sum>, %mul3A_1459 masked %reduce_sum3A_1461 : vector<16xi32>, vector<16xi1> -> vector<16xi32>
        %reduce_sum3A_1463 = vector.extract %reduce_sum3A_1462[15] : i32 from vector<16xi32>
        %dma_start3A_1464 = arith.constant 14 : i32
        %dma_start3A_1465 = arith.constant 0 : i32
        %dma_start3A_1466 = arith.constant 0 : i32
        %dma_start3A_1467 = tpu.memref_slice %arg10[%dma_start3A_1464, %dma_start3A_1465, %dma_start3A_1466] : memref<16x8x64xf32, #tpu.memory_space<vmem>> -> memref<1x8x64xf32, #tpu.memory_space<vmem>>
        %dma_start3A_1468 = arith.constant 0 : i32
        %dma_start3A_1469 = arith.constant 0 : i32
        %dma_start3A_1470 = tpu.memref_slice %arg4[%reduce_sum3A_1463, %dma_start3A_1468, %dma_start3A_1469] : memref<125000x8x64xf32, #tpu.memory_space<hbm>> -> memref<1x8x64xf32, #tpu.memory_space<hbm>>
        %dma_start3A_1471 = arith.constant 14 : i32
        %dma_start3A_1472 = arith.constant 0 : i32
        %dma_start3A_1473 = arith.constant 0 : i32
        %dma_start3A_1474 = tpu.memref_slice %arg10[%dma_start3A_1471, %dma_start3A_1472, %dma_start3A_1473] : memref<16x8x64xf32, #tpu.memory_space<vmem>> -> memref<1x8x64xf32, #tpu.memory_space<vmem>>
        %dma_start3A_1475 = arith.constant 0 : i32
        %dma_start3A_1476 = arith.constant 0 : i32
        %dma_start3A_1477 = tpu.memref_slice %arg4[%reduce_sum3A_1463, %dma_start3A_1475, %dma_start3A_1476] : memref<125000x8x64xf32, #tpu.memory_space<hbm>> -> memref<1x8x64xf32, #tpu.memory_space<hbm>>
        tpu.enqueue_dma source(%dma_start3A_1477 : memref<1x8x64xf32, #tpu.memory_space<hbm>>) target(%dma_start3A_1474 : memref<1x8x64xf32, #tpu.memory_space<vmem>>) target_semaphore(%arg15 : memref<!tpu.dma_semaphore, #tpu.memory_space<semaphore_mem>>)
        %mul3A_1478 = arith.muli %gather3A_1192, %convert_element_type3A_62 : vector<16xi32>
        %reduce_sum3A_1479 = arith.constant true
        %reduce_sum3A_1480 = vector.broadcast %reduce_sum3A_1479 : i1 to vector<16xi1>
        %reduce_sum3A_1481 = tpu.scan <sum>, %mul3A_1478 masked %reduce_sum3A_1480 : vector<16xi32>, vector<16xi1> -> vector<16xi32>
        %reduce_sum3A_1482 = vector.extract %reduce_sum3A_1481[15] : i32 from vector<16xi32>
        %dma_start3A_1483 = arith.constant 15 : i32
        %dma_start3A_1484 = arith.constant 0 : i32
        %dma_start3A_1485 = arith.constant 0 : i32
        %dma_start3A_1486 = tpu.memref_slice %arg10[%dma_start3A_1483, %dma_start3A_1484, %dma_start3A_1485] : memref<16x8x64xf32, #tpu.memory_space<vmem>> -> memref<1x8x64xf32, #tpu.memory_space<vmem>>
        %dma_start3A_1487 = arith.constant 0 : i32
        %dma_start3A_1488 = arith.constant 0 : i32
        %dma_start3A_1489 = tpu.memref_slice %arg4[%reduce_sum3A_1482, %dma_start3A_1487, %dma_start3A_1488] : memref<125000x8x64xf32, #tpu.memory_space<hbm>> -> memref<1x8x64xf32, #tpu.memory_space<hbm>>
        %dma_start3A_1490 = arith.constant 15 : i32
        %dma_start3A_1491 = arith.constant 0 : i32
        %dma_start3A_1492 = arith.constant 0 : i32
        %dma_start3A_1493 = tpu.memref_slice %arg10[%dma_start3A_1490, %dma_start3A_1491, %dma_start3A_1492] : memref<16x8x64xf32, #tpu.memory_space<vmem>> -> memref<1x8x64xf32, #tpu.memory_space<vmem>>
        %dma_start3A_1494 = arith.constant 0 : i32
        %dma_start3A_1495 = arith.constant 0 : i32
        %dma_start3A_1496 = tpu.memref_slice %arg4[%reduce_sum3A_1482, %dma_start3A_1494, %dma_start3A_1495] : memref<125000x8x64xf32, #tpu.memory_space<hbm>> -> memref<1x8x64xf32, #tpu.memory_space<hbm>>
        tpu.enqueue_dma source(%dma_start3A_1496 : memref<1x8x64xf32, #tpu.memory_space<hbm>>) target(%dma_start3A_1493 : memref<1x8x64xf32, #tpu.memory_space<vmem>>) target_semaphore(%arg15 : memref<!tpu.dma_semaphore, #tpu.memory_space<semaphore_mem>>)
      } else {
      }
      %dma_wait3A_1130 = arith.constant 0 : i32
      %dma_wait3A_1131 = arith.constant 0 : i32
      %dma_wait3A_1132 = arith.constant 0 : i32
      %dma_wait3A_1133 = tpu.memref_slice %arg4[%dma_wait3A_1130, %dma_wait3A_1131, %dma_wait3A_1132] : memref<125000x8x64xf32, #tpu.memory_space<hbm>> -> memref<16x8x64xf32, #tpu.memory_space<hbm>>
      %dma_wait3A_1134 = arith.constant 0 : i32
      %dma_wait3A_1135 = arith.constant 0 : i32
      %dma_wait3A_1136 = arith.constant 0 : i32
      %dma_wait3A_1137 = tpu.memref_slice %arg4[%dma_wait3A_1134, %dma_wait3A_1135, %dma_wait3A_1136] : memref<125000x8x64xf32, #tpu.memory_space<hbm>> -> memref<16x8x64xf32, #tpu.memory_space<hbm>>
      tpu.wait_dma2 semaphore(%arg16 : memref<!tpu.dma_semaphore, #tpu.memory_space<semaphore_mem>>) src(%dma_wait3A_1137 : memref<16x8x64xf32, #tpu.memory_space<hbm>>) dst(%arg11 : memref<16x8x64xf32, #tpu.memory_space<vmem>>)
      %shift_right_arithmetic3A_1138 = arith.constant 3 : i32
      %shift_right_arithmetic3A_1139 = arith.shrsi %add3A_1120, %shift_right_arithmetic3A_1138 : i32
      %broadcast_in_dim3A_1140 = vector.broadcast %shift_right_arithmetic3A_1139 : i32 to vector<16xi32>
      %and3A_1141 = arith.constant 7 : i32
      %and3A_1142 = arith.andi %add3A_1120, %and3A_1141 : i32
      %mul3A_1143 = arith.constant 16 : i32
      %mul3A_1144 = arith.muli %and3A_1142, %mul3A_1143 : i32
      %add3A_1145 = vector.broadcast %mul3A_1144 : i32 to vector<16xi32>
      %add3A_1146 = arith.addi %iota3A, %add3A_1145 : vector<16xi32>
      %gather3A_1147 = tpu.vector_load_idx %arg7[%broadcast_in_dim3A_1140, %add3A_1146] : memref<8x128xi32, #tpu.memory_space<vmem>>[vector<16xi32>, vector<16xi32>], vector<16xi32>,
      %and3A_1148 = arith.constant 7 : i32
      %and3A_1149 = arith.andi %add3A_1120, %and3A_1148 : i32
      %mul3A_1150 = arith.constant 16 : i32
      %mul3A_1151 = arith.muli %and3A_1149, %mul3A_1150 : i32
      %add3A_1152 = vector.broadcast %mul3A_1151 : i32 to vector<16xi32>
      %add3A_1153 = arith.addi %iota3A, %add3A_1152 : vector<16xi32>
      %scan3A_1154 = arith.constant 0 : i32
      %scan3A_1155 = arith.constant 0 : i32
      %scan3A_1156 = arith.constant 16 : i32
      %scan3A_1157 = arith.addi %scan3A_1155, %scan3A_1156 : i32
      %scan3A_1158 = arith.constant 1 : i32
      %scan3A_1159 = scf.for %scan3A_1179 = %scan3A_1155 to %scan3A_1157 step %scan3A_1158 iter_args(%scan3A_1180 = %scan3A_1154) -> (i32)  : i32 {
        %mul3A_1181 = arith.constant 4 : i32
        %mul3A_1182 = arith.muli %scan3A_1179, %mul3A_1181 : i32
        %add3A_1183 = arith.constant 0 : i32
        %add3A_1184 = arith.addi %mul3A_1182, %add3A_1183 : i32
        %broadcast_in_dim3A_1185 = vector.broadcast %add3A_1184 : i32 to vector<16xi32>
        %gather3A_1186 = tpu.vector_load_idx %arg11[%iota3A, %gather3A_1147, %broadcast_in_dim3A_1185] : memref<16x8x64xf32, #tpu.memory_space<vmem>>[vector<16xi32>, vector<16xi32>, vector<16xi32>], vector<16xf32>,
        tpu.vector_store_idx %arg12[%add3A_1153, %broadcast_in_dim3A_1185], %gather3A_1186 : memref<128x64xf32, #tpu.memory_space<vmem>>[vector<16xi32>, vector<16xi32>], vector<16xf32>,
        %mul3A_1187 = arith.constant 4 : i32
        %mul3A_1188 = arith.muli %scan3A_1179, %mul3A_1187 : i32
        %add3A_1189 = arith.constant 1 : i32
        %add3A_1190 = arith.addi %mul3A_1188, %add3A_1189 : i32
        %broadcast_in_dim3A_1191 = vector.broadcast %add3A_1190 : i32 to vector<16xi32>
        %gather3A_1192 = tpu.vector_load_idx %arg11[%iota3A, %gather3A_1147, %broadcast_in_dim3A_1191] : memref<16x8x64xf32, #tpu.memory_space<vmem>>[vector<16xi32>, vector<16xi32>, vector<16xi32>], vector<16xf32>,
        tpu.vector_store_idx %arg12[%add3A_1153, %broadcast_in_dim3A_1191], %gather3A_1192 : memref<128x64xf32, #tpu.memory_space<vmem>>[vector<16xi32>, vector<16xi32>], vector<16xf32>,
        %mul3A_1193 = arith.constant 4 : i32
        %mul3A_1194 = arith.muli %scan3A_1179, %mul3A_1193 : i32
        %add3A_1195 = arith.constant 2 : i32
        %add3A_1196 = arith.addi %mul3A_1194, %add3A_1195 : i32
        %broadcast_in_dim3A_1197 = vector.broadcast %add3A_1196 : i32 to vector<16xi32>
        %gather3A_1198 = tpu.vector_load_idx %arg11[%iota3A, %gather3A_1147, %broadcast_in_dim3A_1197] : memref<16x8x64xf32, #tpu.memory_space<vmem>>[vector<16xi32>, vector<16xi32>, vector<16xi32>], vector<16xf32>,
        tpu.vector_store_idx %arg12[%add3A_1153, %broadcast_in_dim3A_1197], %gather3A_1198 : memref<128x64xf32, #tpu.memory_space<vmem>>[vector<16xi32>, vector<16xi32>], vector<16xf32>,
        %mul3A_1199 = arith.constant 4 : i32
        %mul3A_1200 = arith.muli %scan3A_1179, %mul3A_1199 : i32
        %add3A_1201 = arith.constant 3 : i32
        %add3A_1202 = arith.addi %mul3A_1200, %add3A_1201 : i32
        %broadcast_in_dim3A_1203 = vector.broadcast %add3A_1202 : i32 to vector<16xi32>
        %gather3A_1204 = tpu.vector_load_idx %arg11[%iota3A, %gather3A_1147, %broadcast_in_dim3A_1203] : memref<16x8x64xf32, #tpu.memory_space<vmem>>[vector<16xi32>, vector<16xi32>, vector<16xi32>], vector<16xf32>,
        tpu.vector_store_idx %arg12[%add3A_1153, %broadcast_in_dim3A_1203], %gather3A_1204 : memref<128x64xf32, #tpu.memory_space<vmem>>[vector<16xi32>, vector<16xi32>], vector<16xf32>,
        %scan3A_1205 = arith.constant 0 : i32
        scf.yield %scan3A_1205 : i32
      }
      %scan3A_1160 = arith.constant 16 : i32
      %jit3A = arith.constant 2 : i32
      %eq3A_1161 = arith.constant 0 : i32
      %eq3A_1162 = arith.cmpi eq, %jit3A, %eq3A_1161 : i32
      %jit3A_1163 = arith.constant 1 : i32
      %select_n3A = arith.select %eq3A_1162, %jit3A_1163, %jit3A : i32
      %rem3A = arith.remsi %scan3A_995, %select_n3A : i32
      %ne3A = arith.constant 0 : i32
      %ne3A_1164 = arith.cmpi ne, %rem3A, %ne3A : i32
      %lt3A_1165 = arith.constant 0 : i32
      %lt3A_1166 = arith.cmpi slt, %rem3A, %lt3A_1165 : i32
      %lt3A_1167 = arith.constant 0 : i32
      %lt3A_1168 = arith.cmpi slt, %select_n3A, %lt3A_1167 : i32
      %ne3A_1169 = arith.xori %lt3A_1166, %lt3A_1168 : i1
      %and3A_1170 = arith.andi %ne3A_1169, %ne3A_1164 : i1
      %add3A_1171 = arith.addi %rem3A, %select_n3A : i32
      %select_n3A_1172 = arith.select %and3A_1170, %add3A_1171, %rem3A : i32
      %eq3A_1173 = arith.constant 1 : i32
      %eq3A_1174 = arith.cmpi eq, %select_n3A_1172, %eq3A_1173 : i32
      %convert_element_type3A_1175 = arith.extui %eq3A_1174 : i1 to i32
      %cond3A_1176 = arith.constant 0 : i32
      %cond3A_1177 = arith.cmpi ne, %convert_element_type3A_1175, %cond3A_1176 : i32
      scf.if %cond3A_1177 {
        %mul3A_1179 = arith.constant 640 : i32
        %mul3A_1180 = arith.muli %add3A, %mul3A_1179 : i32
        %jit3A_1181 = arith.constant 2 : i32
        %div3A = arith.divsi %scan3A_995, %jit3A_1181 : i32
        %sign3A = arith.constant 0 : i32
        %sign3A_1182 = arith.cmpi sgt, %scan3A_995, %sign3A : i32
        %sign3A_1183 = arith.extui %sign3A_1182 : i1 to i32
        %sign3A_1184 = arith.constant 0 : i32
        %sign3A_1185 = arith.cmpi slt, %scan3A_995, %sign3A_1184 : i32
        %sign3A_1186 = arith.extui %sign3A_1185 : i1 to i32
        %sign3A_1187 = arith.subi %sign3A_1183, %sign3A_1186 : i32
        %sign3A_1188 = arith.constant 0 : i32
        %sign3A_1189 = arith.cmpi sgt, %jit3A_1181, %sign3A_1188 : i32
        %sign3A_1190 = arith.extui %sign3A_1189 : i1 to i32
        %sign3A_1191 = arith.constant 0 : i32
        %sign3A_1192 = arith.cmpi slt, %jit3A_1181, %sign3A_1191 : i32
        %sign3A_1193 = arith.extui %sign3A_1192 : i1 to i32
        %sign3A_1194 = arith.subi %sign3A_1190, %sign3A_1193 : i32
        %ne3A_1195 = arith.cmpi ne, %sign3A_1187, %sign3A_1194 : i32
        %rem3A_1196 = arith.remsi %scan3A_995, %jit3A_1181 : i32
        %ne3A_1197 = arith.constant 0 : i32
        %ne3A_1198 = arith.cmpi ne, %rem3A_1196, %ne3A_1197 : i32
        %and3A_1199 = arith.andi %ne3A_1195, %ne3A_1198 : i1
        %sub3A_1200 = arith.constant 1 : i32
        %sub3A_1201 = arith.subi %div3A, %sub3A_1200 : i32
        %select_n3A_1202 = arith.select %and3A_1199, %sub3A_1201, %div3A : i32
        %mul3A_1203 = arith.constant 128 : i32
        %mul3A_1204 = arith.muli %select_n3A_1202, %mul3A_1203 : i32
        %add3A_1205 = arith.addi %mul3A_1180, %mul3A_1204 : i32
        "tpu.region"() ({
          %run_scoped3A = tpu.sem_alloc : memref<!tpu.dma_semaphore, #tpu.memory_space<semaphore_mem>>
          %dma_start3A_1206 = arith.constant 0 : i32
          %dma_start3A_1207 = tpu.memref_slice %arg5[%add3A_1205, %dma_start3A_1206] : memref<20480x64xf32, #tpu.memory_space<hbm>> -> memref<128x64xf32, #tpu.memory_space<hbm>>
          %dma_start3A_1208 = arith.constant 0 : i32
          %dma_start3A_1209 = tpu.memref_slice %arg5[%add3A_1205, %dma_start3A_1208] : memref<20480x64xf32, #tpu.memory_space<hbm>> -> memref<128x64xf32, #tpu.memory_space<hbm>>
          tpu.enqueue_dma source(%arg12 : memref<128x64xf32, #tpu.memory_space<vmem>>) target(%dma_start3A_1209 : memref<128x64xf32, #tpu.memory_space<hbm>>) target_semaphore(%run_scoped3A : memref<!tpu.dma_semaphore, #tpu.memory_space<semaphore_mem>>)
          %dma_wait3A_1210 = arith.constant 0 : i32
          %dma_wait3A_1211 = tpu.memref_slice %arg5[%add3A_1205, %dma_wait3A_1210] : memref<20480x64xf32, #tpu.memory_space<hbm>> -> memref<128x64xf32, #tpu.memory_space<hbm>>
          %dma_wait3A_1212 = arith.constant 0 : i32
          %dma_wait3A_1213 = tpu.memref_slice %arg5[%add3A_1205, %dma_wait3A_1212] : memref<20480x64xf32, #tpu.memory_space<hbm>> -> memref<128x64xf32, #tpu.memory_space<hbm>>
          tpu.wait_dma2 semaphore(%run_scoped3A : memref<!tpu.dma_semaphore, #tpu.memory_space<semaphore_mem>>) src(%arg12 : memref<128x64xf32, #tpu.memory_space<vmem>>) dst(%dma_wait3A_1213 : memref<128x64xf32, #tpu.memory_space<hbm>>)
          tpu.yield
        }) : () -> ()
      } else {
      }
      %scan3A_1178 = arith.constant 0 : i32
      scf.yield %scan3A_1178 : i32
    }
    %scan3A_994 = arith.constant 10 : i32
    return
  }
}

module attributes {stable_mosaic.version = 14 : i64} {
  func.func @_lstm_body(%arg0: i32, %arg1: memref<1x1024x64xf32, #tpu.memory_space<vmem>>, %arg2: memref<1x1024x1xf32, #tpu.memory_space<vmem>>, %arg3: memref<512x64xf32, #tpu.memory_space<vmem>>, %arg4: memref<512x128xf32, #tpu.memory_space<vmem>>, %arg5: memref<1x512xf32, #tpu.memory_space<vmem>>, %arg6: memref<1024x128xf32, #tpu.memory_space<vmem>>, %arg7: memref<1024x128xf32, #tpu.memory_space<vmem>>, %arg8: memref<1024x128xf32, #tpu.memory_space<vmem>>, %arg9: memref<1024x128xf32, #tpu.memory_space<vmem>>) attributes {dimension_semantics = [#tpu.dimension_semantics<arbitrary>], iteration_bounds = array<i64: 20>, scalar_prefetch = 0 : i64, scratch_operands = 2 : i64, tpu.core_type = #tpu.core_type<tc>, window_params = [{transform_indices = @transform_0, window_bounds = array<i64: 1, 1024, 64>}, {transform_indices = @transform_1, window_bounds = array<i64: 1, 1024, 1>}, {pipeline_mode = #tpu.pipeline_mode<synchronous>, transform_indices = @transform_2, window_bounds = array<i64: 512, 64>}, {pipeline_mode = #tpu.pipeline_mode<synchronous>, transform_indices = @transform_3, window_bounds = array<i64: 512, 128>}, {pipeline_mode = #tpu.pipeline_mode<synchronous>, transform_indices = @transform_4, window_bounds = array<i64: 1, 512>}, {pipeline_mode = #tpu.pipeline_mode<synchronous>, transform_indices = @transform_5, window_bounds = array<i64: 1024, 128>}, {pipeline_mode = #tpu.pipeline_mode<synchronous>, transform_indices = @transform_6, window_bounds = array<i64: 1024, 128>}]} {
    %eq3A = arith.constant 0 : i32
    %eq3A_0 = arith.cmpi eq, %arg0, %eq3A : i32
    %convert_element_type3A = arith.extui %eq3A_0 : i1 to i32
    %cond3A = arith.constant 0 : i32
    %cond3A_1 = arith.cmpi ne, %convert_element_type3A, %cond3A : i32
    scf.if %cond3A_1 {
      %broadcast_in_dim3A = arith.constant 0.000000e+00 : f32
      %broadcast_in_dim3A_67 = vector.broadcast %broadcast_in_dim3A : f32 to vector<1024x128xf32>
      %swap3A_68 = arith.constant 0 : index
      %swap3A_69 = arith.constant 0 : index
      %swap3A_70 = vector.load %arg8[%swap3A_68, %swap3A_69] : memref<1024x128xf32, #tpu.memory_space<vmem>>, vector<1024x128xf32>
      tpu.vector_store %arg8[%swap3A_68, %swap3A_69], %broadcast_in_dim3A_67 {strides = array<i32>} : memref<1024x128xf32, #tpu.memory_space<vmem>>, vector<1024x128xf32>,
      %broadcast_in_dim3A_71 = arith.constant 0.000000e+00 : f32
      %broadcast_in_dim3A_72 = vector.broadcast %broadcast_in_dim3A_71 : f32 to vector<1024x128xf32>
      %swap3A_73 = arith.constant 0 : index
      %swap3A_74 = arith.constant 0 : index
      %swap3A_75 = vector.load %arg9[%swap3A_73, %swap3A_74] : memref<1024x128xf32, #tpu.memory_space<vmem>>, vector<1024x128xf32>
      tpu.vector_store %arg9[%swap3A_73, %swap3A_74], %broadcast_in_dim3A_72 {strides = array<i32>} : memref<1024x128xf32, #tpu.memory_space<vmem>>, vector<1024x128xf32>,
    } else {
    }
    %get3A = arith.constant 0 : index
    %get3A_2 = arith.constant 0 : index
    %get3A_3 = arith.constant 0 : index
    %get3A_4 = vector.load %arg1[%get3A, %get3A_2, %get3A_3] : memref<1x1024x64xf32, #tpu.memory_space<vmem>>, vector<1x1024x64xf32>
    %get3A_5 = vector.shape_cast %get3A_4 : vector<1x1024x64xf32> to vector<1024x64xf32>
    %get3A_6 = arith.constant 0 : index
    %get3A_7 = arith.constant 0 : index
    %get3A_8 = arith.constant 0 : index
    %get3A_9 = vector.load %arg2[%get3A_6, %get3A_7, %get3A_8] : memref<1x1024x1xf32, #tpu.memory_space<vmem>>, vector<1x1024x1xf32>
    %get3A_10 = vector.shape_cast %get3A_9 : vector<1x1024x1xf32> to vector<1024x1xf32>
    %mul3A = vector.broadcast %get3A_10 : vector<1024x1xf32> to vector<1024x64xf32>
    %mul3A_11 = arith.mulf %get3A_5, %mul3A : vector<1024x64xf32>
    %get3A_12 = arith.constant 0 : index
    %get3A_13 = arith.constant 0 : index
    %get3A_14 = vector.load %arg8[%get3A_12, %get3A_13] : memref<1024x128xf32, #tpu.memory_space<vmem>>, vector<1024x128xf32>
    %get3A_15 = arith.constant 0 : index
    %get3A_16 = arith.constant 0 : index
    %get3A_17 = vector.load %arg9[%get3A_15, %get3A_16] : memref<1024x128xf32, #tpu.memory_space<vmem>>, vector<1024x128xf32>
    %get3A_18 = arith.constant 0 : index
    %get3A_19 = arith.constant 0 : index
    %get3A_20 = vector.load %arg3[%get3A_18, %get3A_19] : memref<512x64xf32, #tpu.memory_space<vmem>>, vector<512x64xf32>
    %dot_general3A = arith.constant dense<0.000000e+00> : vector<1024x512xf32>
    %dot_general3A_21 = tpu.matmul %mul3A_11, %get3A_20, %dot_general3A {dimension_numbers = #tpu.dot_dimension_numbers<[1], [1], [0], [0], [0, 0, 1, 0], [], []>, transpose_lhs_hint = false} : vector<1024x64xf32>, vector<512x64xf32>, vector<1024x512xf32> -> vector<1024x512xf32>
    %get3A_22 = arith.constant 0 : index
    %get3A_23 = arith.constant 0 : index
    %get3A_24 = vector.load %arg4[%get3A_22, %get3A_23] : memref<512x128xf32, #tpu.memory_space<vmem>>, vector<512x128xf32>
    %dot_general3A_25 = arith.constant dense<0.000000e+00> : vector<1024x512xf32>
    %dot_general3A_26 = tpu.matmul %get3A_14, %get3A_24, %dot_general3A_25 {dimension_numbers = #tpu.dot_dimension_numbers<[1], [1], [0], [0], [0, 0, 1, 0], [], []>, transpose_lhs_hint = false} : vector<1024x128xf32>, vector<512x128xf32>, vector<1024x512xf32> -> vector<1024x512xf32>
    %add3A = arith.addf %dot_general3A_21, %dot_general3A_26 : vector<1024x512xf32>
    %get3A_27 = arith.constant 0 : index
    %get3A_28 = arith.constant 0 : index
    %get3A_29 = vector.load %arg5[%get3A_27, %get3A_28] : memref<1x512xf32, #tpu.memory_space<vmem>>, vector<1x512xf32>
    %add3A_30 = vector.broadcast %get3A_29 : vector<1x512xf32> to vector<1024x512xf32>
    %add3A_31 = arith.addf %add3A, %add3A_30 : vector<1024x512xf32>
    %slice3A = vector.extract_strided_slice %add3A_31 {offsets = [0, 0], sizes = [1024, 128], strides = [1, 1]} : vector<1024x512xf32> to vector<1024x128xf32>
    %logistic3A = arith.negf %slice3A : vector<1024x128xf32>
    %logistic3A_32 = math.exp %logistic3A : vector<1024x128xf32>
    %logistic3A_33 = arith.constant 1.000000e+00 : f32
    %logistic3A_34 = vector.broadcast %logistic3A_33 : f32 to vector<1024x128xf32>
    %logistic3A_35 = arith.addf %logistic3A_34, %logistic3A_32 : vector<1024x128xf32>
    %logistic3A_36 = arith.divf %logistic3A_34, %logistic3A_35 : vector<1024x128xf32>
    %slice3A_37 = vector.extract_strided_slice %add3A_31 {offsets = [0, 128], sizes = [1024, 128], strides = [1, 1]} : vector<1024x512xf32> to vector<1024x128xf32>
    %logistic3A_38 = arith.negf %slice3A_37 : vector<1024x128xf32>
    %logistic3A_39 = math.exp %logistic3A_38 : vector<1024x128xf32>
    %logistic3A_40 = arith.constant 1.000000e+00 : f32
    %logistic3A_41 = vector.broadcast %logistic3A_40 : f32 to vector<1024x128xf32>
    %logistic3A_42 = arith.addf %logistic3A_41, %logistic3A_39 : vector<1024x128xf32>
    %logistic3A_43 = arith.divf %logistic3A_41, %logistic3A_42 : vector<1024x128xf32>
    %slice3A_44 = vector.extract_strided_slice %add3A_31 {offsets = [0, 256], sizes = [1024, 128], strides = [1, 1]} : vector<1024x512xf32> to vector<1024x128xf32>
    %tanh3A = math.tanh %slice3A_44 : vector<1024x128xf32>
    %slice3A_45 = vector.extract_strided_slice %add3A_31 {offsets = [0, 384], sizes = [1024, 128], strides = [1, 1]} : vector<1024x512xf32> to vector<1024x128xf32>
    %logistic3A_46 = arith.negf %slice3A_45 : vector<1024x128xf32>
    %logistic3A_47 = math.exp %logistic3A_46 : vector<1024x128xf32>
    %logistic3A_48 = arith.constant 1.000000e+00 : f32
    %logistic3A_49 = vector.broadcast %logistic3A_48 : f32 to vector<1024x128xf32>
    %logistic3A_50 = arith.addf %logistic3A_49, %logistic3A_47 : vector<1024x128xf32>
    %logistic3A_51 = arith.divf %logistic3A_49, %logistic3A_50 : vector<1024x128xf32>
    %mul3A_52 = arith.mulf %logistic3A_43, %get3A_17 : vector<1024x128xf32>
    %mul3A_53 = arith.mulf %logistic3A_36, %tanh3A : vector<1024x128xf32>
    %add3A_54 = arith.addf %mul3A_52, %mul3A_53 : vector<1024x128xf32>
    %tanh3A_55 = math.tanh %add3A_54 : vector<1024x128xf32>
    %mul3A_56 = arith.mulf %logistic3A_51, %tanh3A_55 : vector<1024x128xf32>
    %swap3A = arith.constant 0 : index
    %swap3A_57 = arith.constant 0 : index
    %swap3A_58 = vector.load %arg8[%swap3A, %swap3A_57] : memref<1024x128xf32, #tpu.memory_space<vmem>>, vector<1024x128xf32>
    tpu.vector_store %arg8[%swap3A, %swap3A_57], %mul3A_56 {strides = array<i32>} : memref<1024x128xf32, #tpu.memory_space<vmem>>, vector<1024x128xf32>,
    %swap3A_59 = arith.constant 0 : index
    %swap3A_60 = arith.constant 0 : index
    %swap3A_61 = vector.load %arg9[%swap3A_59, %swap3A_60] : memref<1024x128xf32, #tpu.memory_space<vmem>>, vector<1024x128xf32>
    tpu.vector_store %arg9[%swap3A_59, %swap3A_60], %add3A_54 {strides = array<i32>} : memref<1024x128xf32, #tpu.memory_space<vmem>>, vector<1024x128xf32>,
    %eq3A_62 = arith.constant 19 : i32
    %eq3A_63 = arith.cmpi eq, %arg0, %eq3A_62 : i32
    %convert_element_type3A_64 = arith.extui %eq3A_63 : i1 to i32
    %cond3A_65 = arith.constant 0 : i32
    %cond3A_66 = arith.cmpi ne, %convert_element_type3A_64, %cond3A_65 : i32
    scf.if %cond3A_66 {
      %swap3A_67 = arith.constant 0 : index
      %swap3A_68 = arith.constant 0 : index
      %swap3A_69 = vector.load %arg6[%swap3A_67, %swap3A_68] : memref<1024x128xf32, #tpu.memory_space<vmem>>, vector<1024x128xf32>
      tpu.vector_store %arg6[%swap3A_67, %swap3A_68], %mul3A_56 {strides = array<i32>} : memref<1024x128xf32, #tpu.memory_space<vmem>>, vector<1024x128xf32>,
      %swap3A_70 = arith.constant 0 : index
      %swap3A_71 = arith.constant 0 : index
      %swap3A_72 = vector.load %arg7[%swap3A_70, %swap3A_71] : memref<1024x128xf32, #tpu.memory_space<vmem>>, vector<1024x128xf32>
      tpu.vector_store %arg7[%swap3A_70, %swap3A_71], %add3A_54 {strides = array<i32>} : memref<1024x128xf32, #tpu.memory_space<vmem>>, vector<1024x128xf32>,
    } else {
    }
    return
  }
  func.func @transform_0(%arg0: i32) -> (i32, i32, i32) {
    %c0_i32 = arith.constant 0 : i32
    %c0_i32_0 = arith.constant 0 : i32
    %c0_i32_1 = arith.constant 0 : i32
    return %arg0, %c0_i32, %c0_i32_0 : i32, i32, i32
  }
  func.func @transform_1(%arg0: i32) -> (i32, i32, i32) {
    %c0_i32 = arith.constant 0 : i32
    %c0_i32_0 = arith.constant 0 : i32
    %c0_i32_1 = arith.constant 0 : i32
    return %arg0, %c0_i32, %c0_i32_0 : i32, i32, i32
  }
  func.func @transform_2(%arg0: i32) -> (i32, i32) {
    %c0_i32 = arith.constant 0 : i32
    %c0_i32_0 = arith.constant 0 : i32
    %c0_i32_1 = arith.constant 0 : i32
    return %c0_i32, %c0_i32_0 : i32, i32
  }
  func.func @transform_3(%arg0: i32) -> (i32, i32) {
    %c0_i32 = arith.constant 0 : i32
    %c0_i32_0 = arith.constant 0 : i32
    %c0_i32_1 = arith.constant 0 : i32
    return %c0_i32, %c0_i32_0 : i32, i32
  }
  func.func @transform_4(%arg0: i32) -> (i32, i32) {
    %c0_i32 = arith.constant 0 : i32
    %c0_i32_0 = arith.constant 0 : i32
    %c0_i32_1 = arith.constant 0 : i32
    return %c0_i32, %c0_i32_0 : i32, i32
  }
  func.func @transform_5(%arg0: i32) -> (i32, i32) {
    %c0_i32 = arith.constant 0 : i32
    %c0_i32_0 = arith.constant 0 : i32
    %c0_i32_1 = arith.constant 0 : i32
    return %c0_i32, %c0_i32_0 : i32, i32
  }
  func.func @transform_6(%arg0: i32) -> (i32, i32) {
    %c0_i32 = arith.constant 0 : i32
    %c0_i32_0 = arith.constant 0 : i32
    %c0_i32_1 = arith.constant 0 : i32
    return %c0_i32, %c0_i32_0 : i32, i32
  }
}

</mosaic_0001>

<sc_bundles>
// kernel: kernel.4.cloned.1.call-start
scs
__scs_entry_jumppad:
0x0: {  	(pc) =	sbr.rel $0x88, $3  }
0x1: {  	(tag) =	ssettag $0x0;
	lr =	simm.s32 $0x1  }
0x2: {  	[smem:$0x3F9B] =	sst lr;
	_ =	strace $0xD0000000  }
0x3: {  	_ = 	snop  }
0x4: {  	_ = 	snop  }
0x5: {  	_ = 	snop  }
0x6: {  	_ = 	snop  }
0x7: {  	_ = 	snop  }
__scs_overlays_trampoline_lowered:
0x8: {  	[smem:$0x3FAA] =	sst s0  }
0x9: {  	[smem:$0x3FAB] =	sst s1  }
0xa: {  	[smem:$0x3FAC] =	sst s2  }
0xb: {  	[smem:$0x3FAD] =	sst s3  }
0xc: {  	[smem:$0x3FAE] =	sst s4  }
0xd: {  	[smem:$0x3FAF] =	sst s5  }
0xe: {  	[smem:$0x3FB0] =	sst s6  }
0xf: {  	[smem:$0x3FB1] =	sst s7  }
0x10: {  	[smem:$0x3FB2] =	sst s8  }
0x11: {  	[smem:$0x3FB3] =	sst s9;
	s0 =	simm.s32 @!p0 $0x0  }
0x12: {  	s1 =	sld [smem:$0x3F99];
	s0 =	simm.s32 @p0 $0x1  }
0x13: {  	[smem:$0x3FB4] =	sst s0;
	s0 =	simm.s32 @!p1 $0x0  }
0x14: {  	s2 =	sld [smem:$0x3F98];
	s0 =	simm.s32 @p1 $0x1  }
0x15: {  	[smem:$0x3FB5] =	sst s0;
	s0 =	simm.s32 @!p2 $0x0  }
0x16: {  	s3 =	sld [smem:$0x3FDB];
	s0 =	simm.s32 @p2 $0x1  }
0x17: {  	s4 =	simm.s32 $0x1BF5;
	[smem:$0x3FB7] =	sst s0  }
0x18: {  	s0 =	sld [smem:$0x3F9A];
	_ =	swait.ge [sflag:s4], $0x0  }
0x19: {  	s7 =	sld [smem:$0x3F9B]  }
0x1a: {  	s8 =	sadd.s32 $0xFFFFE003, lr  }
0x1b: {  	s9 =	sadd.s32 $0xFFFFFEF7, lr;
	s5 =	simm.s32 $0xFFFFFFFF;
	p2 =	slt.u32 s8, $0xFFFFF086  }
0x1c: {  	p1 =	slt.u32 s9, $0xF7A;
	s5 =	simm.s32 @!p2 $0x0  }
0x1d: {  	s5 =	simm.s32 @p1 $0x1;
	p0 =	seq.s32 s7, s2  }
0x1e: {  	s7 =	smul.u32 @!p0 $0xF7A, s2;
	p2 =	seq.s32 @!p0 s5, $0x0  }
0x1f: {  	s9 =	smul.u32 $0xF7A, s1;
	s8 =	simm.s32 @!p0 $0x1BF5;
	p2 =	por !p2, p0  }
0x20: {  	[sflag:s8] =	ssyncset.s32 @!p0 $0xFFFFF086;
	s6 =	sadd.s32 @!p0 s3, s7;
	s7 =	simm.s32 @!p0 $0x108  }
0x21: {  	s3 =	sadd.s32 s3, s9;
	s6 =	sadd.s32 @!p0 $0x88, s6;
	s7 =	simm.s32 @p2 $0x1082  }
0x22: {  	[simem:s7], [sflag:s8] =	dma.local @!p0 [hbm:s6], $0xF7A  }
0x23: {  	s9 =	sor.u32 $0xD0000000, s2;
	s6 =	simm.s32 $0x108;
	_ =	swait.ge @!p0 [sflag:s8], $0x0  }
0x24: {  	s3 =	sadd.s32 $0x88, s3;
	s6 =	simm.s32 @!p1 $0x1082;
	[sflag:s4] =	ssyncset.s32 $0xFFFFF086  }
0x25: {  	[simem:s6], [sflag:s4] =	dma.local [hbm:s3], $0xF7A  }
0x26: {  	[smem:$0x3F9B] =	sst s1;
	(tag) =	ssettag s2;
	_ =	strace s9  }
0x27: {  	s1 =	sld [smem:$0x3FAB]  }
0x28: {  	s2 =	sld [smem:$0x3FAC]  }
0x29: {  	s4 =	sld [smem:$0x3FAE]  }
0x2a: {  	p0 =	seq.s32 s5, $0x0;
	s5 =	sld [smem:$0x3FAF]  }
0x2b: {  	s6 =	sld [smem:$0x3FB0]  }
0x2c: {  	s7 =	sld [smem:$0x3FB1]  }
0x2d: {  	s3 =	simm.s32 $0x108;
	s8 =	sld [smem:$0x3FB2]  }
0x2e: {  	s3 =	simm.s32 @!p0 $0x1082;
	s9 =	sld [smem:$0x3FB3]  }
0x2f: {  	lr =	sadd.s32 s0, s3;
	s0 =	sld [smem:$0x3FAA]  }
0x30: {  	s3 =	sld [smem:$0x3FAD]  }
0x31: {  	[smem:$0x3FB6] =	sst s10  }
0x32: {  	s10 =	sld [smem:$0x3FB4];
	_ =	sdelay $0x3  }
0x33: {  	p0 =	seq.s32 s10, $0x1;
	s10 =	sld [smem:$0x3FB6];
	_ =	sdelay $0x3  }
0x34: {  	[smem:$0x3FB6] =	sst s10  }
0x35: {  	s10 =	sld [smem:$0x3FB5];
	_ =	sdelay $0x3  }
0x36: {  	p1 =	seq.s32 s10, $0x1;
	s10 =	sld [smem:$0x3FB6];
	_ =	sdelay $0x3  }
0x37: {  	[smem:$0x3FB6] =	sst s10  }
0x38: {  	s10 =	sld [smem:$0x3FB7]  }
0x39: {  	_ = 	snop;
	(pc) =	sbr.ind lr, $3  }
0x3a: {  	_ = 	snop  }
0x3b: {  	_ = 	snop  }
0x3c: {  	p2 =	seq.s32 s10, $0x1;
	s10 =	sld [smem:$0x3FB6]  }
0x3d: {  	_ =	shalt  }
0x3e: {  	_ =	shalt  }
0x3f: {  	_ =	shalt  }
0x40: {  	_ =	shalt  }
0x41: {  	_ =	shalt  }
0x42: {  	_ =	shalt  }
0x43: {  	_ =	shalt  }
0x44: {  	_ =	shalt  }
0x45: {  	_ =	shalt  }
0x46: {  	_ =	shalt  }
0x47: {  	_ =	shalt  }
0x48: {  	_ =	shalt  }
0x49: {  	_ =	shalt  }
0x4a: {  	_ =	shalt  }
0x4b: {  	_ =	shalt  }
0x4c: {  	_ =	shalt  }
0x4d: {  	_ =	shalt  }
0x4e: {  	_ =	shalt  }
0x4f: {  	_ =	shalt  }
0x50: {  	_ =	shalt  }
0x51: {  	_ =	shalt  }
0x52: {  	_ =	shalt  }
0x53: {  	_ =	shalt  }
0x54: {  	_ =	shalt  }
0x55: {  	_ =	shalt  }
0x56: {  	_ =	shalt  }
0x57: {  	_ =	shalt  }
0x58: {  	_ =	shalt  }
0x59: {  	_ =	shalt  }
0x5a: {  	_ =	shalt  }
0x5b: {  	_ =	shalt  }
0x5c: {  	_ =	shalt  }
0x5d: {  	_ =	shalt  }
0x5e: {  	_ =	shalt  }
0x5f: {  	_ =	shalt  }
0x60: {  	_ =	shalt  }
0x61: {  	_ =	shalt  }
0x62: {  	_ =	shalt  }
0x63: {  	_ =	shalt  }
0x64: {  	_ =	shalt  }
0x65: {  	_ =	shalt  }
0x66: {  	_ =	shalt  }
0x67: {  	_ =	shalt  }
0x68: {  	_ =	shalt  }
0x69: {  	_ =	shalt  }
0x6a: {  	_ =	shalt  }
0x6b: {  	_ =	shalt  }
0x6c: {  	_ =	shalt  }
0x6d: {  	_ =	shalt  }
0x6e: {  	_ =	shalt  }
0x6f: {  	_ =	shalt  }
0x70: {  	_ =	shalt  }
0x71: {  	_ =	shalt  }
0x72: {  	_ =	shalt  }
0x73: {  	_ =	shalt  }
0x74: {  	_ =	shalt  }
0x75: {  	_ =	shalt  }
0x76: {  	_ =	shalt  }
0x77: {  	_ =	shalt  }
0x78: {  	_ =	shalt  }
0x79: {  	_ =	shalt  }
0x7a: {  	_ =	shalt  }
0x7b: {  	_ =	shalt  }
0x7c: {  	_ =	shalt  }
0x7d: {  	_ =	shalt  }
0x7e: {  	_ =	shalt  }
0x7f: {  	_ =	shalt  }
0x80: {  	_ =	shalt  }
0x81: {  	_ =	shalt  }
0x82: {  	_ =	shalt  }
0x83: {  	_ =	shalt  }
0x84: {  	_ =	shalt  }
0x85: {  	_ =	shalt  }
0x86: {  	_ =	shalt  }
0x87: {  	_ =	shalt  }
.Lfunc_end0:
.L_simem_size_0:
called_computation_lowered:
.L_overlay_start_0:
0x88: {  	s2 =	sld [smem:$0x3FD9]  }
0x89: {  	s3 =	sld [smem:$0x3FFE];
	_ =	sdelay $0x1  }
0x8a: {  	s1 =	srdreg.scid  }
0x8b: {  	s0 =	sand.u32 $0x1, s1  }
0x8c: {  	s14 =	sshll.u32 s0, $0xA;
	s2 =	sadd.s32 s3, s2  }
0x8d: {  	s2 =	sadd.s32 s2, s14  }
0x8e: {  	[smem:$0x3FC2] =	sst s2  }
0x8f: {  	_ = 	snop  }
0x90: {  	s2 =	sld [smem:$0x3FD0];
	_ =	sdelay $0x2  }
0x91: {  	s15 =	simm.s32 $0xA;
	s4 =	simm.s32 $0x10  }
0x92: {  	[smem:s4], [sflag:s15] =	dma.local [hbm:s2], $0x1  }
0x93: {  	_ =	swait.eq [sflag:s15], $0x1  }
0x94: {  	[sflag:s15] =	ssyncset.done $0x0  }
0x95: {  	s16 =	sld [smem:$0x10];
	[sflag:s15] =	ssyncadd.s32 $0xFFFFFFFF  }
0x96: {  	s17 =	sld [smem:$0x11];
	(tm) =	ssettm $0x1  }
0x97: {  	s18 =	sld [smem:$0x3FFB];
	_ =	sdelay $0x3  }
0x98: {  	_ =	strace s18  }
0x99: {  	s4 =	sld [smem:$0x3FFC];
	_ =	sdelay $0x3  }
0x9a: {  	_ =	strace s4  }
0x9b: {  	s4 =	sld [smem:$0x3FFD];
	_ =	sdelay $0x3  }
0x9c: {  	_ =	strace s4  }
0x9d: {  	_ =	strace $0x8FFFFFFF  }
0x9e: {  	s19 =	sld [smem:$0x3FDB];
	_ =	sdelay $0x1  }
0x9f: {  	s5 =	simm.s32 $_scs_section_size  }
0xa0: {  	s6 =	simm.s32 $_size__tile_overlayer_lowered;
	s7 =	simm.s32 $_tile_overlayer_lowered  }
0xa1: {  	s22 =	simm.s32 $0x1BFF;
	s21 =	sshll.u32 s7, $0x1;
	s4 =	sadd.s32 s5, s19  }
0xa2: {  	s8 =	simm.s32 $0x0;
	s20 =	sshll.u32 s6, $0x1;
	s6 =	sadd.s32 s21, s4  }
0xa3: {  	[timem:s8], [sflag:s22] =	dma.local [hbm:s6], s20  }
0xa4: {  	_ =	swait.ge [sflag:s22], s20  }
0xa5: {  	s5 =	ssub.s32 $0x0, s20;
	[sflag:s22] =	ssyncset.done $0x0  }
0xa6: {  	[sflag:s22] =	ssyncadd.s32 s5;
	_ =	sdelay $0x1  }
0xa7: {  	s23 =	simm.s32 $0x1B8B  }
0xa8: {  	_ =	swait.ge [sflag:s23], $0x1  }
0xa9: {  	[sflag:s23] =	ssyncset.done $0x0  }
0xaa: {  	s25 =	simm.s32 $0x1B8E;
	s24 =	sld [smem:$0x3FFE];
	[sflag:s23] =	ssyncadd.s32 $0xFFFFFFFF  }
0xab: {  	s26 =	simm.s32 $execute0_lowered;
	[smem:$0x3FD2] =	sst s25  }
0xac: {  	s6 =	sshll.u32 s26, $0x1;
	_ =	strace $0x80000046;
	[dreg:$0x1] =	wrdreg $0xFFFFFFFF  }
0xad: {  	s28 =	simm.s32 $_size_execute0_lowered;
	s4 =	sadd.s32 s4, s6;
	[dreg:$0x0] =	wrdreg $0x0  }
0xae: {  	s6 =	sshll.u32 s28, $0x1;
	[dreg:$0x2] =	wrdreg s4  }
0xaf: {  	[dreg:$0x3] =	wrdreg s6  }
0xb0: {  	[dreg:$0x4] =	wrdreg $0xC0  }
0xb1: {  	_ =	task [dreg:s8], $0x5FFFF  }
0xb2: {  	[dreg:$0x1] =	wrdreg $0xFFFFFFFF  }
0xb3: {  	[dreg:$0x0] =	wrdreg $0x60  }
0xb4: {  	[dreg:$0x2] =	wrdreg s17  }
0xb5: {  	[dreg:$0x3] =	wrdreg s16  }
0xb6: {  	[dreg:$0x4] =	wrdreg s24  }
0xb7: {  	[dreg:$0x5] =	wrdreg $0x9  }
0xb8: {  	_ =	task.clear_ibuf [dreg:s8], $0x6FFFF;
	_ =	strace $0x90000046  }
0xb9: {  	s29 =	simm.s32 $0x9;
	_ =	strace $0x80000048  }
0xba: {  	_ =	swait.ge [sflag:s29], $0x1  }
0xbb: {  	[sflag:s29] =	ssyncadd.s32 $0xFFFFFFFF  }
0xbc: {  	_ =	strace $0x90000048  }
0xbd: {  	_ =	sfence  }
0xbe: {  	s30 =	sld [smem:$0x0];
	_ =	sdelay $0x2  }
0xbf: {  	s31 =	sshll.u32 s1, $0xD;
	s1 =	sshrl.u32 s1, $0x2  }
0xc0: {  	s3 =	sand.u32 $0x4000, s31;
	s1 =	sadd.s32 s1, s30  }
0xc1: {  	s0 =	sor.u32 s3, s0;
	s1 =	sshll.u32 s1, $0x11  }
0xc2: {  	s0 =	sor.u32 s1, s0  }
0xc3: {  	s0 =	sadd.s32 $0x8F2B, s0  }
0xc4: {  	[sflag:s0] =	ssyncadd.remote.s32 $0x1  }
0xc5: {  	_ =	sfence.sel $0xFFFF  }
0xc6: {  	[dreg:$0x0] =	wrdreg $0xFFFFFFFF;
	(pc) =	sbr.abs _section_cstart, $3  }
0xc7: {  	[dreg:$0x1] =	wrdreg $0xFFFFFFFF  }
0xc8: {  	_ =	task.clear_ibuf [dreg:s8], $0x2FFFF;
	_ =	strace $0x9FFFFFFF  }
0xc9: {  	(tm) =	ssettm $0x7FFFFFFF  }
tec
execute0_lowered:
.L_overlay_start_1:
0x0: {  	(tag) =	ssettag $0x1  }
0x1: {  	s0 =	rddreg [dreg:$0x0]  }
0x2: {  	s1 =	rddreg [dreg:$0x1]  }
0x3: {  	s4 =	rddreg [dreg:$0x2];
	s2 =	simm.s32 $0x0;
	s3 =	srdreg.scid  }
0x4: {  	s5 =	stileid.u32;
	s10 =	simm.s32 $0x400;
	s11 =	simm.s32 $0x800;
	vm0 =	vcmask $0x300  }
0x5: {  	s28 =	simm.s32 $0x4800;
	v15 =	vimm.s32 $0x0;
	s18 =	simm.s32 $0x8800;
	vm14 =	vcmask $0x704;
	vm15 =	vcmask $0xB08;
	s17 =	simm.s32 $0xE400  }
0x6: {  	vm1 =	vcmask $0xF0C;
	vm4 =	vcmask $0x1310;
	vm5 =	vcmask $0x1714;
	s19 =	simm.s32 $0xE800;
	s20 =	simm.s32 $0xEC00;
	s21 =	simm.s32 $0xF000  }
0x7: {  	vm6 =	vcmask $0x1B18;
	vm7 =	vcmask $0x1F1C;
	vm8 =	vcmask $0x2320;
	s22 =	simm.s32 $0xF400;
	s23 =	simm.s32 $0xF800;
	s24 =	simm.s32 $0xFC00  }
0x8: {  	vm9 =	vcmask $0x2724;
	vm10 =	vcmask $0x2B28;
	vm11 =	vcmask $0x2F2C;
	s29 =	simm.s32 $0x1;
	s30 =	simm.s32 $0x10800;
	s31 =	simm.s32 $0x2  }
0x9: {  	vm12 =	vcmask $0x3330;
	vm13 =	vcmask $0x3734;
	v13 =	vlaneseq.u32;
	[smem:$0x7FF] =	sst s2;
	s3 =	sand.u32 $0x1, s3;
	s5 =	sshll.u32 s5, $0x1  }
0xa: {  	v16 =	vimm.s32 $0xFFFFFFFF;
	v0 =	vsel vm0, $0xFFFFFFFF, v15;
	v1 =	vsel vm14, $0xFFFFFFFF, v15;
	_ =	strace $0x80000047;
	s6 =	ssub.s32 $0x2, s3;
	s5 =	sor.u32 s3, s5  }
0xb: {  	v2 =	vsel vm15, $0xFFFFFFFF, v15;
	v3 =	vsel vm1, $0xFFFFFFFF, v15;
	v4 =	vsel vm4, $0xFFFFFFFF, v15;
	s3 =	sadd.s32 $0x1400, s4;
	s7 =	sshrl.u32 s6, $0x1;
	s8 =	sshll.u32 s5, $0x7  }
0xc: {  	v5 =	vsel vm5, $0xFFFFFFFF, v15;
	v6 =	vsel vm6, $0xFFFFFFFF, v15;
	v7 =	vsel vm7, $0xFFFFFFFF, v15;
	s4 =	sadd.s32 $0xF43800, s4;
	s6 =	ssub.s32 s6, s7;
	s0 =	sadd.s32 s0, s8  }
0xd: {  	v8 =	vsel vm8, $0xFFFFFFFF, v15;
	v9 =	vsel vm9, $0xFFFFFFFF, v15;
	v10 =	vsel vm10, $0xFFFFFFFF, v15;
	s25 =	sadd.s32 s1, s8;
	s7 =	smul.u32 $0x14000, s5;
	[dreg:$0x4] =	wrdreg s0  }
0xe: {  	v11 =	vsel vm11, $0xFFFFFFFF, v15;
	v12 =	vsel vm12, $0xFFFFFFFF, v15;
	v14 =	vsel vm13, $0xFFFFFFFF, v15;
	s8 =	simm.s32 $0xC800;
	s1 =	simm.s32 $0x4;
	[dreg:$0x5] =	wrdreg s25  }
0xf: {  	vm14 =	vcmask $0x3B38;
	vm15 =	vcmask $0x3B00;
	v17 =	vor.u32 $0x10, v13;
	s26 =	smax.u32 s6, $0x1;
	s25 =	simm.s32 $0x10000;
	s0 =	simm.s32 $0x3  }
0x10: {  	v18 =	vor.u32 $0x20, v13;
	v15 =	vsel vm14, $0xFFFFFFFF, v15;
	v16 =	vsel vm15, $0x0, v16;
	s6 =	simm.s32 $0x0;
	[dreg:$0x6] =	wrdreg s26;
	s26 =	simm.s32 $0x10400  }
.LBB2_1:
0x11: {  	[dreg:$0x7] =	wrdreg s6  }
0x12: {  	s5 =	rddreg [dreg:$0x4];
	s15 =	simm.s32 $0x5  }
0x13: {  	[tilespmem:s2], [sflag:$0x5] =	stream.linear.gather [hbm4b:s5+s2], $0x400, $0x38;
	[tilespmem:$0x14800] =	vst v63  }
0x14: {  	_ =	swait.ge [sflag:s15], $0x400  }
0x15: {  	[sflag:s15] =	ssyncset.done $0x0  }
0x16: {  	s16 =	rddreg [dreg:$0x5];
	[sflag:s15] =	ssyncadd.s32 $0xFFFFFC00  }
0x17: {  	[tilespmem:s10], [sflag:$0x5] =	stream.linear.gather [hbm4b:s16+s2], $0x400, $0x38;
	[tilespmem:$0x14800] =	vst v63  }
0x18: {  	_ =	swait.ge [sflag:s15], $0x400  }
0x19: {  	[sflag:s15] =	ssyncset.done $0x0  }
0x1a: {  	[sflag:s15] =	ssyncadd.s32 $0xFFFFFC00  }
0x1b: {  	v19 =	vld.idx.msk [tilespmem:v13+s2+$0x0], $0xffff;
	_ =	sdelay $0x4  }
0x1c: {  	v20 =	vand.u32 v0, v19  }
0x1d: {  	(xrf0) =	vadd.scan.msk.s32 $0xffff, v20;
	_ =	sdelay $0x2  }
0x1e: {  	v20 =	vand.u32 v1, v19;
	_ =	sdelay $0x1  }
0x1f: {  	(xrf0) =	vadd.scan.msk.s32 $0xffff, v20  }
0x20: {  	v20, _, _ =	vpop (xrf0)  }
0x21: {  	(v2sf) =	vpush v20, $0xF  }
0x22: {  	v20 =	vand.u32 v2, v19;
	_ =	sdelay $0x1  }
0x23: {  	(xrf0) =	vadd.scan.msk.s32 $0xffff, v20  }
0x24: {  	v20, _, _ =	vpop (xrf0)  }
0x25: {  	(v2sf) =	vpush v20, $0xF  }
0x26: {  	v20 =	vand.u32 v3, v19;
	_ =	sdelay $0x1  }
0x27: {  	(xrf0) =	vadd.scan.msk.s32 $0xffff, v20  }
0x28: {  	v20, _, _ =	vpop (xrf0)  }
0x29: {  	(v2sf) =	vpush v20, $0xF  }
0x2a: {  	v20 =	vand.u32 v4, v19;
	_ =	sdelay $0x1  }
0x2b: {  	(xrf0) =	vadd.scan.msk.s32 $0xffff, v20  }
0x2c: {  	v20, _, _ =	vpop (xrf0)  }
0x2d: {  	s6 =	spop (v2sf);
	(v2sf) =	vpush v20, $0xF  }
0x2e: {  	v20 =	vand.u32 v5, v19;
	s5 =	sshll.u32 s6, $0x7  }
0x2f: {  	s5 =	sand.u32 $0x1FFFFF80, s5  }
0x30: {  	(xrf0) =	vadd.scan.msk.s32 $0xffff, v20;
	s5 =	sadd.s32 s3, s5  }
0x31: {  	v20, _, _ =	vpop (xrf0);
	[tilespmem:s11], [sflag:$0x1] =	stream.linear.gather [hbm4b:s5+s2], $0x400, $0x38;
	[tilespmem:$0x14800] =	vst v63  }
0x32: {  	s9 =	spop (v2sf);
	(v2sf) =	vpush v20, $0xF  }
0x33: {  	v20 =	vand.u32 v6, v19;
	s5 =	sshll.u32 s9, $0x7  }
0x34: {  	s5 =	sand.u32 $0x1FFFFF80, s5  }
0x35: {  	s12 =	simm.s32 $0xC00;
	(xrf0) =	vadd.scan.msk.s32 $0xffff, v20;
	s5 =	sadd.s32 s3, s5  }
0x36: {  	v20, _, _ =	vpop (xrf0);
	[tilespmem:s12], [sflag:$0x1] =	stream.linear.gather [hbm4b:s5+s2], $0x400, $0x38;
	[tilespmem:$0x14800] =	vst v63  }
0x37: {  	s13 =	spop (v2sf);
	(v2sf) =	vpush v20, $0xF  }
0x38: {  	v20 =	vand.u32 v7, v19;
	s5 =	sshll.u32 s13, $0x7  }
0x39: {  	s5 =	sand.u32 $0x1FFFFF80, s5  }
0x3a: {  	s14 =	simm.s32 $0x1000;
	(xrf0) =	vadd.scan.msk.s32 $0xffff, v20;
	s5 =	sadd.s32 s3, s5  }
0x3b: {  	v20, _, _ =	vpop (xrf0);
	[tilespmem:s14], [sflag:$0x1] =	stream.linear.gather [hbm4b:s5+s2], $0x400, $0x38;
	[tilespmem:$0x14800] =	vst v63  }
0x3c: {  	s15 =	spop (v2sf);
	(v2sf) =	vpush v20, $0xF  }
0x3d: {  	v20 =	vand.u32 v8, v19;
	s5 =	sshll.u32 s15, $0x7  }
0x3e: {  	s5 =	sand.u32 $0x1FFFFF80, s5  }
0x3f: {  	s16 =	simm.s32 $0x1400;
	(xrf0) =	vadd.scan.msk.s32 $0xffff, v20;
	s5 =	sadd.s32 s3, s5  }
0x40: {  	v20, _, _ =	vpop (xrf0);
	[tilespmem:s16], [sflag:$0x1] =	stream.linear.gather [hbm4b:s5+s2], $0x400, $0x38;
	[tilespmem:$0x14800] =	vst v63  }
0x41: {  	s9 =	spop (v2sf);
	(v2sf) =	vpush v20, $0xF  }
0x42: {  	v20 =	vand.u32 v9, v19;
	s5 =	sshll.u32 s9, $0x7  }
0x43: {  	s5 =	sand.u32 $0x1FFFFF80, s5  }
0x44: {  	s12 =	simm.s32 $0x1800;
	(xrf0) =	vadd.scan.msk.s32 $0xffff, v20;
	s5 =	sadd.s32 s3, s5  }
0x45: {  	v20, _, _ =	vpop (xrf0);
	[tilespmem:s12], [sflag:$0x1] =	stream.linear.gather [hbm4b:s5+s2], $0x400, $0x38;
	[tilespmem:$0x14800] =	vst v63  }
0x46: {  	s13 =	spop (v2sf);
	(v2sf) =	vpush v20, $0xF  }
0x47: {  	v20 =	vand.u32 v10, v19;
	s5 =	sshll.u32 s13, $0x7  }
0x48: {  	s5 =	sand.u32 $0x1FFFFF80, s5  }
0x49: {  	s14 =	simm.s32 $0x1C00;
	(xrf0) =	vadd.scan.msk.s32 $0xffff, v20;
	s5 =	sadd.s32 s3, s5  }
0x4a: {  	v20, _, _ =	vpop (xrf0);
	[tilespmem:s14], [sflag:$0x1] =	stream.linear.gather [hbm4b:s5+s2], $0x400, $0x38;
	[tilespmem:$0x14800] =	vst v63  }
0x4b: {  	s15 =	spop (v2sf);
	(v2sf) =	vpush v20, $0xF  }
0x4c: {  	v20 =	vand.u32 v11, v19;
	s5 =	sshll.u32 s15, $0x7  }
0x4d: {  	s5 =	sand.u32 $0x1FFFFF80, s5  }
0x4e: {  	s16 =	simm.s32 $0x2000;
	(xrf0) =	vadd.scan.msk.s32 $0xffff, v20;
	s5 =	sadd.s32 s3, s5  }
0x4f: {  	v20, _, _ =	vpop (xrf0);
	[tilespmem:s16], [sflag:$0x1] =	stream.linear.gather [hbm4b:s5+s2], $0x400, $0x38;
	[tilespmem:$0x14800] =	vst v63  }
0x50: {  	s9 =	spop (v2sf);
	(v2sf) =	vpush v20, $0xF  }
0x51: {  	v20 =	vand.u32 v12, v19;
	s5 =	sshll.u32 s9, $0x7  }
0x52: {  	s5 =	sand.u32 $0x1FFFFF80, s5  }
0x53: {  	s12 =	simm.s32 $0x2400;
	(xrf0) =	vadd.scan.msk.s32 $0xffff, v20;
	s5 =	sadd.s32 s3, s5  }
0x54: {  	v20, _, _ =	vpop (xrf0);
	[tilespmem:s12], [sflag:$0x1] =	stream.linear.gather [hbm4b:s5+s2], $0x400, $0x38;
	[tilespmem:$0x14800] =	vst v63  }
0x55: {  	s13 =	spop (v2sf);
	(v2sf) =	vpush v20, $0xF  }
0x56: {  	v20 =	vand.u32 v14, v19;
	s5 =	sshll.u32 s13, $0x7  }
0x57: {  	s5 =	sand.u32 $0x1FFFFF80, s5  }
0x58: {  	s14 =	simm.s32 $0x2800;
	(xrf0) =	vadd.scan.msk.s32 $0xffff, v20;
	s5 =	sadd.s32 s3, s5  }
0x59: {  	v20, _, _ =	vpop (xrf0);
	[tilespmem:s14], [sflag:$0x1] =	stream.linear.gather [hbm4b:s5+s2], $0x400, $0x38;
	[tilespmem:$0x14800] =	vst v63  }
0x5a: {  	s15 =	spop (v2sf);
	(v2sf) =	vpush v20, $0xF  }
0x5b: {  	v20 =	vand.u32 v15, v19;
	s5 =	sshll.u32 s15, $0x7  }
0x5c: {  	s5 =	sand.u32 $0x1FFFFF80, s5  }
0x5d: {  	s16 =	simm.s32 $0x2C00;
	(xrf0) =	vadd.scan.msk.s32 $0xffff, v20;
	s5 =	sadd.s32 s3, s5  }
0x5e: {  	v20, _, _ =	vpop (xrf0);
	[tilespmem:s16], [sflag:$0x1] =	stream.linear.gather [hbm4b:s5+s2], $0x400, $0x38;
	[tilespmem:$0x14800] =	vst v63  }
0x5f: {  	s9 =	spop (v2sf);
	(v2sf) =	vpush v20, $0xF  }
0x60: {  	v19 =	vand.u32 v16, v19;
	s5 =	sshll.u32 s9, $0x7  }
0x61: {  	s5 =	sand.u32 $0x1FFFFF80, s5  }
0x62: {  	s12 =	simm.s32 $0x3000;
	(xrf0) =	vadd.scan.msk.s32 $0xffff, v19;
	s5 =	sadd.s32 s3, s5  }
0x63: {  	v19, _, _ =	vpop (xrf0);
	[tilespmem:s12], [sflag:$0x1] =	stream.linear.gather [hbm4b:s5+s2], $0x400, $0x38;
	[tilespmem:$0x14800] =	vst v63  }
0x64: {  	s13 =	spop (v2sf);
	(v2sf) =	vpush v19, $0xF  }
0x65: {  	s5 =	sshll.u32 s13, $0x7  }
0x66: {  	s5 =	sand.u32 $0x1FFFFF80, s5  }
0x67: {  	s14 =	simm.s32 $0x3400;
	s5 =	sadd.s32 s3, s5  }
0x68: {  	v19, _, _ =	vpop (xrf0);
	[tilespmem:s14], [sflag:$0x1] =	stream.linear.gather [hbm4b:s5+s2], $0x400, $0x38;
	[tilespmem:$0x14800] =	vst v63  }
0x69: {  	s15 =	spop (v2sf);
	(v2sf) =	vpush v19, $0xF  }
0x6a: {  	s5 =	sshll.u32 s15, $0x7  }
0x6b: {  	s5 =	sand.u32 $0x1FFFFF80, s5  }
0x6c: {  	s16 =	simm.s32 $0x3800;
	s5 =	sadd.s32 s3, s5  }
0x6d: {  	[tilespmem:s16], [sflag:$0x1] =	stream.linear.gather [hbm4b:s5+s2], $0x400, $0x38;
	[tilespmem:$0x14800] =	vst v63  }
0x6e: {  	s9 =	spop (v2sf)  }
0x6f: {  	s5 =	sshll.u32 s9, $0x7  }
0x70: {  	s5 =	sand.u32 $0x1FFFFF80, s5  }
0x71: {  	s12 =	simm.s32 $0x3C00;
	s5 =	sadd.s32 s3, s5  }
0x72: {  	[tilespmem:s12], [sflag:$0x1] =	stream.linear.gather [hbm4b:s5+s2], $0x400, $0x38;
	[tilespmem:$0x14800] =	vst v63  }
0x73: {  	s13 =	spop (v2sf)  }
0x74: {  	s5 =	sshll.u32 s13, $0x7  }
0x75: {  	s5 =	sand.u32 $0x1FFFFF80, s5  }
0x76: {  	s14 =	simm.s32 $0x4000;
	s5 =	sadd.s32 s3, s5  }
0x77: {  	[tilespmem:s14], [sflag:$0x1] =	stream.linear.gather [hbm4b:s5+s2], $0x400, $0x38;
	[tilespmem:$0x14800] =	vst v63  }
0x78: {  	s15 =	spop (v2sf)  }
0x79: {  	s5 =	sshll.u32 s15, $0x7  }
0x7a: {  	s5 =	sand.u32 $0x1FFFFF80, s5  }
0x7b: {  	s16 =	simm.s32 $0x4400;
	s5 =	sadd.s32 s3, s5  }
0x7c: {  	[tilespmem:s16], [sflag:$0x1] =	stream.linear.gather [hbm4b:s5+s2], $0x400, $0x38;
	[tilespmem:$0x14800] =	vst v63  }
0x7d: {  	v19 =	vld.idx.msk [tilespmem:v17+s2+$0x0], $0xffff;
	_ =	sdelay $0x4  }
0x7e: {  	v20 =	vand.u32 v0, v19  }
0x7f: {  	(xrf0) =	vadd.scan.msk.s32 $0xffff, v20;
	_ =	sdelay $0x2  }
0x80: {  	v20 =	vand.u32 v1, v19;
	_ =	sdelay $0x1  }
0x81: {  	(xrf0) =	vadd.scan.msk.s32 $0xffff, v20  }
0x82: {  	v20, _, _ =	vpop (xrf0)  }
0x83: {  	(v2sf) =	vpush v20, $0xF  }
0x84: {  	v20 =	vand.u32 v2, v19;
	_ =	sdelay $0x1  }
0x85: {  	(xrf0) =	vadd.scan.msk.s32 $0xffff, v20  }
0x86: {  	v20, _, _ =	vpop (xrf0)  }
0x87: {  	(v2sf) =	vpush v20, $0xF  }
0x88: {  	v20 =	vand.u32 v3, v19;
	_ =	sdelay $0x1  }
0x89: {  	(xrf0) =	vadd.scan.msk.s32 $0xffff, v20  }
0x8a: {  	v20, _, _ =	vpop (xrf0)  }
0x8b: {  	(v2sf) =	vpush v20, $0xF  }
0x8c: {  	v20 =	vand.u32 v4, v19;
	_ =	sdelay $0x1  }
0x8d: {  	(xrf0) =	vadd.scan.msk.s32 $0xffff, v20  }
0x8e: {  	v20, _, _ =	vpop (xrf0)  }
0x8f: {  	s6 =	spop (v2sf);
	(v2sf) =	vpush v20, $0xF  }
0x90: {  	v20 =	vand.u32 v5, v19;
	s5 =	sshll.u32 s6, $0x7  }
0x91: {  	s5 =	sand.u32 $0x1FFFFF80, s5  }
0x92: {  	(xrf0) =	vadd.scan.msk.s32 $0xffff, v20;
	s5 =	sadd.s32 s3, s5  }
0x93: {  	v20, _, _ =	vpop (xrf0);
	[tilespmem:s28], [sflag:$0x2] =	stream.linear.gather [hbm4b:s5+s2], $0x400, $0x38;
	[tilespmem:$0x14800] =	vst v63  }
0x94: {  	s9 =	spop (v2sf);
	(v2sf) =	vpush v20, $0xF  }
0x95: {  	v20 =	vand.u32 v6, v19;
	s5 =	sshll.u32 s9, $0x7  }
0x96: {  	s5 =	sand.u32 $0x1FFFFF80, s5  }
0x97: {  	s12 =	simm.s32 $0x4C00;
	(xrf0) =	vadd.scan.msk.s32 $0xffff, v20;
	s5 =	sadd.s32 s3, s5  }
0x98: {  	v20, _, _ =	vpop (xrf0);
	[tilespmem:s12], [sflag:$0x2] =	stream.linear.gather [hbm4b:s5+s2], $0x400, $0x38;
	[tilespmem:$0x14800] =	vst v63  }
0x99: {  	s13 =	spop (v2sf);
	(v2sf) =	vpush v20, $0xF  }
0x9a: {  	v20 =	vand.u32 v7, v19;
	s5 =	sshll.u32 s13, $0x7  }
0x9b: {  	s5 =	sand.u32 $0x1FFFFF80, s5  }
0x9c: {  	s14 =	simm.s32 $0x5000;
	(xrf0) =	vadd.scan.msk.s32 $0xffff, v20;
	s5 =	sadd.s32 s3, s5  }
0x9d: {  	v20, _, _ =	vpop (xrf0);
	[tilespmem:s14], [sflag:$0x2] =	stream.linear.gather [hbm4b:s5+s2], $0x400, $0x38;
	[tilespmem:$0x14800] =	vst v63  }
0x9e: {  	s15 =	spop (v2sf);
	(v2sf) =	vpush v20, $0xF  }
0x9f: {  	v20 =	vand.u32 v8, v19;
	s5 =	sshll.u32 s15, $0x7  }
0xa0: {  	s5 =	sand.u32 $0x1FFFFF80, s5  }
0xa1: {  	s16 =	simm.s32 $0x5400;
	(xrf0) =	vadd.scan.msk.s32 $0xffff, v20;
	s5 =	sadd.s32 s3, s5  }
0xa2: {  	v20, _, _ =	vpop (xrf0);
	[tilespmem:s16], [sflag:$0x2] =	stream.linear.gather [hbm4b:s5+s2], $0x400, $0x38;
	[tilespmem:$0x14800] =	vst v63  }
0xa3: {  	s9 =	spop (v2sf);
	(v2sf) =	vpush v20, $0xF  }
0xa4: {  	v20 =	vand.u32 v9, v19;
	s5 =	sshll.u32 s9, $0x7  }
0xa5: {  	s5 =	sand.u32 $0x1FFFFF80, s5  }
0xa6: {  	s12 =	simm.s32 $0x5800;
	(xrf0) =	vadd.scan.msk.s32 $0xffff, v20;
	s5 =	sadd.s32 s3, s5  }
0xa7: {  	v20, _, _ =	vpop (xrf0);
	[tilespmem:s12], [sflag:$0x2] =	stream.linear.gather [hbm4b:s5+s2], $0x400, $0x38;
	[tilespmem:$0x14800] =	vst v63  }
0xa8: {  	s13 =	spop (v2sf);
	(v2sf) =	vpush v20, $0xF  }
0xa9: {  	v20 =	vand.u32 v10, v19;
	s5 =	sshll.u32 s13, $0x7  }
0xaa: {  	s5 =	sand.u32 $0x1FFFFF80, s5  }
0xab: {  	s14 =	simm.s32 $0x5C00;
	(xrf0) =	vadd.scan.msk.s32 $0xffff, v20;
	s5 =	sadd.s32 s3, s5  }
0xac: {  	v20, _, _ =	vpop (xrf0);
	[tilespmem:s14], [sflag:$0x2] =	stream.linear.gather [hbm4b:s5+s2], $0x400, $0x38;
	[tilespmem:$0x14800] =	vst v63  }
0xad: {  	s15 =	spop (v2sf);
	(v2sf) =	vpush v20, $0xF  }
0xae: {  	v20 =	vand.u32 v11, v19;
	s5 =	sshll.u32 s15, $0x7  }
0xaf: {  	s5 =	sand.u32 $0x1FFFFF80, s5  }
0xb0: {  	s16 =	simm.s32 $0x6000;
	(xrf0) =	vadd.scan.msk.s32 $0xffff, v20;
	s5 =	sadd.s32 s3, s5  }
0xb1: {  	v20, _, _ =	vpop (xrf0);
	[tilespmem:s16], [sflag:$0x2] =	stream.linear.gather [hbm4b:s5+s2], $0x400, $0x38;
	[tilespmem:$0x14800] =	vst v63  }
0xb2: {  	s9 =	spop (v2sf);
	(v2sf) =	vpush v20, $0xF  }
0xb3: {  	v20 =	vand.u32 v12, v19;
	s5 =	sshll.u32 s9, $0x7  }
0xb4: {  	s5 =	sand.u32 $0x1FFFFF80, s5  }
0xb5: {  	s12 =	simm.s32 $0x6400;
	(xrf0) =	vadd.scan.msk.s32 $0xffff, v20;
	s5 =	sadd.s32 s3, s5  }
0xb6: {  	v20, _, _ =	vpop (xrf0);
	[tilespmem:s12], [sflag:$0x2] =	stream.linear.gather [hbm4b:s5+s2], $0x400, $0x38;
	[tilespmem:$0x14800] =	vst v63  }
0xb7: {  	s13 =	spop (v2sf);
	(v2sf) =	vpush v20, $0xF  }
0xb8: {  	v20 =	vand.u32 v14, v19;
	s5 =	sshll.u32 s13, $0x7  }
0xb9: {  	s5 =	sand.u32 $0x1FFFFF80, s5  }
0xba: {  	s14 =	simm.s32 $0x6800;
	(xrf0) =	vadd.scan.msk.s32 $0xffff, v20;
	s5 =	sadd.s32 s3, s5  }
0xbb: {  	v20, _, _ =	vpop (xrf0);
	[tilespmem:s14], [sflag:$0x2] =	stream.linear.gather [hbm4b:s5+s2], $0x400, $0x38;
	[tilespmem:$0x14800] =	vst v63  }
0xbc: {  	s15 =	spop (v2sf);
	(v2sf) =	vpush v20, $0xF  }
0xbd: {  	v20 =	vand.u32 v15, v19;
	s5 =	sshll.u32 s15, $0x7  }
0xbe: {  	s5 =	sand.u32 $0x1FFFFF80, s5  }
0xbf: {  	s16 =	simm.s32 $0x6C00;
	(xrf0) =	vadd.scan.msk.s32 $0xffff, v20;
	s5 =	sadd.s32 s3, s5  }
0xc0: {  	v20, _, _ =	vpop (xrf0);
	[tilespmem:s16], [sflag:$0x2] =	stream.linear.gather [hbm4b:s5+s2], $0x400, $0x38;
	[tilespmem:$0x14800] =	vst v63  }
0xc1: {  	s9 =	spop (v2sf);
	(v2sf) =	vpush v20, $0xF  }
0xc2: {  	v19 =	vand.u32 v16, v19;
	s5 =	sshll.u32 s9, $0x7  }
0xc3: {  	s5 =	sand.u32 $0x1FFFFF80, s5  }
0xc4: {  	s12 =	simm.s32 $0x7000;
	(xrf0) =	vadd.scan.msk.s32 $0xffff, v19;
	s5 =	sadd.s32 s3, s5  }
0xc5: {  	v19, _, _ =	vpop (xrf0);
	[tilespmem:s12], [sflag:$0x2] =	stream.linear.gather [hbm4b:s5+s2], $0x400, $0x38;
	[tilespmem:$0x14800] =	vst v63  }
0xc6: {  	s13 =	spop (v2sf);
	(v2sf) =	vpush v19, $0xF  }
0xc7: {  	s5 =	sshll.u32 s13, $0x7  }
0xc8: {  	s5 =	sand.u32 $0x1FFFFF80, s5  }
0xc9: {  	s14 =	simm.s32 $0x7400;
	s5 =	sadd.s32 s3, s5  }
0xca: {  	v19, _, _ =	vpop (xrf0);
	[tilespmem:s14], [sflag:$0x2] =	stream.linear.gather [hbm4b:s5+s2], $0x400, $0x38;
	[tilespmem:$0x14800] =	vst v63  }
0xcb: {  	s15 =	spop (v2sf);
	(v2sf) =	vpush v19, $0xF  }
0xcc: {  	s5 =	sshll.u32 s15, $0x7  }
0xcd: {  	s5 =	sand.u32 $0x1FFFFF80, s5  }
0xce: {  	s16 =	simm.s32 $0x7800;
	s5 =	sadd.s32 s3, s5  }
0xcf: {  	[tilespmem:s16], [sflag:$0x2] =	stream.linear.gather [hbm4b:s5+s2], $0x400, $0x38;
	[tilespmem:$0x14800] =	vst v63  }
0xd0: {  	s9 =	spop (v2sf)  }
0xd1: {  	s5 =	sshll.u32 s9, $0x7  }
0xd2: {  	s5 =	sand.u32 $0x1FFFFF80, s5  }
0xd3: {  	s12 =	simm.s32 $0x7C00;
	s5 =	sadd.s32 s3, s5  }
0xd4: {  	[tilespmem:s12], [sflag:$0x2] =	stream.linear.gather [hbm4b:s5+s2], $0x400, $0x38;
	[tilespmem:$0x14800] =	vst v63  }
0xd5: {  	s13 =	spop (v2sf)  }
0xd6: {  	s5 =	sshll.u32 s13, $0x7  }
0xd7: {  	s5 =	sand.u32 $0x1FFFFF80, s5  }
0xd8: {  	s14 =	simm.s32 $0x8000;
	s5 =	sadd.s32 s3, s5  }
0xd9: {  	[tilespmem:s14], [sflag:$0x2] =	stream.linear.gather [hbm4b:s5+s2], $0x400, $0x38;
	[tilespmem:$0x14800] =	vst v63  }
0xda: {  	s15 =	spop (v2sf)  }
0xdb: {  	s5 =	sshll.u32 s15, $0x7  }
0xdc: {  	s5 =	sand.u32 $0x1FFFFF80, s5  }
0xdd: {  	s16 =	simm.s32 $0x8400;
	s5 =	sadd.s32 s3, s5  }
0xde: {  	[tilespmem:s16], [sflag:$0x2] =	stream.linear.gather [hbm4b:s5+s2], $0x400, $0x38;
	[tilespmem:$0x14800] =	vst v63  }
0xdf: {  	v19 =	vld.idx.msk [tilespmem:v18+s2+$0x0], $0xffff;
	_ =	sdelay $0x4  }
0xe0: {  	v20 =	vand.u32 v0, v19  }
0xe1: {  	(xrf0) =	vadd.scan.msk.s32 $0xffff, v20;
	_ =	sdelay $0x2  }
0xe2: {  	v20 =	vand.u32 v1, v19;
	_ =	sdelay $0x1  }
0xe3: {  	(xrf0) =	vadd.scan.msk.s32 $0xffff, v20  }
0xe4: {  	v20, _, _ =	vpop (xrf0)  }
0xe5: {  	(v2sf) =	vpush v20, $0xF  }
0xe6: {  	v20 =	vand.u32 v2, v19;
	_ =	sdelay $0x1  }
0xe7: {  	(xrf0) =	vadd.scan.msk.s32 $0xffff, v20  }
0xe8: {  	v20, _, _ =	vpop (xrf0)  }
0xe9: {  	(v2sf) =	vpush v20, $0xF  }
0xea: {  	v20 =	vand.u32 v3, v19;
	_ =	sdelay $0x1  }
0xeb: {  	(xrf0) =	vadd.scan.msk.s32 $0xffff, v20  }
0xec: {  	v20, _, _ =	vpop (xrf0)  }
0xed: {  	(v2sf) =	vpush v20, $0xF  }
0xee: {  	v20 =	vand.u32 v4, v19;
	_ =	sdelay $0x1  }
0xef: {  	(xrf0) =	vadd.scan.msk.s32 $0xffff, v20  }
0xf0: {  	v20, _, _ =	vpop (xrf0)  }
0xf1: {  	s6 =	spop (v2sf);
	(v2sf) =	vpush v20, $0xF  }
0xf2: {  	v20 =	vand.u32 v5, v19;
	s5 =	sshll.u32 s6, $0x7  }
0xf3: {  	s5 =	sand.u32 $0x1FFFFF80, s5  }
0xf4: {  	(xrf0) =	vadd.scan.msk.s32 $0xffff, v20;
	s5 =	sadd.s32 s3, s5  }
0xf5: {  	v20, _, _ =	vpop (xrf0);
	[tilespmem:s18], [sflag:$0x3] =	stream.linear.gather [hbm4b:s5+s2], $0x400, $0x38;
	[tilespmem:$0x14800] =	vst v63  }
0xf6: {  	s9 =	spop (v2sf);
	(v2sf) =	vpush v20, $0xF  }
0xf7: {  	v20 =	vand.u32 v6, v19;
	s5 =	sshll.u32 s9, $0x7  }
0xf8: {  	s5 =	sand.u32 $0x1FFFFF80, s5  }
0xf9: {  	s12 =	simm.s32 $0x8C00;
	(xrf0) =	vadd.scan.msk.s32 $0xffff, v20;
	s5 =	sadd.s32 s3, s5  }
0xfa: {  	v20, _, _ =	vpop (xrf0);
	[tilespmem:s12], [sflag:$0x3] =	stream.linear.gather [hbm4b:s5+s2], $0x400, $0x38;
	[tilespmem:$0x14800] =	vst v63  }
0xfb: {  	s13 =	spop (v2sf);
	(v2sf) =	vpush v20, $0xF  }
0xfc: {  	v20 =	vand.u32 v7, v19;
	s5 =	sshll.u32 s13, $0x7  }
0xfd: {  	s5 =	sand.u32 $0x1FFFFF80, s5  }
0xfe: {  	s14 =	simm.s32 $0x9000;
	(xrf0) =	vadd.scan.msk.s32 $0xffff, v20;
	s5 =	sadd.s32 s3, s5  }
0xff: {  	v20, _, _ =	vpop (xrf0);
	[tilespmem:s14], [sflag:$0x3] =	stream.linear.gather [hbm4b:s5+s2], $0x400, $0x38;
	[tilespmem:$0x14800] =	vst v63  }
0x100: {  	s15 =	spop (v2sf);
	(v2sf) =	vpush v20, $0xF  }
0x101: {  	v20 =	vand.u32 v8, v19;
	s5 =	sshll.u32 s15, $0x7  }
0x102: {  	s5 =	sand.u32 $0x1FFFFF80, s5  }
0x103: {  	s16 =	simm.s32 $0x9400;
	(xrf0) =	vadd.scan.msk.s32 $0xffff, v20;
	s5 =	sadd.s32 s3, s5  }
0x104: {  	v20, _, _ =	vpop (xrf0);
	[tilespmem:s16], [sflag:$0x3] =	stream.linear.gather [hbm4b:s5+s2], $0x400, $0x38;
	[tilespmem:$0x14800] =	vst v63  }
0x105: {  	s9 =	spop (v2sf);
	(v2sf) =	vpush v20, $0xF  }
0x106: {  	v20 =	vand.u32 v9, v19;
	s5 =	sshll.u32 s9, $0x7  }
0x107: {  	s5 =	sand.u32 $0x1FFFFF80, s5  }
0x108: {  	s12 =	simm.s32 $0x9800;
	(xrf0) =	vadd.scan.msk.s32 $0xffff, v20;
	s5 =	sadd.s32 s3, s5  }
0x109: {  	v20, _, _ =	vpop (xrf0);
	[tilespmem:s12], [sflag:$0x3] =	stream.linear.gather [hbm4b:s5+s2], $0x400, $0x38;
	[tilespmem:$0x14800] =	vst v63  }
0x10a: {  	s13 =	spop (v2sf);
	(v2sf) =	vpush v20, $0xF  }
0x10b: {  	v20 =	vand.u32 v10, v19;
	s5 =	sshll.u32 s13, $0x7  }
0x10c: {  	s5 =	sand.u32 $0x1FFFFF80, s5  }
0x10d: {  	s14 =	simm.s32 $0x9C00;
	(xrf0) =	vadd.scan.msk.s32 $0xffff, v20;
	s5 =	sadd.s32 s3, s5  }
0x10e: {  	v20, _, _ =	vpop (xrf0);
	[tilespmem:s14], [sflag:$0x3] =	stream.linear.gather [hbm4b:s5+s2], $0x400, $0x38;
	[tilespmem:$0x14800] =	vst v63  }
0x10f: {  	s15 =	spop (v2sf);
	(v2sf) =	vpush v20, $0xF  }
0x110: {  	v20 =	vand.u32 v11, v19;
	s5 =	sshll.u32 s15, $0x7  }
0x111: {  	s5 =	sand.u32 $0x1FFFFF80, s5  }
0x112: {  	s16 =	simm.s32 $0xA000;
	(xrf0) =	vadd.scan.msk.s32 $0xffff, v20;
	s5 =	sadd.s32 s3, s5  }
0x113: {  	v20, _, _ =	vpop (xrf0);
	[tilespmem:s16], [sflag:$0x3] =	stream.linear.gather [hbm4b:s5+s2], $0x400, $0x38;
	[tilespmem:$0x14800] =	vst v63  }
0x114: {  	s9 =	spop (v2sf);
	(v2sf) =	vpush v20, $0xF  }
0x115: {  	v20 =	vand.u32 v12, v19;
	s5 =	sshll.u32 s9, $0x7  }
0x116: {  	s5 =	sand.u32 $0x1FFFFF80, s5  }
0x117: {  	s12 =	simm.s32 $0xA400;
	(xrf0) =	vadd.scan.msk.s32 $0xffff, v20;
	s5 =	sadd.s32 s3, s5  }
0x118: {  	v20, _, _ =	vpop (xrf0);
	[tilespmem:s12], [sflag:$0x3] =	stream.linear.gather [hbm4b:s5+s2], $0x400, $0x38;
	[tilespmem:$0x14800] =	vst v63  }
0x119: {  	s13 =	spop (v2sf);
	(v2sf) =	vpush v20, $0xF  }
0x11a: {  	v20 =	vand.u32 v14, v19;
	s5 =	sshll.u32 s13, $0x7  }
0x11b: {  	s5 =	sand.u32 $0x1FFFFF80, s5  }
0x11c: {  	s14 =	simm.s32 $0xA800;
	(xrf0) =	vadd.scan.msk.s32 $0xffff, v20;
	s5 =	sadd.s32 s3, s5  }
0x11d: {  	v20, _, _ =	vpop (xrf0);
	[tilespmem:s14], [sflag:$0x3] =	stream.linear.gather [hbm4b:s5+s2], $0x400, $0x38;
	[tilespmem:$0x14800] =	vst v63  }
0x11e: {  	s15 =	spop (v2sf);
	(v2sf) =	vpush v20, $0xF  }
0x11f: {  	v20 =	vand.u32 v15, v19;
	s5 =	sshll.u32 s15, $0x7  }
0x120: {  	s5 =	sand.u32 $0x1FFFFF80, s5  }
0x121: {  	s16 =	simm.s32 $0xAC00;
	(xrf0) =	vadd.scan.msk.s32 $0xffff, v20;
	s5 =	sadd.s32 s3, s5  }
0x122: {  	v20, _, _ =	vpop (xrf0);
	[tilespmem:s16], [sflag:$0x3] =	stream.linear.gather [hbm4b:s5+s2], $0x400, $0x38;
	[tilespmem:$0x14800] =	vst v63  }
0x123: {  	s9 =	spop (v2sf);
	(v2sf) =	vpush v20, $0xF  }
0x124: {  	v19 =	vand.u32 v16, v19;
	s5 =	sshll.u32 s9, $0x7  }
0x125: {  	s5 =	sand.u32 $0x1FFFFF80, s5  }
0x126: {  	s12 =	simm.s32 $0xB000;
	(xrf0) =	vadd.scan.msk.s32 $0xffff, v19;
	s5 =	sadd.s32 s3, s5  }
0x127: {  	v19, _, _ =	vpop (xrf0);
	[tilespmem:s12], [sflag:$0x3] =	stream.linear.gather [hbm4b:s5+s2], $0x400, $0x38;
	[tilespmem:$0x14800] =	vst v63  }
0x128: {  	s13 =	spop (v2sf);
	(v2sf) =	vpush v19, $0xF  }
0x129: {  	s5 =	sshll.u32 s13, $0x7  }
0x12a: {  	s5 =	sand.u32 $0x1FFFFF80, s5  }
0x12b: {  	s14 =	simm.s32 $0xB400;
	s5 =	sadd.s32 s3, s5  }
0x12c: {  	v19, _, _ =	vpop (xrf0);
	[tilespmem:s14], [sflag:$0x3] =	stream.linear.gather [hbm4b:s5+s2], $0x400, $0x38;
	[tilespmem:$0x14800] =	vst v63  }
0x12d: {  	s15 =	spop (v2sf);
	(v2sf) =	vpush v19, $0xF  }
0x12e: {  	s5 =	sshll.u32 s15, $0x7  }
0x12f: {  	s5 =	sand.u32 $0x1FFFFF80, s5  }
0x130: {  	s16 =	simm.s32 $0xB800;
	s5 =	sadd.s32 s3, s5  }
0x131: {  	[tilespmem:s16], [sflag:$0x3] =	stream.linear.gather [hbm4b:s5+s2], $0x400, $0x38;
	[tilespmem:$0x14800] =	vst v63  }
0x132: {  	s9 =	spop (v2sf)  }
0x133: {  	s5 =	sshll.u32 s9, $0x7  }
0x134: {  	s5 =	sand.u32 $0x1FFFFF80, s5  }
0x135: {  	s12 =	simm.s32 $0xBC00;
	s5 =	sadd.s32 s3, s5  }
0x136: {  	[tilespmem:s12], [sflag:$0x3] =	stream.linear.gather [hbm4b:s5+s2], $0x400, $0x38;
	[tilespmem:$0x14800] =	vst v63  }
0x137: {  	s13 =	spop (v2sf)  }
0x138: {  	s5 =	sshll.u32 s13, $0x7  }
0x139: {  	s5 =	sand.u32 $0x1FFFFF80, s5  }
0x13a: {  	s14 =	simm.s32 $0xC000;
	s5 =	sadd.s32 s3, s5  }
0x13b: {  	[tilespmem:s14], [sflag:$0x3] =	stream.linear.gather [hbm4b:s5+s2], $0x400, $0x38;
	[tilespmem:$0x14800] =	vst v63  }
0x13c: {  	s15 =	spop (v2sf)  }
0x13d: {  	s5 =	sshll.u32 s15, $0x7  }
0x13e: {  	s5 =	sand.u32 $0x1FFFFF80, s5  }
0x13f: {  	s16 =	simm.s32 $0xC400;
	s5 =	sadd.s32 s3, s5  }
0x140: {  	[tilespmem:s16], [sflag:$0x3] =	stream.linear.gather [hbm4b:s5+s2], $0x400, $0x38;
	[tilespmem:$0x14800] =	vst v63  }
0x141: {  	s5 =	simm.s32 $0x0  }
.LBB2_2:
0x142: {  	s9 =	sshll.u32 s5, $0x6  }
0x143: {  	s6 =	sshrl.u32 s5, $0x1;
	s9 =	sand.u32 $0x40, s9  }
0x144: {  	s13 =	sshll.u32 s6, $0x7;
	s12 =	sor.u32 $0x30, s9  }
0x145: {  	s14 =	sor.u32 s13, s12  }
0x146: {  	v19 =	vor.u32 s14, v13;
	_ =	sdelay $0x3  }
0x147: {  	s14 =	simm.s32 $0x0  }
0x148: {  	v19 =	vld.idx.msk [tilespmem:v19+s14+$0x0], $0xffff;
	_ =	sdelay $0x4  }
0x149: {  	v20 =	vand.u32 v0, v19  }
0x14a: {  	(xrf0) =	vadd.scan.msk.s32 $0xffff, v20;
	_ =	sdelay $0x2  }
0x14b: {  	v20 =	vand.u32 v1, v19;
	_ =	sdelay $0x1  }
0x14c: {  	(xrf0) =	vadd.scan.msk.s32 $0xffff, v20  }
0x14d: {  	v20, _, _ =	vpop (xrf0)  }
0x14e: {  	(v2sf) =	vpush v20, $0xF  }
0x14f: {  	v20 =	vand.u32 v2, v19;
	_ =	sdelay $0x1  }
0x150: {  	(xrf0) =	vadd.scan.msk.s32 $0xffff, v20  }
0x151: {  	v20, _, _ =	vpop (xrf0)  }
0x152: {  	(v2sf) =	vpush v20, $0xF  }
0x153: {  	v20 =	vand.u32 v3, v19;
	_ =	sdelay $0x1  }
0x154: {  	(xrf0) =	vadd.scan.msk.s32 $0xffff, v20  }
0x155: {  	v20, _, _ =	vpop (xrf0)  }
0x156: {  	(v2sf) =	vpush v20, $0xF  }
0x157: {  	v20 =	vand.u32 v4, v19;
	_ =	sdelay $0x1  }
0x158: {  	(xrf0) =	vadd.scan.msk.s32 $0xffff, v20  }
0x159: {  	v20, _, _ =	vpop (xrf0)  }
0x15a: {  	s15 =	spop (v2sf);
	(v2sf) =	vpush v20, $0xF  }
0x15b: {  	v20 =	vand.u32 v5, v19;
	s15 =	sshll.u32 s15, $0x7  }
0x15c: {  	s15 =	sand.u32 $0x1FFFFF80, s15  }
0x15d: {  	(xrf0) =	vadd.scan.msk.s32 $0xffff, v20;
	s15 =	sadd.s32 s3, s15  }
0x15e: {  	v20, _, _ =	vpop (xrf0);
	[tilespmem:s8], [sflag:$0x4] =	stream.linear.gather [hbm4b:s15+s14], $0x400, $0x38;
	[tilespmem:$0x14800] =	vst v63  }
0x15f: {  	s16 =	spop (v2sf);
	(v2sf) =	vpush v20, $0xF  }
0x160: {  	v20 =	vand.u32 v6, v19;
	s15 =	sshll.u32 s16, $0x7  }
0x161: {  	s15 =	sand.u32 $0x1FFFFF80, s15  }
0x162: {  	(xrf0) =	vadd.scan.msk.s32 $0xffff, v20;
	s16 =	simm.s32 $0xCC00;
	s15 =	sadd.s32 s3, s15  }
0x163: {  	v20, _, _ =	vpop (xrf0);
	[tilespmem:s16], [sflag:$0x4] =	stream.linear.gather [hbm4b:s15+s14], $0x400, $0x38;
	[tilespmem:$0x14800] =	vst v63  }
0x164: {  	s16 =	spop (v2sf);
	(v2sf) =	vpush v20, $0xF  }
0x165: {  	v20 =	vand.u32 v7, v19;
	s15 =	sshll.u32 s16, $0x7  }
0x166: {  	s15 =	sand.u32 $0x1FFFFF80, s15  }
0x167: {  	(xrf0) =	vadd.scan.msk.s32 $0xffff, v20;
	s16 =	simm.s32 $0xD000;
	s15 =	sadd.s32 s3, s15  }
0x168: {  	v20, _, _ =	vpop (xrf0);
	[tilespmem:s16], [sflag:$0x4] =	stream.linear.gather [hbm4b:s15+s14], $0x400, $0x38;
	[tilespmem:$0x14800] =	vst v63  }
0x169: {  	s16 =	spop (v2sf);
	(v2sf) =	vpush v20, $0xF  }
0x16a: {  	v20 =	vand.u32 v8, v19;
	s15 =	sshll.u32 s16, $0x7  }
0x16b: {  	s15 =	sand.u32 $0x1FFFFF80, s15  }
0x16c: {  	(xrf0) =	vadd.scan.msk.s32 $0xffff, v20;
	s16 =	simm.s32 $0xD400;
	s15 =	sadd.s32 s3, s15  }
0x16d: {  	v20, _, _ =	vpop (xrf0);
	[tilespmem:s16], [sflag:$0x4] =	stream.linear.gather [hbm4b:s15+s14], $0x400, $0x38;
	[tilespmem:$0x14800] =	vst v63  }
0x16e: {  	s16 =	spop (v2sf);
	(v2sf) =	vpush v20, $0xF  }
0x16f: {  	v20 =	vand.u32 v9, v19;
	s15 =	sshll.u32 s16, $0x7  }
0x170: {  	s15 =	sand.u32 $0x1FFFFF80, s15  }
0x171: {  	(xrf0) =	vadd.scan.msk.s32 $0xffff, v20;
	s16 =	simm.s32 $0xD800;
	s15 =	sadd.s32 s3, s15  }
0x172: {  	v20, _, _ =	vpop (xrf0);
	[tilespmem:s16], [sflag:$0x4] =	stream.linear.gather [hbm4b:s15+s14], $0x400, $0x38;
	[tilespmem:$0x14800] =	vst v63  }
0x173: {  	s16 =	spop (v2sf);
	(v2sf) =	vpush v20, $0xF  }
0x174: {  	v20 =	vand.u32 v10, v19;
	s15 =	sshll.u32 s16, $0x7  }
0x175: {  	s15 =	sand.u32 $0x1FFFFF80, s15  }
0x176: {  	(xrf0) =	vadd.scan.msk.s32 $0xffff, v20;
	s16 =	simm.s32 $0xDC00;
	s15 =	sadd.s32 s3, s15  }
0x177: {  	v20, _, _ =	vpop (xrf0);
	[tilespmem:s16], [sflag:$0x4] =	stream.linear.gather [hbm4b:s15+s14], $0x400, $0x38;
	[tilespmem:$0x14800] =	vst v63  }
0x178: {  	s16 =	spop (v2sf);
	(v2sf) =	vpush v20, $0xF  }
0x179: {  	v20 =	vand.u32 v11, v19;
	s15 =	sshll.u32 s16, $0x7  }
0x17a: {  	s15 =	sand.u32 $0x1FFFFF80, s15  }
0x17b: {  	(xrf0) =	vadd.scan.msk.s32 $0xffff, v20;
	s16 =	simm.s32 $0xE000;
	s15 =	sadd.s32 s3, s15  }
0x17c: {  	v20, _, _ =	vpop (xrf0);
	[tilespmem:s16], [sflag:$0x4] =	stream.linear.gather [hbm4b:s15+s14], $0x400, $0x38;
	[tilespmem:$0x14800] =	vst v63  }
0x17d: {  	s16 =	spop (v2sf);
	(v2sf) =	vpush v20, $0xF  }
0x17e: {  	v20 =	vand.u32 v12, v19;
	s15 =	sshll.u32 s16, $0x7  }
0x17f: {  	s15 =	sand.u32 $0x1FFFFF80, s15  }
0x180: {  	(xrf0) =	vadd.scan.msk.s32 $0xffff, v20;
	s15 =	sadd.s32 s3, s15  }
0x181: {  	v20, _, _ =	vpop (xrf0);
	[tilespmem:s17], [sflag:$0x4] =	stream.linear.gather [hbm4b:s15+s14], $0x400, $0x38;
	[tilespmem:$0x14800] =	vst v63  }
0x182: {  	s16 =	spop (v2sf);
	(v2sf) =	vpush v20, $0xF  }
0x183: {  	v20 =	vand.u32 v14, v19;
	s15 =	sshll.u32 s16, $0x7  }
0x184: {  	s15 =	sand.u32 $0x1FFFFF80, s15  }
0x185: {  	(xrf0) =	vadd.scan.msk.s32 $0xffff, v20;
	s15 =	sadd.s32 s3, s15  }
0x186: {  	v20, _, _ =	vpop (xrf0);
	[tilespmem:s19], [sflag:$0x4] =	stream.linear.gather [hbm4b:s15+s14], $0x400, $0x38;
	[tilespmem:$0x14800] =	vst v63  }
0x187: {  	s16 =	spop (v2sf);
	(v2sf) =	vpush v20, $0xF  }
0x188: {  	v20 =	vand.u32 v15, v19;
	s15 =	sshll.u32 s16, $0x7  }
0x189: {  	s15 =	sand.u32 $0x1FFFFF80, s15  }
0x18a: {  	(xrf0) =	vadd.scan.msk.s32 $0xffff, v20;
	s15 =	sadd.s32 s3, s15  }
0x18b: {  	v20, _, _ =	vpop (xrf0);
	[tilespmem:s20], [sflag:$0x4] =	stream.linear.gather [hbm4b:s15+s14], $0x400, $0x38;
	[tilespmem:$0x14800] =	vst v63  }
0x18c: {  	s16 =	spop (v2sf);
	(v2sf) =	vpush v20, $0xF  }
0x18d: {  	v19 =	vand.u32 v16, v19;
	s15 =	sshll.u32 s16, $0x7  }
0x18e: {  	s15 =	sand.u32 $0x1FFFFF80, s15  }
0x18f: {  	(xrf0) =	vadd.scan.msk.s32 $0xffff, v19;
	s15 =	sadd.s32 s3, s15  }
0x190: {  	v19, _, _ =	vpop (xrf0);
	[tilespmem:s21], [sflag:$0x4] =	stream.linear.gather [hbm4b:s15+s14], $0x400, $0x38;
	[tilespmem:$0x14800] =	vst v63  }
0x191: {  	s16 =	spop (v2sf);
	(v2sf) =	vpush v19, $0xF  }
0x192: {  	s15 =	sshll.u32 s16, $0x7  }
0x193: {  	s15 =	sand.u32 $0x1FFFFF80, s15  }
0x194: {  	s15 =	sadd.s32 s3, s15  }
0x195: {  	v19, _, _ =	vpop (xrf0);
	[tilespmem:s22], [sflag:$0x4] =	stream.linear.gather [hbm4b:s15+s14], $0x400, $0x38;
	[tilespmem:$0x14800] =	vst v63  }
0x196: {  	s16 =	spop (v2sf);
	(v2sf) =	vpush v19, $0xF  }
0x197: {  	s15 =	sshll.u32 s16, $0x7  }
0x198: {  	s15 =	sand.u32 $0x1FFFFF80, s15  }
0x199: {  	s15 =	sadd.s32 s3, s15  }
0x19a: {  	[tilespmem:s23], [sflag:$0x4] =	stream.linear.gather [hbm4b:s15+s14], $0x400, $0x38;
	[tilespmem:$0x14800] =	vst v63  }
0x19b: {  	s16 =	spop (v2sf)  }
0x19c: {  	s15 =	sshll.u32 s16, $0x7  }
0x19d: {  	s15 =	sand.u32 $0x1FFFFF80, s15  }
0x19e: {  	s15 =	sadd.s32 s3, s15  }
0x19f: {  	[tilespmem:s24], [sflag:$0x4] =	stream.linear.gather [hbm4b:s15+s14], $0x400, $0x38;
	[tilespmem:$0x14800] =	vst v63  }
0x1a0: {  	s16 =	spop (v2sf)  }
0x1a1: {  	s15 =	sshll.u32 s16, $0x7  }
0x1a2: {  	s15 =	sand.u32 $0x1FFFFF80, s15  }
0x1a3: {  	s15 =	sadd.s32 s3, s15  }
0x1a4: {  	[tilespmem:s25], [sflag:$0x4] =	stream.linear.gather [hbm4b:s15+s14], $0x400, $0x38;
	[tilespmem:$0x14800] =	vst v63  }
0x1a5: {  	s16 =	spop (v2sf)  }
0x1a6: {  	s15 =	sshll.u32 s16, $0x7  }
0x1a7: {  	v20 =	vor.u32 s9, v13;
	s15 =	sand.u32 $0x1FFFFF80, s15  }
0x1a8: {  	v19 =	vor.u32 s13, v20;
	s15 =	sadd.s32 s3, s15  }
0x1a9: {  	[tilespmem:s26], [sflag:$0x4] =	stream.linear.gather [hbm4b:s15+s14], $0x400, $0x38;
	[tilespmem:$0x14800] =	vst v63  }
0x1aa: {  	_ =	swait.ge [sflag:s29], $0x4000  }
0x1ab: {  	[sflag:s29] =	ssyncset.done $0x0  }
0x1ac: {  	[sflag:s29] =	ssyncadd.s32 $0xFFFFC000  }
0x1ad: {  	v21 =	vld.idx.msk [tilespmem:v19+s10+$0x0], $0xffff;
	_ =	sdelay $0x2  }
0x1ae: {  	v22 =	vmov s14  }
0x1af: {  	v22 =	vand.u32 $0x7C, v22;
	v19 =	vmul.u32 $0x400, v13  }
0x1b0: {  	v24 =	vbroadcast v22, $0x0;
	v21 =	vshll.u32 v21, $0x7  }
0x1b1: {  	v22 =	vadd.s32 v19, v21  }
0x1b2: {  	v21 =	vor.u32 v22, v24  }
0x1b3: {  	s16 =	simm.s32 $0x1  }
0x1b4: {  	v23 =	vmov s16  }
0x1b5: {  	v25 =	vand.u32 $0x7D, v23  }
0x1b6: {  	v23 =	vshll.u32 v20, $0x7;
	v20 =	vbroadcast v25, $0x0  }
0x1b7: {  	v24 =	vor.u32 v23, v24;
	v21 =	vld.idx.msk [tilespmem:v21+s11+$0x0], $0xffff  }
0x1b8: {  	v25 =	vor.u32 v22, v20  }
0x1b9: {  	s15 =	simm.s32 $0x2  }
0x1ba: {  	v26 =	vmov s15  }
0x1bb: {  	v26 =	vand.u32 $0x7E, v26  }
0x1bc: {  	v26 =	vbroadcast v26, $0x0;
	[tilespmem:v24+s30+$0x0] =	vst.idx.msk $0xffff, v21  }
0x1bd: {  	v27 =	vor.u32 v23, v20;
	v25 =	vld.idx.msk [tilespmem:v25+s11+$0x0], $0xffff  }
0x1be: {  	v28 =	vor.u32 v22, v26  }
0x1bf: {  	s16 =	simm.s32 $0x3  }
0x1c0: {  	v20 =	vmov s16  }
0x1c1: {  	v20 =	vand.u32 $0x7F, v20  }
0x1c2: {  	v24 =	vbroadcast v20, $0x0;
	[tilespmem:v27+s30+$0x0] =	vst.idx.msk $0xffff, v25  }
0x1c3: {  	v27 =	vor.u32 v23, v26;
	v25 =	vld.idx.msk [tilespmem:v28+s11+$0x0], $0xffff  }
0x1c4: {  	v26 =	vor.u32 v22, v24;
	_ =	sdelay $0x1  }
0x1c5: {  	v21 =	vmov s12;
	s12 =	simm.s32 $0x4  }
0x1c6: {  	v20 =	vmov s13;
	s13 =	simm.s32 $0x8;
	v28 =	vmov s12  }
.LBB2_3:
0x1c7: {  	p0 =	sne.s32 s13, $0x3C;
	v28 =	vand.u32 $0x7C, v28;
	[tilespmem:v27+s30+$0x0] =	vst.idx.msk $0xffff, v25  }
0x1c8: {  	v25 =	vbroadcast v28, $0x0;
	v26 =	vld.idx.msk [tilespmem:v26+s11+$0x0], $0xffff  }
0x1c9: {  	v24 =	vor.u32 v23, v24  }
0x1ca: {  	v27 =	vor.u32 v22, v25;
	_ =	sdelay $0x1  }
0x1cb: {  	s14 =	sadd.s32 $0x1, s12  }
0x1cc: {  	v28 =	vmov s14  }
0x1cd: {  	v28 =	vand.u32 $0x7D, v28;
	[tilespmem:v24+s30+$0x0] =	vst.idx.msk $0xffff, v26  }
0x1ce: {  	v26 =	vbroadcast v28, $0x0;
	v24 =	vld.idx.msk [tilespmem:v27+s11+$0x0], $0xffff  }
0x1cf: {  	v25 =	vor.u32 v23, v25  }
0x1d0: {  	v27 =	vor.u32 v22, v26;
	_ =	sdelay $0x1  }
0x1d1: {  	s14 =	sadd.s32 $0x2, s12  }
0x1d2: {  	v28 =	vmov s14  }
0x1d3: {  	[tilespmem:v25+s30+$0x0] =	vst.idx.msk $0xffff, v24;
	v24 =	vand.u32 $0x7E, v28  }
0x1d4: {  	v25 =	vld.idx.msk [tilespmem:v27+s11+$0x0], $0xffff;
	v27 =	vbroadcast v24, $0x0  }
0x1d5: {  	v24 =	vor.u32 v23, v26  }
0x1d6: {  	v26 =	vor.u32 v22, v27;
	_ =	sdelay $0x1  }
0x1d7: {  	s14 =	sadd.s32 $0x3, s12;
	s12 =	smov.u32 s13  }
0x1d8: {  	v28 =	vmov s14  }
0x1d9: {  	[tilespmem:v24+s30+$0x0] =	vst.idx.msk $0xffff, v25;
	v24 =	vand.u32 $0x7F, v28  }
0x1da: {  	v25 =	vld.idx.msk [tilespmem:v26+s11+$0x0], $0xffff;
	v24 =	vbroadcast v24, $0x0  }
.Ltmp0:
0x1db: {  	v27 =	vor.u32 v23, v27;
	(pc) =	sbr.rel @p0 .LBB2_3-.Ltmp0, $2  }
0x1dc: {  	v26 =	vor.u32 v22, v24;
	_ =	sdelay $0x2  }
0x1dd: {  	s13 =	sadd.s32 $0x4, s13;
	v28 =	vmov s12  }
0x1de: {  	_ =	sdelay $0x2  }
0x1df: {  	v28 =	vand.u32 $0x7C, v28  }
0x1e0: {  	[tilespmem:v27+s30+$0x0] =	vst.idx.msk $0xffff, v25;
	v54 =	vbroadcast v28, $0x0  }
0x1e1: {  	v24 =	vor.u32 v23, v24;
	v26 =	vld.idx.msk [tilespmem:v26+s11+$0x0], $0xffff  }
0x1e2: {  	v55 =	vor.u32 v22, v54  }
0x1e3: {  	s13 =	sadd.s32 $0x1, s12  }
0x1e4: {  	v56 =	vmov s13  }
0x1e5: {  	v28 =	vand.u32 $0x7D, v56  }
0x1e6: {  	v57 =	vbroadcast v28, $0x0;
	[tilespmem:v24+s30+$0x0] =	vst.idx.msk $0xffff, v26  }
0x1e7: {  	v25 =	vor.u32 v23, v54;
	v26 =	vld.idx.msk [tilespmem:v55+s11+$0x0], $0xffff  }
0x1e8: {  	v58 =	vor.u32 v22, v57  }
0x1e9: {  	s15 =	sadd.s32 $0x2, s12  }
0x1ea: {  	v59 =	vmov s15  }
0x1eb: {  	v28 =	vand.u32 $0x7E, v59  }
0x1ec: {  	v60 =	vbroadcast v28, $0x0;
	[tilespmem:v25+s30+$0x0] =	vst.idx.msk $0xffff, v26  }
0x1ed: {  	v24 =	vor.u32 v23, v57;
	v26 =	vld.idx.msk [tilespmem:v58+s11+$0x0], $0xffff  }
0x1ee: {  	v61 =	vor.u32 v22, v60  }
0x1ef: {  	s16 =	sadd.s32 $0x3, s12  }
0x1f0: {  	v62 =	vmov s16  }
0x1f1: {  	v28 =	vand.u32 $0x7F, v62  }
0x1f2: {  	v63 =	vbroadcast v28, $0x0;
	[tilespmem:v24+s30+$0x0] =	vst.idx.msk $0xffff, v26  }
0x1f3: {  	v25 =	vor.u32 v23, v60;
	v26 =	vld.idx.msk [tilespmem:v61+s11+$0x0], $0xffff  }
0x1f4: {  	v22 =	vor.u32 v22, v63;
	_ =	sdelay $0x3  }
0x1f5: {  	[tilespmem:v25+s30+$0x0] =	vst.idx.msk $0xffff, v26  }
0x1f6: {  	p0 =	seq.s32 s5, $0x9;
	v23 =	vor.u32 v23, v63;
	v22 =	vld.idx.msk [tilespmem:v22+s11+$0x0], $0xffff  }
.Ltmp1:
0x1f7: {  	_ = 	snop;
	(pc) =	sbr.rel @p0 .LBB2_6-.Ltmp1, $2  }
0x1f8: {  	_ =	sdelay $0x2  }
0x1f9: {  	s12 =	sshll.u32 s5, $0x2;
	[tilespmem:v23+s30+$0x0] =	vst.idx.msk $0xffff, v22  }
0x1fa: {  	s13 =	sshll.u32 s12, $0x4  }
0x1fb: {  	s13 =	sadd.s32 $0x40, s13  }
0x1fc: {  	s13 =	sand.u32 $0xFFFFFFC0, s13  }
0x1fd: {  	v22 =	vor.u32 s13, v13;
	_ =	sdelay $0x4  }
0x1fe: {  	v22 =	vld.idx.msk [tilespmem:v22+s2+$0x0], $0xffff;
	_ =	sdelay $0x4  }
0x1ff: {  	v23 =	vand.u32 v0, v22  }
0x200: {  	(xrf0) =	vadd.scan.msk.s32 $0xffff, v23;
	_ =	sdelay $0x2  }
0x201: {  	v23 =	vand.u32 v1, v22;
	_ =	sdelay $0x1  }
0x202: {  	(xrf0) =	vadd.scan.msk.s32 $0xffff, v23  }
0x203: {  	v23, _, _ =	vpop (xrf0)  }
0x204: {  	(v2sf) =	vpush v23, $0xF  }
0x205: {  	v23 =	vand.u32 v2, v22;
	_ =	sdelay $0x1  }
0x206: {  	(xrf0) =	vadd.scan.msk.s32 $0xffff, v23  }
0x207: {  	v23, _, _ =	vpop (xrf0)  }
0x208: {  	(v2sf) =	vpush v23, $0xF  }
0x209: {  	v23 =	vand.u32 v3, v22;
	_ =	sdelay $0x1  }
0x20a: {  	(xrf0) =	vadd.scan.msk.s32 $0xffff, v23  }
0x20b: {  	v23, _, _ =	vpop (xrf0)  }
0x20c: {  	(v2sf) =	vpush v23, $0xF  }
0x20d: {  	v23 =	vand.u32 v4, v22;
	_ =	sdelay $0x1  }
0x20e: {  	(xrf0) =	vadd.scan.msk.s32 $0xffff, v23  }
0x20f: {  	v23, _, _ =	vpop (xrf0)  }
0x210: {  	s16 =	spop (v2sf);
	(v2sf) =	vpush v23, $0xF  }
0x211: {  	v23 =	vand.u32 v5, v22;
	s13 =	sshll.u32 s16, $0x7  }
0x212: {  	s13 =	sand.u32 $0x1FFFFF80, s13  }
0x213: {  	(xrf0) =	vadd.scan.msk.s32 $0xffff, v23;
	s13 =	sadd.s32 s3, s13  }
0x214: {  	v23, _, _ =	vpop (xrf0);
	[tilespmem:s11], [sflag:$0x1] =	stream.linear.gather [hbm4b:s13+s2], $0x400, $0x38;
	[tilespmem:$0x14800] =	vst v63  }
0x215: {  	s14 =	spop (v2sf);
	(v2sf) =	vpush v23, $0xF  }
0x216: {  	v23 =	vand.u32 v6, v22;
	s13 =	sshll.u32 s14, $0x7  }
0x217: {  	s13 =	sand.u32 $0x1FFFFF80, s13  }
0x218: {  	(xrf0) =	vadd.scan.msk.s32 $0xffff, v23;
	s14 =	simm.s32 $0xC00;
	s13 =	sadd.s32 s3, s13  }
0x219: {  	v23, _, _ =	vpop (xrf0);
	[tilespmem:s14], [sflag:$0x1] =	stream.linear.gather [hbm4b:s13+s2], $0x400, $0x38;
	[tilespmem:$0x14800] =	vst v63  }
0x21a: {  	s15 =	spop (v2sf);
	(v2sf) =	vpush v23, $0xF  }
0x21b: {  	v23 =	vand.u32 v7, v22;
	s13 =	sshll.u32 s15, $0x7  }
0x21c: {  	s13 =	sand.u32 $0x1FFFFF80, s13  }
0x21d: {  	s16 =	simm.s32 $0x1000;
	(xrf0) =	vadd.scan.msk.s32 $0xffff, v23;
	s13 =	sadd.s32 s3, s13  }
0x21e: {  	v23, _, _ =	vpop (xrf0);
	[tilespmem:s16], [sflag:$0x1] =	stream.linear.gather [hbm4b:s13+s2], $0x400, $0x38;
	[tilespmem:$0x14800] =	vst v63  }
0x21f: {  	s15 =	spop (v2sf);
	(v2sf) =	vpush v23, $0xF  }
0x220: {  	v23 =	vand.u32 v8, v22;
	s13 =	sshll.u32 s15, $0x7  }
0x221: {  	s13 =	sand.u32 $0x1FFFFF80, s13  }
0x222: {  	s16 =	simm.s32 $0x1400;
	(xrf0) =	vadd.scan.msk.s32 $0xffff, v23;
	s13 =	sadd.s32 s3, s13  }
0x223: {  	v23, _, _ =	vpop (xrf0);
	[tilespmem:s16], [sflag:$0x1] =	stream.linear.gather [hbm4b:s13+s2], $0x400, $0x38;
	[tilespmem:$0x14800] =	vst v63  }
0x224: {  	s15 =	spop (v2sf);
	(v2sf) =	vpush v23, $0xF  }
0x225: {  	v23 =	vand.u32 v9, v22;
	s13 =	sshll.u32 s15, $0x7  }
0x226: {  	s13 =	sand.u32 $0x1FFFFF80, s13  }
0x227: {  	s16 =	simm.s32 $0x1800;
	(xrf0) =	vadd.scan.msk.s32 $0xffff, v23;
	s13 =	sadd.s32 s3, s13  }
0x228: {  	v23, _, _ =	vpop (xrf0);
	[tilespmem:s16], [sflag:$0x1] =	stream.linear.gather [hbm4b:s13+s2], $0x400, $0x38;
	[tilespmem:$0x14800] =	vst v63  }
0x229: {  	s15 =	spop (v2sf);
	(v2sf) =	vpush v23, $0xF  }
0x22a: {  	v23 =	vand.u32 v10, v22;
	s13 =	sshll.u32 s15, $0x7  }
0x22b: {  	s13 =	sand.u32 $0x1FFFFF80, s13  }
0x22c: {  	s16 =	simm.s32 $0x1C00;
	(xrf0) =	vadd.scan.msk.s32 $0xffff, v23;
	s13 =	sadd.s32 s3, s13  }
0x22d: {  	v23, _, _ =	vpop (xrf0);
	[tilespmem:s16], [sflag:$0x1] =	stream.linear.gather [hbm4b:s13+s2], $0x400, $0x38;
	[tilespmem:$0x14800] =	vst v63  }
0x22e: {  	s15 =	spop (v2sf);
	(v2sf) =	vpush v23, $0xF  }
0x22f: {  	v23 =	vand.u32 v11, v22;
	s13 =	sshll.u32 s15, $0x7  }
0x230: {  	s13 =	sand.u32 $0x1FFFFF80, s13  }
0x231: {  	s16 =	simm.s32 $0x2000;
	(xrf0) =	vadd.scan.msk.s32 $0xffff, v23;
	s13 =	sadd.s32 s3, s13  }
0x232: {  	v23, _, _ =	vpop (xrf0);
	[tilespmem:s16], [sflag:$0x1] =	stream.linear.gather [hbm4b:s13+s2], $0x400, $0x38;
	[tilespmem:$0x14800] =	vst v63  }
0x233: {  	s15 =	spop (v2sf);
	(v2sf) =	vpush v23, $0xF  }
0x234: {  	v23 =	vand.u32 v12, v22;
	s13 =	sshll.u32 s15, $0x7  }
0x235: {  	s13 =	sand.u32 $0x1FFFFF80, s13  }
0x236: {  	s16 =	simm.s32 $0x2400;
	(xrf0) =	vadd.scan.msk.s32 $0xffff, v23;
	s13 =	sadd.s32 s3, s13  }
0x237: {  	v23, _, _ =	vpop (xrf0);
	[tilespmem:s16], [sflag:$0x1] =	stream.linear.gather [hbm4b:s13+s2], $0x400, $0x38;
	[tilespmem:$0x14800] =	vst v63  }
0x238: {  	s15 =	spop (v2sf);
	(v2sf) =	vpush v23, $0xF  }
0x239: {  	v23 =	vand.u32 v14, v22;
	s13 =	sshll.u32 s15, $0x7  }
0x23a: {  	s13 =	sand.u32 $0x1FFFFF80, s13  }
0x23b: {  	s16 =	simm.s32 $0x2800;
	(xrf0) =	vadd.scan.msk.s32 $0xffff, v23;
	s13 =	sadd.s32 s3, s13  }
0x23c: {  	v23, _, _ =	vpop (xrf0);
	[tilespmem:s16], [sflag:$0x1] =	stream.linear.gather [hbm4b:s13+s2], $0x400, $0x38;
	[tilespmem:$0x14800] =	vst v63  }
0x23d: {  	s15 =	spop (v2sf);
	(v2sf) =	vpush v23, $0xF  }
0x23e: {  	v23 =	vand.u32 v15, v22;
	s13 =	sshll.u32 s15, $0x7  }
0x23f: {  	s13 =	sand.u32 $0x1FFFFF80, s13  }
0x240: {  	s16 =	simm.s32 $0x2C00;
	(xrf0) =	vadd.scan.msk.s32 $0xffff, v23;
	s13 =	sadd.s32 s3, s13  }
0x241: {  	v23, _, _ =	vpop (xrf0);
	[tilespmem:s16], [sflag:$0x1] =	stream.linear.gather [hbm4b:s13+s2], $0x400, $0x38;
	[tilespmem:$0x14800] =	vst v63  }
0x242: {  	s15 =	spop (v2sf);
	(v2sf) =	vpush v23, $0xF  }
0x243: {  	v22 =	vand.u32 v16, v22;
	s13 =	sshll.u32 s15, $0x7  }
0x244: {  	s13 =	sand.u32 $0x1FFFFF80, s13  }
0x245: {  	(xrf0) =	vadd.scan.msk.s32 $0xffff, v22;
	s16 =	simm.s32 $0x3000;
	s13 =	sadd.s32 s3, s13  }
0x246: {  	v22, _, _ =	vpop (xrf0);
	[tilespmem:s16], [sflag:$0x1] =	stream.linear.gather [hbm4b:s13+s2], $0x400, $0x38;
	[tilespmem:$0x14800] =	vst v63  }
0x247: {  	s15 =	spop (v2sf);
	(v2sf) =	vpush v22, $0xF  }
0x248: {  	s13 =	sshll.u32 s15, $0x7  }
0x249: {  	s13 =	sand.u32 $0x1FFFFF80, s13  }
0x24a: {  	s16 =	simm.s32 $0x3400;
	s13 =	sadd.s32 s3, s13  }
0x24b: {  	v22, _, _ =	vpop (xrf0);
	[tilespmem:s16], [sflag:$0x1] =	stream.linear.gather [hbm4b:s13+s2], $0x400, $0x38;
	[tilespmem:$0x14800] =	vst v63  }
0x24c: {  	s15 =	spop (v2sf);
	(v2sf) =	vpush v22, $0xF  }
0x24d: {  	s13 =	sshll.u32 s15, $0x7  }
0x24e: {  	s13 =	sand.u32 $0x1FFFFF80, s13  }
0x24f: {  	s16 =	simm.s32 $0x3800;
	s13 =	sadd.s32 s3, s13  }
0x250: {  	[tilespmem:s16], [sflag:$0x1] =	stream.linear.gather [hbm4b:s13+s2], $0x400, $0x38;
	[tilespmem:$0x14800] =	vst v63  }
0x251: {  	s15 =	spop (v2sf)  }
0x252: {  	s13 =	sshll.u32 s15, $0x7  }
0x253: {  	s13 =	sand.u32 $0x1FFFFF80, s13  }
0x254: {  	s16 =	simm.s32 $0x3C00;
	s13 =	sadd.s32 s3, s13  }
0x255: {  	[tilespmem:s16], [sflag:$0x1] =	stream.linear.gather [hbm4b:s13+s2], $0x400, $0x38;
	[tilespmem:$0x14800] =	vst v63  }
0x256: {  	s15 =	spop (v2sf)  }
0x257: {  	s13 =	sshll.u32 s15, $0x7  }
0x258: {  	s13 =	sand.u32 $0x1FFFFF80, s13  }
0x259: {  	s16 =	simm.s32 $0x4000;
	s13 =	sadd.s32 s3, s13  }
0x25a: {  	[tilespmem:s16], [sflag:$0x1] =	stream.linear.gather [hbm4b:s13+s2], $0x400, $0x38;
	[tilespmem:$0x14800] =	vst v63  }
0x25b: {  	s15 =	spop (v2sf)  }
0x25c: {  	s13 =	sshll.u32 s15, $0x7  }
0x25d: {  	s13 =	sand.u32 $0x1FFFFF80, s13  }
0x25e: {  	s16 =	simm.s32 $0x4400;
	s13 =	sadd.s32 s3, s13  }
0x25f: {  	[tilespmem:s16], [sflag:$0x1] =	stream.linear.gather [hbm4b:s13+s2], $0x400, $0x38;
	[tilespmem:$0x14800] =	vst v63  }
.LBB2_6:
0x260: {  	s13 =	sor.u32 $0x10, s9  }
0x261: {  	v23 =	vor.u32 s13, v13  }
0x262: {  	v22 =	vor.u32 v20, v23;
	_ =	sdelay $0x1  }
0x263: {  	_ =	swait.ge [sflag:s31], $0x4000  }
0x264: {  	[sflag:s31] =	ssyncset.done $0x0  }
0x265: {  	[sflag:s31] =	ssyncadd.s32 $0xFFFFC000  }
0x266: {  	v22 =	vld.idx.msk [tilespmem:v22+s10+$0x0], $0xffff;
	_ =	sdelay $0x1  }
0x267: {  	s16 =	simm.s32 $0x0  }
0x268: {  	v24 =	vmov s16  }
0x269: {  	v24 =	vand.u32 $0x7C, v24  }
0x26a: {  	v24 =	vbroadcast v24, $0x0;
	v22 =	vshll.u32 v22, $0x7  }
0x26b: {  	v22 =	vadd.s32 v19, v22  }
0x26c: {  	v25 =	vor.u32 v22, v24  }
0x26d: {  	s14 =	simm.s32 $0x1  }
0x26e: {  	v26 =	vmov s14  }
0x26f: {  	v26 =	vand.u32 $0x7D, v26  }
0x270: {  	v23 =	vshll.u32 v23, $0x7;
	v26 =	vbroadcast v26, $0x0  }
0x271: {  	v24 =	vor.u32 v23, v24;
	v25 =	vld.idx.msk [tilespmem:v25+s28+$0x0], $0xffff  }
0x272: {  	v27 =	vor.u32 v22, v26  }
0x273: {  	s15 =	simm.s32 $0x2  }
0x274: {  	v28 =	vmov s15  }
0x275: {  	v28 =	vand.u32 $0x7E, v28  }
0x276: {  	v28 =	vbroadcast v28, $0x0;
	[tilespmem:v24+s30+$0x0] =	vst.idx.msk $0xffff, v25  }
0x277: {  	v26 =	vor.u32 v23, v26;
	v25 =	vld.idx.msk [tilespmem:v27+s28+$0x0], $0xffff  }
0x278: {  	v27 =	vor.u32 v22, v28  }
0x279: {  	s16 =	simm.s32 $0x3  }
0x27a: {  	v24 =	vmov s16  }
0x27b: {  	v24 =	vand.u32 $0x7F, v24  }
0x27c: {  	v24 =	vbroadcast v24, $0x0;
	[tilespmem:v26+s30+$0x0] =	vst.idx.msk $0xffff, v25  }
0x27d: {  	v25 =	vld.idx.msk [tilespmem:v27+s28+$0x0], $0xffff;
	v27 =	vor.u32 v23, v28  }
0x27e: {  	v26 =	vor.u32 v22, v24;
	_ =	sdelay $0x1  }
0x27f: {  	s13 =	simm.s32 $0x4  }
0x280: {  	s14 =	simm.s32 $0x8;
	v28 =	vmov s13  }
.LBB2_7:
0x281: {  	p1 =	sne.s32 s14, $0x3C;
	v28 =	vand.u32 $0x7C, v28;
	[tilespmem:v27+s30+$0x0] =	vst.idx.msk $0xffff, v25  }
0x282: {  	v25 =	vbroadcast v28, $0x0;
	v26 =	vld.idx.msk [tilespmem:v26+s28+$0x0], $0xffff  }
0x283: {  	v24 =	vor.u32 v23, v24  }
0x284: {  	v27 =	vor.u32 v22, v25;
	_ =	sdelay $0x1  }
0x285: {  	s15 =	sadd.s32 $0x1, s13  }
0x286: {  	v28 =	vmov s15  }
0x287: {  	v28 =	vand.u32 $0x7D, v28;
	[tilespmem:v24+s30+$0x0] =	vst.idx.msk $0xffff, v26  }
0x288: {  	v26 =	vbroadcast v28, $0x0;
	v24 =	vld.idx.msk [tilespmem:v27+s28+$0x0], $0xffff  }
0x289: {  	v25 =	vor.u32 v23, v25  }
0x28a: {  	v27 =	vor.u32 v22, v26;
	_ =	sdelay $0x1  }
0x28b: {  	s15 =	sadd.s32 $0x2, s13  }
0x28c: {  	v28 =	vmov s15  }
0x28d: {  	[tilespmem:v25+s30+$0x0] =	vst.idx.msk $0xffff, v24;
	v24 =	vand.u32 $0x7E, v28  }
0x28e: {  	v25 =	vld.idx.msk [tilespmem:v27+s28+$0x0], $0xffff;
	v27 =	vbroadcast v24, $0x0  }
0x28f: {  	v24 =	vor.u32 v23, v26  }
0x290: {  	v26 =	vor.u32 v22, v27;
	_ =	sdelay $0x1  }
0x291: {  	s15 =	sadd.s32 $0x3, s13;
	s13 =	smov.u32 s14  }
0x292: {  	v28 =	vmov s15  }
0x293: {  	[tilespmem:v24+s30+$0x0] =	vst.idx.msk $0xffff, v25;
	v24 =	vand.u32 $0x7F, v28  }
0x294: {  	v25 =	vld.idx.msk [tilespmem:v26+s28+$0x0], $0xffff;
	v24 =	vbroadcast v24, $0x0  }
.Ltmp2:
0x295: {  	v27 =	vor.u32 v23, v27;
	(pc) =	sbr.rel @p1 .LBB2_7-.Ltmp2, $2  }
0x296: {  	v26 =	vor.u32 v22, v24;
	_ =	sdelay $0x2  }
0x297: {  	s14 =	sadd.s32 $0x4, s14;
	v28 =	vmov s13  }
0x298: {  	_ =	sdelay $0x2  }
0x299: {  	v28 =	vand.u32 $0x7C, v28  }
0x29a: {  	[tilespmem:v27+s30+$0x0] =	vst.idx.msk $0xffff, v25;
	v54 =	vbroadcast v28, $0x0  }
0x29b: {  	v24 =	vor.u32 v23, v24;
	v26 =	vld.idx.msk [tilespmem:v26+s28+$0x0], $0xffff  }
0x29c: {  	v55 =	vor.u32 v22, v54  }
0x29d: {  	s14 =	sadd.s32 $0x1, s13  }
0x29e: {  	v56 =	vmov s14  }
0x29f: {  	v28 =	vand.u32 $0x7D, v56  }
0x2a0: {  	v57 =	vbroadcast v28, $0x0;
	[tilespmem:v24+s30+$0x0] =	vst.idx.msk $0xffff, v26  }
0x2a1: {  	v25 =	vor.u32 v23, v54;
	v26 =	vld.idx.msk [tilespmem:v55+s28+$0x0], $0xffff  }
0x2a2: {  	v58 =	vor.u32 v22, v57  }
0x2a3: {  	s15 =	sadd.s32 $0x2, s13  }
0x2a4: {  	v59 =	vmov s15  }
0x2a5: {  	v28 =	vand.u32 $0x7E, v59  }
0x2a6: {  	v60 =	vbroadcast v28, $0x0;
	[tilespmem:v25+s30+$0x0] =	vst.idx.msk $0xffff, v26  }
0x2a7: {  	v24 =	vor.u32 v23, v57;
	v26 =	vld.idx.msk [tilespmem:v58+s28+$0x0], $0xffff  }
0x2a8: {  	v61 =	vor.u32 v22, v60  }
0x2a9: {  	s16 =	sadd.s32 $0x3, s13  }
0x2aa: {  	v62 =	vmov s16  }
0x2ab: {  	v28 =	vand.u32 $0x7F, v62  }
0x2ac: {  	v63 =	vbroadcast v28, $0x0;
	[tilespmem:v24+s30+$0x0] =	vst.idx.msk $0xffff, v26  }
0x2ad: {  	v25 =	vor.u32 v23, v60;
	v26 =	vld.idx.msk [tilespmem:v61+s28+$0x0], $0xffff  }
0x2ae: {  	v22 =	vor.u32 v22, v63;
	_ =	sdelay $0x3  }
0x2af: {  	[tilespmem:v25+s30+$0x0] =	vst.idx.msk $0xffff, v26  }
0x2b0: {  	v23 =	vor.u32 v23, v63;
	v22 =	vld.idx.msk [tilespmem:v22+s28+$0x0], $0xffff  }
.Ltmp3:
0x2b1: {  	_ = 	snop;
	(pc) =	sbr.rel @p0 .LBB2_10-.Ltmp3, $2  }
0x2b2: {  	_ =	sdelay $0x2  }
0x2b3: {  	[tilespmem:v23+s30+$0x0] =	vst.idx.msk $0xffff, v22  }
0x2b4: {  	s13 =	sshll.u32 s12, $0x4  }
0x2b5: {  	s13 =	sadd.s32 $0x50, s13  }
0x2b6: {  	s13 =	sand.u32 $0xFFFFFFD0, s13  }
0x2b7: {  	v22 =	vor.u32 s13, v13;
	_ =	sdelay $0x4  }
0x2b8: {  	v22 =	vld.idx.msk [tilespmem:v22+s2+$0x0], $0xffff;
	_ =	sdelay $0x4  }
0x2b9: {  	v23 =	vand.u32 v0, v22  }
0x2ba: {  	(xrf0) =	vadd.scan.msk.s32 $0xffff, v23;
	_ =	sdelay $0x2  }
0x2bb: {  	v23 =	vand.u32 v1, v22;
	_ =	sdelay $0x1  }
0x2bc: {  	(xrf0) =	vadd.scan.msk.s32 $0xffff, v23  }
0x2bd: {  	v23, _, _ =	vpop (xrf0)  }
0x2be: {  	(v2sf) =	vpush v23, $0xF  }
0x2bf: {  	v23 =	vand.u32 v2, v22;
	_ =	sdelay $0x1  }
0x2c0: {  	(xrf0) =	vadd.scan.msk.s32 $0xffff, v23  }
0x2c1: {  	v23, _, _ =	vpop (xrf0)  }
0x2c2: {  	(v2sf) =	vpush v23, $0xF  }
0x2c3: {  	v23 =	vand.u32 v3, v22;
	_ =	sdelay $0x1  }
0x2c4: {  	(xrf0) =	vadd.scan.msk.s32 $0xffff, v23  }
0x2c5: {  	v23, _, _ =	vpop (xrf0)  }
0x2c6: {  	(v2sf) =	vpush v23, $0xF  }
0x2c7: {  	v23 =	vand.u32 v4, v22;
	_ =	sdelay $0x1  }
0x2c8: {  	(xrf0) =	vadd.scan.msk.s32 $0xffff, v23  }
0x2c9: {  	v23, _, _ =	vpop (xrf0)  }
0x2ca: {  	s16 =	spop (v2sf);
	(v2sf) =	vpush v23, $0xF  }
0x2cb: {  	v23 =	vand.u32 v5, v22;
	s13 =	sshll.u32 s16, $0x7  }
0x2cc: {  	s13 =	sand.u32 $0x1FFFFF80, s13  }
0x2cd: {  	(xrf0) =	vadd.scan.msk.s32 $0xffff, v23;
	s13 =	sadd.s32 s3, s13  }
0x2ce: {  	v23, _, _ =	vpop (xrf0);
	[tilespmem:s28], [sflag:$0x2] =	stream.linear.gather [hbm4b:s13+s2], $0x400, $0x38;
	[tilespmem:$0x14800] =	vst v63  }
0x2cf: {  	s14 =	spop (v2sf);
	(v2sf) =	vpush v23, $0xF  }
0x2d0: {  	v23 =	vand.u32 v6, v22;
	s13 =	sshll.u32 s14, $0x7  }
0x2d1: {  	s13 =	sand.u32 $0x1FFFFF80, s13  }
0x2d2: {  	(xrf0) =	vadd.scan.msk.s32 $0xffff, v23;
	s14 =	simm.s32 $0x4C00;
	s13 =	sadd.s32 s3, s13  }
0x2d3: {  	v23, _, _ =	vpop (xrf0);
	[tilespmem:s14], [sflag:$0x2] =	stream.linear.gather [hbm4b:s13+s2], $0x400, $0x38;
	[tilespmem:$0x14800] =	vst v63  }
0x2d4: {  	s15 =	spop (v2sf);
	(v2sf) =	vpush v23, $0xF  }
0x2d5: {  	v23 =	vand.u32 v7, v22;
	s13 =	sshll.u32 s15, $0x7  }
0x2d6: {  	s13 =	sand.u32 $0x1FFFFF80, s13  }
0x2d7: {  	s16 =	simm.s32 $0x5000;
	(xrf0) =	vadd.scan.msk.s32 $0xffff, v23;
	s13 =	sadd.s32 s3, s13  }
0x2d8: {  	v23, _, _ =	vpop (xrf0);
	[tilespmem:s16], [sflag:$0x2] =	stream.linear.gather [hbm4b:s13+s2], $0x400, $0x38;
	[tilespmem:$0x14800] =	vst v63  }
0x2d9: {  	s15 =	spop (v2sf);
	(v2sf) =	vpush v23, $0xF  }
0x2da: {  	v23 =	vand.u32 v8, v22;
	s13 =	sshll.u32 s15, $0x7  }
0x2db: {  	s13 =	sand.u32 $0x1FFFFF80, s13  }
0x2dc: {  	s16 =	simm.s32 $0x5400;
	(xrf0) =	vadd.scan.msk.s32 $0xffff, v23;
	s13 =	sadd.s32 s3, s13  }
0x2dd: {  	v23, _, _ =	vpop (xrf0);
	[tilespmem:s16], [sflag:$0x2] =	stream.linear.gather [hbm4b:s13+s2], $0x400, $0x38;
	[tilespmem:$0x14800] =	vst v63  }
0x2de: {  	s15 =	spop (v2sf);
	(v2sf) =	vpush v23, $0xF  }
0x2df: {  	v23 =	vand.u32 v9, v22;
	s13 =	sshll.u32 s15, $0x7  }
0x2e0: {  	s13 =	sand.u32 $0x1FFFFF80, s13  }
0x2e1: {  	s16 =	simm.s32 $0x5800;
	(xrf0) =	vadd.scan.msk.s32 $0xffff, v23;
	s13 =	sadd.s32 s3, s13  }
0x2e2: {  	v23, _, _ =	vpop (xrf0);
	[tilespmem:s16], [sflag:$0x2] =	stream.linear.gather [hbm4b:s13+s2], $0x400, $0x38;
	[tilespmem:$0x14800] =	vst v63  }
0x2e3: {  	s15 =	spop (v2sf);
	(v2sf) =	vpush v23, $0xF  }
0x2e4: {  	v23 =	vand.u32 v10, v22;
	s13 =	sshll.u32 s15, $0x7  }
0x2e5: {  	s13 =	sand.u32 $0x1FFFFF80, s13  }
0x2e6: {  	s16 =	simm.s32 $0x5C00;
	(xrf0) =	vadd.scan.msk.s32 $0xffff, v23;
	s13 =	sadd.s32 s3, s13  }
0x2e7: {  	v23, _, _ =	vpop (xrf0);
	[tilespmem:s16], [sflag:$0x2] =	stream.linear.gather [hbm4b:s13+s2], $0x400, $0x38;
	[tilespmem:$0x14800] =	vst v63  }
0x2e8: {  	s15 =	spop (v2sf);
	(v2sf) =	vpush v23, $0xF  }
0x2e9: {  	v23 =	vand.u32 v11, v22;
	s13 =	sshll.u32 s15, $0x7  }
0x2ea: {  	s13 =	sand.u32 $0x1FFFFF80, s13  }
0x2eb: {  	s16 =	simm.s32 $0x6000;
	(xrf0) =	vadd.scan.msk.s32 $0xffff, v23;
	s13 =	sadd.s32 s3, s13  }
0x2ec: {  	v23, _, _ =	vpop (xrf0);
	[tilespmem:s16], [sflag:$0x2] =	stream.linear.gather [hbm4b:s13+s2], $0x400, $0x38;
	[tilespmem:$0x14800] =	vst v63  }
0x2ed: {  	s15 =	spop (v2sf);
	(v2sf) =	vpush v23, $0xF  }
0x2ee: {  	v23 =	vand.u32 v12, v22;
	s13 =	sshll.u32 s15, $0x7  }
0x2ef: {  	s13 =	sand.u32 $0x1FFFFF80, s13  }
0x2f0: {  	s16 =	simm.s32 $0x6400;
	(xrf0) =	vadd.scan.msk.s32 $0xffff, v23;
	s13 =	sadd.s32 s3, s13  }
0x2f1: {  	v23, _, _ =	vpop (xrf0);
	[tilespmem:s16], [sflag:$0x2] =	stream.linear.gather [hbm4b:s13+s2], $0x400, $0x38;
	[tilespmem:$0x14800] =	vst v63  }
0x2f2: {  	s15 =	spop (v2sf);
	(v2sf) =	vpush v23, $0xF  }
0x2f3: {  	v23 =	vand.u32 v14, v22;
	s13 =	sshll.u32 s15, $0x7  }
0x2f4: {  	s13 =	sand.u32 $0x1FFFFF80, s13  }
0x2f5: {  	s16 =	simm.s32 $0x6800;
	(xrf0) =	vadd.scan.msk.s32 $0xffff, v23;
	s13 =	sadd.s32 s3, s13  }
0x2f6: {  	v23, _, _ =	vpop (xrf0);
	[tilespmem:s16], [sflag:$0x2] =	stream.linear.gather [hbm4b:s13+s2], $0x400, $0x38;
	[tilespmem:$0x14800] =	vst v63  }
0x2f7: {  	s15 =	spop (v2sf);
	(v2sf) =	vpush v23, $0xF  }
0x2f8: {  	v23 =	vand.u32 v15, v22;
	s13 =	sshll.u32 s15, $0x7  }
0x2f9: {  	s13 =	sand.u32 $0x1FFFFF80, s13  }
0x2fa: {  	s16 =	simm.s32 $0x6C00;
	(xrf0) =	vadd.scan.msk.s32 $0xffff, v23;
	s13 =	sadd.s32 s3, s13  }
0x2fb: {  	v23, _, _ =	vpop (xrf0);
	[tilespmem:s16], [sflag:$0x2] =	stream.linear.gather [hbm4b:s13+s2], $0x400, $0x38;
	[tilespmem:$0x14800] =	vst v63  }
0x2fc: {  	s15 =	spop (v2sf);
	(v2sf) =	vpush v23, $0xF  }
0x2fd: {  	v22 =	vand.u32 v16, v22;
	s13 =	sshll.u32 s15, $0x7  }
0x2fe: {  	s13 =	sand.u32 $0x1FFFFF80, s13  }
0x2ff: {  	(xrf0) =	vadd.scan.msk.s32 $0xffff, v22;
	s16 =	simm.s32 $0x7000;
	s13 =	sadd.s32 s3, s13  }
0x300: {  	v22, _, _ =	vpop (xrf0);
	[tilespmem:s16], [sflag:$0x2] =	stream.linear.gather [hbm4b:s13+s2], $0x400, $0x38;
	[tilespmem:$0x14800] =	vst v63  }
0x301: {  	s15 =	spop (v2sf);
	(v2sf) =	vpush v22, $0xF  }
0x302: {  	s13 =	sshll.u32 s15, $0x7  }
0x303: {  	s13 =	sand.u32 $0x1FFFFF80, s13  }
0x304: {  	s16 =	simm.s32 $0x7400;
	s13 =	sadd.s32 s3, s13  }
0x305: {  	v22, _, _ =	vpop (xrf0);
	[tilespmem:s16], [sflag:$0x2] =	stream.linear.gather [hbm4b:s13+s2], $0x400, $0x38;
	[tilespmem:$0x14800] =	vst v63  }
0x306: {  	s15 =	spop (v2sf);
	(v2sf) =	vpush v22, $0xF  }
0x307: {  	s13 =	sshll.u32 s15, $0x7  }
0x308: {  	s13 =	sand.u32 $0x1FFFFF80, s13  }
0x309: {  	s16 =	simm.s32 $0x7800;
	s13 =	sadd.s32 s3, s13  }
0x30a: {  	[tilespmem:s16], [sflag:$0x2] =	stream.linear.gather [hbm4b:s13+s2], $0x400, $0x38;
	[tilespmem:$0x14800] =	vst v63  }
0x30b: {  	s15 =	spop (v2sf)  }
0x30c: {  	s13 =	sshll.u32 s15, $0x7  }
0x30d: {  	s13 =	sand.u32 $0x1FFFFF80, s13  }
0x30e: {  	s16 =	simm.s32 $0x7C00;
	s13 =	sadd.s32 s3, s13  }
0x30f: {  	[tilespmem:s16], [sflag:$0x2] =	stream.linear.gather [hbm4b:s13+s2], $0x400, $0x38;
	[tilespmem:$0x14800] =	vst v63  }
0x310: {  	s15 =	spop (v2sf)  }
0x311: {  	s13 =	sshll.u32 s15, $0x7  }
0x312: {  	s13 =	sand.u32 $0x1FFFFF80, s13  }
0x313: {  	s16 =	simm.s32 $0x8000;
	s13 =	sadd.s32 s3, s13  }
0x314: {  	[tilespmem:s16], [sflag:$0x2] =	stream.linear.gather [hbm4b:s13+s2], $0x400, $0x38;
	[tilespmem:$0x14800] =	vst v63  }
0x315: {  	s15 =	spop (v2sf)  }
0x316: {  	s13 =	sshll.u32 s15, $0x7  }
0x317: {  	s13 =	sand.u32 $0x1FFFFF80, s13  }
0x318: {  	s16 =	simm.s32 $0x8400;
	s13 =	sadd.s32 s3, s13  }
0x319: {  	[tilespmem:s16], [sflag:$0x2] =	stream.linear.gather [hbm4b:s13+s2], $0x400, $0x38;
	[tilespmem:$0x14800] =	vst v63  }
.LBB2_10:
0x31a: {  	s9 =	sor.u32 $0x20, s9  }
0x31b: {  	v23 =	vor.u32 s9, v13  }
0x31c: {  	v22 =	vor.u32 v20, v23;
	_ =	sdelay $0x1  }
0x31d: {  	_ =	swait.ge [sflag:s0], $0x4000  }
0x31e: {  	[sflag:s0] =	ssyncset.done $0x0  }
0x31f: {  	[sflag:s0] =	ssyncadd.s32 $0xFFFFC000  }
0x320: {  	v22 =	vld.idx.msk [tilespmem:v22+s10+$0x0], $0xffff;
	_ =	sdelay $0x1  }
0x321: {  	s13 =	simm.s32 $0x0  }
0x322: {  	v24 =	vmov s13  }
0x323: {  	v24 =	vand.u32 $0x7C, v24  }
0x324: {  	v24 =	vbroadcast v24, $0x0;
	v22 =	vshll.u32 v22, $0x7  }
0x325: {  	v22 =	vadd.s32 v19, v22  }
0x326: {  	v25 =	vor.u32 v22, v24  }
0x327: {  	s14 =	simm.s32 $0x1  }
0x328: {  	v26 =	vmov s14  }
0x329: {  	v26 =	vand.u32 $0x7D, v26  }
0x32a: {  	v23 =	vshll.u32 v23, $0x7;
	v26 =	vbroadcast v26, $0x0  }
0x32b: {  	v24 =	vor.u32 v23, v24;
	v25 =	vld.idx.msk [tilespmem:v25+s18+$0x0], $0xffff  }
0x32c: {  	v27 =	vor.u32 v22, v26  }
0x32d: {  	s15 =	simm.s32 $0x2  }
0x32e: {  	v28 =	vmov s15  }
0x32f: {  	v28 =	vand.u32 $0x7E, v28  }
0x330: {  	v28 =	vbroadcast v28, $0x0;
	[tilespmem:v24+s30+$0x0] =	vst.idx.msk $0xffff, v25  }
0x331: {  	v26 =	vor.u32 v23, v26;
	v25 =	vld.idx.msk [tilespmem:v27+s18+$0x0], $0xffff  }
0x332: {  	v27 =	vor.u32 v22, v28  }
0x333: {  	s16 =	simm.s32 $0x3  }
0x334: {  	v24 =	vmov s16  }
0x335: {  	v24 =	vand.u32 $0x7F, v24  }
0x336: {  	v24 =	vbroadcast v24, $0x0;
	[tilespmem:v26+s30+$0x0] =	vst.idx.msk $0xffff, v25  }
0x337: {  	v25 =	vld.idx.msk [tilespmem:v27+s18+$0x0], $0xffff;
	v27 =	vor.u32 v23, v28  }
0x338: {  	v26 =	vor.u32 v22, v24;
	_ =	sdelay $0x1  }
0x339: {  	s9 =	simm.s32 $0x4  }
0x33a: {  	s13 =	simm.s32 $0x8;
	v28 =	vmov s9  }
.LBB2_11:
0x33b: {  	p1 =	sne.s32 s13, $0x3C;
	v28 =	vand.u32 $0x7C, v28;
	[tilespmem:v27+s30+$0x0] =	vst.idx.msk $0xffff, v25  }
0x33c: {  	v25 =	vbroadcast v28, $0x0;
	v26 =	vld.idx.msk [tilespmem:v26+s18+$0x0], $0xffff  }
0x33d: {  	v24 =	vor.u32 v23, v24  }
0x33e: {  	v27 =	vor.u32 v22, v25;
	_ =	sdelay $0x1  }
0x33f: {  	s14 =	sadd.s32 $0x1, s9  }
0x340: {  	v28 =	vmov s14  }
0x341: {  	v28 =	vand.u32 $0x7D, v28;
	[tilespmem:v24+s30+$0x0] =	vst.idx.msk $0xffff, v26  }
0x342: {  	v26 =	vbroadcast v28, $0x0;
	v24 =	vld.idx.msk [tilespmem:v27+s18+$0x0], $0xffff  }
0x343: {  	v25 =	vor.u32 v23, v25  }
0x344: {  	v27 =	vor.u32 v22, v26;
	_ =	sdelay $0x1  }
0x345: {  	s14 =	sadd.s32 $0x2, s9  }
0x346: {  	v28 =	vmov s14  }
0x347: {  	[tilespmem:v25+s30+$0x0] =	vst.idx.msk $0xffff, v24;
	v24 =	vand.u32 $0x7E, v28  }
0x348: {  	v25 =	vld.idx.msk [tilespmem:v27+s18+$0x0], $0xffff;
	v27 =	vbroadcast v24, $0x0  }
0x349: {  	v24 =	vor.u32 v23, v26  }
0x34a: {  	v26 =	vor.u32 v22, v27;
	_ =	sdelay $0x1  }
0x34b: {  	s14 =	sadd.s32 $0x3, s9;
	s9 =	smov.u32 s13  }
0x34c: {  	v28 =	vmov s14  }
0x34d: {  	[tilespmem:v24+s30+$0x0] =	vst.idx.msk $0xffff, v25;
	v24 =	vand.u32 $0x7F, v28  }
0x34e: {  	v25 =	vld.idx.msk [tilespmem:v26+s18+$0x0], $0xffff;
	v24 =	vbroadcast v24, $0x0  }
.Ltmp4:
0x34f: {  	v27 =	vor.u32 v23, v27;
	(pc) =	sbr.rel @p1 .LBB2_11-.Ltmp4, $2  }
0x350: {  	v26 =	vor.u32 v22, v24;
	_ =	sdelay $0x2  }
0x351: {  	s13 =	sadd.s32 $0x4, s13;
	v28 =	vmov s9  }
0x352: {  	_ =	sdelay $0x2  }
0x353: {  	v28 =	vand.u32 $0x7C, v28  }
0x354: {  	[tilespmem:v27+s30+$0x0] =	vst.idx.msk $0xffff, v25;
	v54 =	vbroadcast v28, $0x0  }
0x355: {  	v24 =	vor.u32 v23, v24;
	v26 =	vld.idx.msk [tilespmem:v26+s18+$0x0], $0xffff  }
0x356: {  	v55 =	vor.u32 v22, v54  }
0x357: {  	s13 =	sadd.s32 $0x1, s9  }
0x358: {  	v56 =	vmov s13  }
0x359: {  	v28 =	vand.u32 $0x7D, v56  }
0x35a: {  	v57 =	vbroadcast v28, $0x0;
	[tilespmem:v24+s30+$0x0] =	vst.idx.msk $0xffff, v26  }
0x35b: {  	v25 =	vor.u32 v23, v54;
	v26 =	vld.idx.msk [tilespmem:v55+s18+$0x0], $0xffff  }
0x35c: {  	v58 =	vor.u32 v22, v57  }
0x35d: {  	s15 =	sadd.s32 $0x2, s9  }
0x35e: {  	v59 =	vmov s15  }
0x35f: {  	v28 =	vand.u32 $0x7E, v59  }
0x360: {  	v60 =	vbroadcast v28, $0x0;
	[tilespmem:v25+s30+$0x0] =	vst.idx.msk $0xffff, v26  }
0x361: {  	v24 =	vor.u32 v23, v57;
	v26 =	vld.idx.msk [tilespmem:v58+s18+$0x0], $0xffff  }
0x362: {  	v61 =	vor.u32 v22, v60  }
0x363: {  	s16 =	sadd.s32 $0x3, s9  }
0x364: {  	v62 =	vmov s16  }
0x365: {  	v28 =	vand.u32 $0x7F, v62  }
0x366: {  	v63 =	vbroadcast v28, $0x0;
	[tilespmem:v24+s30+$0x0] =	vst.idx.msk $0xffff, v26  }
0x367: {  	v25 =	vor.u32 v23, v60;
	v26 =	vld.idx.msk [tilespmem:v61+s18+$0x0], $0xffff  }
0x368: {  	v22 =	vor.u32 v22, v63;
	_ =	sdelay $0x3  }
0x369: {  	[tilespmem:v25+s30+$0x0] =	vst.idx.msk $0xffff, v26  }
0x36a: {  	v23 =	vor.u32 v23, v63;
	v22 =	vld.idx.msk [tilespmem:v22+s18+$0x0], $0xffff  }
.Ltmp5:
0x36b: {  	_ = 	snop;
	(pc) =	sbr.rel @p0 .LBB2_14-.Ltmp5, $2  }
0x36c: {  	_ =	sdelay $0x2  }
0x36d: {  	[tilespmem:v23+s30+$0x0] =	vst.idx.msk $0xffff, v22  }
0x36e: {  	s9 =	sshll.u32 s12, $0x4  }
0x36f: {  	s9 =	sadd.s32 $0x60, s9  }
0x370: {  	s9 =	sand.u32 $0xFFFFFFE0, s9  }
0x371: {  	v22 =	vor.u32 s9, v13;
	_ =	sdelay $0x4  }
0x372: {  	v22 =	vld.idx.msk [tilespmem:v22+s2+$0x0], $0xffff;
	_ =	sdelay $0x4  }
0x373: {  	v23 =	vand.u32 v0, v22  }
0x374: {  	(xrf0) =	vadd.scan.msk.s32 $0xffff, v23;
	_ =	sdelay $0x2  }
0x375: {  	v23 =	vand.u32 v1, v22;
	_ =	sdelay $0x1  }
0x376: {  	(xrf0) =	vadd.scan.msk.s32 $0xffff, v23  }
0x377: {  	v23, _, _ =	vpop (xrf0)  }
0x378: {  	(v2sf) =	vpush v23, $0xF  }
0x379: {  	v23 =	vand.u32 v2, v22;
	_ =	sdelay $0x1  }
0x37a: {  	(xrf0) =	vadd.scan.msk.s32 $0xffff, v23  }
0x37b: {  	v23, _, _ =	vpop (xrf0)  }
0x37c: {  	(v2sf) =	vpush v23, $0xF  }
0x37d: {  	v23 =	vand.u32 v3, v22;
	_ =	sdelay $0x1  }
0x37e: {  	(xrf0) =	vadd.scan.msk.s32 $0xffff, v23  }
0x37f: {  	v23, _, _ =	vpop (xrf0)  }
0x380: {  	(v2sf) =	vpush v23, $0xF  }
0x381: {  	v23 =	vand.u32 v4, v22;
	_ =	sdelay $0x1  }
0x382: {  	(xrf0) =	vadd.scan.msk.s32 $0xffff, v23  }
0x383: {  	v23, _, _ =	vpop (xrf0)  }
0x384: {  	s14 =	spop (v2sf);
	(v2sf) =	vpush v23, $0xF  }
0x385: {  	v23 =	vand.u32 v5, v22;
	s9 =	sshll.u32 s14, $0x7  }
0x386: {  	s9 =	sand.u32 $0x1FFFFF80, s9  }
0x387: {  	(xrf0) =	vadd.scan.msk.s32 $0xffff, v23;
	s9 =	sadd.s32 s3, s9  }
0x388: {  	v23, _, _ =	vpop (xrf0);
	[tilespmem:s18], [sflag:$0x3] =	stream.linear.gather [hbm4b:s9+s2], $0x400, $0x38;
	[tilespmem:$0x14800] =	vst v63  }
0x389: {  	s15 =	spop (v2sf);
	(v2sf) =	vpush v23, $0xF  }
0x38a: {  	v23 =	vand.u32 v6, v22;
	s9 =	sshll.u32 s15, $0x7  }
0x38b: {  	s9 =	sand.u32 $0x1FFFFF80, s9  }
0x38c: {  	s16 =	simm.s32 $0x8C00;
	(xrf0) =	vadd.scan.msk.s32 $0xffff, v23;
	s9 =	sadd.s32 s3, s9  }
0x38d: {  	v23, _, _ =	vpop (xrf0);
	[tilespmem:s16], [sflag:$0x3] =	stream.linear.gather [hbm4b:s9+s2], $0x400, $0x38;
	[tilespmem:$0x14800] =	vst v63  }
0x38e: {  	s13 =	spop (v2sf);
	(v2sf) =	vpush v23, $0xF  }
0x38f: {  	v23 =	vand.u32 v7, v22;
	s9 =	sshll.u32 s13, $0x7  }
0x390: {  	s9 =	sand.u32 $0x1FFFFF80, s9  }
0x391: {  	s14 =	simm.s32 $0x9000;
	(xrf0) =	vadd.scan.msk.s32 $0xffff, v23;
	s9 =	sadd.s32 s3, s9  }
0x392: {  	v23, _, _ =	vpop (xrf0);
	[tilespmem:s14], [sflag:$0x3] =	stream.linear.gather [hbm4b:s9+s2], $0x400, $0x38;
	[tilespmem:$0x14800] =	vst v63  }
0x393: {  	s15 =	spop (v2sf);
	(v2sf) =	vpush v23, $0xF  }
0x394: {  	v23 =	vand.u32 v8, v22;
	s9 =	sshll.u32 s15, $0x7  }
0x395: {  	s9 =	sand.u32 $0x1FFFFF80, s9  }
0x396: {  	s16 =	simm.s32 $0x9400;
	(xrf0) =	vadd.scan.msk.s32 $0xffff, v23;
	s9 =	sadd.s32 s3, s9  }
0x397: {  	v23, _, _ =	vpop (xrf0);
	[tilespmem:s16], [sflag:$0x3] =	stream.linear.gather [hbm4b:s9+s2], $0x400, $0x38;
	[tilespmem:$0x14800] =	vst v63  }
0x398: {  	s13 =	spop (v2sf);
	(v2sf) =	vpush v23, $0xF  }
0x399: {  	v23 =	vand.u32 v9, v22;
	s9 =	sshll.u32 s13, $0x7  }
0x39a: {  	s9 =	sand.u32 $0x1FFFFF80, s9  }
0x39b: {  	s14 =	simm.s32 $0x9800;
	(xrf0) =	vadd.scan.msk.s32 $0xffff, v23;
	s9 =	sadd.s32 s3, s9  }
0x39c: {  	v23, _, _ =	vpop (xrf0);
	[tilespmem:s14], [sflag:$0x3] =	stream.linear.gather [hbm4b:s9+s2], $0x400, $0x38;
	[tilespmem:$0x14800] =	vst v63  }
0x39d: {  	s15 =	spop (v2sf);
	(v2sf) =	vpush v23, $0xF  }
0x39e: {  	v23 =	vand.u32 v10, v22;
	s9 =	sshll.u32 s15, $0x7  }
0x39f: {  	s9 =	sand.u32 $0x1FFFFF80, s9  }
0x3a0: {  	s16 =	simm.s32 $0x9C00;
	(xrf0) =	vadd.scan.msk.s32 $0xffff, v23;
	s9 =	sadd.s32 s3, s9  }
0x3a1: {  	v23, _, _ =	vpop (xrf0);
	[tilespmem:s16], [sflag:$0x3] =	stream.linear.gather [hbm4b:s9+s2], $0x400, $0x38;
	[tilespmem:$0x14800] =	vst v63  }
0x3a2: {  	s13 =	spop (v2sf);
	(v2sf) =	vpush v23, $0xF  }
0x3a3: {  	v23 =	vand.u32 v11, v22;
	s9 =	sshll.u32 s13, $0x7  }
0x3a4: {  	s9 =	sand.u32 $0x1FFFFF80, s9  }
0x3a5: {  	s14 =	simm.s32 $0xA000;
	(xrf0) =	vadd.scan.msk.s32 $0xffff, v23;
	s9 =	sadd.s32 s3, s9  }
0x3a6: {  	v23, _, _ =	vpop (xrf0);
	[tilespmem:s14], [sflag:$0x3] =	stream.linear.gather [hbm4b:s9+s2], $0x400, $0x38;
	[tilespmem:$0x14800] =	vst v63  }
0x3a7: {  	s15 =	spop (v2sf);
	(v2sf) =	vpush v23, $0xF  }
0x3a8: {  	v23 =	vand.u32 v12, v22;
	s9 =	sshll.u32 s15, $0x7  }
0x3a9: {  	s9 =	sand.u32 $0x1FFFFF80, s9  }
0x3aa: {  	s16 =	simm.s32 $0xA400;
	(xrf0) =	vadd.scan.msk.s32 $0xffff, v23;
	s9 =	sadd.s32 s3, s9  }
0x3ab: {  	v23, _, _ =	vpop (xrf0);
	[tilespmem:s16], [sflag:$0x3] =	stream.linear.gather [hbm4b:s9+s2], $0x400, $0x38;
	[tilespmem:$0x14800] =	vst v63  }
0x3ac: {  	s13 =	spop (v2sf);
	(v2sf) =	vpush v23, $0xF  }
0x3ad: {  	v23 =	vand.u32 v14, v22;
	s9 =	sshll.u32 s13, $0x7  }
0x3ae: {  	s9 =	sand.u32 $0x1FFFFF80, s9  }
0x3af: {  	s14 =	simm.s32 $0xA800;
	(xrf0) =	vadd.scan.msk.s32 $0xffff, v23;
	s9 =	sadd.s32 s3, s9  }
0x3b0: {  	v23, _, _ =	vpop (xrf0);
	[tilespmem:s14], [sflag:$0x3] =	stream.linear.gather [hbm4b:s9+s2], $0x400, $0x38;
	[tilespmem:$0x14800] =	vst v63  }
0x3b1: {  	s15 =	spop (v2sf);
	(v2sf) =	vpush v23, $0xF  }
0x3b2: {  	v23 =	vand.u32 v15, v22;
	s9 =	sshll.u32 s15, $0x7  }
0x3b3: {  	s9 =	sand.u32 $0x1FFFFF80, s9  }
0x3b4: {  	s16 =	simm.s32 $0xAC00;
	(xrf0) =	vadd.scan.msk.s32 $0xffff, v23;
	s9 =	sadd.s32 s3, s9  }
0x3b5: {  	v23, _, _ =	vpop (xrf0);
	[tilespmem:s16], [sflag:$0x3] =	stream.linear.gather [hbm4b:s9+s2], $0x400, $0x38;
	[tilespmem:$0x14800] =	vst v63  }
0x3b6: {  	s13 =	spop (v2sf);
	(v2sf) =	vpush v23, $0xF  }
0x3b7: {  	v22 =	vand.u32 v16, v22;
	s9 =	sshll.u32 s13, $0x7  }
0x3b8: {  	s9 =	sand.u32 $0x1FFFFF80, s9  }
0x3b9: {  	s14 =	simm.s32 $0xB000;
	(xrf0) =	vadd.scan.msk.s32 $0xffff, v22;
	s9 =	sadd.s32 s3, s9  }
0x3ba: {  	v22, _, _ =	vpop (xrf0);
	[tilespmem:s14], [sflag:$0x3] =	stream.linear.gather [hbm4b:s9+s2], $0x400, $0x38;
	[tilespmem:$0x14800] =	vst v63  }
0x3bb: {  	s15 =	spop (v2sf);
	(v2sf) =	vpush v22, $0xF  }
0x3bc: {  	s9 =	sshll.u32 s15, $0x7  }
0x3bd: {  	s9 =	sand.u32 $0x1FFFFF80, s9  }
0x3be: {  	s16 =	simm.s32 $0xB400;
	s9 =	sadd.s32 s3, s9  }
0x3bf: {  	v22, _, _ =	vpop (xrf0);
	[tilespmem:s16], [sflag:$0x3] =	stream.linear.gather [hbm4b:s9+s2], $0x400, $0x38;
	[tilespmem:$0x14800] =	vst v63  }
0x3c0: {  	s13 =	spop (v2sf);
	(v2sf) =	vpush v22, $0xF  }
0x3c1: {  	s9 =	sshll.u32 s13, $0x7  }
0x3c2: {  	s9 =	sand.u32 $0x1FFFFF80, s9  }
0x3c3: {  	s14 =	simm.s32 $0xB800;
	s9 =	sadd.s32 s3, s9  }
0x3c4: {  	[tilespmem:s14], [sflag:$0x3] =	stream.linear.gather [hbm4b:s9+s2], $0x400, $0x38;
	[tilespmem:$0x14800] =	vst v63  }
0x3c5: {  	s15 =	spop (v2sf)  }
0x3c6: {  	s9 =	sshll.u32 s15, $0x7  }
0x3c7: {  	s9 =	sand.u32 $0x1FFFFF80, s9  }
0x3c8: {  	s16 =	simm.s32 $0xBC00;
	s9 =	sadd.s32 s3, s9  }
0x3c9: {  	[tilespmem:s16], [sflag:$0x3] =	stream.linear.gather [hbm4b:s9+s2], $0x400, $0x38;
	[tilespmem:$0x14800] =	vst v63  }
0x3ca: {  	s13 =	spop (v2sf)  }
0x3cb: {  	s9 =	sshll.u32 s13, $0x7  }
0x3cc: {  	s9 =	sand.u32 $0x1FFFFF80, s9  }
0x3cd: {  	s14 =	simm.s32 $0xC000;
	s9 =	sadd.s32 s3, s9  }
0x3ce: {  	[tilespmem:s14], [sflag:$0x3] =	stream.linear.gather [hbm4b:s9+s2], $0x400, $0x38;
	[tilespmem:$0x14800] =	vst v63  }
0x3cf: {  	s15 =	spop (v2sf)  }
0x3d0: {  	s9 =	sshll.u32 s15, $0x7  }
0x3d1: {  	s9 =	sand.u32 $0x1FFFFF80, s9  }
0x3d2: {  	s16 =	simm.s32 $0xC400;
	s9 =	sadd.s32 s3, s9  }
0x3d3: {  	[tilespmem:s16], [sflag:$0x3] =	stream.linear.gather [hbm4b:s9+s2], $0x400, $0x38;
	[tilespmem:$0x14800] =	vst v63  }
.LBB2_14:
0x3d4: {  	v21 =	vbroadcast v21, $0x0;
	_ =	sdelay $0x1  }
0x3d5: {  	v21 =	vor.u32 v13, v21  }
0x3d6: {  	v20 =	vor.u32 v20, v21;
	_ =	sdelay $0x1  }
0x3d7: {  	_ =	swait.ge [sflag:s1], $0x4000  }
0x3d8: {  	[sflag:s1] =	ssyncset.done $0x0  }
0x3d9: {  	[sflag:s1] =	ssyncadd.s32 $0xFFFFC000  }
0x3da: {  	v20 =	vld.idx.msk [tilespmem:v20+s10+$0x0], $0xffff;
	_ =	sdelay $0x1  }
0x3db: {  	s9 =	simm.s32 $0x0  }
0x3dc: {  	v22 =	vmov s9  }
0x3dd: {  	v22 =	vand.u32 $0x7C, v22  }
0x3de: {  	v22 =	vbroadcast v22, $0x0;
	v20 =	vshll.u32 v20, $0x7  }
0x3df: {  	v19 =	vadd.s32 v19, v20  }
0x3e0: {  	v23 =	vor.u32 v19, v22  }
0x3e1: {  	s14 =	simm.s32 $0x1  }
0x3e2: {  	v20 =	vmov s14  }
0x3e3: {  	v24 =	vand.u32 $0x7D, v20  }
0x3e4: {  	v20 =	vshll.u32 v21, $0x7;
	v21 =	vbroadcast v24, $0x0  }
0x3e5: {  	v22 =	vor.u32 v20, v22;
	v23 =	vld.idx.msk [tilespmem:v23+s8+$0x0], $0xffff  }
0x3e6: {  	v24 =	vor.u32 v19, v21  }
0x3e7: {  	s15 =	simm.s32 $0x2  }
0x3e8: {  	v25 =	vmov s15  }
0x3e9: {  	v25 =	vand.u32 $0x7E, v25  }
0x3ea: {  	[tilespmem:v22+s30+$0x0] =	vst.idx.msk $0xffff, v23;
	v23 =	vbroadcast v25, $0x0  }
0x3eb: {  	v22 =	vld.idx.msk [tilespmem:v24+s8+$0x0], $0xffff;
	v24 =	vor.u32 v20, v21  }
0x3ec: {  	v25 =	vor.u32 v19, v23  }
0x3ed: {  	s16 =	simm.s32 $0x3  }
0x3ee: {  	v21 =	vmov s16  }
0x3ef: {  	v21 =	vand.u32 $0x7F, v21  }
0x3f0: {  	v21 =	vbroadcast v21, $0x0;
	[tilespmem:v24+s30+$0x0] =	vst.idx.msk $0xffff, v22  }
0x3f1: {  	v24 =	vor.u32 v20, v23;
	v22 =	vld.idx.msk [tilespmem:v25+s8+$0x0], $0xffff  }
0x3f2: {  	v23 =	vor.u32 v19, v21;
	_ =	sdelay $0x1  }
0x3f3: {  	s9 =	simm.s32 $0x4  }
0x3f4: {  	s12 =	simm.s32 $0x8;
	v25 =	vmov s9  }
.LBB2_15:
0x3f5: {  	p0 =	sne.s32 s12, $0x3C;
	v25 =	vand.u32 $0x7C, v25;
	[tilespmem:v24+s30+$0x0] =	vst.idx.msk $0xffff, v22  }
0x3f6: {  	v22 =	vbroadcast v25, $0x0;
	v23 =	vld.idx.msk [tilespmem:v23+s8+$0x0], $0xffff  }
0x3f7: {  	v21 =	vor.u32 v20, v21  }
0x3f8: {  	v24 =	vor.u32 v19, v22;
	_ =	sdelay $0x1  }
0x3f9: {  	s13 =	sadd.s32 $0x1, s9  }
0x3fa: {  	v25 =	vmov s13  }
0x3fb: {  	v25 =	vand.u32 $0x7D, v25;
	[tilespmem:v21+s30+$0x0] =	vst.idx.msk $0xffff, v23  }
0x3fc: {  	v23 =	vbroadcast v25, $0x0;
	v21 =	vld.idx.msk [tilespmem:v24+s8+$0x0], $0xffff  }
0x3fd: {  	v22 =	vor.u32 v20, v22  }
0x3fe: {  	v24 =	vor.u32 v19, v23;
	_ =	sdelay $0x1  }
0x3ff: {  	s13 =	sadd.s32 $0x2, s9  }
0x400: {  	v25 =	vmov s13  }
0x401: {  	[tilespmem:v22+s30+$0x0] =	vst.idx.msk $0xffff, v21;
	v21 =	vand.u32 $0x7E, v25  }
0x402: {  	v22 =	vld.idx.msk [tilespmem:v24+s8+$0x0], $0xffff;
	v24 =	vbroadcast v21, $0x0  }
0x403: {  	v21 =	vor.u32 v20, v23  }
0x404: {  	v23 =	vor.u32 v19, v24;
	_ =	sdelay $0x1  }
0x405: {  	s13 =	sadd.s32 $0x3, s9;
	s9 =	smov.u32 s12  }
0x406: {  	v25 =	vmov s13  }
0x407: {  	[tilespmem:v21+s30+$0x0] =	vst.idx.msk $0xffff, v22;
	v21 =	vand.u32 $0x7F, v25  }
0x408: {  	v22 =	vld.idx.msk [tilespmem:v23+s8+$0x0], $0xffff;
	v21 =	vbroadcast v21, $0x0  }
.Ltmp6:
0x409: {  	v24 =	vor.u32 v20, v24;
	(pc) =	sbr.rel @p0 .LBB2_15-.Ltmp6, $2  }
0x40a: {  	v23 =	vor.u32 v19, v21;
	_ =	sdelay $0x2  }
0x40b: {  	s12 =	sadd.s32 $0x4, s12;
	v25 =	vmov s9  }
0x40c: {  	_ =	sdelay $0x2  }
0x40d: {  	v25 =	vand.u32 $0x7C, v25  }
0x40e: {  	[tilespmem:v24+s30+$0x0] =	vst.idx.msk $0xffff, v22;
	v54 =	vbroadcast v25, $0x0  }
0x40f: {  	v21 =	vor.u32 v20, v21;
	v23 =	vld.idx.msk [tilespmem:v23+s8+$0x0], $0xffff  }
0x410: {  	v55 =	vor.u32 v19, v54  }
0x411: {  	s12 =	sadd.s32 $0x1, s9  }
0x412: {  	v56 =	vmov s12  }
0x413: {  	v25 =	vand.u32 $0x7D, v56  }
0x414: {  	v57 =	vbroadcast v25, $0x0;
	[tilespmem:v21+s30+$0x0] =	vst.idx.msk $0xffff, v23  }
0x415: {  	v22 =	vor.u32 v20, v54;
	v23 =	vld.idx.msk [tilespmem:v55+s8+$0x0], $0xffff  }
0x416: {  	v58 =	vor.u32 v19, v57  }
0x417: {  	s14 =	sadd.s32 $0x2, s9  }
0x418: {  	v59 =	vmov s14  }
0x419: {  	v25 =	vand.u32 $0x7E, v59  }
0x41a: {  	v60 =	vbroadcast v25, $0x0;
	[tilespmem:v22+s30+$0x0] =	vst.idx.msk $0xffff, v23  }
0x41b: {  	v21 =	vor.u32 v20, v57;
	v23 =	vld.idx.msk [tilespmem:v58+s8+$0x0], $0xffff  }
0x41c: {  	v61 =	vor.u32 v19, v60  }
0x41d: {  	s15 =	sadd.s32 $0x3, s9  }
0x41e: {  	v62 =	vmov s15  }
0x41f: {  	v25 =	vand.u32 $0x7F, v62  }
0x420: {  	v63 =	vbroadcast v25, $0x0;
	[tilespmem:v21+s30+$0x0] =	vst.idx.msk $0xffff, v23  }
0x421: {  	v22 =	vor.u32 v20, v60;
	v23 =	vld.idx.msk [tilespmem:v61+s8+$0x0], $0xffff  }
0x422: {  	v19 =	vor.u32 v19, v63;
	_ =	sdelay $0x3  }
0x423: {  	[tilespmem:v22+s30+$0x0] =	vst.idx.msk $0xffff, v23  }
0x424: {  	s16 =	sand.u32 $0x1, s5;
	v20 =	vor.u32 v20, v63;
	v19 =	vld.idx.msk [tilespmem:v19+s8+$0x0], $0xffff  }
0x425: {  	p0 =	seq.s32 s16, $0x0  }
0x426: {  	s6 =	sshll.u32 @!p0 s6, $0xE  }
0x427: {  	s5 =	sadd.s32 $0x1, s5;
	s6 =	sadd.s32 @!p0 s7, s6  }
0x428: {  	p1 =	sne.s32 s5, $0xA;
	s6 =	sshrl.u32 @!p0 s6, $0x3  }
0x429: {  	s9 =	simm.s32 @!p0 $0x0;
	s12 =	simm.s32 @!p0 $0x10800;
	s6 =	sadd.s32 @!p0 s4, s6;
	[tilespmem:v20+s30+$0x0] =	vst.idx.msk $0xffff, v19  }
0x42a: {  	[hbm4b:s6+s9] =	stream.linear.scatter @!p0 [tilespmem:s12], [sflag:$0x5], $0x4000, $0x38;
	[tilespmem:$0x14800] =	vst v63  }
.Ltmp7:
0x42b: {  	_ = 	snop;
	(pc) =	sbr.rel @p1 .LBB2_2-.Ltmp7, $4  }
0x42c: {  	s6 =	simm.s32 @!p0 $0x5  }
0x42d: {  	_ =	swait.ge @!p0 [sflag:s6], $0x4000  }
0x42e: {  	[sflag:s6] =	ssyncset.done @!p0 $0x0  }
0x42f: {  	[sflag:s6] =	ssyncadd.s32 @!p0 $0xFFFFC000  }
0x430: {  	s6 =	rddreg [dreg:$0x7]  }
0x431: {  	s5 =	rddreg [dreg:$0x6];
	s6 =	sadd.s32 $0x1, s6  }
0x432: {  	p0 =	sne.s32 s6, s5  }
.Ltmp8:
0x433: {  	_ = 	snop;
	(pc) =	sbr.rel @p0 .LBB2_1-.Ltmp8, $1  }
0x434: {  	_ =	sdelay $0x3  }
0x435: {  	_ =	sfence.sel $0x180000  }
0x436: {  	[bflag:$0x0] =	sbarrier.arrive $0xFFFF  }
0x437: {  	_ =	strace $0x90000047  }
0x438: {  	s0 =	stileid.u32;
	[bflag:$0x2] =	sbarrier.arrive $0xFFFF  }
0x439: {  	p0 =	sne.s32 s0, $0x0;
	s0 =	rddreg [dreg:$0x3]  }
0x43a: {  	s0 =	sadd.s32 @!p0 $0x100000, s0  }
0x43b: {  	[sflag:s0] =	ssyncadd.tile.s32 @!p0 $0x1;
	_ =	shalt  }
.Lfunc_end2:
_tile_overlayer_lowered:
.L_overlay_start_2:
0x43c: {  	(tag) =	ssettag $0x2  }
0x43d: {  	s0 =	rddreg [dreg:$0x0];
	s2 =	stileid.u32  }
0x43e: {  	s1 =	rddreg [dreg:$0x1];
	p0 =	sne.s32 s2, $0x0  }
0x43f: {  	s3 =	rddreg [dreg:$0x2];
	[bflag:$0x3] =	sbarrier.arrive $0xFFFF;
	s2 =	simm.s32 @!p0 $0x1C05  }
0x440: {  	[timem:s3], [sflag:s2] =	dma.local @!p0 [hbm:s0], s1  }
0x441: {  	s0 =	simm.s32 @!p0 $0x5  }
0x442: {  	_ =	swait.ge @!p0 [sflag:s0], s1  }
0x443: {  	s1 =	ssub.s32 @!p0 $0x0, s1;
	[sflag:s0] =	ssyncset.done @!p0 $0x0  }
0x444: {  	[sflag:s0] =	ssyncadd.s32 @!p0 s1  }
0x445: {  	[bflag:$0x3] =	sbarrier.arrive $0xFFFF  }
0x446: {  	_ =	shalt  }

</sc_bundles>
